<compile_context>
chip_gen: v7x
topology: tpu7x:2x2x1
jax: 0.10.2.dev20260603
libtpu: 0.0.44.dev20260713+nightly
codegen_flags: <defaults>
</compile_context>

<pallas_src>
import functools

import jax
import jax.numpy as jnp
from jax import lax
from jax.experimental import pallas as pl
from jax.experimental.pallas import tpu as pltpu
from jax.experimental.pallas import tpu_sc as plsc

A = 8
NWORKERS = 32
SLOTS = 8


def _tc_body(h_ref, pi_ref, act_ref,
             kW1_ref, kb1_ref, kW2_ref, kb2_ref,
             qW1_ref, qb1_ref, qW2_ref, qb2_ref,
             zf_ref, w_ref):
    R, _ = h_ref.shape
    NA = pi_ref.shape[1]
    E = R // A

    hb = h_ref[...]
    K = jnp.dot(jnp.tanh(jnp.dot(hb, kW1_ref[...], preferred_element_type=jnp.float32)
                         + kb1_ref[...]),
                kW2_ref[...], preferred_element_type=jnp.float32) + kb2_ref[...]
    Q = jnp.dot(jnp.tanh(jnp.dot(hb, qW1_ref[...], preferred_element_type=jnp.float32)
                         + qb1_ref[...]),
                qW2_ref[...], preferred_element_type=jnp.float32) + qb2_ref[...]

    sfull = jax.lax.dot_general(Q, K, (((1,), (1,)), ((), ())),
                                preferred_element_type=jnp.float32)
    rr = jax.lax.broadcasted_iota(jnp.int32, (R, R), 0) // A
    qq = jax.lax.broadcasted_iota(jnp.int32, (R, R), 1) // A
    sfull = jnp.where(rr == qq, sfull, 0.0)
    j8a = jax.lax.broadcasted_iota(jnp.int32, (R, A), 0) % A
    j8b = jax.lax.broadcasted_iota(jnp.int32, (R, A), 1)
    fold = (j8a == j8b).astype(jnp.float32)
    S2 = jnp.dot(sfull, fold, preferred_element_type=jnp.float32)
    w2 = jax.nn.sigmoid(S2 * 0.125)
    w_ref[...] = w2

    F = A * NA
    xa = jax.lax.broadcasted_iota(jnp.int32, (A, F), 0)
    xb = jax.lax.broadcasted_iota(jnp.int32, (A, F), 1) // NA
    xexp = (xa == xb).astype(jnp.float32)
    wfl = jnp.dot(w2, xexp, preferred_element_type=jnp.float32)
    pib = jnp.broadcast_to(pi_ref[...].reshape(E, 1, A, NA),
                           (E, A, A, NA)).reshape(R, F)
    actb = jnp.broadcast_to(act_ref[...].reshape(E, 1, A, NA),
                            (E, A, A, NA)).reshape(R, F)
    z = wfl * actb + (1.0 - wfl) * pib
    ca = jax.lax.broadcasted_iota(jnp.int32, (F, F), 0) % NA
    cb = jax.lax.broadcasted_iota(jnp.int32, (F, F), 1) % NA
    tsum = (ca == cb).astype(jnp.float32)
    ssum = jnp.dot(z, tsum, preferred_element_type=jnp.float32)
    zf_ref[...] = (pib + ssum - z) * 0.125


def _tc_stage(h, policies, actions, kW1, kb1r, kW2, kb2r, qW1, qb1r, qW2, qb2r,
              ns, base):
    D = h.shape[1]
    NA = policies.shape[1]
    F = A * NA
    HID = kW1.shape[1]
    OUT = kW2.shape[1]
    E = 64
    R = E * A
    grid = ns // R
    nb = base // R

    node_spec = lambda w: pl.BlockSpec((R, w), lambda i: (i + nb, 0))
    full_spec = lambda a, b: pl.BlockSpec((a, b), lambda i: (0, 0))

    return pl.pallas_call(
        _tc_body,
        grid=(grid,),
        in_specs=[
            node_spec(D), node_spec(NA), node_spec(NA),
            full_spec(D, HID), full_spec(1, HID),
            full_spec(HID, OUT), full_spec(1, OUT),
            full_spec(D, HID), full_spec(1, HID),
            full_spec(HID, OUT), full_spec(1, OUT),
        ],
        out_specs=[
            pl.BlockSpec((R, F), lambda i: (i, 0)),
            pl.BlockSpec((R, A), lambda i: (i, 0)),
        ],
        out_shape=[
            jax.ShapeDtypeStruct((ns, F), jnp.float32),
            jax.ShapeDtypeStruct((ns, A), jnp.float32),
        ],
        compiler_params=pltpu.CompilerParams(
            dimension_semantics=("arbitrary",)),
    )(h, policies, actions, kW1, kb1r, kW2, kb2r, qW1, qb1r, qW2, qb2r)


def _sc_assemble_body(eperw, obs_base, obs_hbm, zf_hbm, out_hbm,
                      obs_v, zf_v, zsh_v, sem_in, sem_out):
    D = obs_hbm.shape[1]
    NA = zf_hbm.shape[1] // A
    wid = lax.axis_index("s") * 2 + lax.axis_index("c")
    env0 = wid * eperw

    def in_copies(e, s):
        return (pltpu.make_async_copy(obs_hbm.at[pl.ds((obs_base + e) * A, A)],
                                      obs_v.at[s], sem_in.at[s]),
                pltpu.make_async_copy(zf_hbm.at[pl.ds(e * A, A)],
                                      zf_v.at[s], sem_in.at[s]))

    def out_copies(e, s):
        cps = [pltpu.make_async_copy(
                   obs_v.at[s],
                   out_hbm.at[e * A + i, :, pl.ds(0, D)],
                   sem_out.at[s]) for i in range(A)]
        cps.append(pltpu.make_async_copy(
            zsh_v.at[s],
            out_hbm.at[pl.ds(e * A, A), :, pl.ds(D, NA)],
            sem_out.at[s]))
        return cps

    def start_in(e, s):
        for c in in_copies(e, s):
            c.start()

    def step(k, _):
        s = lax.rem(k, SLOTS)
        sn = lax.rem(k + 1, SLOTS)
        @pl.when(k >= SLOTS - 1)
        def _():
            for c in out_copies(env0, sn):
                c.wait()
        @pl.when(k + 1 < eperw)
        def _():
            start_in(env0 + k + 1, sn)
        for c in in_copies(env0, s):
            c.wait()
        for i in range(A):
            for j in range(A):
                zsh_v[s, i, j, :] = zf_v[s, i, pl.ds(j * NA, NA)]
        for c in out_copies(env0 + k, s):
            c.start()
        return 0

    start_in(env0, 0)
    lax.fori_loop(0, eperw, step, 0)
    for s in range(1, SLOTS):
        for c in out_copies(env0, s):
            c.wait()


def _sc_stage(obs_proc, zf, env_base):
    D = obs_proc.shape[1]
    ns = zf.shape[0]
    NA = zf.shape[1] // A
    eperw = ns // (A * NWORKERS)
    mesh = plsc.VectorSubcoreMesh(core_axis_name="c", subcore_axis_name="s")
    fn = functools.partial(
        pl.kernel,
        functools.partial(_sc_assemble_body, eperw, env_base),
        out_type=jax.ShapeDtypeStruct((ns, A, D + NA), jnp.float32),
        mesh=mesh,
        scratch_types=[
            pltpu.VMEM((SLOTS, A, D), jnp.float32),
            pltpu.VMEM((SLOTS, A, A * NA), jnp.float32),
            pltpu.VMEM((SLOTS, A, A, NA), jnp.float32),
            pltpu.SemaphoreType.DMA((SLOTS,)),
            pltpu.SemaphoreType.DMA((SLOTS,)),
        ],
    )()
    return fn(obs_proc, zf)


def kernel(h, policies, actions, obs_proc, edge_index,
           kW1, kb1, kW2, kb2, qW1, qb1, qW2, qb2):
    N, D = h.shape
    NA = policies.shape[1]
    HID = kW1.shape[1]
    OUT = kW2.shape[1]

    kb1r = kb1.reshape(1, HID); kb2r = kb2.reshape(1, OUT)
    qb1r = qb1.reshape(1, HID); qb2r = qb2.reshape(1, OUT)

    SLABS = 1
    ns = N // SLABS
    outs, ws = [], []
    for s in range(SLABS):
        zf, w2 = _tc_stage(h, policies, actions,
                           kW1, kb1r, kW2, kb2r, qW1, qb1r, qW2, qb2r,
                           ns, s * ns)
        outs.append(_sc_stage(obs_proc, zf, s * ns // A))
        ws.append(w2)
    out_final = jnp.concatenate(outs, axis=0)
    w_final = jnp.concatenate(ws, axis=0)
    return out_final, w_final.reshape(N, A, 1)

# --- scband reference (transcript-rebuilt; emitter-appended) ---
"""Pipeline reference for scband-soft-attention-weight-11811160064539 (READ-ONLY COPY).

The authoritative reference and input builder live on the scoring server;
editing this copy changes nothing except your own understanding.
"""

import jax, jax.numpy as jnp
import numpy as np
import math

A = 8
NUM_ACTIONS = 16
IN_DIM = 128
OUT_DIM = 64
B_ENVS = 4096
N = B_ENVS * A


def _xavier(k, shape):
    limit = math.sqrt(6.0 / (shape[0] + shape[1]))
    return jax.random.uniform(k, shape, jnp.float32, -limit, limit)


def setup_inputs(seed: int = 0) -> dict:
    key = jax.random.key(seed)
    ks = jax.random.split(key, 12)
    h = jax.random.normal(ks[0], (N, IN_DIM), dtype=jnp.float32)
    policies = jax.random.uniform(ks[1], (N, NUM_ACTIONS), dtype=jnp.float32)
    actions = jax.random.uniform(ks[2], (N, NUM_ACTIONS), dtype=jnp.float32)
    obs_proc = jax.random.normal(ks[3], (N, IN_DIM), dtype=jnp.float32)
    # fully-connected (with self-loops) graph inside each 8-agent environment,
    # edges ordered dst-major with src ascending (matches DGL mailbox ordering)
    env = jnp.arange(N) // A
    dst = jnp.repeat(jnp.arange(N), A)
    src = jnp.repeat(env, A) * A + jnp.tile(jnp.arange(A), N)
    edge_index = jnp.stack([src, dst])
    kW1 = _xavier(ks[4], (IN_DIM, 32)); kb1 = jnp.zeros((32,), jnp.float32)
    kW2 = _xavier(ks[5], (32, OUT_DIM)); kb2 = jnp.zeros((OUT_DIM,), jnp.float32)
    qW1 = _xavier(ks[6], (IN_DIM, 32)); qb1 = jnp.zeros((32,), jnp.float32)
    qW2 = _xavier(ks[7], (32, OUT_DIM)); qb2 = jnp.zeros((OUT_DIM,), jnp.float32)
    return {"h": h, "policies": policies, "actions": actions, "obs_proc": obs_proc,
            "edge_index": edge_index, "kW1": kW1, "kb1": kb1, "kW2": kW2, "kb2": kb2,
            "qW1": qW1, "qb1": qb1, "qW2": qW2, "qb2": qb2}


def reference(h, policies, actions, obs_proc, edge_index, kW1, kb1, kW2, kb2, qW1, qb1, qW2, qb2):
    na = NUM_ACTIONS
    key_v = jnp.tanh(h @ kW1 + kb1) @ kW2 + kb2
    query = jnp.tanh(h @ qW1 + qb1) @ qW2 + qb2
    pi = policies.reshape(-1, na)
    act = actions.reshape(-1, na)
    src = edge_index[0]
    dst = edge_index[1]
    # message_func: per-edge dot-product score + gathered src pi/act
    score = jnp.sum(jnp.take(key_v, src, axis=0) * jnp.take(query, dst, axis=0), axis=-1, keepdims=True)
    n = h.shape[0]
    mail_score = score.reshape(n, A, 1)
    mail_pi = jnp.take(pi, src, axis=0).reshape(n, A, na)
    mail_act = jnp.take(act, src, axis=0).reshape(n, A, na)
    # reduce_func
    w = jax.nn.sigmoid(mail_score / math.sqrt(OUT_DIM))
    z = w * mail_act + (1.0 - w) * mail_pi
    z = jnp.tile(z, (1, A, 1))
    pp = jnp.broadcast_to(jnp.eye(A, dtype=jnp.float32)[None, :, :, None], (A, A, A, na)).reshape(A, A * A, na)
    pz = 1.0 - pp
    pi_big = jnp.tile(mail_pi, (1, A, 1)).reshape(-1, A, A * A, na) * pp
    zs = z.reshape(-1, A, A * A, na) * pz
    zz = (pi_big + zs).reshape(-1, A, A, A, na)
    zz = jnp.mean(zz, axis=-2)
    obs_dim = obs_proc.shape[1]
    obs = jnp.tile(obs_proc.reshape(-1, A, obs_dim), (1, A, 1)).reshape(-1, A, A, obs_dim)
    obs_final = jnp.concatenate([obs.reshape(-1, obs_dim), zz.reshape(-1, na)], axis=-1)
    obs_final = obs_final.reshape(n, A, obs_dim + na)
    return obs_final, w

if __name__ == "__main__":
    import jax
    _d = setup_inputs()
    print(jax.jit(kernel)(*tuple(_d.values())))

</pallas_src>

<mosaic_0001>
#map = affine_map<(d0, d1) -> (0, 0)>
#map1 = affine_map<(d0, d1) -> (0, 0, 0)>
module attributes {stable_mosaic.version = 14 : i64} {
  func.func @_sc_assemble_body(%arg0: i32, %arg1: i32, %arg2: memref<32768x128xf32, #tpu.memory_space<hbm>>, %arg3: memref<32768x128xf32, #tpu.memory_space<hbm>>, %arg4: memref<32768x8x144xf32, #tpu.memory_space<hbm>>, %arg5: memref<8x8x128xf32, #tpu.memory_space<vmem>>, %arg6: memref<8x8x128xf32, #tpu.memory_space<vmem>>, %arg7: memref<8x8x8x16xf32, #tpu.memory_space<vmem>>, %arg8: memref<8x!tpu.dma_semaphore, #tpu.memory_space<semaphore_mem>>, %arg9: memref<8x!tpu.dma_semaphore, #tpu.memory_space<semaphore_mem>>) attributes {dimension_semantics = [#tpu.dimension_semantics<core_parallel>, #tpu.dimension_semantics<subcore_parallel>], iteration_bounds = array<i64: 2, 16>, scalar_prefetch = 0 : i64, scratch_operands = 5 : i64, tpu.core_type = #tpu.core_type<sc_vector_subcore>, window_params = [{transform_indices = #map}, {transform_indices = #map}, {transform_indices = #map1}]} {
    %mul3A = arith.constant 2 : i32
    %mul3A_0 = arith.muli %arg1, %mul3A : i32
    %add3A = arith.addi %mul3A_0, %arg0 : i32
    %mul3A_1 = arith.constant 128 : i32
    %mul3A_2 = arith.muli %add3A, %mul3A_1 : i32
    %add3A_3 = arith.constant 0 : i32
    %add3A_4 = arith.addi %add3A_3, %mul3A_2 : i32
    %mul3A_5 = arith.constant 8 : i32
    %mul3A_6 = arith.muli %add3A_4, %mul3A_5 : i32
    %mul3A_7 = arith.constant 8 : i32
    %mul3A_8 = arith.muli %mul3A_2, %mul3A_7 : i32
    %dma_start3A = arith.constant 0 : i32
    %dma_start3A_9 = arith.constant 0 : i32
    %dma_start3A_10 = arith.constant 0 : i32
    %dma_start3A_11 = arith.constant 0 : i32
    %dma_start3A_12 = tpu.memref_slice %arg5[%dma_start3A, %dma_start3A_10, %dma_start3A_11] : memref<8x8x128xf32, #tpu.memory_space<vmem>> -> memref<1x8x128xf32, #tpu.memory_space<vmem>>
    %dma_start3A_13 = tpu.memref_squeeze %dma_start3A_12 : memref<1x8x128xf32, #tpu.memory_space<vmem>> -> memref<8x128xf32, #tpu.memory_space<vmem>>
    %dma_start3A_14 = arith.constant 0 : i32
    %dma_start3A_15 = tpu.memref_slice %arg2[%mul3A_6, %dma_start3A_14] : memref<32768x128xf32, #tpu.memory_space<hbm>> -> memref<8x128xf32, #tpu.memory_space<hbm>>
    %dma_start3A_16 = tpu.memref_slice %arg8[%dma_start3A_9] : memref<8x!tpu.dma_semaphore, #tpu.memory_space<semaphore_mem>> -> memref<1x!tpu.dma_semaphore, #tpu.memory_space<semaphore_mem>>
    %dma_start3A_17 = tpu.memref_squeeze %dma_start3A_16 : memref<1x!tpu.dma_semaphore, #tpu.memory_space<semaphore_mem>> -> memref<!tpu.dma_semaphore, #tpu.memory_space<semaphore_mem>>
    %dma_start3A_18 = arith.constant 0 : i32
    %dma_start3A_19 = arith.constant 0 : i32
    %dma_start3A_20 = tpu.memref_slice %arg5[%dma_start3A, %dma_start3A_18, %dma_start3A_19] : memref<8x8x128xf32, #tpu.memory_space<vmem>> -> memref<1x8x128xf32, #tpu.memory_space<vmem>>
    %dma_start3A_21 = tpu.memref_squeeze %dma_start3A_20 : memref<1x8x128xf32, #tpu.memory_space<vmem>> -> memref<8x128xf32, #tpu.memory_space<vmem>>
    %dma_start3A_22 = arith.constant 0 : i32
    %dma_start3A_23 = tpu.memref_slice %arg2[%mul3A_6, %dma_start3A_22] : memref<32768x128xf32, #tpu.memory_space<hbm>> -> memref<8x128xf32, #tpu.memory_space<hbm>>
    tpu.enqueue_dma source(%dma_start3A_23 : memref<8x128xf32, #tpu.memory_space<hbm>>) target(%dma_start3A_21 : memref<8x128xf32, #tpu.memory_space<vmem>>) target_semaphore(%dma_start3A_17 : memref<!tpu.dma_semaphore, #tpu.memory_space<semaphore_mem>>)
    %dma_start3A_24 = arith.constant 0 : i32
    %dma_start3A_25 = arith.constant 0 : i32
    %dma_start3A_26 = arith.constant 0 : i32
    %dma_start3A_27 = arith.constant 0 : i32
    %dma_start3A_28 = tpu.memref_slice %arg6[%dma_start3A_24, %dma_start3A_26, %dma_start3A_27] : memref<8x8x128xf32, #tpu.memory_space<vmem>> -> memref<1x8x128xf32, #tpu.memory_space<vmem>>
    %dma_start3A_29 = tpu.memref_squeeze %dma_start3A_28 : memref<1x8x128xf32, #tpu.memory_space<vmem>> -> memref<8x128xf32, #tpu.memory_space<vmem>>
    %dma_start3A_30 = arith.constant 0 : i32
    %dma_start3A_31 = tpu.memref_slice %arg3[%mul3A_8, %dma_start3A_30] : memref<32768x128xf32, #tpu.memory_space<hbm>> -> memref<8x128xf32, #tpu.memory_space<hbm>>
    %dma_start3A_32 = tpu.memref_slice %arg8[%dma_start3A_25] : memref<8x!tpu.dma_semaphore, #tpu.memory_space<semaphore_mem>> -> memref<1x!tpu.dma_semaphore, #tpu.memory_space<semaphore_mem>>
    %dma_start3A_33 = tpu.memref_squeeze %dma_start3A_32 : memref<1x!tpu.dma_semaphore, #tpu.memory_space<semaphore_mem>> -> memref<!tpu.dma_semaphore, #tpu.memory_space<semaphore_mem>>
    %dma_start3A_34 = arith.constant 0 : i32
    %dma_start3A_35 = arith.constant 0 : i32
    %dma_start3A_36 = tpu.memref_slice %arg6[%dma_start3A_24, %dma_start3A_34, %dma_start3A_35] : memref<8x8x128xf32, #tpu.memory_space<vmem>> -> memref<1x8x128xf32, #tpu.memory_space<vmem>>
    %dma_start3A_37 = tpu.memref_squeeze %dma_start3A_36 : memref<1x8x128xf32, #tpu.memory_space<vmem>> -> memref<8x128xf32, #tpu.memory_space<vmem>>
    %dma_start3A_38 = arith.constant 0 : i32
    %dma_start3A_39 = tpu.memref_slice %arg3[%mul3A_8, %dma_start3A_38] : memref<32768x128xf32, #tpu.memory_space<hbm>> -> memref<8x128xf32, #tpu.memory_space<hbm>>
    tpu.enqueue_dma source(%dma_start3A_39 : memref<8x128xf32, #tpu.memory_space<hbm>>) target(%dma_start3A_37 : memref<8x128xf32, #tpu.memory_space<vmem>>) target_semaphore(%dma_start3A_33 : memref<!tpu.dma_semaphore, #tpu.memory_space<semaphore_mem>>)
    %scan3A = arith.constant 0 : i32
    %scan3A_40 = arith.constant 0 : i32
    %scan3A_41 = arith.constant 128 : i32
    %scan3A_42 = arith.addi %scan3A_40, %scan3A_41 : i32
    %scan3A_43 = arith.constant 1 : i32
    %scan3A_44 = scf.for %scan3A_1543 = %scan3A_40 to %scan3A_42 step %scan3A_43 iter_args(%scan3A_1544 = %scan3A) -> (i32)  : i32 {
      %rem3A = arith.constant 8 : i32
      %rem3A_1545 = arith.remsi %scan3A_1543, %rem3A : i32
      %add3A_1546 = arith.constant 1 : i32
      %add3A_1547 = arith.addi %scan3A_1543, %add3A_1546 : i32
      %rem3A_1548 = arith.constant 8 : i32
      %rem3A_1549 = arith.remsi %add3A_1547, %rem3A_1548 : i32
      %ge3A = arith.constant 7 : i32
      %ge3A_1550 = arith.cmpi sge, %scan3A_1543, %ge3A : i32
      %convert_element_type3A = arith.extui %ge3A_1550 : i1 to i32
      %cond3A = arith.constant 0 : i32
      %cond3A_1551 = arith.cmpi ne, %convert_element_type3A, %cond3A : i32
      scf.if %cond3A_1551 {
        %mul3A_2748 = arith.constant 8 : i32
        %mul3A_2749 = arith.muli %mul3A_2, %mul3A_2748 : i32
        %add3A_2750 = arith.constant 0 : i32
        %add3A_2751 = arith.addi %mul3A_2749, %add3A_2750 : i32
        %mul3A_2752 = arith.constant 8 : i32
        %mul3A_2753 = arith.muli %mul3A_2, %mul3A_2752 : i32
        %add3A_2754 = arith.constant 1 : i32
        %add3A_2755 = arith.addi %mul3A_2753, %add3A_2754 : i32
        %mul3A_2756 = arith.constant 8 : i32
        %mul3A_2757 = arith.muli %mul3A_2, %mul3A_2756 : i32
        %add3A_2758 = arith.constant 2 : i32
        %add3A_2759 = arith.addi %mul3A_2757, %add3A_2758 : i32
        %mul3A_2760 = arith.constant 8 : i32
        %mul3A_2761 = arith.muli %mul3A_2, %mul3A_2760 : i32
        %add3A_2762 = arith.constant 3 : i32
        %add3A_2763 = arith.addi %mul3A_2761, %add3A_2762 : i32
        %mul3A_2764 = arith.constant 8 : i32
        %mul3A_2765 = arith.muli %mul3A_2, %mul3A_2764 : i32
        %add3A_2766 = arith.constant 4 : i32
        %add3A_2767 = arith.addi %mul3A_2765, %add3A_2766 : i32
        %mul3A_2768 = arith.constant 8 : i32
        %mul3A_2769 = arith.muli %mul3A_2, %mul3A_2768 : i32
        %add3A_2770 = arith.constant 5 : i32
        %add3A_2771 = arith.addi %mul3A_2769, %add3A_2770 : i32
        %mul3A_2772 = arith.constant 8 : i32
        %mul3A_2773 = arith.muli %mul3A_2, %mul3A_2772 : i32
        %add3A_2774 = arith.constant 6 : i32
        %add3A_2775 = arith.addi %mul3A_2773, %add3A_2774 : i32
        %mul3A_2776 = arith.constant 8 : i32
        %mul3A_2777 = arith.muli %mul3A_2, %mul3A_2776 : i32
        %add3A_2778 = arith.constant 7 : i32
        %add3A_2779 = arith.addi %mul3A_2777, %add3A_2778 : i32
        %mul3A_2780 = arith.constant 8 : i32
        %mul3A_2781 = arith.muli %mul3A_2, %mul3A_2780 : i32
        %dma_wait3A_2782 = arith.constant 0 : i32
        %dma_wait3A_2783 = arith.constant 0 : i32
        %dma_wait3A_2784 = tpu.memref_slice %arg5[%rem3A_1549, %dma_wait3A_2782, %dma_wait3A_2783] : memref<8x8x128xf32, #tpu.memory_space<vmem>> -> memref<1x8x128xf32, #tpu.memory_space<vmem>>
        %dma_wait3A_2785 = tpu.memref_squeeze %dma_wait3A_2784 : memref<1x8x128xf32, #tpu.memory_space<vmem>> -> memref<8x128xf32, #tpu.memory_space<vmem>>
        %dma_wait3A_2786 = arith.constant 0 : i32
        %dma_wait3A_2787 = arith.constant 0 : i32
        %dma_wait3A_2788 = tpu.memref_slice %arg4[%add3A_2751, %dma_wait3A_2786, %dma_wait3A_2787] : memref<32768x8x144xf32, #tpu.memory_space<hbm>> -> memref<1x8x128xf32, #tpu.memory_space<hbm>>
        %dma_wait3A_2789 = tpu.memref_squeeze %dma_wait3A_2788 : memref<1x8x128xf32, #tpu.memory_space<hbm>> -> memref<8x128xf32, #tpu.memory_space<hbm>>
        %dma_wait3A_2790 = tpu.memref_slice %arg9[%rem3A_1549] : memref<8x!tpu.dma_semaphore, #tpu.memory_space<semaphore_mem>> -> memref<1x!tpu.dma_semaphore, #tpu.memory_space<semaphore_mem>>
        %dma_wait3A_2791 = tpu.memref_squeeze %dma_wait3A_2790 : memref<1x!tpu.dma_semaphore, #tpu.memory_space<semaphore_mem>> -> memref<!tpu.dma_semaphore, #tpu.memory_space<semaphore_mem>>
        %dma_wait3A_2792 = arith.constant 0 : i32
        %dma_wait3A_2793 = arith.constant 0 : i32
        %dma_wait3A_2794 = tpu.memref_slice %arg4[%add3A_2751, %dma_wait3A_2792, %dma_wait3A_2793] : memref<32768x8x144xf32, #tpu.memory_space<hbm>> -> memref<1x8x128xf32, #tpu.memory_space<hbm>>
        %dma_wait3A_2795 = tpu.memref_squeeze %dma_wait3A_2794 : memref<1x8x128xf32, #tpu.memory_space<hbm>> -> memref<8x128xf32, #tpu.memory_space<hbm>>
        %dma_wait3A_2796 = arith.constant 0 : i32
        %dma_wait3A_2797 = arith.constant 0 : i32
        %dma_wait3A_2798 = tpu.memref_slice %arg5[%rem3A_1549, %dma_wait3A_2796, %dma_wait3A_2797] : memref<8x8x128xf32, #tpu.memory_space<vmem>> -> memref<1x8x128xf32, #tpu.memory_space<vmem>>
        %dma_wait3A_2799 = tpu.memref_squeeze %dma_wait3A_2798 : memref<1x8x128xf32, #tpu.memory_space<vmem>> -> memref<8x128xf32, #tpu.memory_space<vmem>>
        tpu.wait_dma2 semaphore(%dma_wait3A_2791 : memref<!tpu.dma_semaphore, #tpu.memory_space<semaphore_mem>>) src(%dma_wait3A_2799 : memref<8x128xf32, #tpu.memory_space<vmem>>) dst(%dma_wait3A_2795 : memref<8x128xf32, #tpu.memory_space<hbm>>)
        %dma_wait3A_2800 = arith.constant 0 : i32
        %dma_wait3A_2801 = arith.constant 0 : i32
        %dma_wait3A_2802 = tpu.memref_slice %arg5[%rem3A_1549, %dma_wait3A_2800, %dma_wait3A_2801] : memref<8x8x128xf32, #tpu.memory_space<vmem>> -> memref<1x8x128xf32, #tpu.memory_space<vmem>>
        %dma_wait3A_2803 = tpu.memref_squeeze %dma_wait3A_2802 : memref<1x8x128xf32, #tpu.memory_space<vmem>> -> memref<8x128xf32, #tpu.memory_space<vmem>>
        %dma_wait3A_2804 = arith.constant 0 : i32
        %dma_wait3A_2805 = arith.constant 0 : i32
        %dma_wait3A_2806 = tpu.memref_slice %arg4[%add3A_2755, %dma_wait3A_2804, %dma_wait3A_2805] : memref<32768x8x144xf32, #tpu.memory_space<hbm>> -> memref<1x8x128xf32, #tpu.memory_space<hbm>>
        %dma_wait3A_2807 = tpu.memref_squeeze %dma_wait3A_2806 : memref<1x8x128xf32, #tpu.memory_space<hbm>> -> memref<8x128xf32, #tpu.memory_space<hbm>>
        %dma_wait3A_2808 = tpu.memref_slice %arg9[%rem3A_1549] : memref<8x!tpu.dma_semaphore, #tpu.memory_space<semaphore_mem>> -> memref<1x!tpu.dma_semaphore, #tpu.memory_space<semaphore_mem>>
        %dma_wait3A_2809 = tpu.memref_squeeze %dma_wait3A_2808 : memref<1x!tpu.dma_semaphore, #tpu.memory_space<semaphore_mem>> -> memref<!tpu.dma_semaphore, #tpu.memory_space<semaphore_mem>>
        %dma_wait3A_2810 = arith.constant 0 : i32
        %dma_wait3A_2811 = arith.constant 0 : i32
        %dma_wait3A_2812 = tpu.memref_slice %arg4[%add3A_2755, %dma_wait3A_2810, %dma_wait3A_2811] : memref<32768x8x144xf32, #tpu.memory_space<hbm>> -> memref<1x8x128xf32, #tpu.memory_space<hbm>>
        %dma_wait3A_2813 = tpu.memref_squeeze %dma_wait3A_2812 : memref<1x8x128xf32, #tpu.memory_space<hbm>> -> memref<8x128xf32, #tpu.memory_space<hbm>>
        %dma_wait3A_2814 = arith.constant 0 : i32
        %dma_wait3A_2815 = arith.constant 0 : i32
        %dma_wait3A_2816 = tpu.memref_slice %arg5[%rem3A_1549, %dma_wait3A_2814, %dma_wait3A_2815] : memref<8x8x128xf32, #tpu.memory_space<vmem>> -> memref<1x8x128xf32, #tpu.memory_space<vmem>>
        %dma_wait3A_2817 = tpu.memref_squeeze %dma_wait3A_2816 : memref<1x8x128xf32, #tpu.memory_space<vmem>> -> memref<8x128xf32, #tpu.memory_space<vmem>>
        tpu.wait_dma2 semaphore(%dma_wait3A_2809 : memref<!tpu.dma_semaphore, #tpu.memory_space<semaphore_mem>>) src(%dma_wait3A_2817 : memref<8x128xf32, #tpu.memory_space<vmem>>) dst(%dma_wait3A_2813 : memref<8x128xf32, #tpu.memory_space<hbm>>)
        %dma_wait3A_2818 = arith.constant 0 : i32
        %dma_wait3A_2819 = arith.constant 0 : i32
        %dma_wait3A_2820 = tpu.memref_slice %arg5[%rem3A_1549, %dma_wait3A_2818, %dma_wait3A_2819] : memref<8x8x128xf32, #tpu.memory_space<vmem>> -> memref<1x8x128xf32, #tpu.memory_space<vmem>>
        %dma_wait3A_2821 = tpu.memref_squeeze %dma_wait3A_2820 : memref<1x8x128xf32, #tpu.memory_space<vmem>> -> memref<8x128xf32, #tpu.memory_space<vmem>>
        %dma_wait3A_2822 = arith.constant 0 : i32
        %dma_wait3A_2823 = arith.constant 0 : i32
        %dma_wait3A_2824 = tpu.memref_slice %arg4[%add3A_2759, %dma_wait3A_2822, %dma_wait3A_2823] : memref<32768x8x144xf32, #tpu.memory_space<hbm>> -> memref<1x8x128xf32, #tpu.memory_space<hbm>>
        %dma_wait3A_2825 = tpu.memref_squeeze %dma_wait3A_2824 : memref<1x8x128xf32, #tpu.memory_space<hbm>> -> memref<8x128xf32, #tpu.memory_space<hbm>>
        %dma_wait3A_2826 = tpu.memref_slice %arg9[%rem3A_1549] : memref<8x!tpu.dma_semaphore, #tpu.memory_space<semaphore_mem>> -> memref<1x!tpu.dma_semaphore, #tpu.memory_space<semaphore_mem>>
        %dma_wait3A_2827 = tpu.memref_squeeze %dma_wait3A_2826 : memref<1x!tpu.dma_semaphore, #tpu.memory_space<semaphore_mem>> -> memref<!tpu.dma_semaphore, #tpu.memory_space<semaphore_mem>>
        %dma_wait3A_2828 = arith.constant 0 : i32
        %dma_wait3A_2829 = arith.constant 0 : i32
        %dma_wait3A_2830 = tpu.memref_slice %arg4[%add3A_2759, %dma_wait3A_2828, %dma_wait3A_2829] : memref<32768x8x144xf32, #tpu.memory_space<hbm>> -> memref<1x8x128xf32, #tpu.memory_space<hbm>>
        %dma_wait3A_2831 = tpu.memref_squeeze %dma_wait3A_2830 : memref<1x8x128xf32, #tpu.memory_space<hbm>> -> memref<8x128xf32, #tpu.memory_space<hbm>>
        %dma_wait3A_2832 = arith.constant 0 : i32
        %dma_wait3A_2833 = arith.constant 0 : i32
        %dma_wait3A_2834 = tpu.memref_slice %arg5[%rem3A_1549, %dma_wait3A_2832, %dma_wait3A_2833] : memref<8x8x128xf32, #tpu.memory_space<vmem>> -> memref<1x8x128xf32, #tpu.memory_space<vmem>>
        %dma_wait3A_2835 = tpu.memref_squeeze %dma_wait3A_2834 : memref<1x8x128xf32, #tpu.memory_space<vmem>> -> memref<8x128xf32, #tpu.memory_space<vmem>>
        tpu.wait_dma2 semaphore(%dma_wait3A_2827 : memref<!tpu.dma_semaphore, #tpu.memory_space<semaphore_mem>>) src(%dma_wait3A_2835 : memref<8x128xf32, #tpu.memory_space<vmem>>) dst(%dma_wait3A_2831 : memref<8x128xf32, #tpu.memory_space<hbm>>)
        %dma_wait3A_2836 = arith.constant 0 : i32
        %dma_wait3A_2837 = arith.constant 0 : i32
        %dma_wait3A_2838 = tpu.memref_slice %arg5[%rem3A_1549, %dma_wait3A_2836, %dma_wait3A_2837] : memref<8x8x128xf32, #tpu.memory_space<vmem>> -> memref<1x8x128xf32, #tpu.memory_space<vmem>>
        %dma_wait3A_2839 = tpu.memref_squeeze %dma_wait3A_2838 : memref<1x8x128xf32, #tpu.memory_space<vmem>> -> memref<8x128xf32, #tpu.memory_space<vmem>>
        %dma_wait3A_2840 = arith.constant 0 : i32
        %dma_wait3A_2841 = arith.constant 0 : i32
        %dma_wait3A_2842 = tpu.memref_slice %arg4[%add3A_2763, %dma_wait3A_2840, %dma_wait3A_2841] : memref<32768x8x144xf32, #tpu.memory_space<hbm>> -> memref<1x8x128xf32, #tpu.memory_space<hbm>>
        %dma_wait3A_2843 = tpu.memref_squeeze %dma_wait3A_2842 : memref<1x8x128xf32, #tpu.memory_space<hbm>> -> memref<8x128xf32, #tpu.memory_space<hbm>>
        %dma_wait3A_2844 = tpu.memref_slice %arg9[%rem3A_1549] : memref<8x!tpu.dma_semaphore, #tpu.memory_space<semaphore_mem>> -> memref<1x!tpu.dma_semaphore, #tpu.memory_space<semaphore_mem>>
        %dma_wait3A_2845 = tpu.memref_squeeze %dma_wait3A_2844 : memref<1x!tpu.dma_semaphore, #tpu.memory_space<semaphore_mem>> -> memref<!tpu.dma_semaphore, #tpu.memory_space<semaphore_mem>>
        %dma_wait3A_2846 = arith.constant 0 : i32
        %dma_wait3A_2847 = arith.constant 0 : i32
        %dma_wait3A_2848 = tpu.memref_slice %arg4[%add3A_2763, %dma_wait3A_2846, %dma_wait3A_2847] : memref<32768x8x144xf32, #tpu.memory_space<hbm>> -> memref<1x8x128xf32, #tpu.memory_space<hbm>>
        %dma_wait3A_2849 = tpu.memref_squeeze %dma_wait3A_2848 : memref<1x8x128xf32, #tpu.memory_space<hbm>> -> memref<8x128xf32, #tpu.memory_space<hbm>>
        %dma_wait3A_2850 = arith.constant 0 : i32
        %dma_wait3A_2851 = arith.constant 0 : i32
        %dma_wait3A_2852 = tpu.memref_slice %arg5[%rem3A_1549, %dma_wait3A_2850, %dma_wait3A_2851] : memref<8x8x128xf32, #tpu.memory_space<vmem>> -> memref<1x8x128xf32, #tpu.memory_space<vmem>>
        %dma_wait3A_2853 = tpu.memref_squeeze %dma_wait3A_2852 : memref<1x8x128xf32, #tpu.memory_space<vmem>> -> memref<8x128xf32, #tpu.memory_space<vmem>>
        tpu.wait_dma2 semaphore(%dma_wait3A_2845 : memref<!tpu.dma_semaphore, #tpu.memory_space<semaphore_mem>>) src(%dma_wait3A_2853 : memref<8x128xf32, #tpu.memory_space<vmem>>) dst(%dma_wait3A_2849 : memref<8x128xf32, #tpu.memory_space<hbm>>)
        %dma_wait3A_2854 = arith.constant 0 : i32
        %dma_wait3A_2855 = arith.constant 0 : i32
        %dma_wait3A_2856 = tpu.memref_slice %arg5[%rem3A_1549, %dma_wait3A_2854, %dma_wait3A_2855] : memref<8x8x128xf32, #tpu.memory_space<vmem>> -> memref<1x8x128xf32, #tpu.memory_space<vmem>>
        %dma_wait3A_2857 = tpu.memref_squeeze %dma_wait3A_2856 : memref<1x8x128xf32, #tpu.memory_space<vmem>> -> memref<8x128xf32, #tpu.memory_space<vmem>>
        %dma_wait3A_2858 = arith.constant 0 : i32
        %dma_wait3A_2859 = arith.constant 0 : i32
        %dma_wait3A_2860 = tpu.memref_slice %arg4[%add3A_2767, %dma_wait3A_2858, %dma_wait3A_2859] : memref<32768x8x144xf32, #tpu.memory_space<hbm>> -> memref<1x8x128xf32, #tpu.memory_space<hbm>>
        %dma_wait3A_2861 = tpu.memref_squeeze %dma_wait3A_2860 : memref<1x8x128xf32, #tpu.memory_space<hbm>> -> memref<8x128xf32, #tpu.memory_space<hbm>>
        %dma_wait3A_2862 = tpu.memref_slice %arg9[%rem3A_1549] : memref<8x!tpu.dma_semaphore, #tpu.memory_space<semaphore_mem>> -> memref<1x!tpu.dma_semaphore, #tpu.memory_space<semaphore_mem>>
        %dma_wait3A_2863 = tpu.memref_squeeze %dma_wait3A_2862 : memref<1x!tpu.dma_semaphore, #tpu.memory_space<semaphore_mem>> -> memref<!tpu.dma_semaphore, #tpu.memory_space<semaphore_mem>>
        %dma_wait3A_2864 = arith.constant 0 : i32
        %dma_wait3A_2865 = arith.constant 0 : i32
        %dma_wait3A_2866 = tpu.memref_slice %arg4[%add3A_2767, %dma_wait3A_2864, %dma_wait3A_2865] : memref<32768x8x144xf32, #tpu.memory_space<hbm>> -> memref<1x8x128xf32, #tpu.memory_space<hbm>>
        %dma_wait3A_2867 = tpu.memref_squeeze %dma_wait3A_2866 : memref<1x8x128xf32, #tpu.memory_space<hbm>> -> memref<8x128xf32, #tpu.memory_space<hbm>>
        %dma_wait3A_2868 = arith.constant 0 : i32
        %dma_wait3A_2869 = arith.constant 0 : i32
        %dma_wait3A_2870 = tpu.memref_slice %arg5[%rem3A_1549, %dma_wait3A_2868, %dma_wait3A_2869] : memref<8x8x128xf32, #tpu.memory_space<vmem>> -> memref<1x8x128xf32, #tpu.memory_space<vmem>>
        %dma_wait3A_2871 = tpu.memref_squeeze %dma_wait3A_2870 : memref<1x8x128xf32, #tpu.memory_space<vmem>> -> memref<8x128xf32, #tpu.memory_space<vmem>>
        tpu.wait_dma2 semaphore(%dma_wait3A_2863 : memref<!tpu.dma_semaphore, #tpu.memory_space<semaphore_mem>>) src(%dma_wait3A_2871 : memref<8x128xf32, #tpu.memory_space<vmem>>) dst(%dma_wait3A_2867 : memref<8x128xf32, #tpu.memory_space<hbm>>)
        %dma_wait3A_2872 = arith.constant 0 : i32
        %dma_wait3A_2873 = arith.constant 0 : i32
        %dma_wait3A_2874 = tpu.memref_slice %arg5[%rem3A_1549, %dma_wait3A_2872, %dma_wait3A_2873] : memref<8x8x128xf32, #tpu.memory_space<vmem>> -> memref<1x8x128xf32, #tpu.memory_space<vmem>>
        %dma_wait3A_2875 = tpu.memref_squeeze %dma_wait3A_2874 : memref<1x8x128xf32, #tpu.memory_space<vmem>> -> memref<8x128xf32, #tpu.memory_space<vmem>>
        %dma_wait3A_2876 = arith.constant 0 : i32
        %dma_wait3A_2877 = arith.constant 0 : i32
        %dma_wait3A_2878 = tpu.memref_slice %arg4[%add3A_2771, %dma_wait3A_2876, %dma_wait3A_2877] : memref<32768x8x144xf32, #tpu.memory_space<hbm>> -> memref<1x8x128xf32, #tpu.memory_space<hbm>>
        %dma_wait3A_2879 = tpu.memref_squeeze %dma_wait3A_2878 : memref<1x8x128xf32, #tpu.memory_space<hbm>> -> memref<8x128xf32, #tpu.memory_space<hbm>>
        %dma_wait3A_2880 = tpu.memref_slice %arg9[%rem3A_1549] : memref<8x!tpu.dma_semaphore, #tpu.memory_space<semaphore_mem>> -> memref<1x!tpu.dma_semaphore, #tpu.memory_space<semaphore_mem>>
        %dma_wait3A_2881 = tpu.memref_squeeze %dma_wait3A_2880 : memref<1x!tpu.dma_semaphore, #tpu.memory_space<semaphore_mem>> -> memref<!tpu.dma_semaphore, #tpu.memory_space<semaphore_mem>>
        %dma_wait3A_2882 = arith.constant 0 : i32
        %dma_wait3A_2883 = arith.constant 0 : i32
        %dma_wait3A_2884 = tpu.memref_slice %arg4[%add3A_2771, %dma_wait3A_2882, %dma_wait3A_2883] : memref<32768x8x144xf32, #tpu.memory_space<hbm>> -> memref<1x8x128xf32, #tpu.memory_space<hbm>>
        %dma_wait3A_2885 = tpu.memref_squeeze %dma_wait3A_2884 : memref<1x8x128xf32, #tpu.memory_space<hbm>> -> memref<8x128xf32, #tpu.memory_space<hbm>>
        %dma_wait3A_2886 = arith.constant 0 : i32
        %dma_wait3A_2887 = arith.constant 0 : i32
        %dma_wait3A_2888 = tpu.memref_slice %arg5[%rem3A_1549, %dma_wait3A_2886, %dma_wait3A_2887] : memref<8x8x128xf32, #tpu.memory_space<vmem>> -> memref<1x8x128xf32, #tpu.memory_space<vmem>>
        %dma_wait3A_2889 = tpu.memref_squeeze %dma_wait3A_2888 : memref<1x8x128xf32, #tpu.memory_space<vmem>> -> memref<8x128xf32, #tpu.memory_space<vmem>>
        tpu.wait_dma2 semaphore(%dma_wait3A_2881 : memref<!tpu.dma_semaphore, #tpu.memory_space<semaphore_mem>>) src(%dma_wait3A_2889 : memref<8x128xf32, #tpu.memory_space<vmem>>) dst(%dma_wait3A_2885 : memref<8x128xf32, #tpu.memory_space<hbm>>)
        %dma_wait3A_2890 = arith.constant 0 : i32
        %dma_wait3A_2891 = arith.constant 0 : i32
        %dma_wait3A_2892 = tpu.memref_slice %arg5[%rem3A_1549, %dma_wait3A_2890, %dma_wait3A_2891] : memref<8x8x128xf32, #tpu.memory_space<vmem>> -> memref<1x8x128xf32, #tpu.memory_space<vmem>>
        %dma_wait3A_2893 = tpu.memref_squeeze %dma_wait3A_2892 : memref<1x8x128xf32, #tpu.memory_space<vmem>> -> memref<8x128xf32, #tpu.memory_space<vmem>>
        %dma_wait3A_2894 = arith.constant 0 : i32
        %dma_wait3A_2895 = arith.constant 0 : i32
        %dma_wait3A_2896 = tpu.memref_slice %arg4[%add3A_2775, %dma_wait3A_2894, %dma_wait3A_2895] : memref<32768x8x144xf32, #tpu.memory_space<hbm>> -> memref<1x8x128xf32, #tpu.memory_space<hbm>>
        %dma_wait3A_2897 = tpu.memref_squeeze %dma_wait3A_2896 : memref<1x8x128xf32, #tpu.memory_space<hbm>> -> memref<8x128xf32, #tpu.memory_space<hbm>>
        %dma_wait3A_2898 = tpu.memref_slice %arg9[%rem3A_1549] : memref<8x!tpu.dma_semaphore, #tpu.memory_space<semaphore_mem>> -> memref<1x!tpu.dma_semaphore, #tpu.memory_space<semaphore_mem>>
        %dma_wait3A_2899 = tpu.memref_squeeze %dma_wait3A_2898 : memref<1x!tpu.dma_semaphore, #tpu.memory_space<semaphore_mem>> -> memref<!tpu.dma_semaphore, #tpu.memory_space<semaphore_mem>>
        %dma_wait3A_2900 = arith.constant 0 : i32
        %dma_wait3A_2901 = arith.constant 0 : i32
        %dma_wait3A_2902 = tpu.memref_slice %arg4[%add3A_2775, %dma_wait3A_2900, %dma_wait3A_2901] : memref<32768x8x144xf32, #tpu.memory_space<hbm>> -> memref<1x8x128xf32, #tpu.memory_space<hbm>>
        %dma_wait3A_2903 = tpu.memref_squeeze %dma_wait3A_2902 : memref<1x8x128xf32, #tpu.memory_space<hbm>> -> memref<8x128xf32, #tpu.memory_space<hbm>>
        %dma_wait3A_2904 = arith.constant 0 : i32
        %dma_wait3A_2905 = arith.constant 0 : i32
        %dma_wait3A_2906 = tpu.memref_slice %arg5[%rem3A_1549, %dma_wait3A_2904, %dma_wait3A_2905] : memref<8x8x128xf32, #tpu.memory_space<vmem>> -> memref<1x8x128xf32, #tpu.memory_space<vmem>>
        %dma_wait3A_2907 = tpu.memref_squeeze %dma_wait3A_2906 : memref<1x8x128xf32, #tpu.memory_space<vmem>> -> memref<8x128xf32, #tpu.memory_space<vmem>>
        tpu.wait_dma2 semaphore(%dma_wait3A_2899 : memref<!tpu.dma_semaphore, #tpu.memory_space<semaphore_mem>>) src(%dma_wait3A_2907 : memref<8x128xf32, #tpu.memory_space<vmem>>) dst(%dma_wait3A_2903 : memref<8x128xf32, #tpu.memory_space<hbm>>)
        %dma_wait3A_2908 = arith.constant 0 : i32
        %dma_wait3A_2909 = arith.constant 0 : i32
        %dma_wait3A_2910 = tpu.memref_slice %arg5[%rem3A_1549, %dma_wait3A_2908, %dma_wait3A_2909] : memref<8x8x128xf32, #tpu.memory_space<vmem>> -> memref<1x8x128xf32, #tpu.memory_space<vmem>>
        %dma_wait3A_2911 = tpu.memref_squeeze %dma_wait3A_2910 : memref<1x8x128xf32, #tpu.memory_space<vmem>> -> memref<8x128xf32, #tpu.memory_space<vmem>>
        %dma_wait3A_2912 = arith.constant 0 : i32
        %dma_wait3A_2913 = arith.constant 0 : i32
        %dma_wait3A_2914 = tpu.memref_slice %arg4[%add3A_2779, %dma_wait3A_2912, %dma_wait3A_2913] : memref<32768x8x144xf32, #tpu.memory_space<hbm>> -> memref<1x8x128xf32, #tpu.memory_space<hbm>>
        %dma_wait3A_2915 = tpu.memref_squeeze %dma_wait3A_2914 : memref<1x8x128xf32, #tpu.memory_space<hbm>> -> memref<8x128xf32, #tpu.memory_space<hbm>>
        %dma_wait3A_2916 = tpu.memref_slice %arg9[%rem3A_1549] : memref<8x!tpu.dma_semaphore, #tpu.memory_space<semaphore_mem>> -> memref<1x!tpu.dma_semaphore, #tpu.memory_space<semaphore_mem>>
        %dma_wait3A_2917 = tpu.memref_squeeze %dma_wait3A_2916 : memref<1x!tpu.dma_semaphore, #tpu.memory_space<semaphore_mem>> -> memref<!tpu.dma_semaphore, #tpu.memory_space<semaphore_mem>>
        %dma_wait3A_2918 = arith.constant 0 : i32
        %dma_wait3A_2919 = arith.constant 0 : i32
        %dma_wait3A_2920 = tpu.memref_slice %arg4[%add3A_2779, %dma_wait3A_2918, %dma_wait3A_2919] : memref<32768x8x144xf32, #tpu.memory_space<hbm>> -> memref<1x8x128xf32, #tpu.memory_space<hbm>>
        %dma_wait3A_2921 = tpu.memref_squeeze %dma_wait3A_2920 : memref<1x8x128xf32, #tpu.memory_space<hbm>> -> memref<8x128xf32, #tpu.memory_space<hbm>>
        %dma_wait3A_2922 = arith.constant 0 : i32
        %dma_wait3A_2923 = arith.constant 0 : i32
        %dma_wait3A_2924 = tpu.memref_slice %arg5[%rem3A_1549, %dma_wait3A_2922, %dma_wait3A_2923] : memref<8x8x128xf32, #tpu.memory_space<vmem>> -> memref<1x8x128xf32, #tpu.memory_space<vmem>>
        %dma_wait3A_2925 = tpu.memref_squeeze %dma_wait3A_2924 : memref<1x8x128xf32, #tpu.memory_space<vmem>> -> memref<8x128xf32, #tpu.memory_space<vmem>>
        tpu.wait_dma2 semaphore(%dma_wait3A_2917 : memref<!tpu.dma_semaphore, #tpu.memory_space<semaphore_mem>>) src(%dma_wait3A_2925 : memref<8x128xf32, #tpu.memory_space<vmem>>) dst(%dma_wait3A_2921 : memref<8x128xf32, #tpu.memory_space<hbm>>)
        %dma_wait3A_2926 = arith.constant 0 : i32
        %dma_wait3A_2927 = arith.constant 0 : i32
        %dma_wait3A_2928 = arith.constant 0 : i32
        %dma_wait3A_2929 = tpu.memref_slice %arg7[%rem3A_1549, %dma_wait3A_2926, %dma_wait3A_2927, %dma_wait3A_2928] : memref<8x8x8x16xf32, #tpu.memory_space<vmem>> -> memref<1x8x8x16xf32, #tpu.memory_space<vmem>>
        %dma_wait3A_2930 = tpu.memref_squeeze %dma_wait3A_2929 : memref<1x8x8x16xf32, #tpu.memory_space<vmem>> -> memref<8x8x16xf32, #tpu.memory_space<vmem>>
        %dma_wait3A_2931 = arith.constant 0 : i32
        %dma_wait3A_2932 = arith.constant 128 : i32
        %dma_wait3A_2933 = tpu.memref_slice %arg4[%mul3A_2781, %dma_wait3A_2931, %dma_wait3A_2932] : memref<32768x8x144xf32, #tpu.memory_space<hbm>> -> memref<8x8x16xf32, #tpu.memory_space<hbm>>
        %dma_wait3A_2934 = tpu.memref_slice %arg9[%rem3A_1549] : memref<8x!tpu.dma_semaphore, #tpu.memory_space<semaphore_mem>> -> memref<1x!tpu.dma_semaphore, #tpu.memory_space<semaphore_mem>>
        %dma_wait3A_2935 = tpu.memref_squeeze %dma_wait3A_2934 : memref<1x!tpu.dma_semaphore, #tpu.memory_space<semaphore_mem>> -> memref<!tpu.dma_semaphore, #tpu.memory_space<semaphore_mem>>
        %dma_wait3A_2936 = arith.constant 0 : i32
        %dma_wait3A_2937 = arith.constant 128 : i32
        %dma_wait3A_2938 = tpu.memref_slice %arg4[%mul3A_2781, %dma_wait3A_2936, %dma_wait3A_2937] : memref<32768x8x144xf32, #tpu.memory_space<hbm>> -> memref<8x8x16xf32, #tpu.memory_space<hbm>>
        %dma_wait3A_2939 = arith.constant 0 : i32
        %dma_wait3A_2940 = arith.constant 0 : i32
        %dma_wait3A_2941 = arith.constant 0 : i32
        %dma_wait3A_2942 = tpu.memref_slice %arg7[%rem3A_1549, %dma_wait3A_2939, %dma_wait3A_2940, %dma_wait3A_2941] : memref<8x8x8x16xf32, #tpu.memory_space<vmem>> -> memref<1x8x8x16xf32, #tpu.memory_space<vmem>>
        %dma_wait3A_2943 = tpu.memref_squeeze %dma_wait3A_2942 : memref<1x8x8x16xf32, #tpu.memory_space<vmem>> -> memref<8x8x16xf32, #tpu.memory_space<vmem>>
        tpu.wait_dma2 semaphore(%dma_wait3A_2935 : memref<!tpu.dma_semaphore, #tpu.memory_space<semaphore_mem>>) src(%dma_wait3A_2943 : memref<8x8x16xf32, #tpu.memory_space<vmem>>) dst(%dma_wait3A_2938 : memref<8x8x16xf32, #tpu.memory_space<hbm>>)
      } else {
      }
      %add3A_1552 = arith.constant 1 : i32
      %add3A_1553 = arith.addi %scan3A_1543, %add3A_1552 : i32
      %lt3A = arith.constant 128 : i32
      %lt3A_1554 = arith.cmpi slt, %add3A_1553, %lt3A : i32
      %convert_element_type3A_1555 = arith.extui %lt3A_1554 : i1 to i32
      %cond3A_1556 = arith.constant 0 : i32
      %cond3A_1557 = arith.cmpi ne, %convert_element_type3A_1555, %cond3A_1556 : i32
      scf.if %cond3A_1557 {
        %add3A_2748 = arith.addi %mul3A_2, %scan3A_1543 : i32
        %add3A_2749 = arith.constant 1 : i32
        %add3A_2750 = arith.addi %add3A_2748, %add3A_2749 : i32
        %add3A_2751 = arith.constant 0 : i32
        %add3A_2752 = arith.addi %add3A_2751, %add3A_2750 : i32
        %mul3A_2753 = arith.constant 8 : i32
        %mul3A_2754 = arith.muli %add3A_2752, %mul3A_2753 : i32
        %mul3A_2755 = arith.constant 8 : i32
        %mul3A_2756 = arith.muli %add3A_2750, %mul3A_2755 : i32
        %dma_start3A_2757 = arith.constant 0 : i32
        %dma_start3A_2758 = arith.constant 0 : i32
        %dma_start3A_2759 = tpu.memref_slice %arg5[%rem3A_1549, %dma_start3A_2757, %dma_start3A_2758] : memref<8x8x128xf32, #tpu.memory_space<vmem>> -> memref<1x8x128xf32, #tpu.memory_space<vmem>>
        %dma_start3A_2760 = tpu.memref_squeeze %dma_start3A_2759 : memref<1x8x128xf32, #tpu.memory_space<vmem>> -> memref<8x128xf32, #tpu.memory_space<vmem>>
        %dma_start3A_2761 = arith.constant 0 : i32
        %dma_start3A_2762 = tpu.memref_slice %arg2[%mul3A_2754, %dma_start3A_2761] : memref<32768x128xf32, #tpu.memory_space<hbm>> -> memref<8x128xf32, #tpu.memory_space<hbm>>
        %dma_start3A_2763 = tpu.memref_slice %arg8[%rem3A_1549] : memref<8x!tpu.dma_semaphore, #tpu.memory_space<semaphore_mem>> -> memref<1x!tpu.dma_semaphore, #tpu.memory_space<semaphore_mem>>
        %dma_start3A_2764 = tpu.memref_squeeze %dma_start3A_2763 : memref<1x!tpu.dma_semaphore, #tpu.memory_space<semaphore_mem>> -> memref<!tpu.dma_semaphore, #tpu.memory_space<semaphore_mem>>
        %dma_start3A_2765 = arith.constant 0 : i32
        %dma_start3A_2766 = arith.constant 0 : i32
        %dma_start3A_2767 = tpu.memref_slice %arg5[%rem3A_1549, %dma_start3A_2765, %dma_start3A_2766] : memref<8x8x128xf32, #tpu.memory_space<vmem>> -> memref<1x8x128xf32, #tpu.memory_space<vmem>>
        %dma_start3A_2768 = tpu.memref_squeeze %dma_start3A_2767 : memref<1x8x128xf32, #tpu.memory_space<vmem>> -> memref<8x128xf32, #tpu.memory_space<vmem>>
        %dma_start3A_2769 = arith.constant 0 : i32
        %dma_start3A_2770 = tpu.memref_slice %arg2[%mul3A_2754, %dma_start3A_2769] : memref<32768x128xf32, #tpu.memory_space<hbm>> -> memref<8x128xf32, #tpu.memory_space<hbm>>
        tpu.enqueue_dma source(%dma_start3A_2770 : memref<8x128xf32, #tpu.memory_space<hbm>>) target(%dma_start3A_2768 : memref<8x128xf32, #tpu.memory_space<vmem>>) target_semaphore(%dma_start3A_2764 : memref<!tpu.dma_semaphore, #tpu.memory_space<semaphore_mem>>)
        %dma_start3A_2771 = arith.constant 0 : i32
        %dma_start3A_2772 = arith.constant 0 : i32
        %dma_start3A_2773 = tpu.memref_slice %arg6[%rem3A_1549, %dma_start3A_2771, %dma_start3A_2772] : memref<8x8x128xf32, #tpu.memory_space<vmem>> -> memref<1x8x128xf32, #tpu.memory_space<vmem>>
        %dma_start3A_2774 = tpu.memref_squeeze %dma_start3A_2773 : memref<1x8x128xf32, #tpu.memory_space<vmem>> -> memref<8x128xf32, #tpu.memory_space<vmem>>
        %dma_start3A_2775 = arith.constant 0 : i32
        %dma_start3A_2776 = tpu.memref_slice %arg3[%mul3A_2756, %dma_start3A_2775] : memref<32768x128xf32, #tpu.memory_space<hbm>> -> memref<8x128xf32, #tpu.memory_space<hbm>>
        %dma_start3A_2777 = tpu.memref_slice %arg8[%rem3A_1549] : memref<8x!tpu.dma_semaphore, #tpu.memory_space<semaphore_mem>> -> memref<1x!tpu.dma_semaphore, #tpu.memory_space<semaphore_mem>>
        %dma_start3A_2778 = tpu.memref_squeeze %dma_start3A_2777 : memref<1x!tpu.dma_semaphore, #tpu.memory_space<semaphore_mem>> -> memref<!tpu.dma_semaphore, #tpu.memory_space<semaphore_mem>>
        %dma_start3A_2779 = arith.constant 0 : i32
        %dma_start3A_2780 = arith.constant 0 : i32
        %dma_start3A_2781 = tpu.memref_slice %arg6[%rem3A_1549, %dma_start3A_2779, %dma_start3A_2780] : memref<8x8x128xf32, #tpu.memory_space<vmem>> -> memref<1x8x128xf32, #tpu.memory_space<vmem>>
        %dma_start3A_2782 = tpu.memref_squeeze %dma_start3A_2781 : memref<1x8x128xf32, #tpu.memory_space<vmem>> -> memref<8x128xf32, #tpu.memory_space<vmem>>
        %dma_start3A_2783 = arith.constant 0 : i32
        %dma_start3A_2784 = tpu.memref_slice %arg3[%mul3A_2756, %dma_start3A_2783] : memref<32768x128xf32, #tpu.memory_space<hbm>> -> memref<8x128xf32, #tpu.memory_space<hbm>>
        tpu.enqueue_dma source(%dma_start3A_2784 : memref<8x128xf32, #tpu.memory_space<hbm>>) target(%dma_start3A_2782 : memref<8x128xf32, #tpu.memory_space<vmem>>) target_semaphore(%dma_start3A_2778 : memref<!tpu.dma_semaphore, #tpu.memory_space<semaphore_mem>>)
      } else {
      }
      %add3A_1558 = arith.constant 0 : i32
      %add3A_1559 = arith.addi %add3A_1558, %mul3A_2 : i32
      %mul3A_1560 = arith.constant 8 : i32
      %mul3A_1561 = arith.muli %add3A_1559, %mul3A_1560 : i32
      %mul3A_1562 = arith.constant 8 : i32
      %mul3A_1563 = arith.muli %mul3A_2, %mul3A_1562 : i32
      %dma_wait3A_1564 = arith.constant 0 : i32
      %dma_wait3A_1565 = arith.constant 0 : i32
      %dma_wait3A_1566 = tpu.memref_slice %arg5[%rem3A_1545, %dma_wait3A_1564, %dma_wait3A_1565] : memref<8x8x128xf32, #tpu.memory_space<vmem>> -> memref<1x8x128xf32, #tpu.memory_space<vmem>>
      %dma_wait3A_1567 = tpu.memref_squeeze %dma_wait3A_1566 : memref<1x8x128xf32, #tpu.memory_space<vmem>> -> memref<8x128xf32, #tpu.memory_space<vmem>>
      %dma_wait3A_1568 = arith.constant 0 : i32
      %dma_wait3A_1569 = tpu.memref_slice %arg2[%mul3A_1561, %dma_wait3A_1568] : memref<32768x128xf32, #tpu.memory_space<hbm>> -> memref<8x128xf32, #tpu.memory_space<hbm>>
      %dma_wait3A_1570 = tpu.memref_slice %arg8[%rem3A_1545] : memref<8x!tpu.dma_semaphore, #tpu.memory_space<semaphore_mem>> -> memref<1x!tpu.dma_semaphore, #tpu.memory_space<semaphore_mem>>
      %dma_wait3A_1571 = tpu.memref_squeeze %dma_wait3A_1570 : memref<1x!tpu.dma_semaphore, #tpu.memory_space<semaphore_mem>> -> memref<!tpu.dma_semaphore, #tpu.memory_space<semaphore_mem>>
      %dma_wait3A_1572 = arith.constant 0 : i32
      %dma_wait3A_1573 = arith.constant 0 : i32
      %dma_wait3A_1574 = tpu.memref_slice %arg5[%rem3A_1545, %dma_wait3A_1572, %dma_wait3A_1573] : memref<8x8x128xf32, #tpu.memory_space<vmem>> -> memref<1x8x128xf32, #tpu.memory_space<vmem>>
      %dma_wait3A_1575 = tpu.memref_squeeze %dma_wait3A_1574 : memref<1x8x128xf32, #tpu.memory_space<vmem>> -> memref<8x128xf32, #tpu.memory_space<vmem>>
      %dma_wait3A_1576 = arith.constant 0 : i32
      %dma_wait3A_1577 = tpu.memref_slice %arg2[%mul3A_1561, %dma_wait3A_1576] : memref<32768x128xf32, #tpu.memory_space<hbm>> -> memref<8x128xf32, #tpu.memory_space<hbm>>
      tpu.wait_dma2 semaphore(%dma_wait3A_1571 : memref<!tpu.dma_semaphore, #tpu.memory_space<semaphore_mem>>) src(%dma_wait3A_1577 : memref<8x128xf32, #tpu.memory_space<hbm>>) dst(%dma_wait3A_1575 : memref<8x128xf32, #tpu.memory_space<vmem>>)
      %dma_wait3A_1578 = arith.constant 0 : i32
      %dma_wait3A_1579 = arith.constant 0 : i32
      %dma_wait3A_1580 = tpu.memref_slice %arg6[%rem3A_1545, %dma_wait3A_1578, %dma_wait3A_1579] : memref<8x8x128xf32, #tpu.memory_space<vmem>> -> memref<1x8x128xf32, #tpu.memory_space<vmem>>
      %dma_wait3A_1581 = tpu.memref_squeeze %dma_wait3A_1580 : memref<1x8x128xf32, #tpu.memory_space<vmem>> -> memref<8x128xf32, #tpu.memory_space<vmem>>
      %dma_wait3A_1582 = arith.constant 0 : i32
      %dma_wait3A_1583 = tpu.memref_slice %arg3[%mul3A_1563, %dma_wait3A_1582] : memref<32768x128xf32, #tpu.memory_space<hbm>> -> memref<8x128xf32, #tpu.memory_space<hbm>>
      %dma_wait3A_1584 = tpu.memref_slice %arg8[%rem3A_1545] : memref<8x!tpu.dma_semaphore, #tpu.memory_space<semaphore_mem>> -> memref<1x!tpu.dma_semaphore, #tpu.memory_space<semaphore_mem>>
      %dma_wait3A_1585 = tpu.memref_squeeze %dma_wait3A_1584 : memref<1x!tpu.dma_semaphore, #tpu.memory_space<semaphore_mem>> -> memref<!tpu.dma_semaphore, #tpu.memory_space<semaphore_mem>>
      %dma_wait3A_1586 = arith.constant 0 : i32
      %dma_wait3A_1587 = arith.constant 0 : i32
      %dma_wait3A_1588 = tpu.memref_slice %arg6[%rem3A_1545, %dma_wait3A_1586, %dma_wait3A_1587] : memref<8x8x128xf32, #tpu.memory_space<vmem>> -> memref<1x8x128xf32, #tpu.memory_space<vmem>>
      %dma_wait3A_1589 = tpu.memref_squeeze %dma_wait3A_1588 : memref<1x8x128xf32, #tpu.memory_space<vmem>> -> memref<8x128xf32, #tpu.memory_space<vmem>>
      %dma_wait3A_1590 = arith.constant 0 : i32
      %dma_wait3A_1591 = tpu.memref_slice %arg3[%mul3A_1563, %dma_wait3A_1590] : memref<32768x128xf32, #tpu.memory_space<hbm>> -> memref<8x128xf32, #tpu.memory_space<hbm>>
      tpu.wait_dma2 semaphore(%dma_wait3A_1585 : memref<!tpu.dma_semaphore, #tpu.memory_space<semaphore_mem>>) src(%dma_wait3A_1591 : memref<8x128xf32, #tpu.memory_space<hbm>>) dst(%dma_wait3A_1589 : memref<8x128xf32, #tpu.memory_space<vmem>>)
      %get3A = arith.constant 0 : i32
      %get3A_1592 = arith.index_cast %rem3A_1545 : i32 to index
      %get3A_1593 = arith.index_cast %get3A : i32 to index
      %get3A_1594 = arith.constant 0 : index
      %get3A_1595 = tpu.vector_load %arg6[%get3A_1592, %get3A_1593, %get3A_1594] {strides = array<i32>} : memref<8x8x128xf32, #tpu.memory_space<vmem>>, vector<1x1x16xf32>,
      %get3A_1596 = vector.shape_cast %get3A_1595 : vector<1x1x16xf32> to vector<16xf32>
      %swap3A = arith.constant 0 : i32
      %swap3A_1597 = arith.constant 0 : i32
      %swap3A_1598 = arith.index_cast %rem3A_1545 : i32 to index
      %swap3A_1599 = arith.index_cast %swap3A : i32 to index
      %swap3A_1600 = arith.index_cast %swap3A_1597 : i32 to index
      %swap3A_1601 = arith.constant 0 : index
      %swap3A_1602 = tpu.vector_load %arg7[%swap3A_1598, %swap3A_1599, %swap3A_1600, %swap3A_1601] {strides = array<i32>} : memref<8x8x8x16xf32, #tpu.memory_space<vmem>>, vector<1x1x1x16xf32>,
      %swap3A_1603 = vector.shape_cast %swap3A_1602 : vector<1x1x1x16xf32> to vector<16xf32>
      %swap3A_1604 = vector.shape_cast %get3A_1596 : vector<16xf32> to vector<1x1x1x16xf32>
      tpu.vector_store %arg7[%swap3A_1598, %swap3A_1599, %swap3A_1600, %swap3A_1601], %swap3A_1604 {strides = array<i32>} : memref<8x8x8x16xf32, #tpu.memory_space<vmem>>, vector<1x1x1x16xf32>,
      %get3A_1605 = arith.constant 0 : i32
      %get3A_1606 = arith.index_cast %rem3A_1545 : i32 to index
      %get3A_1607 = arith.index_cast %get3A_1605 : i32 to index
      %get3A_1608 = arith.constant 16 : index
      %get3A_1609 = tpu.vector_load %arg6[%get3A_1606, %get3A_1607, %get3A_1608] {strides = array<i32>} : memref<8x8x128xf32, #tpu.memory_space<vmem>>, vector<1x1x16xf32>,
      %get3A_1610 = vector.shape_cast %get3A_1609 : vector<1x1x16xf32> to vector<16xf32>
      %swap3A_1611 = arith.constant 0 : i32
      %swap3A_1612 = arith.constant 1 : i32
      %swap3A_1613 = arith.index_cast %rem3A_1545 : i32 to index
      %swap3A_1614 = arith.index_cast %swap3A_1611 : i32 to index
      %swap3A_1615 = arith.index_cast %swap3A_1612 : i32 to index
      %swap3A_1616 = arith.constant 0 : index
      %swap3A_1617 = tpu.vector_load %arg7[%swap3A_1613, %swap3A_1614, %swap3A_1615, %swap3A_1616] {strides = array<i32>} : memref<8x8x8x16xf32, #tpu.memory_space<vmem>>, vector<1x1x1x16xf32>,
      %swap3A_1618 = vector.shape_cast %swap3A_1617 : vector<1x1x1x16xf32> to vector<16xf32>
      %swap3A_1619 = vector.shape_cast %get3A_1610 : vector<16xf32> to vector<1x1x1x16xf32>
      tpu.vector_store %arg7[%swap3A_1613, %swap3A_1614, %swap3A_1615, %swap3A_1616], %swap3A_1619 {strides = array<i32>} : memref<8x8x8x16xf32, #tpu.memory_space<vmem>>, vector<1x1x1x16xf32>,
      %get3A_1620 = arith.constant 0 : i32
      %get3A_1621 = arith.index_cast %rem3A_1545 : i32 to index
      %get3A_1622 = arith.index_cast %get3A_1620 : i32 to index
      %get3A_1623 = arith.constant 32 : index
      %get3A_1624 = tpu.vector_load %arg6[%get3A_1621, %get3A_1622, %get3A_1623] {strides = array<i32>} : memref<8x8x128xf32, #tpu.memory_space<vmem>>, vector<1x1x16xf32>,
      %get3A_1625 = vector.shape_cast %get3A_1624 : vector<1x1x16xf32> to vector<16xf32>
      %swap3A_1626 = arith.constant 0 : i32
      %swap3A_1627 = arith.constant 2 : i32
      %swap3A_1628 = arith.index_cast %rem3A_1545 : i32 to index
      %swap3A_1629 = arith.index_cast %swap3A_1626 : i32 to index
      %swap3A_1630 = arith.index_cast %swap3A_1627 : i32 to index
      %swap3A_1631 = arith.constant 0 : index
      %swap3A_1632 = tpu.vector_load %arg7[%swap3A_1628, %swap3A_1629, %swap3A_1630, %swap3A_1631] {strides = array<i32>} : memref<8x8x8x16xf32, #tpu.memory_space<vmem>>, vector<1x1x1x16xf32>,
      %swap3A_1633 = vector.shape_cast %swap3A_1632 : vector<1x1x1x16xf32> to vector<16xf32>
      %swap3A_1634 = vector.shape_cast %get3A_1625 : vector<16xf32> to vector<1x1x1x16xf32>
      tpu.vector_store %arg7[%swap3A_1628, %swap3A_1629, %swap3A_1630, %swap3A_1631], %swap3A_1634 {strides = array<i32>} : memref<8x8x8x16xf32, #tpu.memory_space<vmem>>, vector<1x1x1x16xf32>,
      %get3A_1635 = arith.constant 0 : i32
      %get3A_1636 = arith.index_cast %rem3A_1545 : i32 to index
      %get3A_1637 = arith.index_cast %get3A_1635 : i32 to index
      %get3A_1638 = arith.constant 48 : index
      %get3A_1639 = tpu.vector_load %arg6[%get3A_1636, %get3A_1637, %get3A_1638] {strides = array<i32>} : memref<8x8x128xf32, #tpu.memory_space<vmem>>, vector<1x1x16xf32>,
      %get3A_1640 = vector.shape_cast %get3A_1639 : vector<1x1x16xf32> to vector<16xf32>
      %swap3A_1641 = arith.constant 0 : i32
      %swap3A_1642 = arith.constant 3 : i32
      %swap3A_1643 = arith.index_cast %rem3A_1545 : i32 to index
      %swap3A_1644 = arith.index_cast %swap3A_1641 : i32 to index
      %swap3A_1645 = arith.index_cast %swap3A_1642 : i32 to index
      %swap3A_1646 = arith.constant 0 : index
      %swap3A_1647 = tpu.vector_load %arg7[%swap3A_1643, %swap3A_1644, %swap3A_1645, %swap3A_1646] {strides = array<i32>} : memref<8x8x8x16xf32, #tpu.memory_space<vmem>>, vector<1x1x1x16xf32>,
      %swap3A_1648 = vector.shape_cast %swap3A_1647 : vector<1x1x1x16xf32> to vector<16xf32>
      %swap3A_1649 = vector.shape_cast %get3A_1640 : vector<16xf32> to vector<1x1x1x16xf32>
      tpu.vector_store %arg7[%swap3A_1643, %swap3A_1644, %swap3A_1645, %swap3A_1646], %swap3A_1649 {strides = array<i32>} : memref<8x8x8x16xf32, #tpu.memory_space<vmem>>, vector<1x1x1x16xf32>,
      %get3A_1650 = arith.constant 0 : i32
      %get3A_1651 = arith.index_cast %rem3A_1545 : i32 to index
      %get3A_1652 = arith.index_cast %get3A_1650 : i32 to index
      %get3A_1653 = arith.constant 64 : index
      %get3A_1654 = tpu.vector_load %arg6[%get3A_1651, %get3A_1652, %get3A_1653] {strides = array<i32>} : memref<8x8x128xf32, #tpu.memory_space<vmem>>, vector<1x1x16xf32>,
      %get3A_1655 = vector.shape_cast %get3A_1654 : vector<1x1x16xf32> to vector<16xf32>
      %swap3A_1656 = arith.constant 0 : i32
      %swap3A_1657 = arith.constant 4 : i32
      %swap3A_1658 = arith.index_cast %rem3A_1545 : i32 to index
      %swap3A_1659 = arith.index_cast %swap3A_1656 : i32 to index
      %swap3A_1660 = arith.index_cast %swap3A_1657 : i32 to index
      %swap3A_1661 = arith.constant 0 : index
      %swap3A_1662 = tpu.vector_load %arg7[%swap3A_1658, %swap3A_1659, %swap3A_1660, %swap3A_1661] {strides = array<i32>} : memref<8x8x8x16xf32, #tpu.memory_space<vmem>>, vector<1x1x1x16xf32>,
      %swap3A_1663 = vector.shape_cast %swap3A_1662 : vector<1x1x1x16xf32> to vector<16xf32>
      %swap3A_1664 = vector.shape_cast %get3A_1655 : vector<16xf32> to vector<1x1x1x16xf32>
      tpu.vector_store %arg7[%swap3A_1658, %swap3A_1659, %swap3A_1660, %swap3A_1661], %swap3A_1664 {strides = array<i32>} : memref<8x8x8x16xf32, #tpu.memory_space<vmem>>, vector<1x1x1x16xf32>,
      %get3A_1665 = arith.constant 0 : i32
      %get3A_1666 = arith.index_cast %rem3A_1545 : i32 to index
      %get3A_1667 = arith.index_cast %get3A_1665 : i32 to index
      %get3A_1668 = arith.constant 80 : index
      %get3A_1669 = tpu.vector_load %arg6[%get3A_1666, %get3A_1667, %get3A_1668] {strides = array<i32>} : memref<8x8x128xf32, #tpu.memory_space<vmem>>, vector<1x1x16xf32>,
      %get3A_1670 = vector.shape_cast %get3A_1669 : vector<1x1x16xf32> to vector<16xf32>
      %swap3A_1671 = arith.constant 0 : i32
      %swap3A_1672 = arith.constant 5 : i32
      %swap3A_1673 = arith.index_cast %rem3A_1545 : i32 to index
      %swap3A_1674 = arith.index_cast %swap3A_1671 : i32 to index
      %swap3A_1675 = arith.index_cast %swap3A_1672 : i32 to index
      %swap3A_1676 = arith.constant 0 : index
      %swap3A_1677 = tpu.vector_load %arg7[%swap3A_1673, %swap3A_1674, %swap3A_1675, %swap3A_1676] {strides = array<i32>} : memref<8x8x8x16xf32, #tpu.memory_space<vmem>>, vector<1x1x1x16xf32>,
      %swap3A_1678 = vector.shape_cast %swap3A_1677 : vector<1x1x1x16xf32> to vector<16xf32>
      %swap3A_1679 = vector.shape_cast %get3A_1670 : vector<16xf32> to vector<1x1x1x16xf32>
      tpu.vector_store %arg7[%swap3A_1673, %swap3A_1674, %swap3A_1675, %swap3A_1676], %swap3A_1679 {strides = array<i32>} : memref<8x8x8x16xf32, #tpu.memory_space<vmem>>, vector<1x1x1x16xf32>,
      %get3A_1680 = arith.constant 0 : i32
      %get3A_1681 = arith.index_cast %rem3A_1545 : i32 to index
      %get3A_1682 = arith.index_cast %get3A_1680 : i32 to index
      %get3A_1683 = arith.constant 96 : index
      %get3A_1684 = tpu.vector_load %arg6[%get3A_1681, %get3A_1682, %get3A_1683] {strides = array<i32>} : memref<8x8x128xf32, #tpu.memory_space<vmem>>, vector<1x1x16xf32>,
      %get3A_1685 = vector.shape_cast %get3A_1684 : vector<1x1x16xf32> to vector<16xf32>
      %swap3A_1686 = arith.constant 0 : i32
      %swap3A_1687 = arith.constant 6 : i32
      %swap3A_1688 = arith.index_cast %rem3A_1545 : i32 to index
      %swap3A_1689 = arith.index_cast %swap3A_1686 : i32 to index
      %swap3A_1690 = arith.index_cast %swap3A_1687 : i32 to index
      %swap3A_1691 = arith.constant 0 : index
      %swap3A_1692 = tpu.vector_load %arg7[%swap3A_1688, %swap3A_1689, %swap3A_1690, %swap3A_1691] {strides = array<i32>} : memref<8x8x8x16xf32, #tpu.memory_space<vmem>>, vector<1x1x1x16xf32>,
      %swap3A_1693 = vector.shape_cast %swap3A_1692 : vector<1x1x1x16xf32> to vector<16xf32>
      %swap3A_1694 = vector.shape_cast %get3A_1685 : vector<16xf32> to vector<1x1x1x16xf32>
      tpu.vector_store %arg7[%swap3A_1688, %swap3A_1689, %swap3A_1690, %swap3A_1691], %swap3A_1694 {strides = array<i32>} : memref<8x8x8x16xf32, #tpu.memory_space<vmem>>, vector<1x1x1x16xf32>,
      %get3A_1695 = arith.constant 0 : i32
      %get3A_1696 = arith.index_cast %rem3A_1545 : i32 to index
      %get3A_1697 = arith.index_cast %get3A_1695 : i32 to index
      %get3A_1698 = arith.constant 112 : index
      %get3A_1699 = tpu.vector_load %arg6[%get3A_1696, %get3A_1697, %get3A_1698] {strides = array<i32>} : memref<8x8x128xf32, #tpu.memory_space<vmem>>, vector<1x1x16xf32>,
      %get3A_1700 = vector.shape_cast %get3A_1699 : vector<1x1x16xf32> to vector<16xf32>
      %swap3A_1701 = arith.constant 0 : i32
      %swap3A_1702 = arith.constant 7 : i32
      %swap3A_1703 = arith.index_cast %rem3A_1545 : i32 to index
      %swap3A_1704 = arith.index_cast %swap3A_1701 : i32 to index
      %swap3A_1705 = arith.index_cast %swap3A_1702 : i32 to index
      %swap3A_1706 = arith.constant 0 : index
      %swap3A_1707 = tpu.vector_load %arg7[%swap3A_1703, %swap3A_1704, %swap3A_1705, %swap3A_1706] {strides = array<i32>} : memref<8x8x8x16xf32, #tpu.memory_space<vmem>>, vector<1x1x1x16xf32>,
      %swap3A_1708 = vector.shape_cast %swap3A_1707 : vector<1x1x1x16xf32> to vector<16xf32>
      %swap3A_1709 = vector.shape_cast %get3A_1700 : vector<16xf32> to vector<1x1x1x16xf32>
      tpu.vector_store %arg7[%swap3A_1703, %swap3A_1704, %swap3A_1705, %swap3A_1706], %swap3A_1709 {strides = array<i32>} : memref<8x8x8x16xf32, #tpu.memory_space<vmem>>, vector<1x1x1x16xf32>,
      %get3A_1710 = arith.constant 1 : i32
      %get3A_1711 = arith.index_cast %rem3A_1545 : i32 to index
      %get3A_1712 = arith.index_cast %get3A_1710 : i32 to index
      %get3A_1713 = arith.constant 0 : index
      %get3A_1714 = tpu.vector_load %arg6[%get3A_1711, %get3A_1712, %get3A_1713] {strides = array<i32>} : memref<8x8x128xf32, #tpu.memory_space<vmem>>, vector<1x1x16xf32>,
      %get3A_1715 = vector.shape_cast %get3A_1714 : vector<1x1x16xf32> to vector<16xf32>
      %swap3A_1716 = arith.constant 1 : i32
      %swap3A_1717 = arith.constant 0 : i32
      %swap3A_1718 = arith.index_cast %rem3A_1545 : i32 to index
      %swap3A_1719 = arith.index_cast %swap3A_1716 : i32 to index
      %swap3A_1720 = arith.index_cast %swap3A_1717 : i32 to index
      %swap3A_1721 = arith.constant 0 : index
      %swap3A_1722 = tpu.vector_load %arg7[%swap3A_1718, %swap3A_1719, %swap3A_1720, %swap3A_1721] {strides = array<i32>} : memref<8x8x8x16xf32, #tpu.memory_space<vmem>>, vector<1x1x1x16xf32>,
      %swap3A_1723 = vector.shape_cast %swap3A_1722 : vector<1x1x1x16xf32> to vector<16xf32>
      %swap3A_1724 = vector.shape_cast %get3A_1715 : vector<16xf32> to vector<1x1x1x16xf32>
      tpu.vector_store %arg7[%swap3A_1718, %swap3A_1719, %swap3A_1720, %swap3A_1721], %swap3A_1724 {strides = array<i32>} : memref<8x8x8x16xf32, #tpu.memory_space<vmem>>, vector<1x1x1x16xf32>,
      %get3A_1725 = arith.constant 1 : i32
      %get3A_1726 = arith.index_cast %rem3A_1545 : i32 to index
      %get3A_1727 = arith.index_cast %get3A_1725 : i32 to index
      %get3A_1728 = arith.constant 16 : index
      %get3A_1729 = tpu.vector_load %arg6[%get3A_1726, %get3A_1727, %get3A_1728] {strides = array<i32>} : memref<8x8x128xf32, #tpu.memory_space<vmem>>, vector<1x1x16xf32>,
      %get3A_1730 = vector.shape_cast %get3A_1729 : vector<1x1x16xf32> to vector<16xf32>
      %swap3A_1731 = arith.constant 1 : i32
      %swap3A_1732 = arith.constant 1 : i32
      %swap3A_1733 = arith.index_cast %rem3A_1545 : i32 to index
      %swap3A_1734 = arith.index_cast %swap3A_1731 : i32 to index
      %swap3A_1735 = arith.index_cast %swap3A_1732 : i32 to index
      %swap3A_1736 = arith.constant 0 : index
      %swap3A_1737 = tpu.vector_load %arg7[%swap3A_1733, %swap3A_1734, %swap3A_1735, %swap3A_1736] {strides = array<i32>} : memref<8x8x8x16xf32, #tpu.memory_space<vmem>>, vector<1x1x1x16xf32>,
      %swap3A_1738 = vector.shape_cast %swap3A_1737 : vector<1x1x1x16xf32> to vector<16xf32>
      %swap3A_1739 = vector.shape_cast %get3A_1730 : vector<16xf32> to vector<1x1x1x16xf32>
      tpu.vector_store %arg7[%swap3A_1733, %swap3A_1734, %swap3A_1735, %swap3A_1736], %swap3A_1739 {strides = array<i32>} : memref<8x8x8x16xf32, #tpu.memory_space<vmem>>, vector<1x1x1x16xf32>,
      %get3A_1740 = arith.constant 1 : i32
      %get3A_1741 = arith.index_cast %rem3A_1545 : i32 to index
      %get3A_1742 = arith.index_cast %get3A_1740 : i32 to index
      %get3A_1743 = arith.constant 32 : index
      %get3A_1744 = tpu.vector_load %arg6[%get3A_1741, %get3A_1742, %get3A_1743] {strides = array<i32>} : memref<8x8x128xf32, #tpu.memory_space<vmem>>, vector<1x1x16xf32>,
      %get3A_1745 = vector.shape_cast %get3A_1744 : vector<1x1x16xf32> to vector<16xf32>
      %swap3A_1746 = arith.constant 1 : i32
      %swap3A_1747 = arith.constant 2 : i32
      %swap3A_1748 = arith.index_cast %rem3A_1545 : i32 to index
      %swap3A_1749 = arith.index_cast %swap3A_1746 : i32 to index
      %swap3A_1750 = arith.index_cast %swap3A_1747 : i32 to index
      %swap3A_1751 = arith.constant 0 : index
      %swap3A_1752 = tpu.vector_load %arg7[%swap3A_1748, %swap3A_1749, %swap3A_1750, %swap3A_1751] {strides = array<i32>} : memref<8x8x8x16xf32, #tpu.memory_space<vmem>>, vector<1x1x1x16xf32>,
      %swap3A_1753 = vector.shape_cast %swap3A_1752 : vector<1x1x1x16xf32> to vector<16xf32>
      %swap3A_1754 = vector.shape_cast %get3A_1745 : vector<16xf32> to vector<1x1x1x16xf32>
      tpu.vector_store %arg7[%swap3A_1748, %swap3A_1749, %swap3A_1750, %swap3A_1751], %swap3A_1754 {strides = array<i32>} : memref<8x8x8x16xf32, #tpu.memory_space<vmem>>, vector<1x1x1x16xf32>,
      %get3A_1755 = arith.constant 1 : i32
      %get3A_1756 = arith.index_cast %rem3A_1545 : i32 to index
      %get3A_1757 = arith.index_cast %get3A_1755 : i32 to index
      %get3A_1758 = arith.constant 48 : index
      %get3A_1759 = tpu.vector_load %arg6[%get3A_1756, %get3A_1757, %get3A_1758] {strides = array<i32>} : memref<8x8x128xf32, #tpu.memory_space<vmem>>, vector<1x1x16xf32>,
      %get3A_1760 = vector.shape_cast %get3A_1759 : vector<1x1x16xf32> to vector<16xf32>
      %swap3A_1761 = arith.constant 1 : i32
      %swap3A_1762 = arith.constant 3 : i32
      %swap3A_1763 = arith.index_cast %rem3A_1545 : i32 to index
      %swap3A_1764 = arith.index_cast %swap3A_1761 : i32 to index
      %swap3A_1765 = arith.index_cast %swap3A_1762 : i32 to index
      %swap3A_1766 = arith.constant 0 : index
      %swap3A_1767 = tpu.vector_load %arg7[%swap3A_1763, %swap3A_1764, %swap3A_1765, %swap3A_1766] {strides = array<i32>} : memref<8x8x8x16xf32, #tpu.memory_space<vmem>>, vector<1x1x1x16xf32>,
      %swap3A_1768 = vector.shape_cast %swap3A_1767 : vector<1x1x1x16xf32> to vector<16xf32>
      %swap3A_1769 = vector.shape_cast %get3A_1760 : vector<16xf32> to vector<1x1x1x16xf32>
      tpu.vector_store %arg7[%swap3A_1763, %swap3A_1764, %swap3A_1765, %swap3A_1766], %swap3A_1769 {strides = array<i32>} : memref<8x8x8x16xf32, #tpu.memory_space<vmem>>, vector<1x1x1x16xf32>,
      %get3A_1770 = arith.constant 1 : i32
      %get3A_1771 = arith.index_cast %rem3A_1545 : i32 to index
      %get3A_1772 = arith.index_cast %get3A_1770 : i32 to index
      %get3A_1773 = arith.constant 64 : index
      %get3A_1774 = tpu.vector_load %arg6[%get3A_1771, %get3A_1772, %get3A_1773] {strides = array<i32>} : memref<8x8x128xf32, #tpu.memory_space<vmem>>, vector<1x1x16xf32>,
      %get3A_1775 = vector.shape_cast %get3A_1774 : vector<1x1x16xf32> to vector<16xf32>
      %swap3A_1776 = arith.constant 1 : i32
      %swap3A_1777 = arith.constant 4 : i32
      %swap3A_1778 = arith.index_cast %rem3A_1545 : i32 to index
      %swap3A_1779 = arith.index_cast %swap3A_1776 : i32 to index
      %swap3A_1780 = arith.index_cast %swap3A_1777 : i32 to index
      %swap3A_1781 = arith.constant 0 : index
      %swap3A_1782 = tpu.vector_load %arg7[%swap3A_1778, %swap3A_1779, %swap3A_1780, %swap3A_1781] {strides = array<i32>} : memref<8x8x8x16xf32, #tpu.memory_space<vmem>>, vector<1x1x1x16xf32>,
      %swap3A_1783 = vector.shape_cast %swap3A_1782 : vector<1x1x1x16xf32> to vector<16xf32>
      %swap3A_1784 = vector.shape_cast %get3A_1775 : vector<16xf32> to vector<1x1x1x16xf32>
      tpu.vector_store %arg7[%swap3A_1778, %swap3A_1779, %swap3A_1780, %swap3A_1781], %swap3A_1784 {strides = array<i32>} : memref<8x8x8x16xf32, #tpu.memory_space<vmem>>, vector<1x1x1x16xf32>,
      %get3A_1785 = arith.constant 1 : i32
      %get3A_1786 = arith.index_cast %rem3A_1545 : i32 to index
      %get3A_1787 = arith.index_cast %get3A_1785 : i32 to index
      %get3A_1788 = arith.constant 80 : index
      %get3A_1789 = tpu.vector_load %arg6[%get3A_1786, %get3A_1787, %get3A_1788] {strides = array<i32>} : memref<8x8x128xf32, #tpu.memory_space<vmem>>, vector<1x1x16xf32>,
      %get3A_1790 = vector.shape_cast %get3A_1789 : vector<1x1x16xf32> to vector<16xf32>
      %swap3A_1791 = arith.constant 1 : i32
      %swap3A_1792 = arith.constant 5 : i32
      %swap3A_1793 = arith.index_cast %rem3A_1545 : i32 to index
      %swap3A_1794 = arith.index_cast %swap3A_1791 : i32 to index
      %swap3A_1795 = arith.index_cast %swap3A_1792 : i32 to index
      %swap3A_1796 = arith.constant 0 : index
      %swap3A_1797 = tpu.vector_load %arg7[%swap3A_1793, %swap3A_1794, %swap3A_1795, %swap3A_1796] {strides = array<i32>} : memref<8x8x8x16xf32, #tpu.memory_space<vmem>>, vector<1x1x1x16xf32>,
      %swap3A_1798 = vector.shape_cast %swap3A_1797 : vector<1x1x1x16xf32> to vector<16xf32>
      %swap3A_1799 = vector.shape_cast %get3A_1790 : vector<16xf32> to vector<1x1x1x16xf32>
      tpu.vector_store %arg7[%swap3A_1793, %swap3A_1794, %swap3A_1795, %swap3A_1796], %swap3A_1799 {strides = array<i32>} : memref<8x8x8x16xf32, #tpu.memory_space<vmem>>, vector<1x1x1x16xf32>,
      %get3A_1800 = arith.constant 1 : i32
      %get3A_1801 = arith.index_cast %rem3A_1545 : i32 to index
      %get3A_1802 = arith.index_cast %get3A_1800 : i32 to index
      %get3A_1803 = arith.constant 96 : index
      %get3A_1804 = tpu.vector_load %arg6[%get3A_1801, %get3A_1802, %get3A_1803] {strides = array<i32>} : memref<8x8x128xf32, #tpu.memory_space<vmem>>, vector<1x1x16xf32>,
      %get3A_1805 = vector.shape_cast %get3A_1804 : vector<1x1x16xf32> to vector<16xf32>
      %swap3A_1806 = arith.constant 1 : i32
      %swap3A_1807 = arith.constant 6 : i32
      %swap3A_1808 = arith.index_cast %rem3A_1545 : i32 to index
      %swap3A_1809 = arith.index_cast %swap3A_1806 : i32 to index
      %swap3A_1810 = arith.index_cast %swap3A_1807 : i32 to index
      %swap3A_1811 = arith.constant 0 : index
      %swap3A_1812 = tpu.vector_load %arg7[%swap3A_1808, %swap3A_1809, %swap3A_1810, %swap3A_1811] {strides = array<i32>} : memref<8x8x8x16xf32, #tpu.memory_space<vmem>>, vector<1x1x1x16xf32>,
      %swap3A_1813 = vector.shape_cast %swap3A_1812 : vector<1x1x1x16xf32> to vector<16xf32>
      %swap3A_1814 = vector.shape_cast %get3A_1805 : vector<16xf32> to vector<1x1x1x16xf32>
      tpu.vector_store %arg7[%swap3A_1808, %swap3A_1809, %swap3A_1810, %swap3A_1811], %swap3A_1814 {strides = array<i32>} : memref<8x8x8x16xf32, #tpu.memory_space<vmem>>, vector<1x1x1x16xf32>,
      %get3A_1815 = arith.constant 1 : i32
      %get3A_1816 = arith.index_cast %rem3A_1545 : i32 to index
      %get3A_1817 = arith.index_cast %get3A_1815 : i32 to index
      %get3A_1818 = arith.constant 112 : index
      %get3A_1819 = tpu.vector_load %arg6[%get3A_1816, %get3A_1817, %get3A_1818] {strides = array<i32>} : memref<8x8x128xf32, #tpu.memory_space<vmem>>, vector<1x1x16xf32>,
      %get3A_1820 = vector.shape_cast %get3A_1819 : vector<1x1x16xf32> to vector<16xf32>
      %swap3A_1821 = arith.constant 1 : i32
      %swap3A_1822 = arith.constant 7 : i32
      %swap3A_1823 = arith.index_cast %rem3A_1545 : i32 to index
      %swap3A_1824 = arith.index_cast %swap3A_1821 : i32 to index
      %swap3A_1825 = arith.index_cast %swap3A_1822 : i32 to index
      %swap3A_1826 = arith.constant 0 : index
      %swap3A_1827 = tpu.vector_load %arg7[%swap3A_1823, %swap3A_1824, %swap3A_1825, %swap3A_1826] {strides = array<i32>} : memref<8x8x8x16xf32, #tpu.memory_space<vmem>>, vector<1x1x1x16xf32>,
      %swap3A_1828 = vector.shape_cast %swap3A_1827 : vector<1x1x1x16xf32> to vector<16xf32>
      %swap3A_1829 = vector.shape_cast %get3A_1820 : vector<16xf32> to vector<1x1x1x16xf32>
      tpu.vector_store %arg7[%swap3A_1823, %swap3A_1824, %swap3A_1825, %swap3A_1826], %swap3A_1829 {strides = array<i32>} : memref<8x8x8x16xf32, #tpu.memory_space<vmem>>, vector<1x1x1x16xf32>,
      %get3A_1830 = arith.constant 2 : i32
      %get3A_1831 = arith.index_cast %rem3A_1545 : i32 to index
      %get3A_1832 = arith.index_cast %get3A_1830 : i32 to index
      %get3A_1833 = arith.constant 0 : index
      %get3A_1834 = tpu.vector_load %arg6[%get3A_1831, %get3A_1832, %get3A_1833] {strides = array<i32>} : memref<8x8x128xf32, #tpu.memory_space<vmem>>, vector<1x1x16xf32>,
      %get3A_1835 = vector.shape_cast %get3A_1834 : vector<1x1x16xf32> to vector<16xf32>
      %swap3A_1836 = arith.constant 2 : i32
      %swap3A_1837 = arith.constant 0 : i32
      %swap3A_1838 = arith.index_cast %rem3A_1545 : i32 to index
      %swap3A_1839 = arith.index_cast %swap3A_1836 : i32 to index
      %swap3A_1840 = arith.index_cast %swap3A_1837 : i32 to index
      %swap3A_1841 = arith.constant 0 : index
      %swap3A_1842 = tpu.vector_load %arg7[%swap3A_1838, %swap3A_1839, %swap3A_1840, %swap3A_1841] {strides = array<i32>} : memref<8x8x8x16xf32, #tpu.memory_space<vmem>>, vector<1x1x1x16xf32>,
      %swap3A_1843 = vector.shape_cast %swap3A_1842 : vector<1x1x1x16xf32> to vector<16xf32>
      %swap3A_1844 = vector.shape_cast %get3A_1835 : vector<16xf32> to vector<1x1x1x16xf32>
      tpu.vector_store %arg7[%swap3A_1838, %swap3A_1839, %swap3A_1840, %swap3A_1841], %swap3A_1844 {strides = array<i32>} : memref<8x8x8x16xf32, #tpu.memory_space<vmem>>, vector<1x1x1x16xf32>,
      %get3A_1845 = arith.constant 2 : i32
      %get3A_1846 = arith.index_cast %rem3A_1545 : i32 to index
      %get3A_1847 = arith.index_cast %get3A_1845 : i32 to index
      %get3A_1848 = arith.constant 16 : index
      %get3A_1849 = tpu.vector_load %arg6[%get3A_1846, %get3A_1847, %get3A_1848] {strides = array<i32>} : memref<8x8x128xf32, #tpu.memory_space<vmem>>, vector<1x1x16xf32>,
      %get3A_1850 = vector.shape_cast %get3A_1849 : vector<1x1x16xf32> to vector<16xf32>
      %swap3A_1851 = arith.constant 2 : i32
      %swap3A_1852 = arith.constant 1 : i32
      %swap3A_1853 = arith.index_cast %rem3A_1545 : i32 to index
      %swap3A_1854 = arith.index_cast %swap3A_1851 : i32 to index
      %swap3A_1855 = arith.index_cast %swap3A_1852 : i32 to index
      %swap3A_1856 = arith.constant 0 : index
      %swap3A_1857 = tpu.vector_load %arg7[%swap3A_1853, %swap3A_1854, %swap3A_1855, %swap3A_1856] {strides = array<i32>} : memref<8x8x8x16xf32, #tpu.memory_space<vmem>>, vector<1x1x1x16xf32>,
      %swap3A_1858 = vector.shape_cast %swap3A_1857 : vector<1x1x1x16xf32> to vector<16xf32>
      %swap3A_1859 = vector.shape_cast %get3A_1850 : vector<16xf32> to vector<1x1x1x16xf32>
      tpu.vector_store %arg7[%swap3A_1853, %swap3A_1854, %swap3A_1855, %swap3A_1856], %swap3A_1859 {strides = array<i32>} : memref<8x8x8x16xf32, #tpu.memory_space<vmem>>, vector<1x1x1x16xf32>,
      %get3A_1860 = arith.constant 2 : i32
      %get3A_1861 = arith.index_cast %rem3A_1545 : i32 to index
      %get3A_1862 = arith.index_cast %get3A_1860 : i32 to index
      %get3A_1863 = arith.constant 32 : index
      %get3A_1864 = tpu.vector_load %arg6[%get3A_1861, %get3A_1862, %get3A_1863] {strides = array<i32>} : memref<8x8x128xf32, #tpu.memory_space<vmem>>, vector<1x1x16xf32>,
      %get3A_1865 = vector.shape_cast %get3A_1864 : vector<1x1x16xf32> to vector<16xf32>
      %swap3A_1866 = arith.constant 2 : i32
      %swap3A_1867 = arith.constant 2 : i32
      %swap3A_1868 = arith.index_cast %rem3A_1545 : i32 to index
      %swap3A_1869 = arith.index_cast %swap3A_1866 : i32 to index
      %swap3A_1870 = arith.index_cast %swap3A_1867 : i32 to index
      %swap3A_1871 = arith.constant 0 : index
      %swap3A_1872 = tpu.vector_load %arg7[%swap3A_1868, %swap3A_1869, %swap3A_1870, %swap3A_1871] {strides = array<i32>} : memref<8x8x8x16xf32, #tpu.memory_space<vmem>>, vector<1x1x1x16xf32>,
      %swap3A_1873 = vector.shape_cast %swap3A_1872 : vector<1x1x1x16xf32> to vector<16xf32>
      %swap3A_1874 = vector.shape_cast %get3A_1865 : vector<16xf32> to vector<1x1x1x16xf32>
      tpu.vector_store %arg7[%swap3A_1868, %swap3A_1869, %swap3A_1870, %swap3A_1871], %swap3A_1874 {strides = array<i32>} : memref<8x8x8x16xf32, #tpu.memory_space<vmem>>, vector<1x1x1x16xf32>,
      %get3A_1875 = arith.constant 2 : i32
      %get3A_1876 = arith.index_cast %rem3A_1545 : i32 to index
      %get3A_1877 = arith.index_cast %get3A_1875 : i32 to index
      %get3A_1878 = arith.constant 48 : index
      %get3A_1879 = tpu.vector_load %arg6[%get3A_1876, %get3A_1877, %get3A_1878] {strides = array<i32>} : memref<8x8x128xf32, #tpu.memory_space<vmem>>, vector<1x1x16xf32>,
      %get3A_1880 = vector.shape_cast %get3A_1879 : vector<1x1x16xf32> to vector<16xf32>
      %swap3A_1881 = arith.constant 2 : i32
      %swap3A_1882 = arith.constant 3 : i32
      %swap3A_1883 = arith.index_cast %rem3A_1545 : i32 to index
      %swap3A_1884 = arith.index_cast %swap3A_1881 : i32 to index
      %swap3A_1885 = arith.index_cast %swap3A_1882 : i32 to index
      %swap3A_1886 = arith.constant 0 : index
      %swap3A_1887 = tpu.vector_load %arg7[%swap3A_1883, %swap3A_1884, %swap3A_1885, %swap3A_1886] {strides = array<i32>} : memref<8x8x8x16xf32, #tpu.memory_space<vmem>>, vector<1x1x1x16xf32>,
      %swap3A_1888 = vector.shape_cast %swap3A_1887 : vector<1x1x1x16xf32> to vector<16xf32>
      %swap3A_1889 = vector.shape_cast %get3A_1880 : vector<16xf32> to vector<1x1x1x16xf32>
      tpu.vector_store %arg7[%swap3A_1883, %swap3A_1884, %swap3A_1885, %swap3A_1886], %swap3A_1889 {strides = array<i32>} : memref<8x8x8x16xf32, #tpu.memory_space<vmem>>, vector<1x1x1x16xf32>,
      %get3A_1890 = arith.constant 2 : i32
      %get3A_1891 = arith.index_cast %rem3A_1545 : i32 to index
      %get3A_1892 = arith.index_cast %get3A_1890 : i32 to index
      %get3A_1893 = arith.constant 64 : index
      %get3A_1894 = tpu.vector_load %arg6[%get3A_1891, %get3A_1892, %get3A_1893] {strides = array<i32>} : memref<8x8x128xf32, #tpu.memory_space<vmem>>, vector<1x1x16xf32>,
      %get3A_1895 = vector.shape_cast %get3A_1894 : vector<1x1x16xf32> to vector<16xf32>
      %swap3A_1896 = arith.constant 2 : i32
      %swap3A_1897 = arith.constant 4 : i32
      %swap3A_1898 = arith.index_cast %rem3A_1545 : i32 to index
      %swap3A_1899 = arith.index_cast %swap3A_1896 : i32 to index
      %swap3A_1900 = arith.index_cast %swap3A_1897 : i32 to index
      %swap3A_1901 = arith.constant 0 : index
      %swap3A_1902 = tpu.vector_load %arg7[%swap3A_1898, %swap3A_1899, %swap3A_1900, %swap3A_1901] {strides = array<i32>} : memref<8x8x8x16xf32, #tpu.memory_space<vmem>>, vector<1x1x1x16xf32>,
      %swap3A_1903 = vector.shape_cast %swap3A_1902 : vector<1x1x1x16xf32> to vector<16xf32>
      %swap3A_1904 = vector.shape_cast %get3A_1895 : vector<16xf32> to vector<1x1x1x16xf32>
      tpu.vector_store %arg7[%swap3A_1898, %swap3A_1899, %swap3A_1900, %swap3A_1901], %swap3A_1904 {strides = array<i32>} : memref<8x8x8x16xf32, #tpu.memory_space<vmem>>, vector<1x1x1x16xf32>,
      %get3A_1905 = arith.constant 2 : i32
      %get3A_1906 = arith.index_cast %rem3A_1545 : i32 to index
      %get3A_1907 = arith.index_cast %get3A_1905 : i32 to index
      %get3A_1908 = arith.constant 80 : index
      %get3A_1909 = tpu.vector_load %arg6[%get3A_1906, %get3A_1907, %get3A_1908] {strides = array<i32>} : memref<8x8x128xf32, #tpu.memory_space<vmem>>, vector<1x1x16xf32>,
      %get3A_1910 = vector.shape_cast %get3A_1909 : vector<1x1x16xf32> to vector<16xf32>
      %swap3A_1911 = arith.constant 2 : i32
      %swap3A_1912 = arith.constant 5 : i32
      %swap3A_1913 = arith.index_cast %rem3A_1545 : i32 to index
      %swap3A_1914 = arith.index_cast %swap3A_1911 : i32 to index
      %swap3A_1915 = arith.index_cast %swap3A_1912 : i32 to index
      %swap3A_1916 = arith.constant 0 : index
      %swap3A_1917 = tpu.vector_load %arg7[%swap3A_1913, %swap3A_1914, %swap3A_1915, %swap3A_1916] {strides = array<i32>} : memref<8x8x8x16xf32, #tpu.memory_space<vmem>>, vector<1x1x1x16xf32>,
      %swap3A_1918 = vector.shape_cast %swap3A_1917 : vector<1x1x1x16xf32> to vector<16xf32>
      %swap3A_1919 = vector.shape_cast %get3A_1910 : vector<16xf32> to vector<1x1x1x16xf32>
      tpu.vector_store %arg7[%swap3A_1913, %swap3A_1914, %swap3A_1915, %swap3A_1916], %swap3A_1919 {strides = array<i32>} : memref<8x8x8x16xf32, #tpu.memory_space<vmem>>, vector<1x1x1x16xf32>,
      %get3A_1920 = arith.constant 2 : i32
      %get3A_1921 = arith.index_cast %rem3A_1545 : i32 to index
      %get3A_1922 = arith.index_cast %get3A_1920 : i32 to index
      %get3A_1923 = arith.constant 96 : index
      %get3A_1924 = tpu.vector_load %arg6[%get3A_1921, %get3A_1922, %get3A_1923] {strides = array<i32>} : memref<8x8x128xf32, #tpu.memory_space<vmem>>, vector<1x1x16xf32>,
      %get3A_1925 = vector.shape_cast %get3A_1924 : vector<1x1x16xf32> to vector<16xf32>
      %swap3A_1926 = arith.constant 2 : i32
      %swap3A_1927 = arith.constant 6 : i32
      %swap3A_1928 = arith.index_cast %rem3A_1545 : i32 to index
      %swap3A_1929 = arith.index_cast %swap3A_1926 : i32 to index
      %swap3A_1930 = arith.index_cast %swap3A_1927 : i32 to index
      %swap3A_1931 = arith.constant 0 : index
      %swap3A_1932 = tpu.vector_load %arg7[%swap3A_1928, %swap3A_1929, %swap3A_1930, %swap3A_1931] {strides = array<i32>} : memref<8x8x8x16xf32, #tpu.memory_space<vmem>>, vector<1x1x1x16xf32>,
      %swap3A_1933 = vector.shape_cast %swap3A_1932 : vector<1x1x1x16xf32> to vector<16xf32>
      %swap3A_1934 = vector.shape_cast %get3A_1925 : vector<16xf32> to vector<1x1x1x16xf32>
      tpu.vector_store %arg7[%swap3A_1928, %swap3A_1929, %swap3A_1930, %swap3A_1931], %swap3A_1934 {strides = array<i32>} : memref<8x8x8x16xf32, #tpu.memory_space<vmem>>, vector<1x1x1x16xf32>,
      %get3A_1935 = arith.constant 2 : i32
      %get3A_1936 = arith.index_cast %rem3A_1545 : i32 to index
      %get3A_1937 = arith.index_cast %get3A_1935 : i32 to index
      %get3A_1938 = arith.constant 112 : index
      %get3A_1939 = tpu.vector_load %arg6[%get3A_1936, %get3A_1937, %get3A_1938] {strides = array<i32>} : memref<8x8x128xf32, #tpu.memory_space<vmem>>, vector<1x1x16xf32>,
      %get3A_1940 = vector.shape_cast %get3A_1939 : vector<1x1x16xf32> to vector<16xf32>
      %swap3A_1941 = arith.constant 2 : i32
      %swap3A_1942 = arith.constant 7 : i32
      %swap3A_1943 = arith.index_cast %rem3A_1545 : i32 to index
      %swap3A_1944 = arith.index_cast %swap3A_1941 : i32 to index
      %swap3A_1945 = arith.index_cast %swap3A_1942 : i32 to index
      %swap3A_1946 = arith.constant 0 : index
      %swap3A_1947 = tpu.vector_load %arg7[%swap3A_1943, %swap3A_1944, %swap3A_1945, %swap3A_1946] {strides = array<i32>} : memref<8x8x8x16xf32, #tpu.memory_space<vmem>>, vector<1x1x1x16xf32>,
      %swap3A_1948 = vector.shape_cast %swap3A_1947 : vector<1x1x1x16xf32> to vector<16xf32>
      %swap3A_1949 = vector.shape_cast %get3A_1940 : vector<16xf32> to vector<1x1x1x16xf32>
      tpu.vector_store %arg7[%swap3A_1943, %swap3A_1944, %swap3A_1945, %swap3A_1946], %swap3A_1949 {strides = array<i32>} : memref<8x8x8x16xf32, #tpu.memory_space<vmem>>, vector<1x1x1x16xf32>,
      %get3A_1950 = arith.constant 3 : i32
      %get3A_1951 = arith.index_cast %rem3A_1545 : i32 to index
      %get3A_1952 = arith.index_cast %get3A_1950 : i32 to index
      %get3A_1953 = arith.constant 0 : index
      %get3A_1954 = tpu.vector_load %arg6[%get3A_1951, %get3A_1952, %get3A_1953] {strides = array<i32>} : memref<8x8x128xf32, #tpu.memory_space<vmem>>, vector<1x1x16xf32>,
      %get3A_1955 = vector.shape_cast %get3A_1954 : vector<1x1x16xf32> to vector<16xf32>
      %swap3A_1956 = arith.constant 3 : i32
      %swap3A_1957 = arith.constant 0 : i32
      %swap3A_1958 = arith.index_cast %rem3A_1545 : i32 to index
      %swap3A_1959 = arith.index_cast %swap3A_1956 : i32 to index
      %swap3A_1960 = arith.index_cast %swap3A_1957 : i32 to index
      %swap3A_1961 = arith.constant 0 : index
      %swap3A_1962 = tpu.vector_load %arg7[%swap3A_1958, %swap3A_1959, %swap3A_1960, %swap3A_1961] {strides = array<i32>} : memref<8x8x8x16xf32, #tpu.memory_space<vmem>>, vector<1x1x1x16xf32>,
      %swap3A_1963 = vector.shape_cast %swap3A_1962 : vector<1x1x1x16xf32> to vector<16xf32>
      %swap3A_1964 = vector.shape_cast %get3A_1955 : vector<16xf32> to vector<1x1x1x16xf32>
      tpu.vector_store %arg7[%swap3A_1958, %swap3A_1959, %swap3A_1960, %swap3A_1961], %swap3A_1964 {strides = array<i32>} : memref<8x8x8x16xf32, #tpu.memory_space<vmem>>, vector<1x1x1x16xf32>,
      %get3A_1965 = arith.constant 3 : i32
      %get3A_1966 = arith.index_cast %rem3A_1545 : i32 to index
      %get3A_1967 = arith.index_cast %get3A_1965 : i32 to index
      %get3A_1968 = arith.constant 16 : index
      %get3A_1969 = tpu.vector_load %arg6[%get3A_1966, %get3A_1967, %get3A_1968] {strides = array<i32>} : memref<8x8x128xf32, #tpu.memory_space<vmem>>, vector<1x1x16xf32>,
      %get3A_1970 = vector.shape_cast %get3A_1969 : vector<1x1x16xf32> to vector<16xf32>
      %swap3A_1971 = arith.constant 3 : i32
      %swap3A_1972 = arith.constant 1 : i32
      %swap3A_1973 = arith.index_cast %rem3A_1545 : i32 to index
      %swap3A_1974 = arith.index_cast %swap3A_1971 : i32 to index
      %swap3A_1975 = arith.index_cast %swap3A_1972 : i32 to index
      %swap3A_1976 = arith.constant 0 : index
      %swap3A_1977 = tpu.vector_load %arg7[%swap3A_1973, %swap3A_1974, %swap3A_1975, %swap3A_1976] {strides = array<i32>} : memref<8x8x8x16xf32, #tpu.memory_space<vmem>>, vector<1x1x1x16xf32>,
      %swap3A_1978 = vector.shape_cast %swap3A_1977 : vector<1x1x1x16xf32> to vector<16xf32>
      %swap3A_1979 = vector.shape_cast %get3A_1970 : vector<16xf32> to vector<1x1x1x16xf32>
      tpu.vector_store %arg7[%swap3A_1973, %swap3A_1974, %swap3A_1975, %swap3A_1976], %swap3A_1979 {strides = array<i32>} : memref<8x8x8x16xf32, #tpu.memory_space<vmem>>, vector<1x1x1x16xf32>,
      %get3A_1980 = arith.constant 3 : i32
      %get3A_1981 = arith.index_cast %rem3A_1545 : i32 to index
      %get3A_1982 = arith.index_cast %get3A_1980 : i32 to index
      %get3A_1983 = arith.constant 32 : index
      %get3A_1984 = tpu.vector_load %arg6[%get3A_1981, %get3A_1982, %get3A_1983] {strides = array<i32>} : memref<8x8x128xf32, #tpu.memory_space<vmem>>, vector<1x1x16xf32>,
      %get3A_1985 = vector.shape_cast %get3A_1984 : vector<1x1x16xf32> to vector<16xf32>
      %swap3A_1986 = arith.constant 3 : i32
      %swap3A_1987 = arith.constant 2 : i32
      %swap3A_1988 = arith.index_cast %rem3A_1545 : i32 to index
      %swap3A_1989 = arith.index_cast %swap3A_1986 : i32 to index
      %swap3A_1990 = arith.index_cast %swap3A_1987 : i32 to index
      %swap3A_1991 = arith.constant 0 : index
      %swap3A_1992 = tpu.vector_load %arg7[%swap3A_1988, %swap3A_1989, %swap3A_1990, %swap3A_1991] {strides = array<i32>} : memref<8x8x8x16xf32, #tpu.memory_space<vmem>>, vector<1x1x1x16xf32>,
      %swap3A_1993 = vector.shape_cast %swap3A_1992 : vector<1x1x1x16xf32> to vector<16xf32>
      %swap3A_1994 = vector.shape_cast %get3A_1985 : vector<16xf32> to vector<1x1x1x16xf32>
      tpu.vector_store %arg7[%swap3A_1988, %swap3A_1989, %swap3A_1990, %swap3A_1991], %swap3A_1994 {strides = array<i32>} : memref<8x8x8x16xf32, #tpu.memory_space<vmem>>, vector<1x1x1x16xf32>,
      %get3A_1995 = arith.constant 3 : i32
      %get3A_1996 = arith.index_cast %rem3A_1545 : i32 to index
      %get3A_1997 = arith.index_cast %get3A_1995 : i32 to index
      %get3A_1998 = arith.constant 48 : index
      %get3A_1999 = tpu.vector_load %arg6[%get3A_1996, %get3A_1997, %get3A_1998] {strides = array<i32>} : memref<8x8x128xf32, #tpu.memory_space<vmem>>, vector<1x1x16xf32>,
      %get3A_2000 = vector.shape_cast %get3A_1999 : vector<1x1x16xf32> to vector<16xf32>
      %swap3A_2001 = arith.constant 3 : i32
      %swap3A_2002 = arith.constant 3 : i32
      %swap3A_2003 = arith.index_cast %rem3A_1545 : i32 to index
      %swap3A_2004 = arith.index_cast %swap3A_2001 : i32 to index
      %swap3A_2005 = arith.index_cast %swap3A_2002 : i32 to index
      %swap3A_2006 = arith.constant 0 : index
      %swap3A_2007 = tpu.vector_load %arg7[%swap3A_2003, %swap3A_2004, %swap3A_2005, %swap3A_2006] {strides = array<i32>} : memref<8x8x8x16xf32, #tpu.memory_space<vmem>>, vector<1x1x1x16xf32>,
      %swap3A_2008 = vector.shape_cast %swap3A_2007 : vector<1x1x1x16xf32> to vector<16xf32>
      %swap3A_2009 = vector.shape_cast %get3A_2000 : vector<16xf32> to vector<1x1x1x16xf32>
      tpu.vector_store %arg7[%swap3A_2003, %swap3A_2004, %swap3A_2005, %swap3A_2006], %swap3A_2009 {strides = array<i32>} : memref<8x8x8x16xf32, #tpu.memory_space<vmem>>, vector<1x1x1x16xf32>,
      %get3A_2010 = arith.constant 3 : i32
      %get3A_2011 = arith.index_cast %rem3A_1545 : i32 to index
      %get3A_2012 = arith.index_cast %get3A_2010 : i32 to index
      %get3A_2013 = arith.constant 64 : index
      %get3A_2014 = tpu.vector_load %arg6[%get3A_2011, %get3A_2012, %get3A_2013] {strides = array<i32>} : memref<8x8x128xf32, #tpu.memory_space<vmem>>, vector<1x1x16xf32>,
      %get3A_2015 = vector.shape_cast %get3A_2014 : vector<1x1x16xf32> to vector<16xf32>
      %swap3A_2016 = arith.constant 3 : i32
      %swap3A_2017 = arith.constant 4 : i32
      %swap3A_2018 = arith.index_cast %rem3A_1545 : i32 to index
      %swap3A_2019 = arith.index_cast %swap3A_2016 : i32 to index
      %swap3A_2020 = arith.index_cast %swap3A_2017 : i32 to index
      %swap3A_2021 = arith.constant 0 : index
      %swap3A_2022 = tpu.vector_load %arg7[%swap3A_2018, %swap3A_2019, %swap3A_2020, %swap3A_2021] {strides = array<i32>} : memref<8x8x8x16xf32, #tpu.memory_space<vmem>>, vector<1x1x1x16xf32>,
      %swap3A_2023 = vector.shape_cast %swap3A_2022 : vector<1x1x1x16xf32> to vector<16xf32>
      %swap3A_2024 = vector.shape_cast %get3A_2015 : vector<16xf32> to vector<1x1x1x16xf32>
      tpu.vector_store %arg7[%swap3A_2018, %swap3A_2019, %swap3A_2020, %swap3A_2021], %swap3A_2024 {strides = array<i32>} : memref<8x8x8x16xf32, #tpu.memory_space<vmem>>, vector<1x1x1x16xf32>,
      %get3A_2025 = arith.constant 3 : i32
      %get3A_2026 = arith.index_cast %rem3A_1545 : i32 to index
      %get3A_2027 = arith.index_cast %get3A_2025 : i32 to index
      %get3A_2028 = arith.constant 80 : index
      %get3A_2029 = tpu.vector_load %arg6[%get3A_2026, %get3A_2027, %get3A_2028] {strides = array<i32>} : memref<8x8x128xf32, #tpu.memory_space<vmem>>, vector<1x1x16xf32>,
      %get3A_2030 = vector.shape_cast %get3A_2029 : vector<1x1x16xf32> to vector<16xf32>
      %swap3A_2031 = arith.constant 3 : i32
      %swap3A_2032 = arith.constant 5 : i32
      %swap3A_2033 = arith.index_cast %rem3A_1545 : i32 to index
      %swap3A_2034 = arith.index_cast %swap3A_2031 : i32 to index
      %swap3A_2035 = arith.index_cast %swap3A_2032 : i32 to index
      %swap3A_2036 = arith.constant 0 : index
      %swap3A_2037 = tpu.vector_load %arg7[%swap3A_2033, %swap3A_2034, %swap3A_2035, %swap3A_2036] {strides = array<i32>} : memref<8x8x8x16xf32, #tpu.memory_space<vmem>>, vector<1x1x1x16xf32>,
      %swap3A_2038 = vector.shape_cast %swap3A_2037 : vector<1x1x1x16xf32> to vector<16xf32>
      %swap3A_2039 = vector.shape_cast %get3A_2030 : vector<16xf32> to vector<1x1x1x16xf32>
      tpu.vector_store %arg7[%swap3A_2033, %swap3A_2034, %swap3A_2035, %swap3A_2036], %swap3A_2039 {strides = array<i32>} : memref<8x8x8x16xf32, #tpu.memory_space<vmem>>, vector<1x1x1x16xf32>,
      %get3A_2040 = arith.constant 3 : i32
      %get3A_2041 = arith.index_cast %rem3A_1545 : i32 to index
      %get3A_2042 = arith.index_cast %get3A_2040 : i32 to index
      %get3A_2043 = arith.constant 96 : index
      %get3A_2044 = tpu.vector_load %arg6[%get3A_2041, %get3A_2042, %get3A_2043] {strides = array<i32>} : memref<8x8x128xf32, #tpu.memory_space<vmem>>, vector<1x1x16xf32>,
      %get3A_2045 = vector.shape_cast %get3A_2044 : vector<1x1x16xf32> to vector<16xf32>
      %swap3A_2046 = arith.constant 3 : i32
      %swap3A_2047 = arith.constant 6 : i32
      %swap3A_2048 = arith.index_cast %rem3A_1545 : i32 to index
      %swap3A_2049 = arith.index_cast %swap3A_2046 : i32 to index
      %swap3A_2050 = arith.index_cast %swap3A_2047 : i32 to index
      %swap3A_2051 = arith.constant 0 : index
      %swap3A_2052 = tpu.vector_load %arg7[%swap3A_2048, %swap3A_2049, %swap3A_2050, %swap3A_2051] {strides = array<i32>} : memref<8x8x8x16xf32, #tpu.memory_space<vmem>>, vector<1x1x1x16xf32>,
      %swap3A_2053 = vector.shape_cast %swap3A_2052 : vector<1x1x1x16xf32> to vector<16xf32>
      %swap3A_2054 = vector.shape_cast %get3A_2045 : vector<16xf32> to vector<1x1x1x16xf32>
      tpu.vector_store %arg7[%swap3A_2048, %swap3A_2049, %swap3A_2050, %swap3A_2051], %swap3A_2054 {strides = array<i32>} : memref<8x8x8x16xf32, #tpu.memory_space<vmem>>, vector<1x1x1x16xf32>,
      %get3A_2055 = arith.constant 3 : i32
      %get3A_2056 = arith.index_cast %rem3A_1545 : i32 to index
      %get3A_2057 = arith.index_cast %get3A_2055 : i32 to index
      %get3A_2058 = arith.constant 112 : index
      %get3A_2059 = tpu.vector_load %arg6[%get3A_2056, %get3A_2057, %get3A_2058] {strides = array<i32>} : memref<8x8x128xf32, #tpu.memory_space<vmem>>, vector<1x1x16xf32>,
      %get3A_2060 = vector.shape_cast %get3A_2059 : vector<1x1x16xf32> to vector<16xf32>
      %swap3A_2061 = arith.constant 3 : i32
      %swap3A_2062 = arith.constant 7 : i32
      %swap3A_2063 = arith.index_cast %rem3A_1545 : i32 to index
      %swap3A_2064 = arith.index_cast %swap3A_2061 : i32 to index
      %swap3A_2065 = arith.index_cast %swap3A_2062 : i32 to index
      %swap3A_2066 = arith.constant 0 : index
      %swap3A_2067 = tpu.vector_load %arg7[%swap3A_2063, %swap3A_2064, %swap3A_2065, %swap3A_2066] {strides = array<i32>} : memref<8x8x8x16xf32, #tpu.memory_space<vmem>>, vector<1x1x1x16xf32>,
      %swap3A_2068 = vector.shape_cast %swap3A_2067 : vector<1x1x1x16xf32> to vector<16xf32>
      %swap3A_2069 = vector.shape_cast %get3A_2060 : vector<16xf32> to vector<1x1x1x16xf32>
      tpu.vector_store %arg7[%swap3A_2063, %swap3A_2064, %swap3A_2065, %swap3A_2066], %swap3A_2069 {strides = array<i32>} : memref<8x8x8x16xf32, #tpu.memory_space<vmem>>, vector<1x1x1x16xf32>,
      %get3A_2070 = arith.constant 4 : i32
      %get3A_2071 = arith.index_cast %rem3A_1545 : i32 to index
      %get3A_2072 = arith.index_cast %get3A_2070 : i32 to index
      %get3A_2073 = arith.constant 0 : index
      %get3A_2074 = tpu.vector_load %arg6[%get3A_2071, %get3A_2072, %get3A_2073] {strides = array<i32>} : memref<8x8x128xf32, #tpu.memory_space<vmem>>, vector<1x1x16xf32>,
      %get3A_2075 = vector.shape_cast %get3A_2074 : vector<1x1x16xf32> to vector<16xf32>
      %swap3A_2076 = arith.constant 4 : i32
      %swap3A_2077 = arith.constant 0 : i32
      %swap3A_2078 = arith.index_cast %rem3A_1545 : i32 to index
      %swap3A_2079 = arith.index_cast %swap3A_2076 : i32 to index
      %swap3A_2080 = arith.index_cast %swap3A_2077 : i32 to index
      %swap3A_2081 = arith.constant 0 : index
      %swap3A_2082 = tpu.vector_load %arg7[%swap3A_2078, %swap3A_2079, %swap3A_2080, %swap3A_2081] {strides = array<i32>} : memref<8x8x8x16xf32, #tpu.memory_space<vmem>>, vector<1x1x1x16xf32>,
      %swap3A_2083 = vector.shape_cast %swap3A_2082 : vector<1x1x1x16xf32> to vector<16xf32>
      %swap3A_2084 = vector.shape_cast %get3A_2075 : vector<16xf32> to vector<1x1x1x16xf32>
      tpu.vector_store %arg7[%swap3A_2078, %swap3A_2079, %swap3A_2080, %swap3A_2081], %swap3A_2084 {strides = array<i32>} : memref<8x8x8x16xf32, #tpu.memory_space<vmem>>, vector<1x1x1x16xf32>,
      %get3A_2085 = arith.constant 4 : i32
      %get3A_2086 = arith.index_cast %rem3A_1545 : i32 to index
      %get3A_2087 = arith.index_cast %get3A_2085 : i32 to index
      %get3A_2088 = arith.constant 16 : index
      %get3A_2089 = tpu.vector_load %arg6[%get3A_2086, %get3A_2087, %get3A_2088] {strides = array<i32>} : memref<8x8x128xf32, #tpu.memory_space<vmem>>, vector<1x1x16xf32>,
      %get3A_2090 = vector.shape_cast %get3A_2089 : vector<1x1x16xf32> to vector<16xf32>
      %swap3A_2091 = arith.constant 4 : i32
      %swap3A_2092 = arith.constant 1 : i32
      %swap3A_2093 = arith.index_cast %rem3A_1545 : i32 to index
      %swap3A_2094 = arith.index_cast %swap3A_2091 : i32 to index
      %swap3A_2095 = arith.index_cast %swap3A_2092 : i32 to index
      %swap3A_2096 = arith.constant 0 : index
      %swap3A_2097 = tpu.vector_load %arg7[%swap3A_2093, %swap3A_2094, %swap3A_2095, %swap3A_2096] {strides = array<i32>} : memref<8x8x8x16xf32, #tpu.memory_space<vmem>>, vector<1x1x1x16xf32>,
      %swap3A_2098 = vector.shape_cast %swap3A_2097 : vector<1x1x1x16xf32> to vector<16xf32>
      %swap3A_2099 = vector.shape_cast %get3A_2090 : vector<16xf32> to vector<1x1x1x16xf32>
      tpu.vector_store %arg7[%swap3A_2093, %swap3A_2094, %swap3A_2095, %swap3A_2096], %swap3A_2099 {strides = array<i32>} : memref<8x8x8x16xf32, #tpu.memory_space<vmem>>, vector<1x1x1x16xf32>,
      %get3A_2100 = arith.constant 4 : i32
      %get3A_2101 = arith.index_cast %rem3A_1545 : i32 to index
      %get3A_2102 = arith.index_cast %get3A_2100 : i32 to index
      %get3A_2103 = arith.constant 32 : index
      %get3A_2104 = tpu.vector_load %arg6[%get3A_2101, %get3A_2102, %get3A_2103] {strides = array<i32>} : memref<8x8x128xf32, #tpu.memory_space<vmem>>, vector<1x1x16xf32>,
      %get3A_2105 = vector.shape_cast %get3A_2104 : vector<1x1x16xf32> to vector<16xf32>
      %swap3A_2106 = arith.constant 4 : i32
      %swap3A_2107 = arith.constant 2 : i32
      %swap3A_2108 = arith.index_cast %rem3A_1545 : i32 to index
      %swap3A_2109 = arith.index_cast %swap3A_2106 : i32 to index
      %swap3A_2110 = arith.index_cast %swap3A_2107 : i32 to index
      %swap3A_2111 = arith.constant 0 : index
      %swap3A_2112 = tpu.vector_load %arg7[%swap3A_2108, %swap3A_2109, %swap3A_2110, %swap3A_2111] {strides = array<i32>} : memref<8x8x8x16xf32, #tpu.memory_space<vmem>>, vector<1x1x1x16xf32>,
      %swap3A_2113 = vector.shape_cast %swap3A_2112 : vector<1x1x1x16xf32> to vector<16xf32>
      %swap3A_2114 = vector.shape_cast %get3A_2105 : vector<16xf32> to vector<1x1x1x16xf32>
      tpu.vector_store %arg7[%swap3A_2108, %swap3A_2109, %swap3A_2110, %swap3A_2111], %swap3A_2114 {strides = array<i32>} : memref<8x8x8x16xf32, #tpu.memory_space<vmem>>, vector<1x1x1x16xf32>,
      %get3A_2115 = arith.constant 4 : i32
      %get3A_2116 = arith.index_cast %rem3A_1545 : i32 to index
      %get3A_2117 = arith.index_cast %get3A_2115 : i32 to index
      %get3A_2118 = arith.constant 48 : index
      %get3A_2119 = tpu.vector_load %arg6[%get3A_2116, %get3A_2117, %get3A_2118] {strides = array<i32>} : memref<8x8x128xf32, #tpu.memory_space<vmem>>, vector<1x1x16xf32>,
      %get3A_2120 = vector.shape_cast %get3A_2119 : vector<1x1x16xf32> to vector<16xf32>
      %swap3A_2121 = arith.constant 4 : i32
      %swap3A_2122 = arith.constant 3 : i32
      %swap3A_2123 = arith.index_cast %rem3A_1545 : i32 to index
      %swap3A_2124 = arith.index_cast %swap3A_2121 : i32 to index
      %swap3A_2125 = arith.index_cast %swap3A_2122 : i32 to index
      %swap3A_2126 = arith.constant 0 : index
      %swap3A_2127 = tpu.vector_load %arg7[%swap3A_2123, %swap3A_2124, %swap3A_2125, %swap3A_2126] {strides = array<i32>} : memref<8x8x8x16xf32, #tpu.memory_space<vmem>>, vector<1x1x1x16xf32>,
      %swap3A_2128 = vector.shape_cast %swap3A_2127 : vector<1x1x1x16xf32> to vector<16xf32>
      %swap3A_2129 = vector.shape_cast %get3A_2120 : vector<16xf32> to vector<1x1x1x16xf32>
      tpu.vector_store %arg7[%swap3A_2123, %swap3A_2124, %swap3A_2125, %swap3A_2126], %swap3A_2129 {strides = array<i32>} : memref<8x8x8x16xf32, #tpu.memory_space<vmem>>, vector<1x1x1x16xf32>,
      %get3A_2130 = arith.constant 4 : i32
      %get3A_2131 = arith.index_cast %rem3A_1545 : i32 to index
      %get3A_2132 = arith.index_cast %get3A_2130 : i32 to index
      %get3A_2133 = arith.constant 64 : index
      %get3A_2134 = tpu.vector_load %arg6[%get3A_2131, %get3A_2132, %get3A_2133] {strides = array<i32>} : memref<8x8x128xf32, #tpu.memory_space<vmem>>, vector<1x1x16xf32>,
      %get3A_2135 = vector.shape_cast %get3A_2134 : vector<1x1x16xf32> to vector<16xf32>
      %swap3A_2136 = arith.constant 4 : i32
      %swap3A_2137 = arith.constant 4 : i32
      %swap3A_2138 = arith.index_cast %rem3A_1545 : i32 to index
      %swap3A_2139 = arith.index_cast %swap3A_2136 : i32 to index
      %swap3A_2140 = arith.index_cast %swap3A_2137 : i32 to index
      %swap3A_2141 = arith.constant 0 : index
      %swap3A_2142 = tpu.vector_load %arg7[%swap3A_2138, %swap3A_2139, %swap3A_2140, %swap3A_2141] {strides = array<i32>} : memref<8x8x8x16xf32, #tpu.memory_space<vmem>>, vector<1x1x1x16xf32>,
      %swap3A_2143 = vector.shape_cast %swap3A_2142 : vector<1x1x1x16xf32> to vector<16xf32>
      %swap3A_2144 = vector.shape_cast %get3A_2135 : vector<16xf32> to vector<1x1x1x16xf32>
      tpu.vector_store %arg7[%swap3A_2138, %swap3A_2139, %swap3A_2140, %swap3A_2141], %swap3A_2144 {strides = array<i32>} : memref<8x8x8x16xf32, #tpu.memory_space<vmem>>, vector<1x1x1x16xf32>,
      %get3A_2145 = arith.constant 4 : i32
      %get3A_2146 = arith.index_cast %rem3A_1545 : i32 to index
      %get3A_2147 = arith.index_cast %get3A_2145 : i32 to index
      %get3A_2148 = arith.constant 80 : index
      %get3A_2149 = tpu.vector_load %arg6[%get3A_2146, %get3A_2147, %get3A_2148] {strides = array<i32>} : memref<8x8x128xf32, #tpu.memory_space<vmem>>, vector<1x1x16xf32>,
      %get3A_2150 = vector.shape_cast %get3A_2149 : vector<1x1x16xf32> to vector<16xf32>
      %swap3A_2151 = arith.constant 4 : i32
      %swap3A_2152 = arith.constant 5 : i32
      %swap3A_2153 = arith.index_cast %rem3A_1545 : i32 to index
      %swap3A_2154 = arith.index_cast %swap3A_2151 : i32 to index
      %swap3A_2155 = arith.index_cast %swap3A_2152 : i32 to index
      %swap3A_2156 = arith.constant 0 : index
      %swap3A_2157 = tpu.vector_load %arg7[%swap3A_2153, %swap3A_2154, %swap3A_2155, %swap3A_2156] {strides = array<i32>} : memref<8x8x8x16xf32, #tpu.memory_space<vmem>>, vector<1x1x1x16xf32>,
      %swap3A_2158 = vector.shape_cast %swap3A_2157 : vector<1x1x1x16xf32> to vector<16xf32>
      %swap3A_2159 = vector.shape_cast %get3A_2150 : vector<16xf32> to vector<1x1x1x16xf32>
      tpu.vector_store %arg7[%swap3A_2153, %swap3A_2154, %swap3A_2155, %swap3A_2156], %swap3A_2159 {strides = array<i32>} : memref<8x8x8x16xf32, #tpu.memory_space<vmem>>, vector<1x1x1x16xf32>,
      %get3A_2160 = arith.constant 4 : i32
      %get3A_2161 = arith.index_cast %rem3A_1545 : i32 to index
      %get3A_2162 = arith.index_cast %get3A_2160 : i32 to index
      %get3A_2163 = arith.constant 96 : index
      %get3A_2164 = tpu.vector_load %arg6[%get3A_2161, %get3A_2162, %get3A_2163] {strides = array<i32>} : memref<8x8x128xf32, #tpu.memory_space<vmem>>, vector<1x1x16xf32>,
      %get3A_2165 = vector.shape_cast %get3A_2164 : vector<1x1x16xf32> to vector<16xf32>
      %swap3A_2166 = arith.constant 4 : i32
      %swap3A_2167 = arith.constant 6 : i32
      %swap3A_2168 = arith.index_cast %rem3A_1545 : i32 to index
      %swap3A_2169 = arith.index_cast %swap3A_2166 : i32 to index
      %swap3A_2170 = arith.index_cast %swap3A_2167 : i32 to index
      %swap3A_2171 = arith.constant 0 : index
      %swap3A_2172 = tpu.vector_load %arg7[%swap3A_2168, %swap3A_2169, %swap3A_2170, %swap3A_2171] {strides = array<i32>} : memref<8x8x8x16xf32, #tpu.memory_space<vmem>>, vector<1x1x1x16xf32>,
      %swap3A_2173 = vector.shape_cast %swap3A_2172 : vector<1x1x1x16xf32> to vector<16xf32>
      %swap3A_2174 = vector.shape_cast %get3A_2165 : vector<16xf32> to vector<1x1x1x16xf32>
      tpu.vector_store %arg7[%swap3A_2168, %swap3A_2169, %swap3A_2170, %swap3A_2171], %swap3A_2174 {strides = array<i32>} : memref<8x8x8x16xf32, #tpu.memory_space<vmem>>, vector<1x1x1x16xf32>,
      %get3A_2175 = arith.constant 4 : i32
      %get3A_2176 = arith.index_cast %rem3A_1545 : i32 to index
      %get3A_2177 = arith.index_cast %get3A_2175 : i32 to index
      %get3A_2178 = arith.constant 112 : index
      %get3A_2179 = tpu.vector_load %arg6[%get3A_2176, %get3A_2177, %get3A_2178] {strides = array<i32>} : memref<8x8x128xf32, #tpu.memory_space<vmem>>, vector<1x1x16xf32>,
      %get3A_2180 = vector.shape_cast %get3A_2179 : vector<1x1x16xf32> to vector<16xf32>
      %swap3A_2181 = arith.constant 4 : i32
      %swap3A_2182 = arith.constant 7 : i32
      %swap3A_2183 = arith.index_cast %rem3A_1545 : i32 to index
      %swap3A_2184 = arith.index_cast %swap3A_2181 : i32 to index
      %swap3A_2185 = arith.index_cast %swap3A_2182 : i32 to index
      %swap3A_2186 = arith.constant 0 : index
      %swap3A_2187 = tpu.vector_load %arg7[%swap3A_2183, %swap3A_2184, %swap3A_2185, %swap3A_2186] {strides = array<i32>} : memref<8x8x8x16xf32, #tpu.memory_space<vmem>>, vector<1x1x1x16xf32>,
      %swap3A_2188 = vector.shape_cast %swap3A_2187 : vector<1x1x1x16xf32> to vector<16xf32>
      %swap3A_2189 = vector.shape_cast %get3A_2180 : vector<16xf32> to vector<1x1x1x16xf32>
      tpu.vector_store %arg7[%swap3A_2183, %swap3A_2184, %swap3A_2185, %swap3A_2186], %swap3A_2189 {strides = array<i32>} : memref<8x8x8x16xf32, #tpu.memory_space<vmem>>, vector<1x1x1x16xf32>,
      %get3A_2190 = arith.constant 5 : i32
      %get3A_2191 = arith.index_cast %rem3A_1545 : i32 to index
      %get3A_2192 = arith.index_cast %get3A_2190 : i32 to index
      %get3A_2193 = arith.constant 0 : index
      %get3A_2194 = tpu.vector_load %arg6[%get3A_2191, %get3A_2192, %get3A_2193] {strides = array<i32>} : memref<8x8x128xf32, #tpu.memory_space<vmem>>, vector<1x1x16xf32>,
      %get3A_2195 = vector.shape_cast %get3A_2194 : vector<1x1x16xf32> to vector<16xf32>
      %swap3A_2196 = arith.constant 5 : i32
      %swap3A_2197 = arith.constant 0 : i32
      %swap3A_2198 = arith.index_cast %rem3A_1545 : i32 to index
      %swap3A_2199 = arith.index_cast %swap3A_2196 : i32 to index
      %swap3A_2200 = arith.index_cast %swap3A_2197 : i32 to index
      %swap3A_2201 = arith.constant 0 : index
      %swap3A_2202 = tpu.vector_load %arg7[%swap3A_2198, %swap3A_2199, %swap3A_2200, %swap3A_2201] {strides = array<i32>} : memref<8x8x8x16xf32, #tpu.memory_space<vmem>>, vector<1x1x1x16xf32>,
      %swap3A_2203 = vector.shape_cast %swap3A_2202 : vector<1x1x1x16xf32> to vector<16xf32>
      %swap3A_2204 = vector.shape_cast %get3A_2195 : vector<16xf32> to vector<1x1x1x16xf32>
      tpu.vector_store %arg7[%swap3A_2198, %swap3A_2199, %swap3A_2200, %swap3A_2201], %swap3A_2204 {strides = array<i32>} : memref<8x8x8x16xf32, #tpu.memory_space<vmem>>, vector<1x1x1x16xf32>,
      %get3A_2205 = arith.constant 5 : i32
      %get3A_2206 = arith.index_cast %rem3A_1545 : i32 to index
      %get3A_2207 = arith.index_cast %get3A_2205 : i32 to index
      %get3A_2208 = arith.constant 16 : index
      %get3A_2209 = tpu.vector_load %arg6[%get3A_2206, %get3A_2207, %get3A_2208] {strides = array<i32>} : memref<8x8x128xf32, #tpu.memory_space<vmem>>, vector<1x1x16xf32>,
      %get3A_2210 = vector.shape_cast %get3A_2209 : vector<1x1x16xf32> to vector<16xf32>
      %swap3A_2211 = arith.constant 5 : i32
      %swap3A_2212 = arith.constant 1 : i32
      %swap3A_2213 = arith.index_cast %rem3A_1545 : i32 to index
      %swap3A_2214 = arith.index_cast %swap3A_2211 : i32 to index
      %swap3A_2215 = arith.index_cast %swap3A_2212 : i32 to index
      %swap3A_2216 = arith.constant 0 : index
      %swap3A_2217 = tpu.vector_load %arg7[%swap3A_2213, %swap3A_2214, %swap3A_2215, %swap3A_2216] {strides = array<i32>} : memref<8x8x8x16xf32, #tpu.memory_space<vmem>>, vector<1x1x1x16xf32>,
      %swap3A_2218 = vector.shape_cast %swap3A_2217 : vector<1x1x1x16xf32> to vector<16xf32>
      %swap3A_2219 = vector.shape_cast %get3A_2210 : vector<16xf32> to vector<1x1x1x16xf32>
      tpu.vector_store %arg7[%swap3A_2213, %swap3A_2214, %swap3A_2215, %swap3A_2216], %swap3A_2219 {strides = array<i32>} : memref<8x8x8x16xf32, #tpu.memory_space<vmem>>, vector<1x1x1x16xf32>,
      %get3A_2220 = arith.constant 5 : i32
      %get3A_2221 = arith.index_cast %rem3A_1545 : i32 to index
      %get3A_2222 = arith.index_cast %get3A_2220 : i32 to index
      %get3A_2223 = arith.constant 32 : index
      %get3A_2224 = tpu.vector_load %arg6[%get3A_2221, %get3A_2222, %get3A_2223] {strides = array<i32>} : memref<8x8x128xf32, #tpu.memory_space<vmem>>, vector<1x1x16xf32>,
      %get3A_2225 = vector.shape_cast %get3A_2224 : vector<1x1x16xf32> to vector<16xf32>
      %swap3A_2226 = arith.constant 5 : i32
      %swap3A_2227 = arith.constant 2 : i32
      %swap3A_2228 = arith.index_cast %rem3A_1545 : i32 to index
      %swap3A_2229 = arith.index_cast %swap3A_2226 : i32 to index
      %swap3A_2230 = arith.index_cast %swap3A_2227 : i32 to index
      %swap3A_2231 = arith.constant 0 : index
      %swap3A_2232 = tpu.vector_load %arg7[%swap3A_2228, %swap3A_2229, %swap3A_2230, %swap3A_2231] {strides = array<i32>} : memref<8x8x8x16xf32, #tpu.memory_space<vmem>>, vector<1x1x1x16xf32>,
      %swap3A_2233 = vector.shape_cast %swap3A_2232 : vector<1x1x1x16xf32> to vector<16xf32>
      %swap3A_2234 = vector.shape_cast %get3A_2225 : vector<16xf32> to vector<1x1x1x16xf32>
      tpu.vector_store %arg7[%swap3A_2228, %swap3A_2229, %swap3A_2230, %swap3A_2231], %swap3A_2234 {strides = array<i32>} : memref<8x8x8x16xf32, #tpu.memory_space<vmem>>, vector<1x1x1x16xf32>,
      %get3A_2235 = arith.constant 5 : i32
      %get3A_2236 = arith.index_cast %rem3A_1545 : i32 to index
      %get3A_2237 = arith.index_cast %get3A_2235 : i32 to index
      %get3A_2238 = arith.constant 48 : index
      %get3A_2239 = tpu.vector_load %arg6[%get3A_2236, %get3A_2237, %get3A_2238] {strides = array<i32>} : memref<8x8x128xf32, #tpu.memory_space<vmem>>, vector<1x1x16xf32>,
      %get3A_2240 = vector.shape_cast %get3A_2239 : vector<1x1x16xf32> to vector<16xf32>
      %swap3A_2241 = arith.constant 5 : i32
      %swap3A_2242 = arith.constant 3 : i32
      %swap3A_2243 = arith.index_cast %rem3A_1545 : i32 to index
      %swap3A_2244 = arith.index_cast %swap3A_2241 : i32 to index
      %swap3A_2245 = arith.index_cast %swap3A_2242 : i32 to index
      %swap3A_2246 = arith.constant 0 : index
      %swap3A_2247 = tpu.vector_load %arg7[%swap3A_2243, %swap3A_2244, %swap3A_2245, %swap3A_2246] {strides = array<i32>} : memref<8x8x8x16xf32, #tpu.memory_space<vmem>>, vector<1x1x1x16xf32>,
      %swap3A_2248 = vector.shape_cast %swap3A_2247 : vector<1x1x1x16xf32> to vector<16xf32>
      %swap3A_2249 = vector.shape_cast %get3A_2240 : vector<16xf32> to vector<1x1x1x16xf32>
      tpu.vector_store %arg7[%swap3A_2243, %swap3A_2244, %swap3A_2245, %swap3A_2246], %swap3A_2249 {strides = array<i32>} : memref<8x8x8x16xf32, #tpu.memory_space<vmem>>, vector<1x1x1x16xf32>,
      %get3A_2250 = arith.constant 5 : i32
      %get3A_2251 = arith.index_cast %rem3A_1545 : i32 to index
      %get3A_2252 = arith.index_cast %get3A_2250 : i32 to index
      %get3A_2253 = arith.constant 64 : index
      %get3A_2254 = tpu.vector_load %arg6[%get3A_2251, %get3A_2252, %get3A_2253] {strides = array<i32>} : memref<8x8x128xf32, #tpu.memory_space<vmem>>, vector<1x1x16xf32>,
      %get3A_2255 = vector.shape_cast %get3A_2254 : vector<1x1x16xf32> to vector<16xf32>
      %swap3A_2256 = arith.constant 5 : i32
      %swap3A_2257 = arith.constant 4 : i32
      %swap3A_2258 = arith.index_cast %rem3A_1545 : i32 to index
      %swap3A_2259 = arith.index_cast %swap3A_2256 : i32 to index
      %swap3A_2260 = arith.index_cast %swap3A_2257 : i32 to index
      %swap3A_2261 = arith.constant 0 : index
      %swap3A_2262 = tpu.vector_load %arg7[%swap3A_2258, %swap3A_2259, %swap3A_2260, %swap3A_2261] {strides = array<i32>} : memref<8x8x8x16xf32, #tpu.memory_space<vmem>>, vector<1x1x1x16xf32>,
      %swap3A_2263 = vector.shape_cast %swap3A_2262 : vector<1x1x1x16xf32> to vector<16xf32>
      %swap3A_2264 = vector.shape_cast %get3A_2255 : vector<16xf32> to vector<1x1x1x16xf32>
      tpu.vector_store %arg7[%swap3A_2258, %swap3A_2259, %swap3A_2260, %swap3A_2261], %swap3A_2264 {strides = array<i32>} : memref<8x8x8x16xf32, #tpu.memory_space<vmem>>, vector<1x1x1x16xf32>,
      %get3A_2265 = arith.constant 5 : i32
      %get3A_2266 = arith.index_cast %rem3A_1545 : i32 to index
      %get3A_2267 = arith.index_cast %get3A_2265 : i32 to index
      %get3A_2268 = arith.constant 80 : index
      %get3A_2269 = tpu.vector_load %arg6[%get3A_2266, %get3A_2267, %get3A_2268] {strides = array<i32>} : memref<8x8x128xf32, #tpu.memory_space<vmem>>, vector<1x1x16xf32>,
      %get3A_2270 = vector.shape_cast %get3A_2269 : vector<1x1x16xf32> to vector<16xf32>
      %swap3A_2271 = arith.constant 5 : i32
      %swap3A_2272 = arith.constant 5 : i32
      %swap3A_2273 = arith.index_cast %rem3A_1545 : i32 to index
      %swap3A_2274 = arith.index_cast %swap3A_2271 : i32 to index
      %swap3A_2275 = arith.index_cast %swap3A_2272 : i32 to index
      %swap3A_2276 = arith.constant 0 : index
      %swap3A_2277 = tpu.vector_load %arg7[%swap3A_2273, %swap3A_2274, %swap3A_2275, %swap3A_2276] {strides = array<i32>} : memref<8x8x8x16xf32, #tpu.memory_space<vmem>>, vector<1x1x1x16xf32>,
      %swap3A_2278 = vector.shape_cast %swap3A_2277 : vector<1x1x1x16xf32> to vector<16xf32>
      %swap3A_2279 = vector.shape_cast %get3A_2270 : vector<16xf32> to vector<1x1x1x16xf32>
      tpu.vector_store %arg7[%swap3A_2273, %swap3A_2274, %swap3A_2275, %swap3A_2276], %swap3A_2279 {strides = array<i32>} : memref<8x8x8x16xf32, #tpu.memory_space<vmem>>, vector<1x1x1x16xf32>,
      %get3A_2280 = arith.constant 5 : i32
      %get3A_2281 = arith.index_cast %rem3A_1545 : i32 to index
      %get3A_2282 = arith.index_cast %get3A_2280 : i32 to index
      %get3A_2283 = arith.constant 96 : index
      %get3A_2284 = tpu.vector_load %arg6[%get3A_2281, %get3A_2282, %get3A_2283] {strides = array<i32>} : memref<8x8x128xf32, #tpu.memory_space<vmem>>, vector<1x1x16xf32>,
      %get3A_2285 = vector.shape_cast %get3A_2284 : vector<1x1x16xf32> to vector<16xf32>
      %swap3A_2286 = arith.constant 5 : i32
      %swap3A_2287 = arith.constant 6 : i32
      %swap3A_2288 = arith.index_cast %rem3A_1545 : i32 to index
      %swap3A_2289 = arith.index_cast %swap3A_2286 : i32 to index
      %swap3A_2290 = arith.index_cast %swap3A_2287 : i32 to index
      %swap3A_2291 = arith.constant 0 : index
      %swap3A_2292 = tpu.vector_load %arg7[%swap3A_2288, %swap3A_2289, %swap3A_2290, %swap3A_2291] {strides = array<i32>} : memref<8x8x8x16xf32, #tpu.memory_space<vmem>>, vector<1x1x1x16xf32>,
      %swap3A_2293 = vector.shape_cast %swap3A_2292 : vector<1x1x1x16xf32> to vector<16xf32>
      %swap3A_2294 = vector.shape_cast %get3A_2285 : vector<16xf32> to vector<1x1x1x16xf32>
      tpu.vector_store %arg7[%swap3A_2288, %swap3A_2289, %swap3A_2290, %swap3A_2291], %swap3A_2294 {strides = array<i32>} : memref<8x8x8x16xf32, #tpu.memory_space<vmem>>, vector<1x1x1x16xf32>,
      %get3A_2295 = arith.constant 5 : i32
      %get3A_2296 = arith.index_cast %rem3A_1545 : i32 to index
      %get3A_2297 = arith.index_cast %get3A_2295 : i32 to index
      %get3A_2298 = arith.constant 112 : index
      %get3A_2299 = tpu.vector_load %arg6[%get3A_2296, %get3A_2297, %get3A_2298] {strides = array<i32>} : memref<8x8x128xf32, #tpu.memory_space<vmem>>, vector<1x1x16xf32>,
      %get3A_2300 = vector.shape_cast %get3A_2299 : vector<1x1x16xf32> to vector<16xf32>
      %swap3A_2301 = arith.constant 5 : i32
      %swap3A_2302 = arith.constant 7 : i32
      %swap3A_2303 = arith.index_cast %rem3A_1545 : i32 to index
      %swap3A_2304 = arith.index_cast %swap3A_2301 : i32 to index
      %swap3A_2305 = arith.index_cast %swap3A_2302 : i32 to index
      %swap3A_2306 = arith.constant 0 : index
      %swap3A_2307 = tpu.vector_load %arg7[%swap3A_2303, %swap3A_2304, %swap3A_2305, %swap3A_2306] {strides = array<i32>} : memref<8x8x8x16xf32, #tpu.memory_space<vmem>>, vector<1x1x1x16xf32>,
      %swap3A_2308 = vector.shape_cast %swap3A_2307 : vector<1x1x1x16xf32> to vector<16xf32>
      %swap3A_2309 = vector.shape_cast %get3A_2300 : vector<16xf32> to vector<1x1x1x16xf32>
      tpu.vector_store %arg7[%swap3A_2303, %swap3A_2304, %swap3A_2305, %swap3A_2306], %swap3A_2309 {strides = array<i32>} : memref<8x8x8x16xf32, #tpu.memory_space<vmem>>, vector<1x1x1x16xf32>,
      %get3A_2310 = arith.constant 6 : i32
      %get3A_2311 = arith.index_cast %rem3A_1545 : i32 to index
      %get3A_2312 = arith.index_cast %get3A_2310 : i32 to index
      %get3A_2313 = arith.constant 0 : index
      %get3A_2314 = tpu.vector_load %arg6[%get3A_2311, %get3A_2312, %get3A_2313] {strides = array<i32>} : memref<8x8x128xf32, #tpu.memory_space<vmem>>, vector<1x1x16xf32>,
      %get3A_2315 = vector.shape_cast %get3A_2314 : vector<1x1x16xf32> to vector<16xf32>
      %swap3A_2316 = arith.constant 6 : i32
      %swap3A_2317 = arith.constant 0 : i32
      %swap3A_2318 = arith.index_cast %rem3A_1545 : i32 to index
      %swap3A_2319 = arith.index_cast %swap3A_2316 : i32 to index
      %swap3A_2320 = arith.index_cast %swap3A_2317 : i32 to index
      %swap3A_2321 = arith.constant 0 : index
      %swap3A_2322 = tpu.vector_load %arg7[%swap3A_2318, %swap3A_2319, %swap3A_2320, %swap3A_2321] {strides = array<i32>} : memref<8x8x8x16xf32, #tpu.memory_space<vmem>>, vector<1x1x1x16xf32>,
      %swap3A_2323 = vector.shape_cast %swap3A_2322 : vector<1x1x1x16xf32> to vector<16xf32>
      %swap3A_2324 = vector.shape_cast %get3A_2315 : vector<16xf32> to vector<1x1x1x16xf32>
      tpu.vector_store %arg7[%swap3A_2318, %swap3A_2319, %swap3A_2320, %swap3A_2321], %swap3A_2324 {strides = array<i32>} : memref<8x8x8x16xf32, #tpu.memory_space<vmem>>, vector<1x1x1x16xf32>,
      %get3A_2325 = arith.constant 6 : i32
      %get3A_2326 = arith.index_cast %rem3A_1545 : i32 to index
      %get3A_2327 = arith.index_cast %get3A_2325 : i32 to index
      %get3A_2328 = arith.constant 16 : index
      %get3A_2329 = tpu.vector_load %arg6[%get3A_2326, %get3A_2327, %get3A_2328] {strides = array<i32>} : memref<8x8x128xf32, #tpu.memory_space<vmem>>, vector<1x1x16xf32>,
      %get3A_2330 = vector.shape_cast %get3A_2329 : vector<1x1x16xf32> to vector<16xf32>
      %swap3A_2331 = arith.constant 6 : i32
      %swap3A_2332 = arith.constant 1 : i32
      %swap3A_2333 = arith.index_cast %rem3A_1545 : i32 to index
      %swap3A_2334 = arith.index_cast %swap3A_2331 : i32 to index
      %swap3A_2335 = arith.index_cast %swap3A_2332 : i32 to index
      %swap3A_2336 = arith.constant 0 : index
      %swap3A_2337 = tpu.vector_load %arg7[%swap3A_2333, %swap3A_2334, %swap3A_2335, %swap3A_2336] {strides = array<i32>} : memref<8x8x8x16xf32, #tpu.memory_space<vmem>>, vector<1x1x1x16xf32>,
      %swap3A_2338 = vector.shape_cast %swap3A_2337 : vector<1x1x1x16xf32> to vector<16xf32>
      %swap3A_2339 = vector.shape_cast %get3A_2330 : vector<16xf32> to vector<1x1x1x16xf32>
      tpu.vector_store %arg7[%swap3A_2333, %swap3A_2334, %swap3A_2335, %swap3A_2336], %swap3A_2339 {strides = array<i32>} : memref<8x8x8x16xf32, #tpu.memory_space<vmem>>, vector<1x1x1x16xf32>,
      %get3A_2340 = arith.constant 6 : i32
      %get3A_2341 = arith.index_cast %rem3A_1545 : i32 to index
      %get3A_2342 = arith.index_cast %get3A_2340 : i32 to index
      %get3A_2343 = arith.constant 32 : index
      %get3A_2344 = tpu.vector_load %arg6[%get3A_2341, %get3A_2342, %get3A_2343] {strides = array<i32>} : memref<8x8x128xf32, #tpu.memory_space<vmem>>, vector<1x1x16xf32>,
      %get3A_2345 = vector.shape_cast %get3A_2344 : vector<1x1x16xf32> to vector<16xf32>
      %swap3A_2346 = arith.constant 6 : i32
      %swap3A_2347 = arith.constant 2 : i32
      %swap3A_2348 = arith.index_cast %rem3A_1545 : i32 to index
      %swap3A_2349 = arith.index_cast %swap3A_2346 : i32 to index
      %swap3A_2350 = arith.index_cast %swap3A_2347 : i32 to index
      %swap3A_2351 = arith.constant 0 : index
      %swap3A_2352 = tpu.vector_load %arg7[%swap3A_2348, %swap3A_2349, %swap3A_2350, %swap3A_2351] {strides = array<i32>} : memref<8x8x8x16xf32, #tpu.memory_space<vmem>>, vector<1x1x1x16xf32>,
      %swap3A_2353 = vector.shape_cast %swap3A_2352 : vector<1x1x1x16xf32> to vector<16xf32>
      %swap3A_2354 = vector.shape_cast %get3A_2345 : vector<16xf32> to vector<1x1x1x16xf32>
      tpu.vector_store %arg7[%swap3A_2348, %swap3A_2349, %swap3A_2350, %swap3A_2351], %swap3A_2354 {strides = array<i32>} : memref<8x8x8x16xf32, #tpu.memory_space<vmem>>, vector<1x1x1x16xf32>,
      %get3A_2355 = arith.constant 6 : i32
      %get3A_2356 = arith.index_cast %rem3A_1545 : i32 to index
      %get3A_2357 = arith.index_cast %get3A_2355 : i32 to index
      %get3A_2358 = arith.constant 48 : index
      %get3A_2359 = tpu.vector_load %arg6[%get3A_2356, %get3A_2357, %get3A_2358] {strides = array<i32>} : memref<8x8x128xf32, #tpu.memory_space<vmem>>, vector<1x1x16xf32>,
      %get3A_2360 = vector.shape_cast %get3A_2359 : vector<1x1x16xf32> to vector<16xf32>
      %swap3A_2361 = arith.constant 6 : i32
      %swap3A_2362 = arith.constant 3 : i32
      %swap3A_2363 = arith.index_cast %rem3A_1545 : i32 to index
      %swap3A_2364 = arith.index_cast %swap3A_2361 : i32 to index
      %swap3A_2365 = arith.index_cast %swap3A_2362 : i32 to index
      %swap3A_2366 = arith.constant 0 : index
      %swap3A_2367 = tpu.vector_load %arg7[%swap3A_2363, %swap3A_2364, %swap3A_2365, %swap3A_2366] {strides = array<i32>} : memref<8x8x8x16xf32, #tpu.memory_space<vmem>>, vector<1x1x1x16xf32>,
      %swap3A_2368 = vector.shape_cast %swap3A_2367 : vector<1x1x1x16xf32> to vector<16xf32>
      %swap3A_2369 = vector.shape_cast %get3A_2360 : vector<16xf32> to vector<1x1x1x16xf32>
      tpu.vector_store %arg7[%swap3A_2363, %swap3A_2364, %swap3A_2365, %swap3A_2366], %swap3A_2369 {strides = array<i32>} : memref<8x8x8x16xf32, #tpu.memory_space<vmem>>, vector<1x1x1x16xf32>,
      %get3A_2370 = arith.constant 6 : i32
      %get3A_2371 = arith.index_cast %rem3A_1545 : i32 to index
      %get3A_2372 = arith.index_cast %get3A_2370 : i32 to index
      %get3A_2373 = arith.constant 64 : index
      %get3A_2374 = tpu.vector_load %arg6[%get3A_2371, %get3A_2372, %get3A_2373] {strides = array<i32>} : memref<8x8x128xf32, #tpu.memory_space<vmem>>, vector<1x1x16xf32>,
      %get3A_2375 = vector.shape_cast %get3A_2374 : vector<1x1x16xf32> to vector<16xf32>
      %swap3A_2376 = arith.constant 6 : i32
      %swap3A_2377 = arith.constant 4 : i32
      %swap3A_2378 = arith.index_cast %rem3A_1545 : i32 to index
      %swap3A_2379 = arith.index_cast %swap3A_2376 : i32 to index
      %swap3A_2380 = arith.index_cast %swap3A_2377 : i32 to index
      %swap3A_2381 = arith.constant 0 : index
      %swap3A_2382 = tpu.vector_load %arg7[%swap3A_2378, %swap3A_2379, %swap3A_2380, %swap3A_2381] {strides = array<i32>} : memref<8x8x8x16xf32, #tpu.memory_space<vmem>>, vector<1x1x1x16xf32>,
      %swap3A_2383 = vector.shape_cast %swap3A_2382 : vector<1x1x1x16xf32> to vector<16xf32>
      %swap3A_2384 = vector.shape_cast %get3A_2375 : vector<16xf32> to vector<1x1x1x16xf32>
      tpu.vector_store %arg7[%swap3A_2378, %swap3A_2379, %swap3A_2380, %swap3A_2381], %swap3A_2384 {strides = array<i32>} : memref<8x8x8x16xf32, #tpu.memory_space<vmem>>, vector<1x1x1x16xf32>,
      %get3A_2385 = arith.constant 6 : i32
      %get3A_2386 = arith.index_cast %rem3A_1545 : i32 to index
      %get3A_2387 = arith.index_cast %get3A_2385 : i32 to index
      %get3A_2388 = arith.constant 80 : index
      %get3A_2389 = tpu.vector_load %arg6[%get3A_2386, %get3A_2387, %get3A_2388] {strides = array<i32>} : memref<8x8x128xf32, #tpu.memory_space<vmem>>, vector<1x1x16xf32>,
      %get3A_2390 = vector.shape_cast %get3A_2389 : vector<1x1x16xf32> to vector<16xf32>
      %swap3A_2391 = arith.constant 6 : i32
      %swap3A_2392 = arith.constant 5 : i32
      %swap3A_2393 = arith.index_cast %rem3A_1545 : i32 to index
      %swap3A_2394 = arith.index_cast %swap3A_2391 : i32 to index
      %swap3A_2395 = arith.index_cast %swap3A_2392 : i32 to index
      %swap3A_2396 = arith.constant 0 : index
      %swap3A_2397 = tpu.vector_load %arg7[%swap3A_2393, %swap3A_2394, %swap3A_2395, %swap3A_2396] {strides = array<i32>} : memref<8x8x8x16xf32, #tpu.memory_space<vmem>>, vector<1x1x1x16xf32>,
      %swap3A_2398 = vector.shape_cast %swap3A_2397 : vector<1x1x1x16xf32> to vector<16xf32>
      %swap3A_2399 = vector.shape_cast %get3A_2390 : vector<16xf32> to vector<1x1x1x16xf32>
      tpu.vector_store %arg7[%swap3A_2393, %swap3A_2394, %swap3A_2395, %swap3A_2396], %swap3A_2399 {strides = array<i32>} : memref<8x8x8x16xf32, #tpu.memory_space<vmem>>, vector<1x1x1x16xf32>,
      %get3A_2400 = arith.constant 6 : i32
      %get3A_2401 = arith.index_cast %rem3A_1545 : i32 to index
      %get3A_2402 = arith.index_cast %get3A_2400 : i32 to index
      %get3A_2403 = arith.constant 96 : index
      %get3A_2404 = tpu.vector_load %arg6[%get3A_2401, %get3A_2402, %get3A_2403] {strides = array<i32>} : memref<8x8x128xf32, #tpu.memory_space<vmem>>, vector<1x1x16xf32>,
      %get3A_2405 = vector.shape_cast %get3A_2404 : vector<1x1x16xf32> to vector<16xf32>
      %swap3A_2406 = arith.constant 6 : i32
      %swap3A_2407 = arith.constant 6 : i32
      %swap3A_2408 = arith.index_cast %rem3A_1545 : i32 to index
      %swap3A_2409 = arith.index_cast %swap3A_2406 : i32 to index
      %swap3A_2410 = arith.index_cast %swap3A_2407 : i32 to index
      %swap3A_2411 = arith.constant 0 : index
      %swap3A_2412 = tpu.vector_load %arg7[%swap3A_2408, %swap3A_2409, %swap3A_2410, %swap3A_2411] {strides = array<i32>} : memref<8x8x8x16xf32, #tpu.memory_space<vmem>>, vector<1x1x1x16xf32>,
      %swap3A_2413 = vector.shape_cast %swap3A_2412 : vector<1x1x1x16xf32> to vector<16xf32>
      %swap3A_2414 = vector.shape_cast %get3A_2405 : vector<16xf32> to vector<1x1x1x16xf32>
      tpu.vector_store %arg7[%swap3A_2408, %swap3A_2409, %swap3A_2410, %swap3A_2411], %swap3A_2414 {strides = array<i32>} : memref<8x8x8x16xf32, #tpu.memory_space<vmem>>, vector<1x1x1x16xf32>,
      %get3A_2415 = arith.constant 6 : i32
      %get3A_2416 = arith.index_cast %rem3A_1545 : i32 to index
      %get3A_2417 = arith.index_cast %get3A_2415 : i32 to index
      %get3A_2418 = arith.constant 112 : index
      %get3A_2419 = tpu.vector_load %arg6[%get3A_2416, %get3A_2417, %get3A_2418] {strides = array<i32>} : memref<8x8x128xf32, #tpu.memory_space<vmem>>, vector<1x1x16xf32>,
      %get3A_2420 = vector.shape_cast %get3A_2419 : vector<1x1x16xf32> to vector<16xf32>
      %swap3A_2421 = arith.constant 6 : i32
      %swap3A_2422 = arith.constant 7 : i32
      %swap3A_2423 = arith.index_cast %rem3A_1545 : i32 to index
      %swap3A_2424 = arith.index_cast %swap3A_2421 : i32 to index
      %swap3A_2425 = arith.index_cast %swap3A_2422 : i32 to index
      %swap3A_2426 = arith.constant 0 : index
      %swap3A_2427 = tpu.vector_load %arg7[%swap3A_2423, %swap3A_2424, %swap3A_2425, %swap3A_2426] {strides = array<i32>} : memref<8x8x8x16xf32, #tpu.memory_space<vmem>>, vector<1x1x1x16xf32>,
      %swap3A_2428 = vector.shape_cast %swap3A_2427 : vector<1x1x1x16xf32> to vector<16xf32>
      %swap3A_2429 = vector.shape_cast %get3A_2420 : vector<16xf32> to vector<1x1x1x16xf32>
      tpu.vector_store %arg7[%swap3A_2423, %swap3A_2424, %swap3A_2425, %swap3A_2426], %swap3A_2429 {strides = array<i32>} : memref<8x8x8x16xf32, #tpu.memory_space<vmem>>, vector<1x1x1x16xf32>,
      %get3A_2430 = arith.constant 7 : i32
      %get3A_2431 = arith.index_cast %rem3A_1545 : i32 to index
      %get3A_2432 = arith.index_cast %get3A_2430 : i32 to index
      %get3A_2433 = arith.constant 0 : index
      %get3A_2434 = tpu.vector_load %arg6[%get3A_2431, %get3A_2432, %get3A_2433] {strides = array<i32>} : memref<8x8x128xf32, #tpu.memory_space<vmem>>, vector<1x1x16xf32>,
      %get3A_2435 = vector.shape_cast %get3A_2434 : vector<1x1x16xf32> to vector<16xf32>
      %swap3A_2436 = arith.constant 7 : i32
      %swap3A_2437 = arith.constant 0 : i32
      %swap3A_2438 = arith.index_cast %rem3A_1545 : i32 to index
      %swap3A_2439 = arith.index_cast %swap3A_2436 : i32 to index
      %swap3A_2440 = arith.index_cast %swap3A_2437 : i32 to index
      %swap3A_2441 = arith.constant 0 : index
      %swap3A_2442 = tpu.vector_load %arg7[%swap3A_2438, %swap3A_2439, %swap3A_2440, %swap3A_2441] {strides = array<i32>} : memref<8x8x8x16xf32, #tpu.memory_space<vmem>>, vector<1x1x1x16xf32>,
      %swap3A_2443 = vector.shape_cast %swap3A_2442 : vector<1x1x1x16xf32> to vector<16xf32>
      %swap3A_2444 = vector.shape_cast %get3A_2435 : vector<16xf32> to vector<1x1x1x16xf32>
      tpu.vector_store %arg7[%swap3A_2438, %swap3A_2439, %swap3A_2440, %swap3A_2441], %swap3A_2444 {strides = array<i32>} : memref<8x8x8x16xf32, #tpu.memory_space<vmem>>, vector<1x1x1x16xf32>,
      %get3A_2445 = arith.constant 7 : i32
      %get3A_2446 = arith.index_cast %rem3A_1545 : i32 to index
      %get3A_2447 = arith.index_cast %get3A_2445 : i32 to index
      %get3A_2448 = arith.constant 16 : index
      %get3A_2449 = tpu.vector_load %arg6[%get3A_2446, %get3A_2447, %get3A_2448] {strides = array<i32>} : memref<8x8x128xf32, #tpu.memory_space<vmem>>, vector<1x1x16xf32>,
      %get3A_2450 = vector.shape_cast %get3A_2449 : vector<1x1x16xf32> to vector<16xf32>
      %swap3A_2451 = arith.constant 7 : i32
      %swap3A_2452 = arith.constant 1 : i32
      %swap3A_2453 = arith.index_cast %rem3A_1545 : i32 to index
      %swap3A_2454 = arith.index_cast %swap3A_2451 : i32 to index
      %swap3A_2455 = arith.index_cast %swap3A_2452 : i32 to index
      %swap3A_2456 = arith.constant 0 : index
      %swap3A_2457 = tpu.vector_load %arg7[%swap3A_2453, %swap3A_2454, %swap3A_2455, %swap3A_2456] {strides = array<i32>} : memref<8x8x8x16xf32, #tpu.memory_space<vmem>>, vector<1x1x1x16xf32>,
      %swap3A_2458 = vector.shape_cast %swap3A_2457 : vector<1x1x1x16xf32> to vector<16xf32>
      %swap3A_2459 = vector.shape_cast %get3A_2450 : vector<16xf32> to vector<1x1x1x16xf32>
      tpu.vector_store %arg7[%swap3A_2453, %swap3A_2454, %swap3A_2455, %swap3A_2456], %swap3A_2459 {strides = array<i32>} : memref<8x8x8x16xf32, #tpu.memory_space<vmem>>, vector<1x1x1x16xf32>,
      %get3A_2460 = arith.constant 7 : i32
      %get3A_2461 = arith.index_cast %rem3A_1545 : i32 to index
      %get3A_2462 = arith.index_cast %get3A_2460 : i32 to index
      %get3A_2463 = arith.constant 32 : index
      %get3A_2464 = tpu.vector_load %arg6[%get3A_2461, %get3A_2462, %get3A_2463] {strides = array<i32>} : memref<8x8x128xf32, #tpu.memory_space<vmem>>, vector<1x1x16xf32>,
      %get3A_2465 = vector.shape_cast %get3A_2464 : vector<1x1x16xf32> to vector<16xf32>
      %swap3A_2466 = arith.constant 7 : i32
      %swap3A_2467 = arith.constant 2 : i32
      %swap3A_2468 = arith.index_cast %rem3A_1545 : i32 to index
      %swap3A_2469 = arith.index_cast %swap3A_2466 : i32 to index
      %swap3A_2470 = arith.index_cast %swap3A_2467 : i32 to index
      %swap3A_2471 = arith.constant 0 : index
      %swap3A_2472 = tpu.vector_load %arg7[%swap3A_2468, %swap3A_2469, %swap3A_2470, %swap3A_2471] {strides = array<i32>} : memref<8x8x8x16xf32, #tpu.memory_space<vmem>>, vector<1x1x1x16xf32>,
      %swap3A_2473 = vector.shape_cast %swap3A_2472 : vector<1x1x1x16xf32> to vector<16xf32>
      %swap3A_2474 = vector.shape_cast %get3A_2465 : vector<16xf32> to vector<1x1x1x16xf32>
      tpu.vector_store %arg7[%swap3A_2468, %swap3A_2469, %swap3A_2470, %swap3A_2471], %swap3A_2474 {strides = array<i32>} : memref<8x8x8x16xf32, #tpu.memory_space<vmem>>, vector<1x1x1x16xf32>,
      %get3A_2475 = arith.constant 7 : i32
      %get3A_2476 = arith.index_cast %rem3A_1545 : i32 to index
      %get3A_2477 = arith.index_cast %get3A_2475 : i32 to index
      %get3A_2478 = arith.constant 48 : index
      %get3A_2479 = tpu.vector_load %arg6[%get3A_2476, %get3A_2477, %get3A_2478] {strides = array<i32>} : memref<8x8x128xf32, #tpu.memory_space<vmem>>, vector<1x1x16xf32>,
      %get3A_2480 = vector.shape_cast %get3A_2479 : vector<1x1x16xf32> to vector<16xf32>
      %swap3A_2481 = arith.constant 7 : i32
      %swap3A_2482 = arith.constant 3 : i32
      %swap3A_2483 = arith.index_cast %rem3A_1545 : i32 to index
      %swap3A_2484 = arith.index_cast %swap3A_2481 : i32 to index
      %swap3A_2485 = arith.index_cast %swap3A_2482 : i32 to index
      %swap3A_2486 = arith.constant 0 : index
      %swap3A_2487 = tpu.vector_load %arg7[%swap3A_2483, %swap3A_2484, %swap3A_2485, %swap3A_2486] {strides = array<i32>} : memref<8x8x8x16xf32, #tpu.memory_space<vmem>>, vector<1x1x1x16xf32>,
      %swap3A_2488 = vector.shape_cast %swap3A_2487 : vector<1x1x1x16xf32> to vector<16xf32>
      %swap3A_2489 = vector.shape_cast %get3A_2480 : vector<16xf32> to vector<1x1x1x16xf32>
      tpu.vector_store %arg7[%swap3A_2483, %swap3A_2484, %swap3A_2485, %swap3A_2486], %swap3A_2489 {strides = array<i32>} : memref<8x8x8x16xf32, #tpu.memory_space<vmem>>, vector<1x1x1x16xf32>,
      %get3A_2490 = arith.constant 7 : i32
      %get3A_2491 = arith.index_cast %rem3A_1545 : i32 to index
      %get3A_2492 = arith.index_cast %get3A_2490 : i32 to index
      %get3A_2493 = arith.constant 64 : index
      %get3A_2494 = tpu.vector_load %arg6[%get3A_2491, %get3A_2492, %get3A_2493] {strides = array<i32>} : memref<8x8x128xf32, #tpu.memory_space<vmem>>, vector<1x1x16xf32>,
      %get3A_2495 = vector.shape_cast %get3A_2494 : vector<1x1x16xf32> to vector<16xf32>
      %swap3A_2496 = arith.constant 7 : i32
      %swap3A_2497 = arith.constant 4 : i32
      %swap3A_2498 = arith.index_cast %rem3A_1545 : i32 to index
      %swap3A_2499 = arith.index_cast %swap3A_2496 : i32 to index
      %swap3A_2500 = arith.index_cast %swap3A_2497 : i32 to index
      %swap3A_2501 = arith.constant 0 : index
      %swap3A_2502 = tpu.vector_load %arg7[%swap3A_2498, %swap3A_2499, %swap3A_2500, %swap3A_2501] {strides = array<i32>} : memref<8x8x8x16xf32, #tpu.memory_space<vmem>>, vector<1x1x1x16xf32>,
      %swap3A_2503 = vector.shape_cast %swap3A_2502 : vector<1x1x1x16xf32> to vector<16xf32>
      %swap3A_2504 = vector.shape_cast %get3A_2495 : vector<16xf32> to vector<1x1x1x16xf32>
      tpu.vector_store %arg7[%swap3A_2498, %swap3A_2499, %swap3A_2500, %swap3A_2501], %swap3A_2504 {strides = array<i32>} : memref<8x8x8x16xf32, #tpu.memory_space<vmem>>, vector<1x1x1x16xf32>,
      %get3A_2505 = arith.constant 7 : i32
      %get3A_2506 = arith.index_cast %rem3A_1545 : i32 to index
      %get3A_2507 = arith.index_cast %get3A_2505 : i32 to index
      %get3A_2508 = arith.constant 80 : index
      %get3A_2509 = tpu.vector_load %arg6[%get3A_2506, %get3A_2507, %get3A_2508] {strides = array<i32>} : memref<8x8x128xf32, #tpu.memory_space<vmem>>, vector<1x1x16xf32>,
      %get3A_2510 = vector.shape_cast %get3A_2509 : vector<1x1x16xf32> to vector<16xf32>
      %swap3A_2511 = arith.constant 7 : i32
      %swap3A_2512 = arith.constant 5 : i32
      %swap3A_2513 = arith.index_cast %rem3A_1545 : i32 to index
      %swap3A_2514 = arith.index_cast %swap3A_2511 : i32 to index
      %swap3A_2515 = arith.index_cast %swap3A_2512 : i32 to index
      %swap3A_2516 = arith.constant 0 : index
      %swap3A_2517 = tpu.vector_load %arg7[%swap3A_2513, %swap3A_2514, %swap3A_2515, %swap3A_2516] {strides = array<i32>} : memref<8x8x8x16xf32, #tpu.memory_space<vmem>>, vector<1x1x1x16xf32>,
      %swap3A_2518 = vector.shape_cast %swap3A_2517 : vector<1x1x1x16xf32> to vector<16xf32>
      %swap3A_2519 = vector.shape_cast %get3A_2510 : vector<16xf32> to vector<1x1x1x16xf32>
      tpu.vector_store %arg7[%swap3A_2513, %swap3A_2514, %swap3A_2515, %swap3A_2516], %swap3A_2519 {strides = array<i32>} : memref<8x8x8x16xf32, #tpu.memory_space<vmem>>, vector<1x1x1x16xf32>,
      %get3A_2520 = arith.constant 7 : i32
      %get3A_2521 = arith.index_cast %rem3A_1545 : i32 to index
      %get3A_2522 = arith.index_cast %get3A_2520 : i32 to index
      %get3A_2523 = arith.constant 96 : index
      %get3A_2524 = tpu.vector_load %arg6[%get3A_2521, %get3A_2522, %get3A_2523] {strides = array<i32>} : memref<8x8x128xf32, #tpu.memory_space<vmem>>, vector<1x1x16xf32>,
      %get3A_2525 = vector.shape_cast %get3A_2524 : vector<1x1x16xf32> to vector<16xf32>
      %swap3A_2526 = arith.constant 7 : i32
      %swap3A_2527 = arith.constant 6 : i32
      %swap3A_2528 = arith.index_cast %rem3A_1545 : i32 to index
      %swap3A_2529 = arith.index_cast %swap3A_2526 : i32 to index
      %swap3A_2530 = arith.index_cast %swap3A_2527 : i32 to index
      %swap3A_2531 = arith.constant 0 : index
      %swap3A_2532 = tpu.vector_load %arg7[%swap3A_2528, %swap3A_2529, %swap3A_2530, %swap3A_2531] {strides = array<i32>} : memref<8x8x8x16xf32, #tpu.memory_space<vmem>>, vector<1x1x1x16xf32>,
      %swap3A_2533 = vector.shape_cast %swap3A_2532 : vector<1x1x1x16xf32> to vector<16xf32>
      %swap3A_2534 = vector.shape_cast %get3A_2525 : vector<16xf32> to vector<1x1x1x16xf32>
      tpu.vector_store %arg7[%swap3A_2528, %swap3A_2529, %swap3A_2530, %swap3A_2531], %swap3A_2534 {strides = array<i32>} : memref<8x8x8x16xf32, #tpu.memory_space<vmem>>, vector<1x1x1x16xf32>,
      %get3A_2535 = arith.constant 7 : i32
      %get3A_2536 = arith.index_cast %rem3A_1545 : i32 to index
      %get3A_2537 = arith.index_cast %get3A_2535 : i32 to index
      %get3A_2538 = arith.constant 112 : index
      %get3A_2539 = tpu.vector_load %arg6[%get3A_2536, %get3A_2537, %get3A_2538] {strides = array<i32>} : memref<8x8x128xf32, #tpu.memory_space<vmem>>, vector<1x1x16xf32>,
      %get3A_2540 = vector.shape_cast %get3A_2539 : vector<1x1x16xf32> to vector<16xf32>
      %swap3A_2541 = arith.constant 7 : i32
      %swap3A_2542 = arith.constant 7 : i32
      %swap3A_2543 = arith.index_cast %rem3A_1545 : i32 to index
      %swap3A_2544 = arith.index_cast %swap3A_2541 : i32 to index
      %swap3A_2545 = arith.index_cast %swap3A_2542 : i32 to index
      %swap3A_2546 = arith.constant 0 : index
      %swap3A_2547 = tpu.vector_load %arg7[%swap3A_2543, %swap3A_2544, %swap3A_2545, %swap3A_2546] {strides = array<i32>} : memref<8x8x8x16xf32, #tpu.memory_space<vmem>>, vector<1x1x1x16xf32>,
      %swap3A_2548 = vector.shape_cast %swap3A_2547 : vector<1x1x1x16xf32> to vector<16xf32>
      %swap3A_2549 = vector.shape_cast %get3A_2540 : vector<16xf32> to vector<1x1x1x16xf32>
      tpu.vector_store %arg7[%swap3A_2543, %swap3A_2544, %swap3A_2545, %swap3A_2546], %swap3A_2549 {strides = array<i32>} : memref<8x8x8x16xf32, #tpu.memory_space<vmem>>, vector<1x1x1x16xf32>,
      %add3A_2550 = arith.addi %mul3A_2, %scan3A_1543 : i32
      %mul3A_2551 = arith.constant 8 : i32
      %mul3A_2552 = arith.muli %add3A_2550, %mul3A_2551 : i32
      %add3A_2553 = arith.constant 0 : i32
      %add3A_2554 = arith.addi %mul3A_2552, %add3A_2553 : i32
      %mul3A_2555 = arith.constant 8 : i32
      %mul3A_2556 = arith.muli %add3A_2550, %mul3A_2555 : i32
      %add3A_2557 = arith.constant 1 : i32
      %add3A_2558 = arith.addi %mul3A_2556, %add3A_2557 : i32
      %mul3A_2559 = arith.constant 8 : i32
      %mul3A_2560 = arith.muli %add3A_2550, %mul3A_2559 : i32
      %add3A_2561 = arith.constant 2 : i32
      %add3A_2562 = arith.addi %mul3A_2560, %add3A_2561 : i32
      %mul3A_2563 = arith.constant 8 : i32
      %mul3A_2564 = arith.muli %add3A_2550, %mul3A_2563 : i32
      %add3A_2565 = arith.constant 3 : i32
      %add3A_2566 = arith.addi %mul3A_2564, %add3A_2565 : i32
      %mul3A_2567 = arith.constant 8 : i32
      %mul3A_2568 = arith.muli %add3A_2550, %mul3A_2567 : i32
      %add3A_2569 = arith.constant 4 : i32
      %add3A_2570 = arith.addi %mul3A_2568, %add3A_2569 : i32
      %mul3A_2571 = arith.constant 8 : i32
      %mul3A_2572 = arith.muli %add3A_2550, %mul3A_2571 : i32
      %add3A_2573 = arith.constant 5 : i32
      %add3A_2574 = arith.addi %mul3A_2572, %add3A_2573 : i32
      %mul3A_2575 = arith.constant 8 : i32
      %mul3A_2576 = arith.muli %add3A_2550, %mul3A_2575 : i32
      %add3A_2577 = arith.constant 6 : i32
      %add3A_2578 = arith.addi %mul3A_2576, %add3A_2577 : i32
      %mul3A_2579 = arith.constant 8 : i32
      %mul3A_2580 = arith.muli %add3A_2550, %mul3A_2579 : i32
      %add3A_2581 = arith.constant 7 : i32
      %add3A_2582 = arith.addi %mul3A_2580, %add3A_2581 : i32
      %mul3A_2583 = arith.constant 8 : i32
      %mul3A_2584 = arith.muli %add3A_2550, %mul3A_2583 : i32
      %dma_start3A_2585 = arith.constant 0 : i32
      %dma_start3A_2586 = arith.constant 0 : i32
      %dma_start3A_2587 = tpu.memref_slice %arg5[%rem3A_1545, %dma_start3A_2585, %dma_start3A_2586] : memref<8x8x128xf32, #tpu.memory_space<vmem>> -> memref<1x8x128xf32, #tpu.memory_space<vmem>>
      %dma_start3A_2588 = tpu.memref_squeeze %dma_start3A_2587 : memref<1x8x128xf32, #tpu.memory_space<vmem>> -> memref<8x128xf32, #tpu.memory_space<vmem>>
      %dma_start3A_2589 = arith.constant 0 : i32
      %dma_start3A_2590 = arith.constant 0 : i32
      %dma_start3A_2591 = tpu.memref_slice %arg4[%add3A_2554, %dma_start3A_2589, %dma_start3A_2590] : memref<32768x8x144xf32, #tpu.memory_space<hbm>> -> memref<1x8x128xf32, #tpu.memory_space<hbm>>
      %dma_start3A_2592 = tpu.memref_squeeze %dma_start3A_2591 : memref<1x8x128xf32, #tpu.memory_space<hbm>> -> memref<8x128xf32, #tpu.memory_space<hbm>>
      %dma_start3A_2593 = tpu.memref_slice %arg9[%rem3A_1545] : memref<8x!tpu.dma_semaphore, #tpu.memory_space<semaphore_mem>> -> memref<1x!tpu.dma_semaphore, #tpu.memory_space<semaphore_mem>>
      %dma_start3A_2594 = tpu.memref_squeeze %dma_start3A_2593 : memref<1x!tpu.dma_semaphore, #tpu.memory_space<semaphore_mem>> -> memref<!tpu.dma_semaphore, #tpu.memory_space<semaphore_mem>>
      %dma_start3A_2595 = arith.constant 0 : i32
      %dma_start3A_2596 = arith.constant 0 : i32
      %dma_start3A_2597 = tpu.memref_slice %arg4[%add3A_2554, %dma_start3A_2595, %dma_start3A_2596] : memref<32768x8x144xf32, #tpu.memory_space<hbm>> -> memref<1x8x128xf32, #tpu.memory_space<hbm>>
      %dma_start3A_2598 = tpu.memref_squeeze %dma_start3A_2597 : memref<1x8x128xf32, #tpu.memory_space<hbm>> -> memref<8x128xf32, #tpu.memory_space<hbm>>
      %dma_start3A_2599 = arith.constant 0 : i32
      %dma_start3A_2600 = arith.constant 0 : i32
      %dma_start3A_2601 = tpu.memref_slice %arg5[%rem3A_1545, %dma_start3A_2599, %dma_start3A_2600] : memref<8x8x128xf32, #tpu.memory_space<vmem>> -> memref<1x8x128xf32, #tpu.memory_space<vmem>>
      %dma_start3A_2602 = tpu.memref_squeeze %dma_start3A_2601 : memref<1x8x128xf32, #tpu.memory_space<vmem>> -> memref<8x128xf32, #tpu.memory_space<vmem>>
      tpu.enqueue_dma source(%dma_start3A_2602 : memref<8x128xf32, #tpu.memory_space<vmem>>) target(%dma_start3A_2598 : memref<8x128xf32, #tpu.memory_space<hbm>>) target_semaphore(%dma_start3A_2594 : memref<!tpu.dma_semaphore, #tpu.memory_space<semaphore_mem>>)
      %dma_start3A_2603 = arith.constant 0 : i32
      %dma_start3A_2604 = arith.constant 0 : i32
      %dma_start3A_2605 = tpu.memref_slice %arg5[%rem3A_1545, %dma_start3A_2603, %dma_start3A_2604] : memref<8x8x128xf32, #tpu.memory_space<vmem>> -> memref<1x8x128xf32, #tpu.memory_space<vmem>>
      %dma_start3A_2606 = tpu.memref_squeeze %dma_start3A_2605 : memref<1x8x128xf32, #tpu.memory_space<vmem>> -> memref<8x128xf32, #tpu.memory_space<vmem>>
      %dma_start3A_2607 = arith.constant 0 : i32
      %dma_start3A_2608 = arith.constant 0 : i32
      %dma_start3A_2609 = tpu.memref_slice %arg4[%add3A_2558, %dma_start3A_2607, %dma_start3A_2608] : memref<32768x8x144xf32, #tpu.memory_space<hbm>> -> memref<1x8x128xf32, #tpu.memory_space<hbm>>
      %dma_start3A_2610 = tpu.memref_squeeze %dma_start3A_2609 : memref<1x8x128xf32, #tpu.memory_space<hbm>> -> memref<8x128xf32, #tpu.memory_space<hbm>>
      %dma_start3A_2611 = tpu.memref_slice %arg9[%rem3A_1545] : memref<8x!tpu.dma_semaphore, #tpu.memory_space<semaphore_mem>> -> memref<1x!tpu.dma_semaphore, #tpu.memory_space<semaphore_mem>>
      %dma_start3A_2612 = tpu.memref_squeeze %dma_start3A_2611 : memref<1x!tpu.dma_semaphore, #tpu.memory_space<semaphore_mem>> -> memref<!tpu.dma_semaphore, #tpu.memory_space<semaphore_mem>>
      %dma_start3A_2613 = arith.constant 0 : i32
      %dma_start3A_2614 = arith.constant 0 : i32
      %dma_start3A_2615 = tpu.memref_slice %arg4[%add3A_2558, %dma_start3A_2613, %dma_start3A_2614] : memref<32768x8x144xf32, #tpu.memory_space<hbm>> -> memref<1x8x128xf32, #tpu.memory_space<hbm>>
      %dma_start3A_2616 = tpu.memref_squeeze %dma_start3A_2615 : memref<1x8x128xf32, #tpu.memory_space<hbm>> -> memref<8x128xf32, #tpu.memory_space<hbm>>
      %dma_start3A_2617 = arith.constant 0 : i32
      %dma_start3A_2618 = arith.constant 0 : i32
      %dma_start3A_2619 = tpu.memref_slice %arg5[%rem3A_1545, %dma_start3A_2617, %dma_start3A_2618] : memref<8x8x128xf32, #tpu.memory_space<vmem>> -> memref<1x8x128xf32, #tpu.memory_space<vmem>>
      %dma_start3A_2620 = tpu.memref_squeeze %dma_start3A_2619 : memref<1x8x128xf32, #tpu.memory_space<vmem>> -> memref<8x128xf32, #tpu.memory_space<vmem>>
      tpu.enqueue_dma source(%dma_start3A_2620 : memref<8x128xf32, #tpu.memory_space<vmem>>) target(%dma_start3A_2616 : memref<8x128xf32, #tpu.memory_space<hbm>>) target_semaphore(%dma_start3A_2612 : memref<!tpu.dma_semaphore, #tpu.memory_space<semaphore_mem>>)
      %dma_start3A_2621 = arith.constant 0 : i32
      %dma_start3A_2622 = arith.constant 0 : i32
      %dma_start3A_2623 = tpu.memref_slice %arg5[%rem3A_1545, %dma_start3A_2621, %dma_start3A_2622] : memref<8x8x128xf32, #tpu.memory_space<vmem>> -> memref<1x8x128xf32, #tpu.memory_space<vmem>>
      %dma_start3A_2624 = tpu.memref_squeeze %dma_start3A_2623 : memref<1x8x128xf32, #tpu.memory_space<vmem>> -> memref<8x128xf32, #tpu.memory_space<vmem>>
      %dma_start3A_2625 = arith.constant 0 : i32
      %dma_start3A_2626 = arith.constant 0 : i32
      %dma_start3A_2627 = tpu.memref_slice %arg4[%add3A_2562, %dma_start3A_2625, %dma_start3A_2626] : memref<32768x8x144xf32, #tpu.memory_space<hbm>> -> memref<1x8x128xf32, #tpu.memory_space<hbm>>
      %dma_start3A_2628 = tpu.memref_squeeze %dma_start3A_2627 : memref<1x8x128xf32, #tpu.memory_space<hbm>> -> memref<8x128xf32, #tpu.memory_space<hbm>>
      %dma_start3A_2629 = tpu.memref_slice %arg9[%rem3A_1545] : memref<8x!tpu.dma_semaphore, #tpu.memory_space<semaphore_mem>> -> memref<1x!tpu.dma_semaphore, #tpu.memory_space<semaphore_mem>>
      %dma_start3A_2630 = tpu.memref_squeeze %dma_start3A_2629 : memref<1x!tpu.dma_semaphore, #tpu.memory_space<semaphore_mem>> -> memref<!tpu.dma_semaphore, #tpu.memory_space<semaphore_mem>>
      %dma_start3A_2631 = arith.constant 0 : i32
      %dma_start3A_2632 = arith.constant 0 : i32
      %dma_start3A_2633 = tpu.memref_slice %arg4[%add3A_2562, %dma_start3A_2631, %dma_start3A_2632] : memref<32768x8x144xf32, #tpu.memory_space<hbm>> -> memref<1x8x128xf32, #tpu.memory_space<hbm>>
      %dma_start3A_2634 = tpu.memref_squeeze %dma_start3A_2633 : memref<1x8x128xf32, #tpu.memory_space<hbm>> -> memref<8x128xf32, #tpu.memory_space<hbm>>
      %dma_start3A_2635 = arith.constant 0 : i32
      %dma_start3A_2636 = arith.constant 0 : i32
      %dma_start3A_2637 = tpu.memref_slice %arg5[%rem3A_1545, %dma_start3A_2635, %dma_start3A_2636] : memref<8x8x128xf32, #tpu.memory_space<vmem>> -> memref<1x8x128xf32, #tpu.memory_space<vmem>>
      %dma_start3A_2638 = tpu.memref_squeeze %dma_start3A_2637 : memref<1x8x128xf32, #tpu.memory_space<vmem>> -> memref<8x128xf32, #tpu.memory_space<vmem>>
      tpu.enqueue_dma source(%dma_start3A_2638 : memref<8x128xf32, #tpu.memory_space<vmem>>) target(%dma_start3A_2634 : memref<8x128xf32, #tpu.memory_space<hbm>>) target_semaphore(%dma_start3A_2630 : memref<!tpu.dma_semaphore, #tpu.memory_space<semaphore_mem>>)
      %dma_start3A_2639 = arith.constant 0 : i32
      %dma_start3A_2640 = arith.constant 0 : i32
      %dma_start3A_2641 = tpu.memref_slice %arg5[%rem3A_1545, %dma_start3A_2639, %dma_start3A_2640] : memref<8x8x128xf32, #tpu.memory_space<vmem>> -> memref<1x8x128xf32, #tpu.memory_space<vmem>>
      %dma_start3A_2642 = tpu.memref_squeeze %dma_start3A_2641 : memref<1x8x128xf32, #tpu.memory_space<vmem>> -> memref<8x128xf32, #tpu.memory_space<vmem>>
      %dma_start3A_2643 = arith.constant 0 : i32
      %dma_start3A_2644 = arith.constant 0 : i32
      %dma_start3A_2645 = tpu.memref_slice %arg4[%add3A_2566, %dma_start3A_2643, %dma_start3A_2644] : memref<32768x8x144xf32, #tpu.memory_space<hbm>> -> memref<1x8x128xf32, #tpu.memory_space<hbm>>
      %dma_start3A_2646 = tpu.memref_squeeze %dma_start3A_2645 : memref<1x8x128xf32, #tpu.memory_space<hbm>> -> memref<8x128xf32, #tpu.memory_space<hbm>>
      %dma_start3A_2647 = tpu.memref_slice %arg9[%rem3A_1545] : memref<8x!tpu.dma_semaphore, #tpu.memory_space<semaphore_mem>> -> memref<1x!tpu.dma_semaphore, #tpu.memory_space<semaphore_mem>>
      %dma_start3A_2648 = tpu.memref_squeeze %dma_start3A_2647 : memref<1x!tpu.dma_semaphore, #tpu.memory_space<semaphore_mem>> -> memref<!tpu.dma_semaphore, #tpu.memory_space<semaphore_mem>>
      %dma_start3A_2649 = arith.constant 0 : i32
      %dma_start3A_2650 = arith.constant 0 : i32
      %dma_start3A_2651 = tpu.memref_slice %arg4[%add3A_2566, %dma_start3A_2649, %dma_start3A_2650] : memref<32768x8x144xf32, #tpu.memory_space<hbm>> -> memref<1x8x128xf32, #tpu.memory_space<hbm>>
      %dma_start3A_2652 = tpu.memref_squeeze %dma_start3A_2651 : memref<1x8x128xf32, #tpu.memory_space<hbm>> -> memref<8x128xf32, #tpu.memory_space<hbm>>
      %dma_start3A_2653 = arith.constant 0 : i32
      %dma_start3A_2654 = arith.constant 0 : i32
      %dma_start3A_2655 = tpu.memref_slice %arg5[%rem3A_1545, %dma_start3A_2653, %dma_start3A_2654] : memref<8x8x128xf32, #tpu.memory_space<vmem>> -> memref<1x8x128xf32, #tpu.memory_space<vmem>>
      %dma_start3A_2656 = tpu.memref_squeeze %dma_start3A_2655 : memref<1x8x128xf32, #tpu.memory_space<vmem>> -> memref<8x128xf32, #tpu.memory_space<vmem>>
      tpu.enqueue_dma source(%dma_start3A_2656 : memref<8x128xf32, #tpu.memory_space<vmem>>) target(%dma_start3A_2652 : memref<8x128xf32, #tpu.memory_space<hbm>>) target_semaphore(%dma_start3A_2648 : memref<!tpu.dma_semaphore, #tpu.memory_space<semaphore_mem>>)
      %dma_start3A_2657 = arith.constant 0 : i32
      %dma_start3A_2658 = arith.constant 0 : i32
      %dma_start3A_2659 = tpu.memref_slice %arg5[%rem3A_1545, %dma_start3A_2657, %dma_start3A_2658] : memref<8x8x128xf32, #tpu.memory_space<vmem>> -> memref<1x8x128xf32, #tpu.memory_space<vmem>>
      %dma_start3A_2660 = tpu.memref_squeeze %dma_start3A_2659 : memref<1x8x128xf32, #tpu.memory_space<vmem>> -> memref<8x128xf32, #tpu.memory_space<vmem>>
      %dma_start3A_2661 = arith.constant 0 : i32
      %dma_start3A_2662 = arith.constant 0 : i32
      %dma_start3A_2663 = tpu.memref_slice %arg4[%add3A_2570, %dma_start3A_2661, %dma_start3A_2662] : memref<32768x8x144xf32, #tpu.memory_space<hbm>> -> memref<1x8x128xf32, #tpu.memory_space<hbm>>
      %dma_start3A_2664 = tpu.memref_squeeze %dma_start3A_2663 : memref<1x8x128xf32, #tpu.memory_space<hbm>> -> memref<8x128xf32, #tpu.memory_space<hbm>>
      %dma_start3A_2665 = tpu.memref_slice %arg9[%rem3A_1545] : memref<8x!tpu.dma_semaphore, #tpu.memory_space<semaphore_mem>> -> memref<1x!tpu.dma_semaphore, #tpu.memory_space<semaphore_mem>>
      %dma_start3A_2666 = tpu.memref_squeeze %dma_start3A_2665 : memref<1x!tpu.dma_semaphore, #tpu.memory_space<semaphore_mem>> -> memref<!tpu.dma_semaphore, #tpu.memory_space<semaphore_mem>>
      %dma_start3A_2667 = arith.constant 0 : i32
      %dma_start3A_2668 = arith.constant 0 : i32
      %dma_start3A_2669 = tpu.memref_slice %arg4[%add3A_2570, %dma_start3A_2667, %dma_start3A_2668] : memref<32768x8x144xf32, #tpu.memory_space<hbm>> -> memref<1x8x128xf32, #tpu.memory_space<hbm>>
      %dma_start3A_2670 = tpu.memref_squeeze %dma_start3A_2669 : memref<1x8x128xf32, #tpu.memory_space<hbm>> -> memref<8x128xf32, #tpu.memory_space<hbm>>
      %dma_start3A_2671 = arith.constant 0 : i32
      %dma_start3A_2672 = arith.constant 0 : i32
      %dma_start3A_2673 = tpu.memref_slice %arg5[%rem3A_1545, %dma_start3A_2671, %dma_start3A_2672] : memref<8x8x128xf32, #tpu.memory_space<vmem>> -> memref<1x8x128xf32, #tpu.memory_space<vmem>>
      %dma_start3A_2674 = tpu.memref_squeeze %dma_start3A_2673 : memref<1x8x128xf32, #tpu.memory_space<vmem>> -> memref<8x128xf32, #tpu.memory_space<vmem>>
      tpu.enqueue_dma source(%dma_start3A_2674 : memref<8x128xf32, #tpu.memory_space<vmem>>) target(%dma_start3A_2670 : memref<8x128xf32, #tpu.memory_space<hbm>>) target_semaphore(%dma_start3A_2666 : memref<!tpu.dma_semaphore, #tpu.memory_space<semaphore_mem>>)
      %dma_start3A_2675 = arith.constant 0 : i32
      %dma_start3A_2676 = arith.constant 0 : i32
      %dma_start3A_2677 = tpu.memref_slice %arg5[%rem3A_1545, %dma_start3A_2675, %dma_start3A_2676] : memref<8x8x128xf32, #tpu.memory_space<vmem>> -> memref<1x8x128xf32, #tpu.memory_space<vmem>>
      %dma_start3A_2678 = tpu.memref_squeeze %dma_start3A_2677 : memref<1x8x128xf32, #tpu.memory_space<vmem>> -> memref<8x128xf32, #tpu.memory_space<vmem>>
      %dma_start3A_2679 = arith.constant 0 : i32
      %dma_start3A_2680 = arith.constant 0 : i32
      %dma_start3A_2681 = tpu.memref_slice %arg4[%add3A_2574, %dma_start3A_2679, %dma_start3A_2680] : memref<32768x8x144xf32, #tpu.memory_space<hbm>> -> memref<1x8x128xf32, #tpu.memory_space<hbm>>
      %dma_start3A_2682 = tpu.memref_squeeze %dma_start3A_2681 : memref<1x8x128xf32, #tpu.memory_space<hbm>> -> memref<8x128xf32, #tpu.memory_space<hbm>>
      %dma_start3A_2683 = tpu.memref_slice %arg9[%rem3A_1545] : memref<8x!tpu.dma_semaphore, #tpu.memory_space<semaphore_mem>> -> memref<1x!tpu.dma_semaphore, #tpu.memory_space<semaphore_mem>>
      %dma_start3A_2684 = tpu.memref_squeeze %dma_start3A_2683 : memref<1x!tpu.dma_semaphore, #tpu.memory_space<semaphore_mem>> -> memref<!tpu.dma_semaphore, #tpu.memory_space<semaphore_mem>>
      %dma_start3A_2685 = arith.constant 0 : i32
      %dma_start3A_2686 = arith.constant 0 : i32
      %dma_start3A_2687 = tpu.memref_slice %arg4[%add3A_2574, %dma_start3A_2685, %dma_start3A_2686] : memref<32768x8x144xf32, #tpu.memory_space<hbm>> -> memref<1x8x128xf32, #tpu.memory_space<hbm>>
      %dma_start3A_2688 = tpu.memref_squeeze %dma_start3A_2687 : memref<1x8x128xf32, #tpu.memory_space<hbm>> -> memref<8x128xf32, #tpu.memory_space<hbm>>
      %dma_start3A_2689 = arith.constant 0 : i32
      %dma_start3A_2690 = arith.constant 0 : i32
      %dma_start3A_2691 = tpu.memref_slice %arg5[%rem3A_1545, %dma_start3A_2689, %dma_start3A_2690] : memref<8x8x128xf32, #tpu.memory_space<vmem>> -> memref<1x8x128xf32, #tpu.memory_space<vmem>>
      %dma_start3A_2692 = tpu.memref_squeeze %dma_start3A_2691 : memref<1x8x128xf32, #tpu.memory_space<vmem>> -> memref<8x128xf32, #tpu.memory_space<vmem>>
      tpu.enqueue_dma source(%dma_start3A_2692 : memref<8x128xf32, #tpu.memory_space<vmem>>) target(%dma_start3A_2688 : memref<8x128xf32, #tpu.memory_space<hbm>>) target_semaphore(%dma_start3A_2684 : memref<!tpu.dma_semaphore, #tpu.memory_space<semaphore_mem>>)
      %dma_start3A_2693 = arith.constant 0 : i32
      %dma_start3A_2694 = arith.constant 0 : i32
      %dma_start3A_2695 = tpu.memref_slice %arg5[%rem3A_1545, %dma_start3A_2693, %dma_start3A_2694] : memref<8x8x128xf32, #tpu.memory_space<vmem>> -> memref<1x8x128xf32, #tpu.memory_space<vmem>>
      %dma_start3A_2696 = tpu.memref_squeeze %dma_start3A_2695 : memref<1x8x128xf32, #tpu.memory_space<vmem>> -> memref<8x128xf32, #tpu.memory_space<vmem>>
      %dma_start3A_2697 = arith.constant 0 : i32
      %dma_start3A_2698 = arith.constant 0 : i32
      %dma_start3A_2699 = tpu.memref_slice %arg4[%add3A_2578, %dma_start3A_2697, %dma_start3A_2698] : memref<32768x8x144xf32, #tpu.memory_space<hbm>> -> memref<1x8x128xf32, #tpu.memory_space<hbm>>
      %dma_start3A_2700 = tpu.memref_squeeze %dma_start3A_2699 : memref<1x8x128xf32, #tpu.memory_space<hbm>> -> memref<8x128xf32, #tpu.memory_space<hbm>>
      %dma_start3A_2701 = tpu.memref_slice %arg9[%rem3A_1545] : memref<8x!tpu.dma_semaphore, #tpu.memory_space<semaphore_mem>> -> memref<1x!tpu.dma_semaphore, #tpu.memory_space<semaphore_mem>>
      %dma_start3A_2702 = tpu.memref_squeeze %dma_start3A_2701 : memref<1x!tpu.dma_semaphore, #tpu.memory_space<semaphore_mem>> -> memref<!tpu.dma_semaphore, #tpu.memory_space<semaphore_mem>>
      %dma_start3A_2703 = arith.constant 0 : i32
      %dma_start3A_2704 = arith.constant 0 : i32
      %dma_start3A_2705 = tpu.memref_slice %arg4[%add3A_2578, %dma_start3A_2703, %dma_start3A_2704] : memref<32768x8x144xf32, #tpu.memory_space<hbm>> -> memref<1x8x128xf32, #tpu.memory_space<hbm>>
      %dma_start3A_2706 = tpu.memref_squeeze %dma_start3A_2705 : memref<1x8x128xf32, #tpu.memory_space<hbm>> -> memref<8x128xf32, #tpu.memory_space<hbm>>
      %dma_start3A_2707 = arith.constant 0 : i32
      %dma_start3A_2708 = arith.constant 0 : i32
      %dma_start3A_2709 = tpu.memref_slice %arg5[%rem3A_1545, %dma_start3A_2707, %dma_start3A_2708] : memref<8x8x128xf32, #tpu.memory_space<vmem>> -> memref<1x8x128xf32, #tpu.memory_space<vmem>>
      %dma_start3A_2710 = tpu.memref_squeeze %dma_start3A_2709 : memref<1x8x128xf32, #tpu.memory_space<vmem>> -> memref<8x128xf32, #tpu.memory_space<vmem>>
      tpu.enqueue_dma source(%dma_start3A_2710 : memref<8x128xf32, #tpu.memory_space<vmem>>) target(%dma_start3A_2706 : memref<8x128xf32, #tpu.memory_space<hbm>>) target_semaphore(%dma_start3A_2702 : memref<!tpu.dma_semaphore, #tpu.memory_space<semaphore_mem>>)
      %dma_start3A_2711 = arith.constant 0 : i32
      %dma_start3A_2712 = arith.constant 0 : i32
      %dma_start3A_2713 = tpu.memref_slice %arg5[%rem3A_1545, %dma_start3A_2711, %dma_start3A_2712] : memref<8x8x128xf32, #tpu.memory_space<vmem>> -> memref<1x8x128xf32, #tpu.memory_space<vmem>>
      %dma_start3A_2714 = tpu.memref_squeeze %dma_start3A_2713 : memref<1x8x128xf32, #tpu.memory_space<vmem>> -> memref<8x128xf32, #tpu.memory_space<vmem>>
      %dma_start3A_2715 = arith.constant 0 : i32
      %dma_start3A_2716 = arith.constant 0 : i32
      %dma_start3A_2717 = tpu.memref_slice %arg4[%add3A_2582, %dma_start3A_2715, %dma_start3A_2716] : memref<32768x8x144xf32, #tpu.memory_space<hbm>> -> memref<1x8x128xf32, #tpu.memory_space<hbm>>
      %dma_start3A_2718 = tpu.memref_squeeze %dma_start3A_2717 : memref<1x8x128xf32, #tpu.memory_space<hbm>> -> memref<8x128xf32, #tpu.memory_space<hbm>>
      %dma_start3A_2719 = tpu.memref_slice %arg9[%rem3A_1545] : memref<8x!tpu.dma_semaphore, #tpu.memory_space<semaphore_mem>> -> memref<1x!tpu.dma_semaphore, #tpu.memory_space<semaphore_mem>>
      %dma_start3A_2720 = tpu.memref_squeeze %dma_start3A_2719 : memref<1x!tpu.dma_semaphore, #tpu.memory_space<semaphore_mem>> -> memref<!tpu.dma_semaphore, #tpu.memory_space<semaphore_mem>>
      %dma_start3A_2721 = arith.constant 0 : i32
      %dma_start3A_2722 = arith.constant 0 : i32
      %dma_start3A_2723 = tpu.memref_slice %arg4[%add3A_2582, %dma_start3A_2721, %dma_start3A_2722] : memref<32768x8x144xf32, #tpu.memory_space<hbm>> -> memref<1x8x128xf32, #tpu.memory_space<hbm>>
      %dma_start3A_2724 = tpu.memref_squeeze %dma_start3A_2723 : memref<1x8x128xf32, #tpu.memory_space<hbm>> -> memref<8x128xf32, #tpu.memory_space<hbm>>
      %dma_start3A_2725 = arith.constant 0 : i32
      %dma_start3A_2726 = arith.constant 0 : i32
      %dma_start3A_2727 = tpu.memref_slice %arg5[%rem3A_1545, %dma_start3A_2725, %dma_start3A_2726] : memref<8x8x128xf32, #tpu.memory_space<vmem>> -> memref<1x8x128xf32, #tpu.memory_space<vmem>>
      %dma_start3A_2728 = tpu.memref_squeeze %dma_start3A_2727 : memref<1x8x128xf32, #tpu.memory_space<vmem>> -> memref<8x128xf32, #tpu.memory_space<vmem>>
      tpu.enqueue_dma source(%dma_start3A_2728 : memref<8x128xf32, #tpu.memory_space<vmem>>) target(%dma_start3A_2724 : memref<8x128xf32, #tpu.memory_space<hbm>>) target_semaphore(%dma_start3A_2720 : memref<!tpu.dma_semaphore, #tpu.memory_space<semaphore_mem>>)
      %dma_start3A_2729 = arith.constant 0 : i32
      %dma_start3A_2730 = arith.constant 0 : i32
      %dma_start3A_2731 = arith.constant 0 : i32
      %dma_start3A_2732 = tpu.memref_slice %arg7[%rem3A_1545, %dma_start3A_2729, %dma_start3A_2730, %dma_start3A_2731] : memref<8x8x8x16xf32, #tpu.memory_space<vmem>> -> memref<1x8x8x16xf32, #tpu.memory_space<vmem>>
      %dma_start3A_2733 = tpu.memref_squeeze %dma_start3A_2732 : memref<1x8x8x16xf32, #tpu.memory_space<vmem>> -> memref<8x8x16xf32, #tpu.memory_space<vmem>>
      %dma_start3A_2734 = arith.constant 0 : i32
      %dma_start3A_2735 = arith.constant 128 : i32
      %dma_start3A_2736 = tpu.memref_slice %arg4[%mul3A_2584, %dma_start3A_2734, %dma_start3A_2735] : memref<32768x8x144xf32, #tpu.memory_space<hbm>> -> memref<8x8x16xf32, #tpu.memory_space<hbm>>
      %dma_start3A_2737 = tpu.memref_slice %arg9[%rem3A_1545] : memref<8x!tpu.dma_semaphore, #tpu.memory_space<semaphore_mem>> -> memref<1x!tpu.dma_semaphore, #tpu.memory_space<semaphore_mem>>
      %dma_start3A_2738 = tpu.memref_squeeze %dma_start3A_2737 : memref<1x!tpu.dma_semaphore, #tpu.memory_space<semaphore_mem>> -> memref<!tpu.dma_semaphore, #tpu.memory_space<semaphore_mem>>
      %dma_start3A_2739 = arith.constant 0 : i32
      %dma_start3A_2740 = arith.constant 128 : i32
      %dma_start3A_2741 = tpu.memref_slice %arg4[%mul3A_2584, %dma_start3A_2739, %dma_start3A_2740] : memref<32768x8x144xf32, #tpu.memory_space<hbm>> -> memref<8x8x16xf32, #tpu.memory_space<hbm>>
      %dma_start3A_2742 = arith.constant 0 : i32
      %dma_start3A_2743 = arith.constant 0 : i32
      %dma_start3A_2744 = arith.constant 0 : i32
      %dma_start3A_2745 = tpu.memref_slice %arg7[%rem3A_1545, %dma_start3A_2742, %dma_start3A_2743, %dma_start3A_2744] : memref<8x8x8x16xf32, #tpu.memory_space<vmem>> -> memref<1x8x8x16xf32, #tpu.memory_space<vmem>>
      %dma_start3A_2746 = tpu.memref_squeeze %dma_start3A_2745 : memref<1x8x8x16xf32, #tpu.memory_space<vmem>> -> memref<8x8x16xf32, #tpu.memory_space<vmem>>
      tpu.enqueue_dma source(%dma_start3A_2746 : memref<8x8x16xf32, #tpu.memory_space<vmem>>) target(%dma_start3A_2741 : memref<8x8x16xf32, #tpu.memory_space<hbm>>) target_semaphore(%dma_start3A_2738 : memref<!tpu.dma_semaphore, #tpu.memory_space<semaphore_mem>>)
      %scan3A_2747 = arith.constant 0 : i32
      scf.yield %scan3A_2747 : i32
    }
    %scan3A_45 = arith.constant 128 : i32
    %mul3A_46 = arith.constant 8 : i32
    %mul3A_47 = arith.muli %mul3A_2, %mul3A_46 : i32
    %add3A_48 = arith.constant 0 : i32
    %add3A_49 = arith.addi %mul3A_47, %add3A_48 : i32
    %mul3A_50 = arith.constant 8 : i32
    %mul3A_51 = arith.muli %mul3A_2, %mul3A_50 : i32
    %add3A_52 = arith.constant 1 : i32
    %add3A_53 = arith.addi %mul3A_51, %add3A_52 : i32
    %mul3A_54 = arith.constant 8 : i32
    %mul3A_55 = arith.muli %mul3A_2, %mul3A_54 : i32
    %add3A_56 = arith.constant 2 : i32
    %add3A_57 = arith.addi %mul3A_55, %add3A_56 : i32
    %mul3A_58 = arith.constant 8 : i32
    %mul3A_59 = arith.muli %mul3A_2, %mul3A_58 : i32
    %add3A_60 = arith.constant 3 : i32
    %add3A_61 = arith.addi %mul3A_59, %add3A_60 : i32
    %mul3A_62 = arith.constant 8 : i32
    %mul3A_63 = arith.muli %mul3A_2, %mul3A_62 : i32
    %add3A_64 = arith.constant 4 : i32
    %add3A_65 = arith.addi %mul3A_63, %add3A_64 : i32
    %mul3A_66 = arith.constant 8 : i32
    %mul3A_67 = arith.muli %mul3A_2, %mul3A_66 : i32
    %add3A_68 = arith.constant 5 : i32
    %add3A_69 = arith.addi %mul3A_67, %add3A_68 : i32
    %mul3A_70 = arith.constant 8 : i32
    %mul3A_71 = arith.muli %mul3A_2, %mul3A_70 : i32
    %add3A_72 = arith.constant 6 : i32
    %add3A_73 = arith.addi %mul3A_71, %add3A_72 : i32
    %mul3A_74 = arith.constant 8 : i32
    %mul3A_75 = arith.muli %mul3A_2, %mul3A_74 : i32
    %add3A_76 = arith.constant 7 : i32
    %add3A_77 = arith.addi %mul3A_75, %add3A_76 : i32
    %mul3A_78 = arith.constant 8 : i32
    %mul3A_79 = arith.muli %mul3A_2, %mul3A_78 : i32
    %dma_wait3A = arith.constant 1 : i32
    %dma_wait3A_80 = arith.constant 1 : i32
    %dma_wait3A_81 = arith.constant 0 : i32
    %dma_wait3A_82 = arith.constant 0 : i32
    %dma_wait3A_83 = tpu.memref_slice %arg5[%dma_wait3A, %dma_wait3A_81, %dma_wait3A_82] : memref<8x8x128xf32, #tpu.memory_space<vmem>> -> memref<1x8x128xf32, #tpu.memory_space<vmem>>
    %dma_wait3A_84 = tpu.memref_squeeze %dma_wait3A_83 : memref<1x8x128xf32, #tpu.memory_space<vmem>> -> memref<8x128xf32, #tpu.memory_space<vmem>>
    %dma_wait3A_85 = arith.constant 0 : i32
    %dma_wait3A_86 = arith.constant 0 : i32
    %dma_wait3A_87 = tpu.memref_slice %arg4[%add3A_49, %dma_wait3A_85, %dma_wait3A_86] : memref<32768x8x144xf32, #tpu.memory_space<hbm>> -> memref<1x8x128xf32, #tpu.memory_space<hbm>>
    %dma_wait3A_88 = tpu.memref_squeeze %dma_wait3A_87 : memref<1x8x128xf32, #tpu.memory_space<hbm>> -> memref<8x128xf32, #tpu.memory_space<hbm>>
    %dma_wait3A_89 = tpu.memref_slice %arg9[%dma_wait3A_80] : memref<8x!tpu.dma_semaphore, #tpu.memory_space<semaphore_mem>> -> memref<1x!tpu.dma_semaphore, #tpu.memory_space<semaphore_mem>>
    %dma_wait3A_90 = tpu.memref_squeeze %dma_wait3A_89 : memref<1x!tpu.dma_semaphore, #tpu.memory_space<semaphore_mem>> -> memref<!tpu.dma_semaphore, #tpu.memory_space<semaphore_mem>>
    %dma_wait3A_91 = arith.constant 0 : i32
    %dma_wait3A_92 = arith.constant 0 : i32
    %dma_wait3A_93 = tpu.memref_slice %arg4[%add3A_49, %dma_wait3A_91, %dma_wait3A_92] : memref<32768x8x144xf32, #tpu.memory_space<hbm>> -> memref<1x8x128xf32, #tpu.memory_space<hbm>>
    %dma_wait3A_94 = tpu.memref_squeeze %dma_wait3A_93 : memref<1x8x128xf32, #tpu.memory_space<hbm>> -> memref<8x128xf32, #tpu.memory_space<hbm>>
    %dma_wait3A_95 = arith.constant 0 : i32
    %dma_wait3A_96 = arith.constant 0 : i32
    %dma_wait3A_97 = tpu.memref_slice %arg5[%dma_wait3A, %dma_wait3A_95, %dma_wait3A_96] : memref<8x8x128xf32, #tpu.memory_space<vmem>> -> memref<1x8x128xf32, #tpu.memory_space<vmem>>
    %dma_wait3A_98 = tpu.memref_squeeze %dma_wait3A_97 : memref<1x8x128xf32, #tpu.memory_space<vmem>> -> memref<8x128xf32, #tpu.memory_space<vmem>>
    tpu.wait_dma2 semaphore(%dma_wait3A_90 : memref<!tpu.dma_semaphore, #tpu.memory_space<semaphore_mem>>) src(%dma_wait3A_98 : memref<8x128xf32, #tpu.memory_space<vmem>>) dst(%dma_wait3A_94 : memref<8x128xf32, #tpu.memory_space<hbm>>)
    %dma_wait3A_99 = arith.constant 1 : i32
    %dma_wait3A_100 = arith.constant 1 : i32
    %dma_wait3A_101 = arith.constant 0 : i32
    %dma_wait3A_102 = arith.constant 0 : i32
    %dma_wait3A_103 = tpu.memref_slice %arg5[%dma_wait3A_99, %dma_wait3A_101, %dma_wait3A_102] : memref<8x8x128xf32, #tpu.memory_space<vmem>> -> memref<1x8x128xf32, #tpu.memory_space<vmem>>
    %dma_wait3A_104 = tpu.memref_squeeze %dma_wait3A_103 : memref<1x8x128xf32, #tpu.memory_space<vmem>> -> memref<8x128xf32, #tpu.memory_space<vmem>>
    %dma_wait3A_105 = arith.constant 0 : i32
    %dma_wait3A_106 = arith.constant 0 : i32
    %dma_wait3A_107 = tpu.memref_slice %arg4[%add3A_53, %dma_wait3A_105, %dma_wait3A_106] : memref<32768x8x144xf32, #tpu.memory_space<hbm>> -> memref<1x8x128xf32, #tpu.memory_space<hbm>>
    %dma_wait3A_108 = tpu.memref_squeeze %dma_wait3A_107 : memref<1x8x128xf32, #tpu.memory_space<hbm>> -> memref<8x128xf32, #tpu.memory_space<hbm>>
    %dma_wait3A_109 = tpu.memref_slice %arg9[%dma_wait3A_100] : memref<8x!tpu.dma_semaphore, #tpu.memory_space<semaphore_mem>> -> memref<1x!tpu.dma_semaphore, #tpu.memory_space<semaphore_mem>>
    %dma_wait3A_110 = tpu.memref_squeeze %dma_wait3A_109 : memref<1x!tpu.dma_semaphore, #tpu.memory_space<semaphore_mem>> -> memref<!tpu.dma_semaphore, #tpu.memory_space<semaphore_mem>>
    %dma_wait3A_111 = arith.constant 0 : i32
    %dma_wait3A_112 = arith.constant 0 : i32
    %dma_wait3A_113 = tpu.memref_slice %arg4[%add3A_53, %dma_wait3A_111, %dma_wait3A_112] : memref<32768x8x144xf32, #tpu.memory_space<hbm>> -> memref<1x8x128xf32, #tpu.memory_space<hbm>>
    %dma_wait3A_114 = tpu.memref_squeeze %dma_wait3A_113 : memref<1x8x128xf32, #tpu.memory_space<hbm>> -> memref<8x128xf32, #tpu.memory_space<hbm>>
    %dma_wait3A_115 = arith.constant 0 : i32
    %dma_wait3A_116 = arith.constant 0 : i32
    %dma_wait3A_117 = tpu.memref_slice %arg5[%dma_wait3A_99, %dma_wait3A_115, %dma_wait3A_116] : memref<8x8x128xf32, #tpu.memory_space<vmem>> -> memref<1x8x128xf32, #tpu.memory_space<vmem>>
    %dma_wait3A_118 = tpu.memref_squeeze %dma_wait3A_117 : memref<1x8x128xf32, #tpu.memory_space<vmem>> -> memref<8x128xf32, #tpu.memory_space<vmem>>
    tpu.wait_dma2 semaphore(%dma_wait3A_110 : memref<!tpu.dma_semaphore, #tpu.memory_space<semaphore_mem>>) src(%dma_wait3A_118 : memref<8x128xf32, #tpu.memory_space<vmem>>) dst(%dma_wait3A_114 : memref<8x128xf32, #tpu.memory_space<hbm>>)
    %dma_wait3A_119 = arith.constant 1 : i32
    %dma_wait3A_120 = arith.constant 1 : i32
    %dma_wait3A_121 = arith.constant 0 : i32
    %dma_wait3A_122 = arith.constant 0 : i32
    %dma_wait3A_123 = tpu.memref_slice %arg5[%dma_wait3A_119, %dma_wait3A_121, %dma_wait3A_122] : memref<8x8x128xf32, #tpu.memory_space<vmem>> -> memref<1x8x128xf32, #tpu.memory_space<vmem>>
    %dma_wait3A_124 = tpu.memref_squeeze %dma_wait3A_123 : memref<1x8x128xf32, #tpu.memory_space<vmem>> -> memref<8x128xf32, #tpu.memory_space<vmem>>
    %dma_wait3A_125 = arith.constant 0 : i32
    %dma_wait3A_126 = arith.constant 0 : i32
    %dma_wait3A_127 = tpu.memref_slice %arg4[%add3A_57, %dma_wait3A_125, %dma_wait3A_126] : memref<32768x8x144xf32, #tpu.memory_space<hbm>> -> memref<1x8x128xf32, #tpu.memory_space<hbm>>
    %dma_wait3A_128 = tpu.memref_squeeze %dma_wait3A_127 : memref<1x8x128xf32, #tpu.memory_space<hbm>> -> memref<8x128xf32, #tpu.memory_space<hbm>>
    %dma_wait3A_129 = tpu.memref_slice %arg9[%dma_wait3A_120] : memref<8x!tpu.dma_semaphore, #tpu.memory_space<semaphore_mem>> -> memref<1x!tpu.dma_semaphore, #tpu.memory_space<semaphore_mem>>
    %dma_wait3A_130 = tpu.memref_squeeze %dma_wait3A_129 : memref<1x!tpu.dma_semaphore, #tpu.memory_space<semaphore_mem>> -> memref<!tpu.dma_semaphore, #tpu.memory_space<semaphore_mem>>
    %dma_wait3A_131 = arith.constant 0 : i32
    %dma_wait3A_132 = arith.constant 0 : i32
    %dma_wait3A_133 = tpu.memref_slice %arg4[%add3A_57, %dma_wait3A_131, %dma_wait3A_132] : memref<32768x8x144xf32, #tpu.memory_space<hbm>> -> memref<1x8x128xf32, #tpu.memory_space<hbm>>
    %dma_wait3A_134 = tpu.memref_squeeze %dma_wait3A_133 : memref<1x8x128xf32, #tpu.memory_space<hbm>> -> memref<8x128xf32, #tpu.memory_space<hbm>>
    %dma_wait3A_135 = arith.constant 0 : i32
    %dma_wait3A_136 = arith.constant 0 : i32
    %dma_wait3A_137 = tpu.memref_slice %arg5[%dma_wait3A_119, %dma_wait3A_135, %dma_wait3A_136] : memref<8x8x128xf32, #tpu.memory_space<vmem>> -> memref<1x8x128xf32, #tpu.memory_space<vmem>>
    %dma_wait3A_138 = tpu.memref_squeeze %dma_wait3A_137 : memref<1x8x128xf32, #tpu.memory_space<vmem>> -> memref<8x128xf32, #tpu.memory_space<vmem>>
    tpu.wait_dma2 semaphore(%dma_wait3A_130 : memref<!tpu.dma_semaphore, #tpu.memory_space<semaphore_mem>>) src(%dma_wait3A_138 : memref<8x128xf32, #tpu.memory_space<vmem>>) dst(%dma_wait3A_134 : memref<8x128xf32, #tpu.memory_space<hbm>>)
    %dma_wait3A_139 = arith.constant 1 : i32
    %dma_wait3A_140 = arith.constant 1 : i32
    %dma_wait3A_141 = arith.constant 0 : i32
    %dma_wait3A_142 = arith.constant 0 : i32
    %dma_wait3A_143 = tpu.memref_slice %arg5[%dma_wait3A_139, %dma_wait3A_141, %dma_wait3A_142] : memref<8x8x128xf32, #tpu.memory_space<vmem>> -> memref<1x8x128xf32, #tpu.memory_space<vmem>>
    %dma_wait3A_144 = tpu.memref_squeeze %dma_wait3A_143 : memref<1x8x128xf32, #tpu.memory_space<vmem>> -> memref<8x128xf32, #tpu.memory_space<vmem>>
    %dma_wait3A_145 = arith.constant 0 : i32
    %dma_wait3A_146 = arith.constant 0 : i32
    %dma_wait3A_147 = tpu.memref_slice %arg4[%add3A_61, %dma_wait3A_145, %dma_wait3A_146] : memref<32768x8x144xf32, #tpu.memory_space<hbm>> -> memref<1x8x128xf32, #tpu.memory_space<hbm>>
    %dma_wait3A_148 = tpu.memref_squeeze %dma_wait3A_147 : memref<1x8x128xf32, #tpu.memory_space<hbm>> -> memref<8x128xf32, #tpu.memory_space<hbm>>
    %dma_wait3A_149 = tpu.memref_slice %arg9[%dma_wait3A_140] : memref<8x!tpu.dma_semaphore, #tpu.memory_space<semaphore_mem>> -> memref<1x!tpu.dma_semaphore, #tpu.memory_space<semaphore_mem>>
    %dma_wait3A_150 = tpu.memref_squeeze %dma_wait3A_149 : memref<1x!tpu.dma_semaphore, #tpu.memory_space<semaphore_mem>> -> memref<!tpu.dma_semaphore, #tpu.memory_space<semaphore_mem>>
    %dma_wait3A_151 = arith.constant 0 : i32
    %dma_wait3A_152 = arith.constant 0 : i32
    %dma_wait3A_153 = tpu.memref_slice %arg4[%add3A_61, %dma_wait3A_151, %dma_wait3A_152] : memref<32768x8x144xf32, #tpu.memory_space<hbm>> -> memref<1x8x128xf32, #tpu.memory_space<hbm>>
    %dma_wait3A_154 = tpu.memref_squeeze %dma_wait3A_153 : memref<1x8x128xf32, #tpu.memory_space<hbm>> -> memref<8x128xf32, #tpu.memory_space<hbm>>
    %dma_wait3A_155 = arith.constant 0 : i32
    %dma_wait3A_156 = arith.constant 0 : i32
    %dma_wait3A_157 = tpu.memref_slice %arg5[%dma_wait3A_139, %dma_wait3A_155, %dma_wait3A_156] : memref<8x8x128xf32, #tpu.memory_space<vmem>> -> memref<1x8x128xf32, #tpu.memory_space<vmem>>
    %dma_wait3A_158 = tpu.memref_squeeze %dma_wait3A_157 : memref<1x8x128xf32, #tpu.memory_space<vmem>> -> memref<8x128xf32, #tpu.memory_space<vmem>>
    tpu.wait_dma2 semaphore(%dma_wait3A_150 : memref<!tpu.dma_semaphore, #tpu.memory_space<semaphore_mem>>) src(%dma_wait3A_158 : memref<8x128xf32, #tpu.memory_space<vmem>>) dst(%dma_wait3A_154 : memref<8x128xf32, #tpu.memory_space<hbm>>)
    %dma_wait3A_159 = arith.constant 1 : i32
    %dma_wait3A_160 = arith.constant 1 : i32
    %dma_wait3A_161 = arith.constant 0 : i32
    %dma_wait3A_162 = arith.constant 0 : i32
    %dma_wait3A_163 = tpu.memref_slice %arg5[%dma_wait3A_159, %dma_wait3A_161, %dma_wait3A_162] : memref<8x8x128xf32, #tpu.memory_space<vmem>> -> memref<1x8x128xf32, #tpu.memory_space<vmem>>
    %dma_wait3A_164 = tpu.memref_squeeze %dma_wait3A_163 : memref<1x8x128xf32, #tpu.memory_space<vmem>> -> memref<8x128xf32, #tpu.memory_space<vmem>>
    %dma_wait3A_165 = arith.constant 0 : i32
    %dma_wait3A_166 = arith.constant 0 : i32
    %dma_wait3A_167 = tpu.memref_slice %arg4[%add3A_65, %dma_wait3A_165, %dma_wait3A_166] : memref<32768x8x144xf32, #tpu.memory_space<hbm>> -> memref<1x8x128xf32, #tpu.memory_space<hbm>>
    %dma_wait3A_168 = tpu.memref_squeeze %dma_wait3A_167 : memref<1x8x128xf32, #tpu.memory_space<hbm>> -> memref<8x128xf32, #tpu.memory_space<hbm>>
    %dma_wait3A_169 = tpu.memref_slice %arg9[%dma_wait3A_160] : memref<8x!tpu.dma_semaphore, #tpu.memory_space<semaphore_mem>> -> memref<1x!tpu.dma_semaphore, #tpu.memory_space<semaphore_mem>>
    %dma_wait3A_170 = tpu.memref_squeeze %dma_wait3A_169 : memref<1x!tpu.dma_semaphore, #tpu.memory_space<semaphore_mem>> -> memref<!tpu.dma_semaphore, #tpu.memory_space<semaphore_mem>>
    %dma_wait3A_171 = arith.constant 0 : i32
    %dma_wait3A_172 = arith.constant 0 : i32
    %dma_wait3A_173 = tpu.memref_slice %arg4[%add3A_65, %dma_wait3A_171, %dma_wait3A_172] : memref<32768x8x144xf32, #tpu.memory_space<hbm>> -> memref<1x8x128xf32, #tpu.memory_space<hbm>>
    %dma_wait3A_174 = tpu.memref_squeeze %dma_wait3A_173 : memref<1x8x128xf32, #tpu.memory_space<hbm>> -> memref<8x128xf32, #tpu.memory_space<hbm>>
    %dma_wait3A_175 = arith.constant 0 : i32
    %dma_wait3A_176 = arith.constant 0 : i32
    %dma_wait3A_177 = tpu.memref_slice %arg5[%dma_wait3A_159, %dma_wait3A_175, %dma_wait3A_176] : memref<8x8x128xf32, #tpu.memory_space<vmem>> -> memref<1x8x128xf32, #tpu.memory_space<vmem>>
    %dma_wait3A_178 = tpu.memref_squeeze %dma_wait3A_177 : memref<1x8x128xf32, #tpu.memory_space<vmem>> -> memref<8x128xf32, #tpu.memory_space<vmem>>
    tpu.wait_dma2 semaphore(%dma_wait3A_170 : memref<!tpu.dma_semaphore, #tpu.memory_space<semaphore_mem>>) src(%dma_wait3A_178 : memref<8x128xf32, #tpu.memory_space<vmem>>) dst(%dma_wait3A_174 : memref<8x128xf32, #tpu.memory_space<hbm>>)
    %dma_wait3A_179 = arith.constant 1 : i32
    %dma_wait3A_180 = arith.constant 1 : i32
    %dma_wait3A_181 = arith.constant 0 : i32
    %dma_wait3A_182 = arith.constant 0 : i32
    %dma_wait3A_183 = tpu.memref_slice %arg5[%dma_wait3A_179, %dma_wait3A_181, %dma_wait3A_182] : memref<8x8x128xf32, #tpu.memory_space<vmem>> -> memref<1x8x128xf32, #tpu.memory_space<vmem>>
    %dma_wait3A_184 = tpu.memref_squeeze %dma_wait3A_183 : memref<1x8x128xf32, #tpu.memory_space<vmem>> -> memref<8x128xf32, #tpu.memory_space<vmem>>
    %dma_wait3A_185 = arith.constant 0 : i32
    %dma_wait3A_186 = arith.constant 0 : i32
    %dma_wait3A_187 = tpu.memref_slice %arg4[%add3A_69, %dma_wait3A_185, %dma_wait3A_186] : memref<32768x8x144xf32, #tpu.memory_space<hbm>> -> memref<1x8x128xf32, #tpu.memory_space<hbm>>
    %dma_wait3A_188 = tpu.memref_squeeze %dma_wait3A_187 : memref<1x8x128xf32, #tpu.memory_space<hbm>> -> memref<8x128xf32, #tpu.memory_space<hbm>>
    %dma_wait3A_189 = tpu.memref_slice %arg9[%dma_wait3A_180] : memref<8x!tpu.dma_semaphore, #tpu.memory_space<semaphore_mem>> -> memref<1x!tpu.dma_semaphore, #tpu.memory_space<semaphore_mem>>
    %dma_wait3A_190 = tpu.memref_squeeze %dma_wait3A_189 : memref<1x!tpu.dma_semaphore, #tpu.memory_space<semaphore_mem>> -> memref<!tpu.dma_semaphore, #tpu.memory_space<semaphore_mem>>
    %dma_wait3A_191 = arith.constant 0 : i32
    %dma_wait3A_192 = arith.constant 0 : i32
    %dma_wait3A_193 = tpu.memref_slice %arg4[%add3A_69, %dma_wait3A_191, %dma_wait3A_192] : memref<32768x8x144xf32, #tpu.memory_space<hbm>> -> memref<1x8x128xf32, #tpu.memory_space<hbm>>
    %dma_wait3A_194 = tpu.memref_squeeze %dma_wait3A_193 : memref<1x8x128xf32, #tpu.memory_space<hbm>> -> memref<8x128xf32, #tpu.memory_space<hbm>>
    %dma_wait3A_195 = arith.constant 0 : i32
    %dma_wait3A_196 = arith.constant 0 : i32
    %dma_wait3A_197 = tpu.memref_slice %arg5[%dma_wait3A_179, %dma_wait3A_195, %dma_wait3A_196] : memref<8x8x128xf32, #tpu.memory_space<vmem>> -> memref<1x8x128xf32, #tpu.memory_space<vmem>>
    %dma_wait3A_198 = tpu.memref_squeeze %dma_wait3A_197 : memref<1x8x128xf32, #tpu.memory_space<vmem>> -> memref<8x128xf32, #tpu.memory_space<vmem>>
    tpu.wait_dma2 semaphore(%dma_wait3A_190 : memref<!tpu.dma_semaphore, #tpu.memory_space<semaphore_mem>>) src(%dma_wait3A_198 : memref<8x128xf32, #tpu.memory_space<vmem>>) dst(%dma_wait3A_194 : memref<8x128xf32, #tpu.memory_space<hbm>>)
    %dma_wait3A_199 = arith.constant 1 : i32
    %dma_wait3A_200 = arith.constant 1 : i32
    %dma_wait3A_201 = arith.constant 0 : i32
    %dma_wait3A_202 = arith.constant 0 : i32
    %dma_wait3A_203 = tpu.memref_slice %arg5[%dma_wait3A_199, %dma_wait3A_201, %dma_wait3A_202] : memref<8x8x128xf32, #tpu.memory_space<vmem>> -> memref<1x8x128xf32, #tpu.memory_space<vmem>>
    %dma_wait3A_204 = tpu.memref_squeeze %dma_wait3A_203 : memref<1x8x128xf32, #tpu.memory_space<vmem>> -> memref<8x128xf32, #tpu.memory_space<vmem>>
    %dma_wait3A_205 = arith.constant 0 : i32
    %dma_wait3A_206 = arith.constant 0 : i32
    %dma_wait3A_207 = tpu.memref_slice %arg4[%add3A_73, %dma_wait3A_205, %dma_wait3A_206] : memref<32768x8x144xf32, #tpu.memory_space<hbm>> -> memref<1x8x128xf32, #tpu.memory_space<hbm>>
    %dma_wait3A_208 = tpu.memref_squeeze %dma_wait3A_207 : memref<1x8x128xf32, #tpu.memory_space<hbm>> -> memref<8x128xf32, #tpu.memory_space<hbm>>
    %dma_wait3A_209 = tpu.memref_slice %arg9[%dma_wait3A_200] : memref<8x!tpu.dma_semaphore, #tpu.memory_space<semaphore_mem>> -> memref<1x!tpu.dma_semaphore, #tpu.memory_space<semaphore_mem>>
    %dma_wait3A_210 = tpu.memref_squeeze %dma_wait3A_209 : memref<1x!tpu.dma_semaphore, #tpu.memory_space<semaphore_mem>> -> memref<!tpu.dma_semaphore, #tpu.memory_space<semaphore_mem>>
    %dma_wait3A_211 = arith.constant 0 : i32
    %dma_wait3A_212 = arith.constant 0 : i32
    %dma_wait3A_213 = tpu.memref_slice %arg4[%add3A_73, %dma_wait3A_211, %dma_wait3A_212] : memref<32768x8x144xf32, #tpu.memory_space<hbm>> -> memref<1x8x128xf32, #tpu.memory_space<hbm>>
    %dma_wait3A_214 = tpu.memref_squeeze %dma_wait3A_213 : memref<1x8x128xf32, #tpu.memory_space<hbm>> -> memref<8x128xf32, #tpu.memory_space<hbm>>
    %dma_wait3A_215 = arith.constant 0 : i32
    %dma_wait3A_216 = arith.constant 0 : i32
    %dma_wait3A_217 = tpu.memref_slice %arg5[%dma_wait3A_199, %dma_wait3A_215, %dma_wait3A_216] : memref<8x8x128xf32, #tpu.memory_space<vmem>> -> memref<1x8x128xf32, #tpu.memory_space<vmem>>
    %dma_wait3A_218 = tpu.memref_squeeze %dma_wait3A_217 : memref<1x8x128xf32, #tpu.memory_space<vmem>> -> memref<8x128xf32, #tpu.memory_space<vmem>>
    tpu.wait_dma2 semaphore(%dma_wait3A_210 : memref<!tpu.dma_semaphore, #tpu.memory_space<semaphore_mem>>) src(%dma_wait3A_218 : memref<8x128xf32, #tpu.memory_space<vmem>>) dst(%dma_wait3A_214 : memref<8x128xf32, #tpu.memory_space<hbm>>)
    %dma_wait3A_219 = arith.constant 1 : i32
    %dma_wait3A_220 = arith.constant 1 : i32
    %dma_wait3A_221 = arith.constant 0 : i32
    %dma_wait3A_222 = arith.constant 0 : i32
    %dma_wait3A_223 = tpu.memref_slice %arg5[%dma_wait3A_219, %dma_wait3A_221, %dma_wait3A_222] : memref<8x8x128xf32, #tpu.memory_space<vmem>> -> memref<1x8x128xf32, #tpu.memory_space<vmem>>
    %dma_wait3A_224 = tpu.memref_squeeze %dma_wait3A_223 : memref<1x8x128xf32, #tpu.memory_space<vmem>> -> memref<8x128xf32, #tpu.memory_space<vmem>>
    %dma_wait3A_225 = arith.constant 0 : i32
    %dma_wait3A_226 = arith.constant 0 : i32
    %dma_wait3A_227 = tpu.memref_slice %arg4[%add3A_77, %dma_wait3A_225, %dma_wait3A_226] : memref<32768x8x144xf32, #tpu.memory_space<hbm>> -> memref<1x8x128xf32, #tpu.memory_space<hbm>>
    %dma_wait3A_228 = tpu.memref_squeeze %dma_wait3A_227 : memref<1x8x128xf32, #tpu.memory_space<hbm>> -> memref<8x128xf32, #tpu.memory_space<hbm>>
    %dma_wait3A_229 = tpu.memref_slice %arg9[%dma_wait3A_220] : memref<8x!tpu.dma_semaphore, #tpu.memory_space<semaphore_mem>> -> memref<1x!tpu.dma_semaphore, #tpu.memory_space<semaphore_mem>>
    %dma_wait3A_230 = tpu.memref_squeeze %dma_wait3A_229 : memref<1x!tpu.dma_semaphore, #tpu.memory_space<semaphore_mem>> -> memref<!tpu.dma_semaphore, #tpu.memory_space<semaphore_mem>>
    %dma_wait3A_231 = arith.constant 0 : i32
    %dma_wait3A_232 = arith.constant 0 : i32
    %dma_wait3A_233 = tpu.memref_slice %arg4[%add3A_77, %dma_wait3A_231, %dma_wait3A_232] : memref<32768x8x144xf32, #tpu.memory_space<hbm>> -> memref<1x8x128xf32, #tpu.memory_space<hbm>>
    %dma_wait3A_234 = tpu.memref_squeeze %dma_wait3A_233 : memref<1x8x128xf32, #tpu.memory_space<hbm>> -> memref<8x128xf32, #tpu.memory_space<hbm>>
    %dma_wait3A_235 = arith.constant 0 : i32
    %dma_wait3A_236 = arith.constant 0 : i32
    %dma_wait3A_237 = tpu.memref_slice %arg5[%dma_wait3A_219, %dma_wait3A_235, %dma_wait3A_236] : memref<8x8x128xf32, #tpu.memory_space<vmem>> -> memref<1x8x128xf32, #tpu.memory_space<vmem>>
    %dma_wait3A_238 = tpu.memref_squeeze %dma_wait3A_237 : memref<1x8x128xf32, #tpu.memory_space<vmem>> -> memref<8x128xf32, #tpu.memory_space<vmem>>
    tpu.wait_dma2 semaphore(%dma_wait3A_230 : memref<!tpu.dma_semaphore, #tpu.memory_space<semaphore_mem>>) src(%dma_wait3A_238 : memref<8x128xf32, #tpu.memory_space<vmem>>) dst(%dma_wait3A_234 : memref<8x128xf32, #tpu.memory_space<hbm>>)
    %dma_wait3A_239 = arith.constant 1 : i32
    %dma_wait3A_240 = arith.constant 1 : i32
    %dma_wait3A_241 = arith.constant 0 : i32
    %dma_wait3A_242 = arith.constant 0 : i32
    %dma_wait3A_243 = arith.constant 0 : i32
    %dma_wait3A_244 = tpu.memref_slice %arg7[%dma_wait3A_239, %dma_wait3A_241, %dma_wait3A_242, %dma_wait3A_243] : memref<8x8x8x16xf32, #tpu.memory_space<vmem>> -> memref<1x8x8x16xf32, #tpu.memory_space<vmem>>
    %dma_wait3A_245 = tpu.memref_squeeze %dma_wait3A_244 : memref<1x8x8x16xf32, #tpu.memory_space<vmem>> -> memref<8x8x16xf32, #tpu.memory_space<vmem>>
    %dma_wait3A_246 = arith.constant 0 : i32
    %dma_wait3A_247 = arith.constant 128 : i32
    %dma_wait3A_248 = tpu.memref_slice %arg4[%mul3A_79, %dma_wait3A_246, %dma_wait3A_247] : memref<32768x8x144xf32, #tpu.memory_space<hbm>> -> memref<8x8x16xf32, #tpu.memory_space<hbm>>
    %dma_wait3A_249 = tpu.memref_slice %arg9[%dma_wait3A_240] : memref<8x!tpu.dma_semaphore, #tpu.memory_space<semaphore_mem>> -> memref<1x!tpu.dma_semaphore, #tpu.memory_space<semaphore_mem>>
    %dma_wait3A_250 = tpu.memref_squeeze %dma_wait3A_249 : memref<1x!tpu.dma_semaphore, #tpu.memory_space<semaphore_mem>> -> memref<!tpu.dma_semaphore, #tpu.memory_space<semaphore_mem>>
    %dma_wait3A_251 = arith.constant 0 : i32
    %dma_wait3A_252 = arith.constant 128 : i32
    %dma_wait3A_253 = tpu.memref_slice %arg4[%mul3A_79, %dma_wait3A_251, %dma_wait3A_252] : memref<32768x8x144xf32, #tpu.memory_space<hbm>> -> memref<8x8x16xf32, #tpu.memory_space<hbm>>
    %dma_wait3A_254 = arith.constant 0 : i32
    %dma_wait3A_255 = arith.constant 0 : i32
    %dma_wait3A_256 = arith.constant 0 : i32
    %dma_wait3A_257 = tpu.memref_slice %arg7[%dma_wait3A_239, %dma_wait3A_254, %dma_wait3A_255, %dma_wait3A_256] : memref<8x8x8x16xf32, #tpu.memory_space<vmem>> -> memref<1x8x8x16xf32, #tpu.memory_space<vmem>>
    %dma_wait3A_258 = tpu.memref_squeeze %dma_wait3A_257 : memref<1x8x8x16xf32, #tpu.memory_space<vmem>> -> memref<8x8x16xf32, #tpu.memory_space<vmem>>
    tpu.wait_dma2 semaphore(%dma_wait3A_250 : memref<!tpu.dma_semaphore, #tpu.memory_space<semaphore_mem>>) src(%dma_wait3A_258 : memref<8x8x16xf32, #tpu.memory_space<vmem>>) dst(%dma_wait3A_253 : memref<8x8x16xf32, #tpu.memory_space<hbm>>)
    %mul3A_259 = arith.constant 8 : i32
    %mul3A_260 = arith.muli %mul3A_2, %mul3A_259 : i32
    %add3A_261 = arith.constant 0 : i32
    %add3A_262 = arith.addi %mul3A_260, %add3A_261 : i32
    %mul3A_263 = arith.constant 8 : i32
    %mul3A_264 = arith.muli %mul3A_2, %mul3A_263 : i32
    %add3A_265 = arith.constant 1 : i32
    %add3A_266 = arith.addi %mul3A_264, %add3A_265 : i32
    %mul3A_267 = arith.constant 8 : i32
    %mul3A_268 = arith.muli %mul3A_2, %mul3A_267 : i32
    %add3A_269 = arith.constant 2 : i32
    %add3A_270 = arith.addi %mul3A_268, %add3A_269 : i32
    %mul3A_271 = arith.constant 8 : i32
    %mul3A_272 = arith.muli %mul3A_2, %mul3A_271 : i32
    %add3A_273 = arith.constant 3 : i32
    %add3A_274 = arith.addi %mul3A_272, %add3A_273 : i32
    %mul3A_275 = arith.constant 8 : i32
    %mul3A_276 = arith.muli %mul3A_2, %mul3A_275 : i32
    %add3A_277 = arith.constant 4 : i32
    %add3A_278 = arith.addi %mul3A_276, %add3A_277 : i32
    %mul3A_279 = arith.constant 8 : i32
    %mul3A_280 = arith.muli %mul3A_2, %mul3A_279 : i32
    %add3A_281 = arith.constant 5 : i32
    %add3A_282 = arith.addi %mul3A_280, %add3A_281 : i32
    %mul3A_283 = arith.constant 8 : i32
    %mul3A_284 = arith.muli %mul3A_2, %mul3A_283 : i32
    %add3A_285 = arith.constant 6 : i32
    %add3A_286 = arith.addi %mul3A_284, %add3A_285 : i32
    %mul3A_287 = arith.constant 8 : i32
    %mul3A_288 = arith.muli %mul3A_2, %mul3A_287 : i32
    %add3A_289 = arith.constant 7 : i32
    %add3A_290 = arith.addi %mul3A_288, %add3A_289 : i32
    %mul3A_291 = arith.constant 8 : i32
    %mul3A_292 = arith.muli %mul3A_2, %mul3A_291 : i32
    %dma_wait3A_293 = arith.constant 2 : i32
    %dma_wait3A_294 = arith.constant 2 : i32
    %dma_wait3A_295 = arith.constant 0 : i32
    %dma_wait3A_296 = arith.constant 0 : i32
    %dma_wait3A_297 = tpu.memref_slice %arg5[%dma_wait3A_293, %dma_wait3A_295, %dma_wait3A_296] : memref<8x8x128xf32, #tpu.memory_space<vmem>> -> memref<1x8x128xf32, #tpu.memory_space<vmem>>
    %dma_wait3A_298 = tpu.memref_squeeze %dma_wait3A_297 : memref<1x8x128xf32, #tpu.memory_space<vmem>> -> memref<8x128xf32, #tpu.memory_space<vmem>>
    %dma_wait3A_299 = arith.constant 0 : i32
    %dma_wait3A_300 = arith.constant 0 : i32
    %dma_wait3A_301 = tpu.memref_slice %arg4[%add3A_262, %dma_wait3A_299, %dma_wait3A_300] : memref<32768x8x144xf32, #tpu.memory_space<hbm>> -> memref<1x8x128xf32, #tpu.memory_space<hbm>>
    %dma_wait3A_302 = tpu.memref_squeeze %dma_wait3A_301 : memref<1x8x128xf32, #tpu.memory_space<hbm>> -> memref<8x128xf32, #tpu.memory_space<hbm>>
    %dma_wait3A_303 = tpu.memref_slice %arg9[%dma_wait3A_294] : memref<8x!tpu.dma_semaphore, #tpu.memory_space<semaphore_mem>> -> memref<1x!tpu.dma_semaphore, #tpu.memory_space<semaphore_mem>>
    %dma_wait3A_304 = tpu.memref_squeeze %dma_wait3A_303 : memref<1x!tpu.dma_semaphore, #tpu.memory_space<semaphore_mem>> -> memref<!tpu.dma_semaphore, #tpu.memory_space<semaphore_mem>>
    %dma_wait3A_305 = arith.constant 0 : i32
    %dma_wait3A_306 = arith.constant 0 : i32
    %dma_wait3A_307 = tpu.memref_slice %arg4[%add3A_262, %dma_wait3A_305, %dma_wait3A_306] : memref<32768x8x144xf32, #tpu.memory_space<hbm>> -> memref<1x8x128xf32, #tpu.memory_space<hbm>>
    %dma_wait3A_308 = tpu.memref_squeeze %dma_wait3A_307 : memref<1x8x128xf32, #tpu.memory_space<hbm>> -> memref<8x128xf32, #tpu.memory_space<hbm>>
    %dma_wait3A_309 = arith.constant 0 : i32
    %dma_wait3A_310 = arith.constant 0 : i32
    %dma_wait3A_311 = tpu.memref_slice %arg5[%dma_wait3A_293, %dma_wait3A_309, %dma_wait3A_310] : memref<8x8x128xf32, #tpu.memory_space<vmem>> -> memref<1x8x128xf32, #tpu.memory_space<vmem>>
    %dma_wait3A_312 = tpu.memref_squeeze %dma_wait3A_311 : memref<1x8x128xf32, #tpu.memory_space<vmem>> -> memref<8x128xf32, #tpu.memory_space<vmem>>
    tpu.wait_dma2 semaphore(%dma_wait3A_304 : memref<!tpu.dma_semaphore, #tpu.memory_space<semaphore_mem>>) src(%dma_wait3A_312 : memref<8x128xf32, #tpu.memory_space<vmem>>) dst(%dma_wait3A_308 : memref<8x128xf32, #tpu.memory_space<hbm>>)
    %dma_wait3A_313 = arith.constant 2 : i32
    %dma_wait3A_314 = arith.constant 2 : i32
    %dma_wait3A_315 = arith.constant 0 : i32
    %dma_wait3A_316 = arith.constant 0 : i32
    %dma_wait3A_317 = tpu.memref_slice %arg5[%dma_wait3A_313, %dma_wait3A_315, %dma_wait3A_316] : memref<8x8x128xf32, #tpu.memory_space<vmem>> -> memref<1x8x128xf32, #tpu.memory_space<vmem>>
    %dma_wait3A_318 = tpu.memref_squeeze %dma_wait3A_317 : memref<1x8x128xf32, #tpu.memory_space<vmem>> -> memref<8x128xf32, #tpu.memory_space<vmem>>
    %dma_wait3A_319 = arith.constant 0 : i32
    %dma_wait3A_320 = arith.constant 0 : i32
    %dma_wait3A_321 = tpu.memref_slice %arg4[%add3A_266, %dma_wait3A_319, %dma_wait3A_320] : memref<32768x8x144xf32, #tpu.memory_space<hbm>> -> memref<1x8x128xf32, #tpu.memory_space<hbm>>
    %dma_wait3A_322 = tpu.memref_squeeze %dma_wait3A_321 : memref<1x8x128xf32, #tpu.memory_space<hbm>> -> memref<8x128xf32, #tpu.memory_space<hbm>>
    %dma_wait3A_323 = tpu.memref_slice %arg9[%dma_wait3A_314] : memref<8x!tpu.dma_semaphore, #tpu.memory_space<semaphore_mem>> -> memref<1x!tpu.dma_semaphore, #tpu.memory_space<semaphore_mem>>
    %dma_wait3A_324 = tpu.memref_squeeze %dma_wait3A_323 : memref<1x!tpu.dma_semaphore, #tpu.memory_space<semaphore_mem>> -> memref<!tpu.dma_semaphore, #tpu.memory_space<semaphore_mem>>
    %dma_wait3A_325 = arith.constant 0 : i32
    %dma_wait3A_326 = arith.constant 0 : i32
    %dma_wait3A_327 = tpu.memref_slice %arg4[%add3A_266, %dma_wait3A_325, %dma_wait3A_326] : memref<32768x8x144xf32, #tpu.memory_space<hbm>> -> memref<1x8x128xf32, #tpu.memory_space<hbm>>
    %dma_wait3A_328 = tpu.memref_squeeze %dma_wait3A_327 : memref<1x8x128xf32, #tpu.memory_space<hbm>> -> memref<8x128xf32, #tpu.memory_space<hbm>>
    %dma_wait3A_329 = arith.constant 0 : i32
    %dma_wait3A_330 = arith.constant 0 : i32
    %dma_wait3A_331 = tpu.memref_slice %arg5[%dma_wait3A_313, %dma_wait3A_329, %dma_wait3A_330] : memref<8x8x128xf32, #tpu.memory_space<vmem>> -> memref<1x8x128xf32, #tpu.memory_space<vmem>>
    %dma_wait3A_332 = tpu.memref_squeeze %dma_wait3A_331 : memref<1x8x128xf32, #tpu.memory_space<vmem>> -> memref<8x128xf32, #tpu.memory_space<vmem>>
    tpu.wait_dma2 semaphore(%dma_wait3A_324 : memref<!tpu.dma_semaphore, #tpu.memory_space<semaphore_mem>>) src(%dma_wait3A_332 : memref<8x128xf32, #tpu.memory_space<vmem>>) dst(%dma_wait3A_328 : memref<8x128xf32, #tpu.memory_space<hbm>>)
    %dma_wait3A_333 = arith.constant 2 : i32
    %dma_wait3A_334 = arith.constant 2 : i32
    %dma_wait3A_335 = arith.constant 0 : i32
    %dma_wait3A_336 = arith.constant 0 : i32
    %dma_wait3A_337 = tpu.memref_slice %arg5[%dma_wait3A_333, %dma_wait3A_335, %dma_wait3A_336] : memref<8x8x128xf32, #tpu.memory_space<vmem>> -> memref<1x8x128xf32, #tpu.memory_space<vmem>>
    %dma_wait3A_338 = tpu.memref_squeeze %dma_wait3A_337 : memref<1x8x128xf32, #tpu.memory_space<vmem>> -> memref<8x128xf32, #tpu.memory_space<vmem>>
    %dma_wait3A_339 = arith.constant 0 : i32
    %dma_wait3A_340 = arith.constant 0 : i32
    %dma_wait3A_341 = tpu.memref_slice %arg4[%add3A_270, %dma_wait3A_339, %dma_wait3A_340] : memref<32768x8x144xf32, #tpu.memory_space<hbm>> -> memref<1x8x128xf32, #tpu.memory_space<hbm>>
    %dma_wait3A_342 = tpu.memref_squeeze %dma_wait3A_341 : memref<1x8x128xf32, #tpu.memory_space<hbm>> -> memref<8x128xf32, #tpu.memory_space<hbm>>
    %dma_wait3A_343 = tpu.memref_slice %arg9[%dma_wait3A_334] : memref<8x!tpu.dma_semaphore, #tpu.memory_space<semaphore_mem>> -> memref<1x!tpu.dma_semaphore, #tpu.memory_space<semaphore_mem>>
    %dma_wait3A_344 = tpu.memref_squeeze %dma_wait3A_343 : memref<1x!tpu.dma_semaphore, #tpu.memory_space<semaphore_mem>> -> memref<!tpu.dma_semaphore, #tpu.memory_space<semaphore_mem>>
    %dma_wait3A_345 = arith.constant 0 : i32
    %dma_wait3A_346 = arith.constant 0 : i32
    %dma_wait3A_347 = tpu.memref_slice %arg4[%add3A_270, %dma_wait3A_345, %dma_wait3A_346] : memref<32768x8x144xf32, #tpu.memory_space<hbm>> -> memref<1x8x128xf32, #tpu.memory_space<hbm>>
    %dma_wait3A_348 = tpu.memref_squeeze %dma_wait3A_347 : memref<1x8x128xf32, #tpu.memory_space<hbm>> -> memref<8x128xf32, #tpu.memory_space<hbm>>
    %dma_wait3A_349 = arith.constant 0 : i32
    %dma_wait3A_350 = arith.constant 0 : i32
    %dma_wait3A_351 = tpu.memref_slice %arg5[%dma_wait3A_333, %dma_wait3A_349, %dma_wait3A_350] : memref<8x8x128xf32, #tpu.memory_space<vmem>> -> memref<1x8x128xf32, #tpu.memory_space<vmem>>
    %dma_wait3A_352 = tpu.memref_squeeze %dma_wait3A_351 : memref<1x8x128xf32, #tpu.memory_space<vmem>> -> memref<8x128xf32, #tpu.memory_space<vmem>>
    tpu.wait_dma2 semaphore(%dma_wait3A_344 : memref<!tpu.dma_semaphore, #tpu.memory_space<semaphore_mem>>) src(%dma_wait3A_352 : memref<8x128xf32, #tpu.memory_space<vmem>>) dst(%dma_wait3A_348 : memref<8x128xf32, #tpu.memory_space<hbm>>)
    %dma_wait3A_353 = arith.constant 2 : i32
    %dma_wait3A_354 = arith.constant 2 : i32
    %dma_wait3A_355 = arith.constant 0 : i32
    %dma_wait3A_356 = arith.constant 0 : i32
    %dma_wait3A_357 = tpu.memref_slice %arg5[%dma_wait3A_353, %dma_wait3A_355, %dma_wait3A_356] : memref<8x8x128xf32, #tpu.memory_space<vmem>> -> memref<1x8x128xf32, #tpu.memory_space<vmem>>
    %dma_wait3A_358 = tpu.memref_squeeze %dma_wait3A_357 : memref<1x8x128xf32, #tpu.memory_space<vmem>> -> memref<8x128xf32, #tpu.memory_space<vmem>>
    %dma_wait3A_359 = arith.constant 0 : i32
    %dma_wait3A_360 = arith.constant 0 : i32
    %dma_wait3A_361 = tpu.memref_slice %arg4[%add3A_274, %dma_wait3A_359, %dma_wait3A_360] : memref<32768x8x144xf32, #tpu.memory_space<hbm>> -> memref<1x8x128xf32, #tpu.memory_space<hbm>>
    %dma_wait3A_362 = tpu.memref_squeeze %dma_wait3A_361 : memref<1x8x128xf32, #tpu.memory_space<hbm>> -> memref<8x128xf32, #tpu.memory_space<hbm>>
    %dma_wait3A_363 = tpu.memref_slice %arg9[%dma_wait3A_354] : memref<8x!tpu.dma_semaphore, #tpu.memory_space<semaphore_mem>> -> memref<1x!tpu.dma_semaphore, #tpu.memory_space<semaphore_mem>>
    %dma_wait3A_364 = tpu.memref_squeeze %dma_wait3A_363 : memref<1x!tpu.dma_semaphore, #tpu.memory_space<semaphore_mem>> -> memref<!tpu.dma_semaphore, #tpu.memory_space<semaphore_mem>>
    %dma_wait3A_365 = arith.constant 0 : i32
    %dma_wait3A_366 = arith.constant 0 : i32
    %dma_wait3A_367 = tpu.memref_slice %arg4[%add3A_274, %dma_wait3A_365, %dma_wait3A_366] : memref<32768x8x144xf32, #tpu.memory_space<hbm>> -> memref<1x8x128xf32, #tpu.memory_space<hbm>>
    %dma_wait3A_368 = tpu.memref_squeeze %dma_wait3A_367 : memref<1x8x128xf32, #tpu.memory_space<hbm>> -> memref<8x128xf32, #tpu.memory_space<hbm>>
    %dma_wait3A_369 = arith.constant 0 : i32
    %dma_wait3A_370 = arith.constant 0 : i32
    %dma_wait3A_371 = tpu.memref_slice %arg5[%dma_wait3A_353, %dma_wait3A_369, %dma_wait3A_370] : memref<8x8x128xf32, #tpu.memory_space<vmem>> -> memref<1x8x128xf32, #tpu.memory_space<vmem>>
    %dma_wait3A_372 = tpu.memref_squeeze %dma_wait3A_371 : memref<1x8x128xf32, #tpu.memory_space<vmem>> -> memref<8x128xf32, #tpu.memory_space<vmem>>
    tpu.wait_dma2 semaphore(%dma_wait3A_364 : memref<!tpu.dma_semaphore, #tpu.memory_space<semaphore_mem>>) src(%dma_wait3A_372 : memref<8x128xf32, #tpu.memory_space<vmem>>) dst(%dma_wait3A_368 : memref<8x128xf32, #tpu.memory_space<hbm>>)
    %dma_wait3A_373 = arith.constant 2 : i32
    %dma_wait3A_374 = arith.constant 2 : i32
    %dma_wait3A_375 = arith.constant 0 : i32
    %dma_wait3A_376 = arith.constant 0 : i32
    %dma_wait3A_377 = tpu.memref_slice %arg5[%dma_wait3A_373, %dma_wait3A_375, %dma_wait3A_376] : memref<8x8x128xf32, #tpu.memory_space<vmem>> -> memref<1x8x128xf32, #tpu.memory_space<vmem>>
    %dma_wait3A_378 = tpu.memref_squeeze %dma_wait3A_377 : memref<1x8x128xf32, #tpu.memory_space<vmem>> -> memref<8x128xf32, #tpu.memory_space<vmem>>
    %dma_wait3A_379 = arith.constant 0 : i32
    %dma_wait3A_380 = arith.constant 0 : i32
    %dma_wait3A_381 = tpu.memref_slice %arg4[%add3A_278, %dma_wait3A_379, %dma_wait3A_380] : memref<32768x8x144xf32, #tpu.memory_space<hbm>> -> memref<1x8x128xf32, #tpu.memory_space<hbm>>
    %dma_wait3A_382 = tpu.memref_squeeze %dma_wait3A_381 : memref<1x8x128xf32, #tpu.memory_space<hbm>> -> memref<8x128xf32, #tpu.memory_space<hbm>>
    %dma_wait3A_383 = tpu.memref_slice %arg9[%dma_wait3A_374] : memref<8x!tpu.dma_semaphore, #tpu.memory_space<semaphore_mem>> -> memref<1x!tpu.dma_semaphore, #tpu.memory_space<semaphore_mem>>
    %dma_wait3A_384 = tpu.memref_squeeze %dma_wait3A_383 : memref<1x!tpu.dma_semaphore, #tpu.memory_space<semaphore_mem>> -> memref<!tpu.dma_semaphore, #tpu.memory_space<semaphore_mem>>
    %dma_wait3A_385 = arith.constant 0 : i32
    %dma_wait3A_386 = arith.constant 0 : i32
    %dma_wait3A_387 = tpu.memref_slice %arg4[%add3A_278, %dma_wait3A_385, %dma_wait3A_386] : memref<32768x8x144xf32, #tpu.memory_space<hbm>> -> memref<1x8x128xf32, #tpu.memory_space<hbm>>
    %dma_wait3A_388 = tpu.memref_squeeze %dma_wait3A_387 : memref<1x8x128xf32, #tpu.memory_space<hbm>> -> memref<8x128xf32, #tpu.memory_space<hbm>>
    %dma_wait3A_389 = arith.constant 0 : i32
    %dma_wait3A_390 = arith.constant 0 : i32
    %dma_wait3A_391 = tpu.memref_slice %arg5[%dma_wait3A_373, %dma_wait3A_389, %dma_wait3A_390] : memref<8x8x128xf32, #tpu.memory_space<vmem>> -> memref<1x8x128xf32, #tpu.memory_space<vmem>>
    %dma_wait3A_392 = tpu.memref_squeeze %dma_wait3A_391 : memref<1x8x128xf32, #tpu.memory_space<vmem>> -> memref<8x128xf32, #tpu.memory_space<vmem>>
    tpu.wait_dma2 semaphore(%dma_wait3A_384 : memref<!tpu.dma_semaphore, #tpu.memory_space<semaphore_mem>>) src(%dma_wait3A_392 : memref<8x128xf32, #tpu.memory_space<vmem>>) dst(%dma_wait3A_388 : memref<8x128xf32, #tpu.memory_space<hbm>>)
    %dma_wait3A_393 = arith.constant 2 : i32
    %dma_wait3A_394 = arith.constant 2 : i32
    %dma_wait3A_395 = arith.constant 0 : i32
    %dma_wait3A_396 = arith.constant 0 : i32
    %dma_wait3A_397 = tpu.memref_slice %arg5[%dma_wait3A_393, %dma_wait3A_395, %dma_wait3A_396] : memref<8x8x128xf32, #tpu.memory_space<vmem>> -> memref<1x8x128xf32, #tpu.memory_space<vmem>>
    %dma_wait3A_398 = tpu.memref_squeeze %dma_wait3A_397 : memref<1x8x128xf32, #tpu.memory_space<vmem>> -> memref<8x128xf32, #tpu.memory_space<vmem>>
    %dma_wait3A_399 = arith.constant 0 : i32
    %dma_wait3A_400 = arith.constant 0 : i32
    %dma_wait3A_401 = tpu.memref_slice %arg4[%add3A_282, %dma_wait3A_399, %dma_wait3A_400] : memref<32768x8x144xf32, #tpu.memory_space<hbm>> -> memref<1x8x128xf32, #tpu.memory_space<hbm>>
    %dma_wait3A_402 = tpu.memref_squeeze %dma_wait3A_401 : memref<1x8x128xf32, #tpu.memory_space<hbm>> -> memref<8x128xf32, #tpu.memory_space<hbm>>
    %dma_wait3A_403 = tpu.memref_slice %arg9[%dma_wait3A_394] : memref<8x!tpu.dma_semaphore, #tpu.memory_space<semaphore_mem>> -> memref<1x!tpu.dma_semaphore, #tpu.memory_space<semaphore_mem>>
    %dma_wait3A_404 = tpu.memref_squeeze %dma_wait3A_403 : memref<1x!tpu.dma_semaphore, #tpu.memory_space<semaphore_mem>> -> memref<!tpu.dma_semaphore, #tpu.memory_space<semaphore_mem>>
    %dma_wait3A_405 = arith.constant 0 : i32
    %dma_wait3A_406 = arith.constant 0 : i32
    %dma_wait3A_407 = tpu.memref_slice %arg4[%add3A_282, %dma_wait3A_405, %dma_wait3A_406] : memref<32768x8x144xf32, #tpu.memory_space<hbm>> -> memref<1x8x128xf32, #tpu.memory_space<hbm>>
    %dma_wait3A_408 = tpu.memref_squeeze %dma_wait3A_407 : memref<1x8x128xf32, #tpu.memory_space<hbm>> -> memref<8x128xf32, #tpu.memory_space<hbm>>
    %dma_wait3A_409 = arith.constant 0 : i32
    %dma_wait3A_410 = arith.constant 0 : i32
    %dma_wait3A_411 = tpu.memref_slice %arg5[%dma_wait3A_393, %dma_wait3A_409, %dma_wait3A_410] : memref<8x8x128xf32, #tpu.memory_space<vmem>> -> memref<1x8x128xf32, #tpu.memory_space<vmem>>
    %dma_wait3A_412 = tpu.memref_squeeze %dma_wait3A_411 : memref<1x8x128xf32, #tpu.memory_space<vmem>> -> memref<8x128xf32, #tpu.memory_space<vmem>>
    tpu.wait_dma2 semaphore(%dma_wait3A_404 : memref<!tpu.dma_semaphore, #tpu.memory_space<semaphore_mem>>) src(%dma_wait3A_412 : memref<8x128xf32, #tpu.memory_space<vmem>>) dst(%dma_wait3A_408 : memref<8x128xf32, #tpu.memory_space<hbm>>)
    %dma_wait3A_413 = arith.constant 2 : i32
    %dma_wait3A_414 = arith.constant 2 : i32
    %dma_wait3A_415 = arith.constant 0 : i32
    %dma_wait3A_416 = arith.constant 0 : i32
    %dma_wait3A_417 = tpu.memref_slice %arg5[%dma_wait3A_413, %dma_wait3A_415, %dma_wait3A_416] : memref<8x8x128xf32, #tpu.memory_space<vmem>> -> memref<1x8x128xf32, #tpu.memory_space<vmem>>
    %dma_wait3A_418 = tpu.memref_squeeze %dma_wait3A_417 : memref<1x8x128xf32, #tpu.memory_space<vmem>> -> memref<8x128xf32, #tpu.memory_space<vmem>>
    %dma_wait3A_419 = arith.constant 0 : i32
    %dma_wait3A_420 = arith.constant 0 : i32
    %dma_wait3A_421 = tpu.memref_slice %arg4[%add3A_286, %dma_wait3A_419, %dma_wait3A_420] : memref<32768x8x144xf32, #tpu.memory_space<hbm>> -> memref<1x8x128xf32, #tpu.memory_space<hbm>>
    %dma_wait3A_422 = tpu.memref_squeeze %dma_wait3A_421 : memref<1x8x128xf32, #tpu.memory_space<hbm>> -> memref<8x128xf32, #tpu.memory_space<hbm>>
    %dma_wait3A_423 = tpu.memref_slice %arg9[%dma_wait3A_414] : memref<8x!tpu.dma_semaphore, #tpu.memory_space<semaphore_mem>> -> memref<1x!tpu.dma_semaphore, #tpu.memory_space<semaphore_mem>>
    %dma_wait3A_424 = tpu.memref_squeeze %dma_wait3A_423 : memref<1x!tpu.dma_semaphore, #tpu.memory_space<semaphore_mem>> -> memref<!tpu.dma_semaphore, #tpu.memory_space<semaphore_mem>>
    %dma_wait3A_425 = arith.constant 0 : i32
    %dma_wait3A_426 = arith.constant 0 : i32
    %dma_wait3A_427 = tpu.memref_slice %arg4[%add3A_286, %dma_wait3A_425, %dma_wait3A_426] : memref<32768x8x144xf32, #tpu.memory_space<hbm>> -> memref<1x8x128xf32, #tpu.memory_space<hbm>>
    %dma_wait3A_428 = tpu.memref_squeeze %dma_wait3A_427 : memref<1x8x128xf32, #tpu.memory_space<hbm>> -> memref<8x128xf32, #tpu.memory_space<hbm>>
    %dma_wait3A_429 = arith.constant 0 : i32
    %dma_wait3A_430 = arith.constant 0 : i32
    %dma_wait3A_431 = tpu.memref_slice %arg5[%dma_wait3A_413, %dma_wait3A_429, %dma_wait3A_430] : memref<8x8x128xf32, #tpu.memory_space<vmem>> -> memref<1x8x128xf32, #tpu.memory_space<vmem>>
    %dma_wait3A_432 = tpu.memref_squeeze %dma_wait3A_431 : memref<1x8x128xf32, #tpu.memory_space<vmem>> -> memref<8x128xf32, #tpu.memory_space<vmem>>
    tpu.wait_dma2 semaphore(%dma_wait3A_424 : memref<!tpu.dma_semaphore, #tpu.memory_space<semaphore_mem>>) src(%dma_wait3A_432 : memref<8x128xf32, #tpu.memory_space<vmem>>) dst(%dma_wait3A_428 : memref<8x128xf32, #tpu.memory_space<hbm>>)
    %dma_wait3A_433 = arith.constant 2 : i32
    %dma_wait3A_434 = arith.constant 2 : i32
    %dma_wait3A_435 = arith.constant 0 : i32
    %dma_wait3A_436 = arith.constant 0 : i32
    %dma_wait3A_437 = tpu.memref_slice %arg5[%dma_wait3A_433, %dma_wait3A_435, %dma_wait3A_436] : memref<8x8x128xf32, #tpu.memory_space<vmem>> -> memref<1x8x128xf32, #tpu.memory_space<vmem>>
    %dma_wait3A_438 = tpu.memref_squeeze %dma_wait3A_437 : memref<1x8x128xf32, #tpu.memory_space<vmem>> -> memref<8x128xf32, #tpu.memory_space<vmem>>
    %dma_wait3A_439 = arith.constant 0 : i32
    %dma_wait3A_440 = arith.constant 0 : i32
    %dma_wait3A_441 = tpu.memref_slice %arg4[%add3A_290, %dma_wait3A_439, %dma_wait3A_440] : memref<32768x8x144xf32, #tpu.memory_space<hbm>> -> memref<1x8x128xf32, #tpu.memory_space<hbm>>
    %dma_wait3A_442 = tpu.memref_squeeze %dma_wait3A_441 : memref<1x8x128xf32, #tpu.memory_space<hbm>> -> memref<8x128xf32, #tpu.memory_space<hbm>>
    %dma_wait3A_443 = tpu.memref_slice %arg9[%dma_wait3A_434] : memref<8x!tpu.dma_semaphore, #tpu.memory_space<semaphore_mem>> -> memref<1x!tpu.dma_semaphore, #tpu.memory_space<semaphore_mem>>
    %dma_wait3A_444 = tpu.memref_squeeze %dma_wait3A_443 : memref<1x!tpu.dma_semaphore, #tpu.memory_space<semaphore_mem>> -> memref<!tpu.dma_semaphore, #tpu.memory_space<semaphore_mem>>
    %dma_wait3A_445 = arith.constant 0 : i32
    %dma_wait3A_446 = arith.constant 0 : i32
    %dma_wait3A_447 = tpu.memref_slice %arg4[%add3A_290, %dma_wait3A_445, %dma_wait3A_446] : memref<32768x8x144xf32, #tpu.memory_space<hbm>> -> memref<1x8x128xf32, #tpu.memory_space<hbm>>
    %dma_wait3A_448 = tpu.memref_squeeze %dma_wait3A_447 : memref<1x8x128xf32, #tpu.memory_space<hbm>> -> memref<8x128xf32, #tpu.memory_space<hbm>>
    %dma_wait3A_449 = arith.constant 0 : i32
    %dma_wait3A_450 = arith.constant 0 : i32
    %dma_wait3A_451 = tpu.memref_slice %arg5[%dma_wait3A_433, %dma_wait3A_449, %dma_wait3A_450] : memref<8x8x128xf32, #tpu.memory_space<vmem>> -> memref<1x8x128xf32, #tpu.memory_space<vmem>>
    %dma_wait3A_452 = tpu.memref_squeeze %dma_wait3A_451 : memref<1x8x128xf32, #tpu.memory_space<vmem>> -> memref<8x128xf32, #tpu.memory_space<vmem>>
    tpu.wait_dma2 semaphore(%dma_wait3A_444 : memref<!tpu.dma_semaphore, #tpu.memory_space<semaphore_mem>>) src(%dma_wait3A_452 : memref<8x128xf32, #tpu.memory_space<vmem>>) dst(%dma_wait3A_448 : memref<8x128xf32, #tpu.memory_space<hbm>>)
    %dma_wait3A_453 = arith.constant 2 : i32
    %dma_wait3A_454 = arith.constant 2 : i32
    %dma_wait3A_455 = arith.constant 0 : i32
    %dma_wait3A_456 = arith.constant 0 : i32
    %dma_wait3A_457 = arith.constant 0 : i32
    %dma_wait3A_458 = tpu.memref_slice %arg7[%dma_wait3A_453, %dma_wait3A_455, %dma_wait3A_456, %dma_wait3A_457] : memref<8x8x8x16xf32, #tpu.memory_space<vmem>> -> memref<1x8x8x16xf32, #tpu.memory_space<vmem>>
    %dma_wait3A_459 = tpu.memref_squeeze %dma_wait3A_458 : memref<1x8x8x16xf32, #tpu.memory_space<vmem>> -> memref<8x8x16xf32, #tpu.memory_space<vmem>>
    %dma_wait3A_460 = arith.constant 0 : i32
    %dma_wait3A_461 = arith.constant 128 : i32
    %dma_wait3A_462 = tpu.memref_slice %arg4[%mul3A_292, %dma_wait3A_460, %dma_wait3A_461] : memref<32768x8x144xf32, #tpu.memory_space<hbm>> -> memref<8x8x16xf32, #tpu.memory_space<hbm>>
    %dma_wait3A_463 = tpu.memref_slice %arg9[%dma_wait3A_454] : memref<8x!tpu.dma_semaphore, #tpu.memory_space<semaphore_mem>> -> memref<1x!tpu.dma_semaphore, #tpu.memory_space<semaphore_mem>>
    %dma_wait3A_464 = tpu.memref_squeeze %dma_wait3A_463 : memref<1x!tpu.dma_semaphore, #tpu.memory_space<semaphore_mem>> -> memref<!tpu.dma_semaphore, #tpu.memory_space<semaphore_mem>>
    %dma_wait3A_465 = arith.constant 0 : i32
    %dma_wait3A_466 = arith.constant 128 : i32
    %dma_wait3A_467 = tpu.memref_slice %arg4[%mul3A_292, %dma_wait3A_465, %dma_wait3A_466] : memref<32768x8x144xf32, #tpu.memory_space<hbm>> -> memref<8x8x16xf32, #tpu.memory_space<hbm>>
    %dma_wait3A_468 = arith.constant 0 : i32
    %dma_wait3A_469 = arith.constant 0 : i32
    %dma_wait3A_470 = arith.constant 0 : i32
    %dma_wait3A_471 = tpu.memref_slice %arg7[%dma_wait3A_453, %dma_wait3A_468, %dma_wait3A_469, %dma_wait3A_470] : memref<8x8x8x16xf32, #tpu.memory_space<vmem>> -> memref<1x8x8x16xf32, #tpu.memory_space<vmem>>
    %dma_wait3A_472 = tpu.memref_squeeze %dma_wait3A_471 : memref<1x8x8x16xf32, #tpu.memory_space<vmem>> -> memref<8x8x16xf32, #tpu.memory_space<vmem>>
    tpu.wait_dma2 semaphore(%dma_wait3A_464 : memref<!tpu.dma_semaphore, #tpu.memory_space<semaphore_mem>>) src(%dma_wait3A_472 : memref<8x8x16xf32, #tpu.memory_space<vmem>>) dst(%dma_wait3A_467 : memref<8x8x16xf32, #tpu.memory_space<hbm>>)
    %mul3A_473 = arith.constant 8 : i32
    %mul3A_474 = arith.muli %mul3A_2, %mul3A_473 : i32
    %add3A_475 = arith.constant 0 : i32
    %add3A_476 = arith.addi %mul3A_474, %add3A_475 : i32
    %mul3A_477 = arith.constant 8 : i32
    %mul3A_478 = arith.muli %mul3A_2, %mul3A_477 : i32
    %add3A_479 = arith.constant 1 : i32
    %add3A_480 = arith.addi %mul3A_478, %add3A_479 : i32
    %mul3A_481 = arith.constant 8 : i32
    %mul3A_482 = arith.muli %mul3A_2, %mul3A_481 : i32
    %add3A_483 = arith.constant 2 : i32
    %add3A_484 = arith.addi %mul3A_482, %add3A_483 : i32
    %mul3A_485 = arith.constant 8 : i32
    %mul3A_486 = arith.muli %mul3A_2, %mul3A_485 : i32
    %add3A_487 = arith.constant 3 : i32
    %add3A_488 = arith.addi %mul3A_486, %add3A_487 : i32
    %mul3A_489 = arith.constant 8 : i32
    %mul3A_490 = arith.muli %mul3A_2, %mul3A_489 : i32
    %add3A_491 = arith.constant 4 : i32
    %add3A_492 = arith.addi %mul3A_490, %add3A_491 : i32
    %mul3A_493 = arith.constant 8 : i32
    %mul3A_494 = arith.muli %mul3A_2, %mul3A_493 : i32
    %add3A_495 = arith.constant 5 : i32
    %add3A_496 = arith.addi %mul3A_494, %add3A_495 : i32
    %mul3A_497 = arith.constant 8 : i32
    %mul3A_498 = arith.muli %mul3A_2, %mul3A_497 : i32
    %add3A_499 = arith.constant 6 : i32
    %add3A_500 = arith.addi %mul3A_498, %add3A_499 : i32
    %mul3A_501 = arith.constant 8 : i32
    %mul3A_502 = arith.muli %mul3A_2, %mul3A_501 : i32
    %add3A_503 = arith.constant 7 : i32
    %add3A_504 = arith.addi %mul3A_502, %add3A_503 : i32
    %mul3A_505 = arith.constant 8 : i32
    %mul3A_506 = arith.muli %mul3A_2, %mul3A_505 : i32
    %dma_wait3A_507 = arith.constant 3 : i32
    %dma_wait3A_508 = arith.constant 3 : i32
    %dma_wait3A_509 = arith.constant 0 : i32
    %dma_wait3A_510 = arith.constant 0 : i32
    %dma_wait3A_511 = tpu.memref_slice %arg5[%dma_wait3A_507, %dma_wait3A_509, %dma_wait3A_510] : memref<8x8x128xf32, #tpu.memory_space<vmem>> -> memref<1x8x128xf32, #tpu.memory_space<vmem>>
    %dma_wait3A_512 = tpu.memref_squeeze %dma_wait3A_511 : memref<1x8x128xf32, #tpu.memory_space<vmem>> -> memref<8x128xf32, #tpu.memory_space<vmem>>
    %dma_wait3A_513 = arith.constant 0 : i32
    %dma_wait3A_514 = arith.constant 0 : i32
    %dma_wait3A_515 = tpu.memref_slice %arg4[%add3A_476, %dma_wait3A_513, %dma_wait3A_514] : memref<32768x8x144xf32, #tpu.memory_space<hbm>> -> memref<1x8x128xf32, #tpu.memory_space<hbm>>
    %dma_wait3A_516 = tpu.memref_squeeze %dma_wait3A_515 : memref<1x8x128xf32, #tpu.memory_space<hbm>> -> memref<8x128xf32, #tpu.memory_space<hbm>>
    %dma_wait3A_517 = tpu.memref_slice %arg9[%dma_wait3A_508] : memref<8x!tpu.dma_semaphore, #tpu.memory_space<semaphore_mem>> -> memref<1x!tpu.dma_semaphore, #tpu.memory_space<semaphore_mem>>
    %dma_wait3A_518 = tpu.memref_squeeze %dma_wait3A_517 : memref<1x!tpu.dma_semaphore, #tpu.memory_space<semaphore_mem>> -> memref<!tpu.dma_semaphore, #tpu.memory_space<semaphore_mem>>
    %dma_wait3A_519 = arith.constant 0 : i32
    %dma_wait3A_520 = arith.constant 0 : i32
    %dma_wait3A_521 = tpu.memref_slice %arg4[%add3A_476, %dma_wait3A_519, %dma_wait3A_520] : memref<32768x8x144xf32, #tpu.memory_space<hbm>> -> memref<1x8x128xf32, #tpu.memory_space<hbm>>
    %dma_wait3A_522 = tpu.memref_squeeze %dma_wait3A_521 : memref<1x8x128xf32, #tpu.memory_space<hbm>> -> memref<8x128xf32, #tpu.memory_space<hbm>>
    %dma_wait3A_523 = arith.constant 0 : i32
    %dma_wait3A_524 = arith.constant 0 : i32
    %dma_wait3A_525 = tpu.memref_slice %arg5[%dma_wait3A_507, %dma_wait3A_523, %dma_wait3A_524] : memref<8x8x128xf32, #tpu.memory_space<vmem>> -> memref<1x8x128xf32, #tpu.memory_space<vmem>>
    %dma_wait3A_526 = tpu.memref_squeeze %dma_wait3A_525 : memref<1x8x128xf32, #tpu.memory_space<vmem>> -> memref<8x128xf32, #tpu.memory_space<vmem>>
    tpu.wait_dma2 semaphore(%dma_wait3A_518 : memref<!tpu.dma_semaphore, #tpu.memory_space<semaphore_mem>>) src(%dma_wait3A_526 : memref<8x128xf32, #tpu.memory_space<vmem>>) dst(%dma_wait3A_522 : memref<8x128xf32, #tpu.memory_space<hbm>>)
    %dma_wait3A_527 = arith.constant 3 : i32
    %dma_wait3A_528 = arith.constant 3 : i32
    %dma_wait3A_529 = arith.constant 0 : i32
    %dma_wait3A_530 = arith.constant 0 : i32
    %dma_wait3A_531 = tpu.memref_slice %arg5[%dma_wait3A_527, %dma_wait3A_529, %dma_wait3A_530] : memref<8x8x128xf32, #tpu.memory_space<vmem>> -> memref<1x8x128xf32, #tpu.memory_space<vmem>>
    %dma_wait3A_532 = tpu.memref_squeeze %dma_wait3A_531 : memref<1x8x128xf32, #tpu.memory_space<vmem>> -> memref<8x128xf32, #tpu.memory_space<vmem>>
    %dma_wait3A_533 = arith.constant 0 : i32
    %dma_wait3A_534 = arith.constant 0 : i32
    %dma_wait3A_535 = tpu.memref_slice %arg4[%add3A_480, %dma_wait3A_533, %dma_wait3A_534] : memref<32768x8x144xf32, #tpu.memory_space<hbm>> -> memref<1x8x128xf32, #tpu.memory_space<hbm>>
    %dma_wait3A_536 = tpu.memref_squeeze %dma_wait3A_535 : memref<1x8x128xf32, #tpu.memory_space<hbm>> -> memref<8x128xf32, #tpu.memory_space<hbm>>
    %dma_wait3A_537 = tpu.memref_slice %arg9[%dma_wait3A_528] : memref<8x!tpu.dma_semaphore, #tpu.memory_space<semaphore_mem>> -> memref<1x!tpu.dma_semaphore, #tpu.memory_space<semaphore_mem>>
    %dma_wait3A_538 = tpu.memref_squeeze %dma_wait3A_537 : memref<1x!tpu.dma_semaphore, #tpu.memory_space<semaphore_mem>> -> memref<!tpu.dma_semaphore, #tpu.memory_space<semaphore_mem>>
    %dma_wait3A_539 = arith.constant 0 : i32
    %dma_wait3A_540 = arith.constant 0 : i32
    %dma_wait3A_541 = tpu.memref_slice %arg4[%add3A_480, %dma_wait3A_539, %dma_wait3A_540] : memref<32768x8x144xf32, #tpu.memory_space<hbm>> -> memref<1x8x128xf32, #tpu.memory_space<hbm>>
    %dma_wait3A_542 = tpu.memref_squeeze %dma_wait3A_541 : memref<1x8x128xf32, #tpu.memory_space<hbm>> -> memref<8x128xf32, #tpu.memory_space<hbm>>
    %dma_wait3A_543 = arith.constant 0 : i32
    %dma_wait3A_544 = arith.constant 0 : i32
    %dma_wait3A_545 = tpu.memref_slice %arg5[%dma_wait3A_527, %dma_wait3A_543, %dma_wait3A_544] : memref<8x8x128xf32, #tpu.memory_space<vmem>> -> memref<1x8x128xf32, #tpu.memory_space<vmem>>
    %dma_wait3A_546 = tpu.memref_squeeze %dma_wait3A_545 : memref<1x8x128xf32, #tpu.memory_space<vmem>> -> memref<8x128xf32, #tpu.memory_space<vmem>>
    tpu.wait_dma2 semaphore(%dma_wait3A_538 : memref<!tpu.dma_semaphore, #tpu.memory_space<semaphore_mem>>) src(%dma_wait3A_546 : memref<8x128xf32, #tpu.memory_space<vmem>>) dst(%dma_wait3A_542 : memref<8x128xf32, #tpu.memory_space<hbm>>)
    %dma_wait3A_547 = arith.constant 3 : i32
    %dma_wait3A_548 = arith.constant 3 : i32
    %dma_wait3A_549 = arith.constant 0 : i32
    %dma_wait3A_550 = arith.constant 0 : i32
    %dma_wait3A_551 = tpu.memref_slice %arg5[%dma_wait3A_547, %dma_wait3A_549, %dma_wait3A_550] : memref<8x8x128xf32, #tpu.memory_space<vmem>> -> memref<1x8x128xf32, #tpu.memory_space<vmem>>
    %dma_wait3A_552 = tpu.memref_squeeze %dma_wait3A_551 : memref<1x8x128xf32, #tpu.memory_space<vmem>> -> memref<8x128xf32, #tpu.memory_space<vmem>>
    %dma_wait3A_553 = arith.constant 0 : i32
    %dma_wait3A_554 = arith.constant 0 : i32
    %dma_wait3A_555 = tpu.memref_slice %arg4[%add3A_484, %dma_wait3A_553, %dma_wait3A_554] : memref<32768x8x144xf32, #tpu.memory_space<hbm>> -> memref<1x8x128xf32, #tpu.memory_space<hbm>>
    %dma_wait3A_556 = tpu.memref_squeeze %dma_wait3A_555 : memref<1x8x128xf32, #tpu.memory_space<hbm>> -> memref<8x128xf32, #tpu.memory_space<hbm>>
    %dma_wait3A_557 = tpu.memref_slice %arg9[%dma_wait3A_548] : memref<8x!tpu.dma_semaphore, #tpu.memory_space<semaphore_mem>> -> memref<1x!tpu.dma_semaphore, #tpu.memory_space<semaphore_mem>>
    %dma_wait3A_558 = tpu.memref_squeeze %dma_wait3A_557 : memref<1x!tpu.dma_semaphore, #tpu.memory_space<semaphore_mem>> -> memref<!tpu.dma_semaphore, #tpu.memory_space<semaphore_mem>>
    %dma_wait3A_559 = arith.constant 0 : i32
    %dma_wait3A_560 = arith.constant 0 : i32
    %dma_wait3A_561 = tpu.memref_slice %arg4[%add3A_484, %dma_wait3A_559, %dma_wait3A_560] : memref<32768x8x144xf32, #tpu.memory_space<hbm>> -> memref<1x8x128xf32, #tpu.memory_space<hbm>>
    %dma_wait3A_562 = tpu.memref_squeeze %dma_wait3A_561 : memref<1x8x128xf32, #tpu.memory_space<hbm>> -> memref<8x128xf32, #tpu.memory_space<hbm>>
    %dma_wait3A_563 = arith.constant 0 : i32
    %dma_wait3A_564 = arith.constant 0 : i32
    %dma_wait3A_565 = tpu.memref_slice %arg5[%dma_wait3A_547, %dma_wait3A_563, %dma_wait3A_564] : memref<8x8x128xf32, #tpu.memory_space<vmem>> -> memref<1x8x128xf32, #tpu.memory_space<vmem>>
    %dma_wait3A_566 = tpu.memref_squeeze %dma_wait3A_565 : memref<1x8x128xf32, #tpu.memory_space<vmem>> -> memref<8x128xf32, #tpu.memory_space<vmem>>
    tpu.wait_dma2 semaphore(%dma_wait3A_558 : memref<!tpu.dma_semaphore, #tpu.memory_space<semaphore_mem>>) src(%dma_wait3A_566 : memref<8x128xf32, #tpu.memory_space<vmem>>) dst(%dma_wait3A_562 : memref<8x128xf32, #tpu.memory_space<hbm>>)
    %dma_wait3A_567 = arith.constant 3 : i32
    %dma_wait3A_568 = arith.constant 3 : i32
    %dma_wait3A_569 = arith.constant 0 : i32
    %dma_wait3A_570 = arith.constant 0 : i32
    %dma_wait3A_571 = tpu.memref_slice %arg5[%dma_wait3A_567, %dma_wait3A_569, %dma_wait3A_570] : memref<8x8x128xf32, #tpu.memory_space<vmem>> -> memref<1x8x128xf32, #tpu.memory_space<vmem>>
    %dma_wait3A_572 = tpu.memref_squeeze %dma_wait3A_571 : memref<1x8x128xf32, #tpu.memory_space<vmem>> -> memref<8x128xf32, #tpu.memory_space<vmem>>
    %dma_wait3A_573 = arith.constant 0 : i32
    %dma_wait3A_574 = arith.constant 0 : i32
    %dma_wait3A_575 = tpu.memref_slice %arg4[%add3A_488, %dma_wait3A_573, %dma_wait3A_574] : memref<32768x8x144xf32, #tpu.memory_space<hbm>> -> memref<1x8x128xf32, #tpu.memory_space<hbm>>
    %dma_wait3A_576 = tpu.memref_squeeze %dma_wait3A_575 : memref<1x8x128xf32, #tpu.memory_space<hbm>> -> memref<8x128xf32, #tpu.memory_space<hbm>>
    %dma_wait3A_577 = tpu.memref_slice %arg9[%dma_wait3A_568] : memref<8x!tpu.dma_semaphore, #tpu.memory_space<semaphore_mem>> -> memref<1x!tpu.dma_semaphore, #tpu.memory_space<semaphore_mem>>
    %dma_wait3A_578 = tpu.memref_squeeze %dma_wait3A_577 : memref<1x!tpu.dma_semaphore, #tpu.memory_space<semaphore_mem>> -> memref<!tpu.dma_semaphore, #tpu.memory_space<semaphore_mem>>
    %dma_wait3A_579 = arith.constant 0 : i32
    %dma_wait3A_580 = arith.constant 0 : i32
    %dma_wait3A_581 = tpu.memref_slice %arg4[%add3A_488, %dma_wait3A_579, %dma_wait3A_580] : memref<32768x8x144xf32, #tpu.memory_space<hbm>> -> memref<1x8x128xf32, #tpu.memory_space<hbm>>
    %dma_wait3A_582 = tpu.memref_squeeze %dma_wait3A_581 : memref<1x8x128xf32, #tpu.memory_space<hbm>> -> memref<8x128xf32, #tpu.memory_space<hbm>>
    %dma_wait3A_583 = arith.constant 0 : i32
    %dma_wait3A_584 = arith.constant 0 : i32
    %dma_wait3A_585 = tpu.memref_slice %arg5[%dma_wait3A_567, %dma_wait3A_583, %dma_wait3A_584] : memref<8x8x128xf32, #tpu.memory_space<vmem>> -> memref<1x8x128xf32, #tpu.memory_space<vmem>>
    %dma_wait3A_586 = tpu.memref_squeeze %dma_wait3A_585 : memref<1x8x128xf32, #tpu.memory_space<vmem>> -> memref<8x128xf32, #tpu.memory_space<vmem>>
    tpu.wait_dma2 semaphore(%dma_wait3A_578 : memref<!tpu.dma_semaphore, #tpu.memory_space<semaphore_mem>>) src(%dma_wait3A_586 : memref<8x128xf32, #tpu.memory_space<vmem>>) dst(%dma_wait3A_582 : memref<8x128xf32, #tpu.memory_space<hbm>>)
    %dma_wait3A_587 = arith.constant 3 : i32
    %dma_wait3A_588 = arith.constant 3 : i32
    %dma_wait3A_589 = arith.constant 0 : i32
    %dma_wait3A_590 = arith.constant 0 : i32
    %dma_wait3A_591 = tpu.memref_slice %arg5[%dma_wait3A_587, %dma_wait3A_589, %dma_wait3A_590] : memref<8x8x128xf32, #tpu.memory_space<vmem>> -> memref<1x8x128xf32, #tpu.memory_space<vmem>>
    %dma_wait3A_592 = tpu.memref_squeeze %dma_wait3A_591 : memref<1x8x128xf32, #tpu.memory_space<vmem>> -> memref<8x128xf32, #tpu.memory_space<vmem>>
    %dma_wait3A_593 = arith.constant 0 : i32
    %dma_wait3A_594 = arith.constant 0 : i32
    %dma_wait3A_595 = tpu.memref_slice %arg4[%add3A_492, %dma_wait3A_593, %dma_wait3A_594] : memref<32768x8x144xf32, #tpu.memory_space<hbm>> -> memref<1x8x128xf32, #tpu.memory_space<hbm>>
    %dma_wait3A_596 = tpu.memref_squeeze %dma_wait3A_595 : memref<1x8x128xf32, #tpu.memory_space<hbm>> -> memref<8x128xf32, #tpu.memory_space<hbm>>
    %dma_wait3A_597 = tpu.memref_slice %arg9[%dma_wait3A_588] : memref<8x!tpu.dma_semaphore, #tpu.memory_space<semaphore_mem>> -> memref<1x!tpu.dma_semaphore, #tpu.memory_space<semaphore_mem>>
    %dma_wait3A_598 = tpu.memref_squeeze %dma_wait3A_597 : memref<1x!tpu.dma_semaphore, #tpu.memory_space<semaphore_mem>> -> memref<!tpu.dma_semaphore, #tpu.memory_space<semaphore_mem>>
    %dma_wait3A_599 = arith.constant 0 : i32
    %dma_wait3A_600 = arith.constant 0 : i32
    %dma_wait3A_601 = tpu.memref_slice %arg4[%add3A_492, %dma_wait3A_599, %dma_wait3A_600] : memref<32768x8x144xf32, #tpu.memory_space<hbm>> -> memref<1x8x128xf32, #tpu.memory_space<hbm>>
    %dma_wait3A_602 = tpu.memref_squeeze %dma_wait3A_601 : memref<1x8x128xf32, #tpu.memory_space<hbm>> -> memref<8x128xf32, #tpu.memory_space<hbm>>
    %dma_wait3A_603 = arith.constant 0 : i32
    %dma_wait3A_604 = arith.constant 0 : i32
    %dma_wait3A_605 = tpu.memref_slice %arg5[%dma_wait3A_587, %dma_wait3A_603, %dma_wait3A_604] : memref<8x8x128xf32, #tpu.memory_space<vmem>> -> memref<1x8x128xf32, #tpu.memory_space<vmem>>
    %dma_wait3A_606 = tpu.memref_squeeze %dma_wait3A_605 : memref<1x8x128xf32, #tpu.memory_space<vmem>> -> memref<8x128xf32, #tpu.memory_space<vmem>>
    tpu.wait_dma2 semaphore(%dma_wait3A_598 : memref<!tpu.dma_semaphore, #tpu.memory_space<semaphore_mem>>) src(%dma_wait3A_606 : memref<8x128xf32, #tpu.memory_space<vmem>>) dst(%dma_wait3A_602 : memref<8x128xf32, #tpu.memory_space<hbm>>)
    %dma_wait3A_607 = arith.constant 3 : i32
    %dma_wait3A_608 = arith.constant 3 : i32
    %dma_wait3A_609 = arith.constant 0 : i32
    %dma_wait3A_610 = arith.constant 0 : i32
    %dma_wait3A_611 = tpu.memref_slice %arg5[%dma_wait3A_607, %dma_wait3A_609, %dma_wait3A_610] : memref<8x8x128xf32, #tpu.memory_space<vmem>> -> memref<1x8x128xf32, #tpu.memory_space<vmem>>
    %dma_wait3A_612 = tpu.memref_squeeze %dma_wait3A_611 : memref<1x8x128xf32, #tpu.memory_space<vmem>> -> memref<8x128xf32, #tpu.memory_space<vmem>>
    %dma_wait3A_613 = arith.constant 0 : i32
    %dma_wait3A_614 = arith.constant 0 : i32
    %dma_wait3A_615 = tpu.memref_slice %arg4[%add3A_496, %dma_wait3A_613, %dma_wait3A_614] : memref<32768x8x144xf32, #tpu.memory_space<hbm>> -> memref<1x8x128xf32, #tpu.memory_space<hbm>>
    %dma_wait3A_616 = tpu.memref_squeeze %dma_wait3A_615 : memref<1x8x128xf32, #tpu.memory_space<hbm>> -> memref<8x128xf32, #tpu.memory_space<hbm>>
    %dma_wait3A_617 = tpu.memref_slice %arg9[%dma_wait3A_608] : memref<8x!tpu.dma_semaphore, #tpu.memory_space<semaphore_mem>> -> memref<1x!tpu.dma_semaphore, #tpu.memory_space<semaphore_mem>>
    %dma_wait3A_618 = tpu.memref_squeeze %dma_wait3A_617 : memref<1x!tpu.dma_semaphore, #tpu.memory_space<semaphore_mem>> -> memref<!tpu.dma_semaphore, #tpu.memory_space<semaphore_mem>>
    %dma_wait3A_619 = arith.constant 0 : i32
    %dma_wait3A_620 = arith.constant 0 : i32
    %dma_wait3A_621 = tpu.memref_slice %arg4[%add3A_496, %dma_wait3A_619, %dma_wait3A_620] : memref<32768x8x144xf32, #tpu.memory_space<hbm>> -> memref<1x8x128xf32, #tpu.memory_space<hbm>>
    %dma_wait3A_622 = tpu.memref_squeeze %dma_wait3A_621 : memref<1x8x128xf32, #tpu.memory_space<hbm>> -> memref<8x128xf32, #tpu.memory_space<hbm>>
    %dma_wait3A_623 = arith.constant 0 : i32
    %dma_wait3A_624 = arith.constant 0 : i32
    %dma_wait3A_625 = tpu.memref_slice %arg5[%dma_wait3A_607, %dma_wait3A_623, %dma_wait3A_624] : memref<8x8x128xf32, #tpu.memory_space<vmem>> -> memref<1x8x128xf32, #tpu.memory_space<vmem>>
    %dma_wait3A_626 = tpu.memref_squeeze %dma_wait3A_625 : memref<1x8x128xf32, #tpu.memory_space<vmem>> -> memref<8x128xf32, #tpu.memory_space<vmem>>
    tpu.wait_dma2 semaphore(%dma_wait3A_618 : memref<!tpu.dma_semaphore, #tpu.memory_space<semaphore_mem>>) src(%dma_wait3A_626 : memref<8x128xf32, #tpu.memory_space<vmem>>) dst(%dma_wait3A_622 : memref<8x128xf32, #tpu.memory_space<hbm>>)
    %dma_wait3A_627 = arith.constant 3 : i32
    %dma_wait3A_628 = arith.constant 3 : i32
    %dma_wait3A_629 = arith.constant 0 : i32
    %dma_wait3A_630 = arith.constant 0 : i32
    %dma_wait3A_631 = tpu.memref_slice %arg5[%dma_wait3A_627, %dma_wait3A_629, %dma_wait3A_630] : memref<8x8x128xf32, #tpu.memory_space<vmem>> -> memref<1x8x128xf32, #tpu.memory_space<vmem>>
    %dma_wait3A_632 = tpu.memref_squeeze %dma_wait3A_631 : memref<1x8x128xf32, #tpu.memory_space<vmem>> -> memref<8x128xf32, #tpu.memory_space<vmem>>
    %dma_wait3A_633 = arith.constant 0 : i32
    %dma_wait3A_634 = arith.constant 0 : i32
    %dma_wait3A_635 = tpu.memref_slice %arg4[%add3A_500, %dma_wait3A_633, %dma_wait3A_634] : memref<32768x8x144xf32, #tpu.memory_space<hbm>> -> memref<1x8x128xf32, #tpu.memory_space<hbm>>
    %dma_wait3A_636 = tpu.memref_squeeze %dma_wait3A_635 : memref<1x8x128xf32, #tpu.memory_space<hbm>> -> memref<8x128xf32, #tpu.memory_space<hbm>>
    %dma_wait3A_637 = tpu.memref_slice %arg9[%dma_wait3A_628] : memref<8x!tpu.dma_semaphore, #tpu.memory_space<semaphore_mem>> -> memref<1x!tpu.dma_semaphore, #tpu.memory_space<semaphore_mem>>
    %dma_wait3A_638 = tpu.memref_squeeze %dma_wait3A_637 : memref<1x!tpu.dma_semaphore, #tpu.memory_space<semaphore_mem>> -> memref<!tpu.dma_semaphore, #tpu.memory_space<semaphore_mem>>
    %dma_wait3A_639 = arith.constant 0 : i32
    %dma_wait3A_640 = arith.constant 0 : i32
    %dma_wait3A_641 = tpu.memref_slice %arg4[%add3A_500, %dma_wait3A_639, %dma_wait3A_640] : memref<32768x8x144xf32, #tpu.memory_space<hbm>> -> memref<1x8x128xf32, #tpu.memory_space<hbm>>
    %dma_wait3A_642 = tpu.memref_squeeze %dma_wait3A_641 : memref<1x8x128xf32, #tpu.memory_space<hbm>> -> memref<8x128xf32, #tpu.memory_space<hbm>>
    %dma_wait3A_643 = arith.constant 0 : i32
    %dma_wait3A_644 = arith.constant 0 : i32
    %dma_wait3A_645 = tpu.memref_slice %arg5[%dma_wait3A_627, %dma_wait3A_643, %dma_wait3A_644] : memref<8x8x128xf32, #tpu.memory_space<vmem>> -> memref<1x8x128xf32, #tpu.memory_space<vmem>>
    %dma_wait3A_646 = tpu.memref_squeeze %dma_wait3A_645 : memref<1x8x128xf32, #tpu.memory_space<vmem>> -> memref<8x128xf32, #tpu.memory_space<vmem>>
    tpu.wait_dma2 semaphore(%dma_wait3A_638 : memref<!tpu.dma_semaphore, #tpu.memory_space<semaphore_mem>>) src(%dma_wait3A_646 : memref<8x128xf32, #tpu.memory_space<vmem>>) dst(%dma_wait3A_642 : memref<8x128xf32, #tpu.memory_space<hbm>>)
    %dma_wait3A_647 = arith.constant 3 : i32
    %dma_wait3A_648 = arith.constant 3 : i32
    %dma_wait3A_649 = arith.constant 0 : i32
    %dma_wait3A_650 = arith.constant 0 : i32
    %dma_wait3A_651 = tpu.memref_slice %arg5[%dma_wait3A_647, %dma_wait3A_649, %dma_wait3A_650] : memref<8x8x128xf32, #tpu.memory_space<vmem>> -> memref<1x8x128xf32, #tpu.memory_space<vmem>>
    %dma_wait3A_652 = tpu.memref_squeeze %dma_wait3A_651 : memref<1x8x128xf32, #tpu.memory_space<vmem>> -> memref<8x128xf32, #tpu.memory_space<vmem>>
    %dma_wait3A_653 = arith.constant 0 : i32
    %dma_wait3A_654 = arith.constant 0 : i32
    %dma_wait3A_655 = tpu.memref_slice %arg4[%add3A_504, %dma_wait3A_653, %dma_wait3A_654] : memref<32768x8x144xf32, #tpu.memory_space<hbm>> -> memref<1x8x128xf32, #tpu.memory_space<hbm>>
    %dma_wait3A_656 = tpu.memref_squeeze %dma_wait3A_655 : memref<1x8x128xf32, #tpu.memory_space<hbm>> -> memref<8x128xf32, #tpu.memory_space<hbm>>
    %dma_wait3A_657 = tpu.memref_slice %arg9[%dma_wait3A_648] : memref<8x!tpu.dma_semaphore, #tpu.memory_space<semaphore_mem>> -> memref<1x!tpu.dma_semaphore, #tpu.memory_space<semaphore_mem>>
    %dma_wait3A_658 = tpu.memref_squeeze %dma_wait3A_657 : memref<1x!tpu.dma_semaphore, #tpu.memory_space<semaphore_mem>> -> memref<!tpu.dma_semaphore, #tpu.memory_space<semaphore_mem>>
    %dma_wait3A_659 = arith.constant 0 : i32
    %dma_wait3A_660 = arith.constant 0 : i32
    %dma_wait3A_661 = tpu.memref_slice %arg4[%add3A_504, %dma_wait3A_659, %dma_wait3A_660] : memref<32768x8x144xf32, #tpu.memory_space<hbm>> -> memref<1x8x128xf32, #tpu.memory_space<hbm>>
    %dma_wait3A_662 = tpu.memref_squeeze %dma_wait3A_661 : memref<1x8x128xf32, #tpu.memory_space<hbm>> -> memref<8x128xf32, #tpu.memory_space<hbm>>
    %dma_wait3A_663 = arith.constant 0 : i32
    %dma_wait3A_664 = arith.constant 0 : i32
    %dma_wait3A_665 = tpu.memref_slice %arg5[%dma_wait3A_647, %dma_wait3A_663, %dma_wait3A_664] : memref<8x8x128xf32, #tpu.memory_space<vmem>> -> memref<1x8x128xf32, #tpu.memory_space<vmem>>
    %dma_wait3A_666 = tpu.memref_squeeze %dma_wait3A_665 : memref<1x8x128xf32, #tpu.memory_space<vmem>> -> memref<8x128xf32, #tpu.memory_space<vmem>>
    tpu.wait_dma2 semaphore(%dma_wait3A_658 : memref<!tpu.dma_semaphore, #tpu.memory_space<semaphore_mem>>) src(%dma_wait3A_666 : memref<8x128xf32, #tpu.memory_space<vmem>>) dst(%dma_wait3A_662 : memref<8x128xf32, #tpu.memory_space<hbm>>)
    %dma_wait3A_667 = arith.constant 3 : i32
    %dma_wait3A_668 = arith.constant 3 : i32
    %dma_wait3A_669 = arith.constant 0 : i32
    %dma_wait3A_670 = arith.constant 0 : i32
    %dma_wait3A_671 = arith.constant 0 : i32
    %dma_wait3A_672 = tpu.memref_slice %arg7[%dma_wait3A_667, %dma_wait3A_669, %dma_wait3A_670, %dma_wait3A_671] : memref<8x8x8x16xf32, #tpu.memory_space<vmem>> -> memref<1x8x8x16xf32, #tpu.memory_space<vmem>>
    %dma_wait3A_673 = tpu.memref_squeeze %dma_wait3A_672 : memref<1x8x8x16xf32, #tpu.memory_space<vmem>> -> memref<8x8x16xf32, #tpu.memory_space<vmem>>
    %dma_wait3A_674 = arith.constant 0 : i32
    %dma_wait3A_675 = arith.constant 128 : i32
    %dma_wait3A_676 = tpu.memref_slice %arg4[%mul3A_506, %dma_wait3A_674, %dma_wait3A_675] : memref<32768x8x144xf32, #tpu.memory_space<hbm>> -> memref<8x8x16xf32, #tpu.memory_space<hbm>>
    %dma_wait3A_677 = tpu.memref_slice %arg9[%dma_wait3A_668] : memref<8x!tpu.dma_semaphore, #tpu.memory_space<semaphore_mem>> -> memref<1x!tpu.dma_semaphore, #tpu.memory_space<semaphore_mem>>
    %dma_wait3A_678 = tpu.memref_squeeze %dma_wait3A_677 : memref<1x!tpu.dma_semaphore, #tpu.memory_space<semaphore_mem>> -> memref<!tpu.dma_semaphore, #tpu.memory_space<semaphore_mem>>
    %dma_wait3A_679 = arith.constant 0 : i32
    %dma_wait3A_680 = arith.constant 128 : i32
    %dma_wait3A_681 = tpu.memref_slice %arg4[%mul3A_506, %dma_wait3A_679, %dma_wait3A_680] : memref<32768x8x144xf32, #tpu.memory_space<hbm>> -> memref<8x8x16xf32, #tpu.memory_space<hbm>>
    %dma_wait3A_682 = arith.constant 0 : i32
    %dma_wait3A_683 = arith.constant 0 : i32
    %dma_wait3A_684 = arith.constant 0 : i32
    %dma_wait3A_685 = tpu.memref_slice %arg7[%dma_wait3A_667, %dma_wait3A_682, %dma_wait3A_683, %dma_wait3A_684] : memref<8x8x8x16xf32, #tpu.memory_space<vmem>> -> memref<1x8x8x16xf32, #tpu.memory_space<vmem>>
    %dma_wait3A_686 = tpu.memref_squeeze %dma_wait3A_685 : memref<1x8x8x16xf32, #tpu.memory_space<vmem>> -> memref<8x8x16xf32, #tpu.memory_space<vmem>>
    tpu.wait_dma2 semaphore(%dma_wait3A_678 : memref<!tpu.dma_semaphore, #tpu.memory_space<semaphore_mem>>) src(%dma_wait3A_686 : memref<8x8x16xf32, #tpu.memory_space<vmem>>) dst(%dma_wait3A_681 : memref<8x8x16xf32, #tpu.memory_space<hbm>>)
    %mul3A_687 = arith.constant 8 : i32
    %mul3A_688 = arith.muli %mul3A_2, %mul3A_687 : i32
    %add3A_689 = arith.constant 0 : i32
    %add3A_690 = arith.addi %mul3A_688, %add3A_689 : i32
    %mul3A_691 = arith.constant 8 : i32
    %mul3A_692 = arith.muli %mul3A_2, %mul3A_691 : i32
    %add3A_693 = arith.constant 1 : i32
    %add3A_694 = arith.addi %mul3A_692, %add3A_693 : i32
    %mul3A_695 = arith.constant 8 : i32
    %mul3A_696 = arith.muli %mul3A_2, %mul3A_695 : i32
    %add3A_697 = arith.constant 2 : i32
    %add3A_698 = arith.addi %mul3A_696, %add3A_697 : i32
    %mul3A_699 = arith.constant 8 : i32
    %mul3A_700 = arith.muli %mul3A_2, %mul3A_699 : i32
    %add3A_701 = arith.constant 3 : i32
    %add3A_702 = arith.addi %mul3A_700, %add3A_701 : i32
    %mul3A_703 = arith.constant 8 : i32
    %mul3A_704 = arith.muli %mul3A_2, %mul3A_703 : i32
    %add3A_705 = arith.constant 4 : i32
    %add3A_706 = arith.addi %mul3A_704, %add3A_705 : i32
    %mul3A_707 = arith.constant 8 : i32
    %mul3A_708 = arith.muli %mul3A_2, %mul3A_707 : i32
    %add3A_709 = arith.constant 5 : i32
    %add3A_710 = arith.addi %mul3A_708, %add3A_709 : i32
    %mul3A_711 = arith.constant 8 : i32
    %mul3A_712 = arith.muli %mul3A_2, %mul3A_711 : i32
    %add3A_713 = arith.constant 6 : i32
    %add3A_714 = arith.addi %mul3A_712, %add3A_713 : i32
    %mul3A_715 = arith.constant 8 : i32
    %mul3A_716 = arith.muli %mul3A_2, %mul3A_715 : i32
    %add3A_717 = arith.constant 7 : i32
    %add3A_718 = arith.addi %mul3A_716, %add3A_717 : i32
    %mul3A_719 = arith.constant 8 : i32
    %mul3A_720 = arith.muli %mul3A_2, %mul3A_719 : i32
    %dma_wait3A_721 = arith.constant 4 : i32
    %dma_wait3A_722 = arith.constant 4 : i32
    %dma_wait3A_723 = arith.constant 0 : i32
    %dma_wait3A_724 = arith.constant 0 : i32
    %dma_wait3A_725 = tpu.memref_slice %arg5[%dma_wait3A_721, %dma_wait3A_723, %dma_wait3A_724] : memref<8x8x128xf32, #tpu.memory_space<vmem>> -> memref<1x8x128xf32, #tpu.memory_space<vmem>>
    %dma_wait3A_726 = tpu.memref_squeeze %dma_wait3A_725 : memref<1x8x128xf32, #tpu.memory_space<vmem>> -> memref<8x128xf32, #tpu.memory_space<vmem>>
    %dma_wait3A_727 = arith.constant 0 : i32
    %dma_wait3A_728 = arith.constant 0 : i32
    %dma_wait3A_729 = tpu.memref_slice %arg4[%add3A_690, %dma_wait3A_727, %dma_wait3A_728] : memref<32768x8x144xf32, #tpu.memory_space<hbm>> -> memref<1x8x128xf32, #tpu.memory_space<hbm>>
    %dma_wait3A_730 = tpu.memref_squeeze %dma_wait3A_729 : memref<1x8x128xf32, #tpu.memory_space<hbm>> -> memref<8x128xf32, #tpu.memory_space<hbm>>
    %dma_wait3A_731 = tpu.memref_slice %arg9[%dma_wait3A_722] : memref<8x!tpu.dma_semaphore, #tpu.memory_space<semaphore_mem>> -> memref<1x!tpu.dma_semaphore, #tpu.memory_space<semaphore_mem>>
    %dma_wait3A_732 = tpu.memref_squeeze %dma_wait3A_731 : memref<1x!tpu.dma_semaphore, #tpu.memory_space<semaphore_mem>> -> memref<!tpu.dma_semaphore, #tpu.memory_space<semaphore_mem>>
    %dma_wait3A_733 = arith.constant 0 : i32
    %dma_wait3A_734 = arith.constant 0 : i32
    %dma_wait3A_735 = tpu.memref_slice %arg4[%add3A_690, %dma_wait3A_733, %dma_wait3A_734] : memref<32768x8x144xf32, #tpu.memory_space<hbm>> -> memref<1x8x128xf32, #tpu.memory_space<hbm>>
    %dma_wait3A_736 = tpu.memref_squeeze %dma_wait3A_735 : memref<1x8x128xf32, #tpu.memory_space<hbm>> -> memref<8x128xf32, #tpu.memory_space<hbm>>
    %dma_wait3A_737 = arith.constant 0 : i32
    %dma_wait3A_738 = arith.constant 0 : i32
    %dma_wait3A_739 = tpu.memref_slice %arg5[%dma_wait3A_721, %dma_wait3A_737, %dma_wait3A_738] : memref<8x8x128xf32, #tpu.memory_space<vmem>> -> memref<1x8x128xf32, #tpu.memory_space<vmem>>
    %dma_wait3A_740 = tpu.memref_squeeze %dma_wait3A_739 : memref<1x8x128xf32, #tpu.memory_space<vmem>> -> memref<8x128xf32, #tpu.memory_space<vmem>>
    tpu.wait_dma2 semaphore(%dma_wait3A_732 : memref<!tpu.dma_semaphore, #tpu.memory_space<semaphore_mem>>) src(%dma_wait3A_740 : memref<8x128xf32, #tpu.memory_space<vmem>>) dst(%dma_wait3A_736 : memref<8x128xf32, #tpu.memory_space<hbm>>)
    %dma_wait3A_741 = arith.constant 4 : i32
    %dma_wait3A_742 = arith.constant 4 : i32
    %dma_wait3A_743 = arith.constant 0 : i32
    %dma_wait3A_744 = arith.constant 0 : i32
    %dma_wait3A_745 = tpu.memref_slice %arg5[%dma_wait3A_741, %dma_wait3A_743, %dma_wait3A_744] : memref<8x8x128xf32, #tpu.memory_space<vmem>> -> memref<1x8x128xf32, #tpu.memory_space<vmem>>
    %dma_wait3A_746 = tpu.memref_squeeze %dma_wait3A_745 : memref<1x8x128xf32, #tpu.memory_space<vmem>> -> memref<8x128xf32, #tpu.memory_space<vmem>>
    %dma_wait3A_747 = arith.constant 0 : i32
    %dma_wait3A_748 = arith.constant 0 : i32
    %dma_wait3A_749 = tpu.memref_slice %arg4[%add3A_694, %dma_wait3A_747, %dma_wait3A_748] : memref<32768x8x144xf32, #tpu.memory_space<hbm>> -> memref<1x8x128xf32, #tpu.memory_space<hbm>>
    %dma_wait3A_750 = tpu.memref_squeeze %dma_wait3A_749 : memref<1x8x128xf32, #tpu.memory_space<hbm>> -> memref<8x128xf32, #tpu.memory_space<hbm>>
    %dma_wait3A_751 = tpu.memref_slice %arg9[%dma_wait3A_742] : memref<8x!tpu.dma_semaphore, #tpu.memory_space<semaphore_mem>> -> memref<1x!tpu.dma_semaphore, #tpu.memory_space<semaphore_mem>>
    %dma_wait3A_752 = tpu.memref_squeeze %dma_wait3A_751 : memref<1x!tpu.dma_semaphore, #tpu.memory_space<semaphore_mem>> -> memref<!tpu.dma_semaphore, #tpu.memory_space<semaphore_mem>>
    %dma_wait3A_753 = arith.constant 0 : i32
    %dma_wait3A_754 = arith.constant 0 : i32
    %dma_wait3A_755 = tpu.memref_slice %arg4[%add3A_694, %dma_wait3A_753, %dma_wait3A_754] : memref<32768x8x144xf32, #tpu.memory_space<hbm>> -> memref<1x8x128xf32, #tpu.memory_space<hbm>>
    %dma_wait3A_756 = tpu.memref_squeeze %dma_wait3A_755 : memref<1x8x128xf32, #tpu.memory_space<hbm>> -> memref<8x128xf32, #tpu.memory_space<hbm>>
    %dma_wait3A_757 = arith.constant 0 : i32
    %dma_wait3A_758 = arith.constant 0 : i32
    %dma_wait3A_759 = tpu.memref_slice %arg5[%dma_wait3A_741, %dma_wait3A_757, %dma_wait3A_758] : memref<8x8x128xf32, #tpu.memory_space<vmem>> -> memref<1x8x128xf32, #tpu.memory_space<vmem>>
    %dma_wait3A_760 = tpu.memref_squeeze %dma_wait3A_759 : memref<1x8x128xf32, #tpu.memory_space<vmem>> -> memref<8x128xf32, #tpu.memory_space<vmem>>
    tpu.wait_dma2 semaphore(%dma_wait3A_752 : memref<!tpu.dma_semaphore, #tpu.memory_space<semaphore_mem>>) src(%dma_wait3A_760 : memref<8x128xf32, #tpu.memory_space<vmem>>) dst(%dma_wait3A_756 : memref<8x128xf32, #tpu.memory_space<hbm>>)
    %dma_wait3A_761 = arith.constant 4 : i32
    %dma_wait3A_762 = arith.constant 4 : i32
    %dma_wait3A_763 = arith.constant 0 : i32
    %dma_wait3A_764 = arith.constant 0 : i32
    %dma_wait3A_765 = tpu.memref_slice %arg5[%dma_wait3A_761, %dma_wait3A_763, %dma_wait3A_764] : memref<8x8x128xf32, #tpu.memory_space<vmem>> -> memref<1x8x128xf32, #tpu.memory_space<vmem>>
    %dma_wait3A_766 = tpu.memref_squeeze %dma_wait3A_765 : memref<1x8x128xf32, #tpu.memory_space<vmem>> -> memref<8x128xf32, #tpu.memory_space<vmem>>
    %dma_wait3A_767 = arith.constant 0 : i32
    %dma_wait3A_768 = arith.constant 0 : i32
    %dma_wait3A_769 = tpu.memref_slice %arg4[%add3A_698, %dma_wait3A_767, %dma_wait3A_768] : memref<32768x8x144xf32, #tpu.memory_space<hbm>> -> memref<1x8x128xf32, #tpu.memory_space<hbm>>
    %dma_wait3A_770 = tpu.memref_squeeze %dma_wait3A_769 : memref<1x8x128xf32, #tpu.memory_space<hbm>> -> memref<8x128xf32, #tpu.memory_space<hbm>>
    %dma_wait3A_771 = tpu.memref_slice %arg9[%dma_wait3A_762] : memref<8x!tpu.dma_semaphore, #tpu.memory_space<semaphore_mem>> -> memref<1x!tpu.dma_semaphore, #tpu.memory_space<semaphore_mem>>
    %dma_wait3A_772 = tpu.memref_squeeze %dma_wait3A_771 : memref<1x!tpu.dma_semaphore, #tpu.memory_space<semaphore_mem>> -> memref<!tpu.dma_semaphore, #tpu.memory_space<semaphore_mem>>
    %dma_wait3A_773 = arith.constant 0 : i32
    %dma_wait3A_774 = arith.constant 0 : i32
    %dma_wait3A_775 = tpu.memref_slice %arg4[%add3A_698, %dma_wait3A_773, %dma_wait3A_774] : memref<32768x8x144xf32, #tpu.memory_space<hbm>> -> memref<1x8x128xf32, #tpu.memory_space<hbm>>
    %dma_wait3A_776 = tpu.memref_squeeze %dma_wait3A_775 : memref<1x8x128xf32, #tpu.memory_space<hbm>> -> memref<8x128xf32, #tpu.memory_space<hbm>>
    %dma_wait3A_777 = arith.constant 0 : i32
    %dma_wait3A_778 = arith.constant 0 : i32
    %dma_wait3A_779 = tpu.memref_slice %arg5[%dma_wait3A_761, %dma_wait3A_777, %dma_wait3A_778] : memref<8x8x128xf32, #tpu.memory_space<vmem>> -> memref<1x8x128xf32, #tpu.memory_space<vmem>>
    %dma_wait3A_780 = tpu.memref_squeeze %dma_wait3A_779 : memref<1x8x128xf32, #tpu.memory_space<vmem>> -> memref<8x128xf32, #tpu.memory_space<vmem>>
    tpu.wait_dma2 semaphore(%dma_wait3A_772 : memref<!tpu.dma_semaphore, #tpu.memory_space<semaphore_mem>>) src(%dma_wait3A_780 : memref<8x128xf32, #tpu.memory_space<vmem>>) dst(%dma_wait3A_776 : memref<8x128xf32, #tpu.memory_space<hbm>>)
    %dma_wait3A_781 = arith.constant 4 : i32
    %dma_wait3A_782 = arith.constant 4 : i32
    %dma_wait3A_783 = arith.constant 0 : i32
    %dma_wait3A_784 = arith.constant 0 : i32
    %dma_wait3A_785 = tpu.memref_slice %arg5[%dma_wait3A_781, %dma_wait3A_783, %dma_wait3A_784] : memref<8x8x128xf32, #tpu.memory_space<vmem>> -> memref<1x8x128xf32, #tpu.memory_space<vmem>>
    %dma_wait3A_786 = tpu.memref_squeeze %dma_wait3A_785 : memref<1x8x128xf32, #tpu.memory_space<vmem>> -> memref<8x128xf32, #tpu.memory_space<vmem>>
    %dma_wait3A_787 = arith.constant 0 : i32
    %dma_wait3A_788 = arith.constant 0 : i32
    %dma_wait3A_789 = tpu.memref_slice %arg4[%add3A_702, %dma_wait3A_787, %dma_wait3A_788] : memref<32768x8x144xf32, #tpu.memory_space<hbm>> -> memref<1x8x128xf32, #tpu.memory_space<hbm>>
    %dma_wait3A_790 = tpu.memref_squeeze %dma_wait3A_789 : memref<1x8x128xf32, #tpu.memory_space<hbm>> -> memref<8x128xf32, #tpu.memory_space<hbm>>
    %dma_wait3A_791 = tpu.memref_slice %arg9[%dma_wait3A_782] : memref<8x!tpu.dma_semaphore, #tpu.memory_space<semaphore_mem>> -> memref<1x!tpu.dma_semaphore, #tpu.memory_space<semaphore_mem>>
    %dma_wait3A_792 = tpu.memref_squeeze %dma_wait3A_791 : memref<1x!tpu.dma_semaphore, #tpu.memory_space<semaphore_mem>> -> memref<!tpu.dma_semaphore, #tpu.memory_space<semaphore_mem>>
    %dma_wait3A_793 = arith.constant 0 : i32
    %dma_wait3A_794 = arith.constant 0 : i32
    %dma_wait3A_795 = tpu.memref_slice %arg4[%add3A_702, %dma_wait3A_793, %dma_wait3A_794] : memref<32768x8x144xf32, #tpu.memory_space<hbm>> -> memref<1x8x128xf32, #tpu.memory_space<hbm>>
    %dma_wait3A_796 = tpu.memref_squeeze %dma_wait3A_795 : memref<1x8x128xf32, #tpu.memory_space<hbm>> -> memref<8x128xf32, #tpu.memory_space<hbm>>
    %dma_wait3A_797 = arith.constant 0 : i32
    %dma_wait3A_798 = arith.constant 0 : i32
    %dma_wait3A_799 = tpu.memref_slice %arg5[%dma_wait3A_781, %dma_wait3A_797, %dma_wait3A_798] : memref<8x8x128xf32, #tpu.memory_space<vmem>> -> memref<1x8x128xf32, #tpu.memory_space<vmem>>
    %dma_wait3A_800 = tpu.memref_squeeze %dma_wait3A_799 : memref<1x8x128xf32, #tpu.memory_space<vmem>> -> memref<8x128xf32, #tpu.memory_space<vmem>>
    tpu.wait_dma2 semaphore(%dma_wait3A_792 : memref<!tpu.dma_semaphore, #tpu.memory_space<semaphore_mem>>) src(%dma_wait3A_800 : memref<8x128xf32, #tpu.memory_space<vmem>>) dst(%dma_wait3A_796 : memref<8x128xf32, #tpu.memory_space<hbm>>)
    %dma_wait3A_801 = arith.constant 4 : i32
    %dma_wait3A_802 = arith.constant 4 : i32
    %dma_wait3A_803 = arith.constant 0 : i32
    %dma_wait3A_804 = arith.constant 0 : i32
    %dma_wait3A_805 = tpu.memref_slice %arg5[%dma_wait3A_801, %dma_wait3A_803, %dma_wait3A_804] : memref<8x8x128xf32, #tpu.memory_space<vmem>> -> memref<1x8x128xf32, #tpu.memory_space<vmem>>
    %dma_wait3A_806 = tpu.memref_squeeze %dma_wait3A_805 : memref<1x8x128xf32, #tpu.memory_space<vmem>> -> memref<8x128xf32, #tpu.memory_space<vmem>>
    %dma_wait3A_807 = arith.constant 0 : i32
    %dma_wait3A_808 = arith.constant 0 : i32
    %dma_wait3A_809 = tpu.memref_slice %arg4[%add3A_706, %dma_wait3A_807, %dma_wait3A_808] : memref<32768x8x144xf32, #tpu.memory_space<hbm>> -> memref<1x8x128xf32, #tpu.memory_space<hbm>>
    %dma_wait3A_810 = tpu.memref_squeeze %dma_wait3A_809 : memref<1x8x128xf32, #tpu.memory_space<hbm>> -> memref<8x128xf32, #tpu.memory_space<hbm>>
    %dma_wait3A_811 = tpu.memref_slice %arg9[%dma_wait3A_802] : memref<8x!tpu.dma_semaphore, #tpu.memory_space<semaphore_mem>> -> memref<1x!tpu.dma_semaphore, #tpu.memory_space<semaphore_mem>>
    %dma_wait3A_812 = tpu.memref_squeeze %dma_wait3A_811 : memref<1x!tpu.dma_semaphore, #tpu.memory_space<semaphore_mem>> -> memref<!tpu.dma_semaphore, #tpu.memory_space<semaphore_mem>>
    %dma_wait3A_813 = arith.constant 0 : i32
    %dma_wait3A_814 = arith.constant 0 : i32
    %dma_wait3A_815 = tpu.memref_slice %arg4[%add3A_706, %dma_wait3A_813, %dma_wait3A_814] : memref<32768x8x144xf32, #tpu.memory_space<hbm>> -> memref<1x8x128xf32, #tpu.memory_space<hbm>>
    %dma_wait3A_816 = tpu.memref_squeeze %dma_wait3A_815 : memref<1x8x128xf32, #tpu.memory_space<hbm>> -> memref<8x128xf32, #tpu.memory_space<hbm>>
    %dma_wait3A_817 = arith.constant 0 : i32
    %dma_wait3A_818 = arith.constant 0 : i32
    %dma_wait3A_819 = tpu.memref_slice %arg5[%dma_wait3A_801, %dma_wait3A_817, %dma_wait3A_818] : memref<8x8x128xf32, #tpu.memory_space<vmem>> -> memref<1x8x128xf32, #tpu.memory_space<vmem>>
    %dma_wait3A_820 = tpu.memref_squeeze %dma_wait3A_819 : memref<1x8x128xf32, #tpu.memory_space<vmem>> -> memref<8x128xf32, #tpu.memory_space<vmem>>
    tpu.wait_dma2 semaphore(%dma_wait3A_812 : memref<!tpu.dma_semaphore, #tpu.memory_space<semaphore_mem>>) src(%dma_wait3A_820 : memref<8x128xf32, #tpu.memory_space<vmem>>) dst(%dma_wait3A_816 : memref<8x128xf32, #tpu.memory_space<hbm>>)
    %dma_wait3A_821 = arith.constant 4 : i32
    %dma_wait3A_822 = arith.constant 4 : i32
    %dma_wait3A_823 = arith.constant 0 : i32
    %dma_wait3A_824 = arith.constant 0 : i32
    %dma_wait3A_825 = tpu.memref_slice %arg5[%dma_wait3A_821, %dma_wait3A_823, %dma_wait3A_824] : memref<8x8x128xf32, #tpu.memory_space<vmem>> -> memref<1x8x128xf32, #tpu.memory_space<vmem>>
    %dma_wait3A_826 = tpu.memref_squeeze %dma_wait3A_825 : memref<1x8x128xf32, #tpu.memory_space<vmem>> -> memref<8x128xf32, #tpu.memory_space<vmem>>
    %dma_wait3A_827 = arith.constant 0 : i32
    %dma_wait3A_828 = arith.constant 0 : i32
    %dma_wait3A_829 = tpu.memref_slice %arg4[%add3A_710, %dma_wait3A_827, %dma_wait3A_828] : memref<32768x8x144xf32, #tpu.memory_space<hbm>> -> memref<1x8x128xf32, #tpu.memory_space<hbm>>
    %dma_wait3A_830 = tpu.memref_squeeze %dma_wait3A_829 : memref<1x8x128xf32, #tpu.memory_space<hbm>> -> memref<8x128xf32, #tpu.memory_space<hbm>>
    %dma_wait3A_831 = tpu.memref_slice %arg9[%dma_wait3A_822] : memref<8x!tpu.dma_semaphore, #tpu.memory_space<semaphore_mem>> -> memref<1x!tpu.dma_semaphore, #tpu.memory_space<semaphore_mem>>
    %dma_wait3A_832 = tpu.memref_squeeze %dma_wait3A_831 : memref<1x!tpu.dma_semaphore, #tpu.memory_space<semaphore_mem>> -> memref<!tpu.dma_semaphore, #tpu.memory_space<semaphore_mem>>
    %dma_wait3A_833 = arith.constant 0 : i32
    %dma_wait3A_834 = arith.constant 0 : i32
    %dma_wait3A_835 = tpu.memref_slice %arg4[%add3A_710, %dma_wait3A_833, %dma_wait3A_834] : memref<32768x8x144xf32, #tpu.memory_space<hbm>> -> memref<1x8x128xf32, #tpu.memory_space<hbm>>
    %dma_wait3A_836 = tpu.memref_squeeze %dma_wait3A_835 : memref<1x8x128xf32, #tpu.memory_space<hbm>> -> memref<8x128xf32, #tpu.memory_space<hbm>>
    %dma_wait3A_837 = arith.constant 0 : i32
    %dma_wait3A_838 = arith.constant 0 : i32
    %dma_wait3A_839 = tpu.memref_slice %arg5[%dma_wait3A_821, %dma_wait3A_837, %dma_wait3A_838] : memref<8x8x128xf32, #tpu.memory_space<vmem>> -> memref<1x8x128xf32, #tpu.memory_space<vmem>>
    %dma_wait3A_840 = tpu.memref_squeeze %dma_wait3A_839 : memref<1x8x128xf32, #tpu.memory_space<vmem>> -> memref<8x128xf32, #tpu.memory_space<vmem>>
    tpu.wait_dma2 semaphore(%dma_wait3A_832 : memref<!tpu.dma_semaphore, #tpu.memory_space<semaphore_mem>>) src(%dma_wait3A_840 : memref<8x128xf32, #tpu.memory_space<vmem>>) dst(%dma_wait3A_836 : memref<8x128xf32, #tpu.memory_space<hbm>>)
    %dma_wait3A_841 = arith.constant 4 : i32
    %dma_wait3A_842 = arith.constant 4 : i32
    %dma_wait3A_843 = arith.constant 0 : i32
    %dma_wait3A_844 = arith.constant 0 : i32
    %dma_wait3A_845 = tpu.memref_slice %arg5[%dma_wait3A_841, %dma_wait3A_843, %dma_wait3A_844] : memref<8x8x128xf32, #tpu.memory_space<vmem>> -> memref<1x8x128xf32, #tpu.memory_space<vmem>>
    %dma_wait3A_846 = tpu.memref_squeeze %dma_wait3A_845 : memref<1x8x128xf32, #tpu.memory_space<vmem>> -> memref<8x128xf32, #tpu.memory_space<vmem>>
    %dma_wait3A_847 = arith.constant 0 : i32
    %dma_wait3A_848 = arith.constant 0 : i32
    %dma_wait3A_849 = tpu.memref_slice %arg4[%add3A_714, %dma_wait3A_847, %dma_wait3A_848] : memref<32768x8x144xf32, #tpu.memory_space<hbm>> -> memref<1x8x128xf32, #tpu.memory_space<hbm>>
    %dma_wait3A_850 = tpu.memref_squeeze %dma_wait3A_849 : memref<1x8x128xf32, #tpu.memory_space<hbm>> -> memref<8x128xf32, #tpu.memory_space<hbm>>
    %dma_wait3A_851 = tpu.memref_slice %arg9[%dma_wait3A_842] : memref<8x!tpu.dma_semaphore, #tpu.memory_space<semaphore_mem>> -> memref<1x!tpu.dma_semaphore, #tpu.memory_space<semaphore_mem>>
    %dma_wait3A_852 = tpu.memref_squeeze %dma_wait3A_851 : memref<1x!tpu.dma_semaphore, #tpu.memory_space<semaphore_mem>> -> memref<!tpu.dma_semaphore, #tpu.memory_space<semaphore_mem>>
    %dma_wait3A_853 = arith.constant 0 : i32
    %dma_wait3A_854 = arith.constant 0 : i32
    %dma_wait3A_855 = tpu.memref_slice %arg4[%add3A_714, %dma_wait3A_853, %dma_wait3A_854] : memref<32768x8x144xf32, #tpu.memory_space<hbm>> -> memref<1x8x128xf32, #tpu.memory_space<hbm>>
    %dma_wait3A_856 = tpu.memref_squeeze %dma_wait3A_855 : memref<1x8x128xf32, #tpu.memory_space<hbm>> -> memref<8x128xf32, #tpu.memory_space<hbm>>
    %dma_wait3A_857 = arith.constant 0 : i32
    %dma_wait3A_858 = arith.constant 0 : i32
    %dma_wait3A_859 = tpu.memref_slice %arg5[%dma_wait3A_841, %dma_wait3A_857, %dma_wait3A_858] : memref<8x8x128xf32, #tpu.memory_space<vmem>> -> memref<1x8x128xf32, #tpu.memory_space<vmem>>
    %dma_wait3A_860 = tpu.memref_squeeze %dma_wait3A_859 : memref<1x8x128xf32, #tpu.memory_space<vmem>> -> memref<8x128xf32, #tpu.memory_space<vmem>>
    tpu.wait_dma2 semaphore(%dma_wait3A_852 : memref<!tpu.dma_semaphore, #tpu.memory_space<semaphore_mem>>) src(%dma_wait3A_860 : memref<8x128xf32, #tpu.memory_space<vmem>>) dst(%dma_wait3A_856 : memref<8x128xf32, #tpu.memory_space<hbm>>)
    %dma_wait3A_861 = arith.constant 4 : i32
    %dma_wait3A_862 = arith.constant 4 : i32
    %dma_wait3A_863 = arith.constant 0 : i32
    %dma_wait3A_864 = arith.constant 0 : i32
    %dma_wait3A_865 = tpu.memref_slice %arg5[%dma_wait3A_861, %dma_wait3A_863, %dma_wait3A_864] : memref<8x8x128xf32, #tpu.memory_space<vmem>> -> memref<1x8x128xf32, #tpu.memory_space<vmem>>
    %dma_wait3A_866 = tpu.memref_squeeze %dma_wait3A_865 : memref<1x8x128xf32, #tpu.memory_space<vmem>> -> memref<8x128xf32, #tpu.memory_space<vmem>>
    %dma_wait3A_867 = arith.constant 0 : i32
    %dma_wait3A_868 = arith.constant 0 : i32
    %dma_wait3A_869 = tpu.memref_slice %arg4[%add3A_718, %dma_wait3A_867, %dma_wait3A_868] : memref<32768x8x144xf32, #tpu.memory_space<hbm>> -> memref<1x8x128xf32, #tpu.memory_space<hbm>>
    %dma_wait3A_870 = tpu.memref_squeeze %dma_wait3A_869 : memref<1x8x128xf32, #tpu.memory_space<hbm>> -> memref<8x128xf32, #tpu.memory_space<hbm>>
    %dma_wait3A_871 = tpu.memref_slice %arg9[%dma_wait3A_862] : memref<8x!tpu.dma_semaphore, #tpu.memory_space<semaphore_mem>> -> memref<1x!tpu.dma_semaphore, #tpu.memory_space<semaphore_mem>>
    %dma_wait3A_872 = tpu.memref_squeeze %dma_wait3A_871 : memref<1x!tpu.dma_semaphore, #tpu.memory_space<semaphore_mem>> -> memref<!tpu.dma_semaphore, #tpu.memory_space<semaphore_mem>>
    %dma_wait3A_873 = arith.constant 0 : i32
    %dma_wait3A_874 = arith.constant 0 : i32
    %dma_wait3A_875 = tpu.memref_slice %arg4[%add3A_718, %dma_wait3A_873, %dma_wait3A_874] : memref<32768x8x144xf32, #tpu.memory_space<hbm>> -> memref<1x8x128xf32, #tpu.memory_space<hbm>>
    %dma_wait3A_876 = tpu.memref_squeeze %dma_wait3A_875 : memref<1x8x128xf32, #tpu.memory_space<hbm>> -> memref<8x128xf32, #tpu.memory_space<hbm>>
    %dma_wait3A_877 = arith.constant 0 : i32
    %dma_wait3A_878 = arith.constant 0 : i32
    %dma_wait3A_879 = tpu.memref_slice %arg5[%dma_wait3A_861, %dma_wait3A_877, %dma_wait3A_878] : memref<8x8x128xf32, #tpu.memory_space<vmem>> -> memref<1x8x128xf32, #tpu.memory_space<vmem>>
    %dma_wait3A_880 = tpu.memref_squeeze %dma_wait3A_879 : memref<1x8x128xf32, #tpu.memory_space<vmem>> -> memref<8x128xf32, #tpu.memory_space<vmem>>
    tpu.wait_dma2 semaphore(%dma_wait3A_872 : memref<!tpu.dma_semaphore, #tpu.memory_space<semaphore_mem>>) src(%dma_wait3A_880 : memref<8x128xf32, #tpu.memory_space<vmem>>) dst(%dma_wait3A_876 : memref<8x128xf32, #tpu.memory_space<hbm>>)
    %dma_wait3A_881 = arith.constant 4 : i32
    %dma_wait3A_882 = arith.constant 4 : i32
    %dma_wait3A_883 = arith.constant 0 : i32
    %dma_wait3A_884 = arith.constant 0 : i32
    %dma_wait3A_885 = arith.constant 0 : i32
    %dma_wait3A_886 = tpu.memref_slice %arg7[%dma_wait3A_881, %dma_wait3A_883, %dma_wait3A_884, %dma_wait3A_885] : memref<8x8x8x16xf32, #tpu.memory_space<vmem>> -> memref<1x8x8x16xf32, #tpu.memory_space<vmem>>
    %dma_wait3A_887 = tpu.memref_squeeze %dma_wait3A_886 : memref<1x8x8x16xf32, #tpu.memory_space<vmem>> -> memref<8x8x16xf32, #tpu.memory_space<vmem>>
    %dma_wait3A_888 = arith.constant 0 : i32
    %dma_wait3A_889 = arith.constant 128 : i32
    %dma_wait3A_890 = tpu.memref_slice %arg4[%mul3A_720, %dma_wait3A_888, %dma_wait3A_889] : memref<32768x8x144xf32, #tpu.memory_space<hbm>> -> memref<8x8x16xf32, #tpu.memory_space<hbm>>
    %dma_wait3A_891 = tpu.memref_slice %arg9[%dma_wait3A_882] : memref<8x!tpu.dma_semaphore, #tpu.memory_space<semaphore_mem>> -> memref<1x!tpu.dma_semaphore, #tpu.memory_space<semaphore_mem>>
    %dma_wait3A_892 = tpu.memref_squeeze %dma_wait3A_891 : memref<1x!tpu.dma_semaphore, #tpu.memory_space<semaphore_mem>> -> memref<!tpu.dma_semaphore, #tpu.memory_space<semaphore_mem>>
    %dma_wait3A_893 = arith.constant 0 : i32
    %dma_wait3A_894 = arith.constant 128 : i32
    %dma_wait3A_895 = tpu.memref_slice %arg4[%mul3A_720, %dma_wait3A_893, %dma_wait3A_894] : memref<32768x8x144xf32, #tpu.memory_space<hbm>> -> memref<8x8x16xf32, #tpu.memory_space<hbm>>
    %dma_wait3A_896 = arith.constant 0 : i32
    %dma_wait3A_897 = arith.constant 0 : i32
    %dma_wait3A_898 = arith.constant 0 : i32
    %dma_wait3A_899 = tpu.memref_slice %arg7[%dma_wait3A_881, %dma_wait3A_896, %dma_wait3A_897, %dma_wait3A_898] : memref<8x8x8x16xf32, #tpu.memory_space<vmem>> -> memref<1x8x8x16xf32, #tpu.memory_space<vmem>>
    %dma_wait3A_900 = tpu.memref_squeeze %dma_wait3A_899 : memref<1x8x8x16xf32, #tpu.memory_space<vmem>> -> memref<8x8x16xf32, #tpu.memory_space<vmem>>
    tpu.wait_dma2 semaphore(%dma_wait3A_892 : memref<!tpu.dma_semaphore, #tpu.memory_space<semaphore_mem>>) src(%dma_wait3A_900 : memref<8x8x16xf32, #tpu.memory_space<vmem>>) dst(%dma_wait3A_895 : memref<8x8x16xf32, #tpu.memory_space<hbm>>)
    %mul3A_901 = arith.constant 8 : i32
    %mul3A_902 = arith.muli %mul3A_2, %mul3A_901 : i32
    %add3A_903 = arith.constant 0 : i32
    %add3A_904 = arith.addi %mul3A_902, %add3A_903 : i32
    %mul3A_905 = arith.constant 8 : i32
    %mul3A_906 = arith.muli %mul3A_2, %mul3A_905 : i32
    %add3A_907 = arith.constant 1 : i32
    %add3A_908 = arith.addi %mul3A_906, %add3A_907 : i32
    %mul3A_909 = arith.constant 8 : i32
    %mul3A_910 = arith.muli %mul3A_2, %mul3A_909 : i32
    %add3A_911 = arith.constant 2 : i32
    %add3A_912 = arith.addi %mul3A_910, %add3A_911 : i32
    %mul3A_913 = arith.constant 8 : i32
    %mul3A_914 = arith.muli %mul3A_2, %mul3A_913 : i32
    %add3A_915 = arith.constant 3 : i32
    %add3A_916 = arith.addi %mul3A_914, %add3A_915 : i32
    %mul3A_917 = arith.constant 8 : i32
    %mul3A_918 = arith.muli %mul3A_2, %mul3A_917 : i32
    %add3A_919 = arith.constant 4 : i32
    %add3A_920 = arith.addi %mul3A_918, %add3A_919 : i32
    %mul3A_921 = arith.constant 8 : i32
    %mul3A_922 = arith.muli %mul3A_2, %mul3A_921 : i32
    %add3A_923 = arith.constant 5 : i32
    %add3A_924 = arith.addi %mul3A_922, %add3A_923 : i32
    %mul3A_925 = arith.constant 8 : i32
    %mul3A_926 = arith.muli %mul3A_2, %mul3A_925 : i32
    %add3A_927 = arith.constant 6 : i32
    %add3A_928 = arith.addi %mul3A_926, %add3A_927 : i32
    %mul3A_929 = arith.constant 8 : i32
    %mul3A_930 = arith.muli %mul3A_2, %mul3A_929 : i32
    %add3A_931 = arith.constant 7 : i32
    %add3A_932 = arith.addi %mul3A_930, %add3A_931 : i32
    %mul3A_933 = arith.constant 8 : i32
    %mul3A_934 = arith.muli %mul3A_2, %mul3A_933 : i32
    %dma_wait3A_935 = arith.constant 5 : i32
    %dma_wait3A_936 = arith.constant 5 : i32
    %dma_wait3A_937 = arith.constant 0 : i32
    %dma_wait3A_938 = arith.constant 0 : i32
    %dma_wait3A_939 = tpu.memref_slice %arg5[%dma_wait3A_935, %dma_wait3A_937, %dma_wait3A_938] : memref<8x8x128xf32, #tpu.memory_space<vmem>> -> memref<1x8x128xf32, #tpu.memory_space<vmem>>
    %dma_wait3A_940 = tpu.memref_squeeze %dma_wait3A_939 : memref<1x8x128xf32, #tpu.memory_space<vmem>> -> memref<8x128xf32, #tpu.memory_space<vmem>>
    %dma_wait3A_941 = arith.constant 0 : i32
    %dma_wait3A_942 = arith.constant 0 : i32
    %dma_wait3A_943 = tpu.memref_slice %arg4[%add3A_904, %dma_wait3A_941, %dma_wait3A_942] : memref<32768x8x144xf32, #tpu.memory_space<hbm>> -> memref<1x8x128xf32, #tpu.memory_space<hbm>>
    %dma_wait3A_944 = tpu.memref_squeeze %dma_wait3A_943 : memref<1x8x128xf32, #tpu.memory_space<hbm>> -> memref<8x128xf32, #tpu.memory_space<hbm>>
    %dma_wait3A_945 = tpu.memref_slice %arg9[%dma_wait3A_936] : memref<8x!tpu.dma_semaphore, #tpu.memory_space<semaphore_mem>> -> memref<1x!tpu.dma_semaphore, #tpu.memory_space<semaphore_mem>>
    %dma_wait3A_946 = tpu.memref_squeeze %dma_wait3A_945 : memref<1x!tpu.dma_semaphore, #tpu.memory_space<semaphore_mem>> -> memref<!tpu.dma_semaphore, #tpu.memory_space<semaphore_mem>>
    %dma_wait3A_947 = arith.constant 0 : i32
    %dma_wait3A_948 = arith.constant 0 : i32
    %dma_wait3A_949 = tpu.memref_slice %arg4[%add3A_904, %dma_wait3A_947, %dma_wait3A_948] : memref<32768x8x144xf32, #tpu.memory_space<hbm>> -> memref<1x8x128xf32, #tpu.memory_space<hbm>>
    %dma_wait3A_950 = tpu.memref_squeeze %dma_wait3A_949 : memref<1x8x128xf32, #tpu.memory_space<hbm>> -> memref<8x128xf32, #tpu.memory_space<hbm>>
    %dma_wait3A_951 = arith.constant 0 : i32
    %dma_wait3A_952 = arith.constant 0 : i32
    %dma_wait3A_953 = tpu.memref_slice %arg5[%dma_wait3A_935, %dma_wait3A_951, %dma_wait3A_952] : memref<8x8x128xf32, #tpu.memory_space<vmem>> -> memref<1x8x128xf32, #tpu.memory_space<vmem>>
    %dma_wait3A_954 = tpu.memref_squeeze %dma_wait3A_953 : memref<1x8x128xf32, #tpu.memory_space<vmem>> -> memref<8x128xf32, #tpu.memory_space<vmem>>
    tpu.wait_dma2 semaphore(%dma_wait3A_946 : memref<!tpu.dma_semaphore, #tpu.memory_space<semaphore_mem>>) src(%dma_wait3A_954 : memref<8x128xf32, #tpu.memory_space<vmem>>) dst(%dma_wait3A_950 : memref<8x128xf32, #tpu.memory_space<hbm>>)
    %dma_wait3A_955 = arith.constant 5 : i32
    %dma_wait3A_956 = arith.constant 5 : i32
    %dma_wait3A_957 = arith.constant 0 : i32
    %dma_wait3A_958 = arith.constant 0 : i32
    %dma_wait3A_959 = tpu.memref_slice %arg5[%dma_wait3A_955, %dma_wait3A_957, %dma_wait3A_958] : memref<8x8x128xf32, #tpu.memory_space<vmem>> -> memref<1x8x128xf32, #tpu.memory_space<vmem>>
    %dma_wait3A_960 = tpu.memref_squeeze %dma_wait3A_959 : memref<1x8x128xf32, #tpu.memory_space<vmem>> -> memref<8x128xf32, #tpu.memory_space<vmem>>
    %dma_wait3A_961 = arith.constant 0 : i32
    %dma_wait3A_962 = arith.constant 0 : i32
    %dma_wait3A_963 = tpu.memref_slice %arg4[%add3A_908, %dma_wait3A_961, %dma_wait3A_962] : memref<32768x8x144xf32, #tpu.memory_space<hbm>> -> memref<1x8x128xf32, #tpu.memory_space<hbm>>
    %dma_wait3A_964 = tpu.memref_squeeze %dma_wait3A_963 : memref<1x8x128xf32, #tpu.memory_space<hbm>> -> memref<8x128xf32, #tpu.memory_space<hbm>>
    %dma_wait3A_965 = tpu.memref_slice %arg9[%dma_wait3A_956] : memref<8x!tpu.dma_semaphore, #tpu.memory_space<semaphore_mem>> -> memref<1x!tpu.dma_semaphore, #tpu.memory_space<semaphore_mem>>
    %dma_wait3A_966 = tpu.memref_squeeze %dma_wait3A_965 : memref<1x!tpu.dma_semaphore, #tpu.memory_space<semaphore_mem>> -> memref<!tpu.dma_semaphore, #tpu.memory_space<semaphore_mem>>
    %dma_wait3A_967 = arith.constant 0 : i32
    %dma_wait3A_968 = arith.constant 0 : i32
    %dma_wait3A_969 = tpu.memref_slice %arg4[%add3A_908, %dma_wait3A_967, %dma_wait3A_968] : memref<32768x8x144xf32, #tpu.memory_space<hbm>> -> memref<1x8x128xf32, #tpu.memory_space<hbm>>
    %dma_wait3A_970 = tpu.memref_squeeze %dma_wait3A_969 : memref<1x8x128xf32, #tpu.memory_space<hbm>> -> memref<8x128xf32, #tpu.memory_space<hbm>>
    %dma_wait3A_971 = arith.constant 0 : i32
    %dma_wait3A_972 = arith.constant 0 : i32
    %dma_wait3A_973 = tpu.memref_slice %arg5[%dma_wait3A_955, %dma_wait3A_971, %dma_wait3A_972] : memref<8x8x128xf32, #tpu.memory_space<vmem>> -> memref<1x8x128xf32, #tpu.memory_space<vmem>>
    %dma_wait3A_974 = tpu.memref_squeeze %dma_wait3A_973 : memref<1x8x128xf32, #tpu.memory_space<vmem>> -> memref<8x128xf32, #tpu.memory_space<vmem>>
    tpu.wait_dma2 semaphore(%dma_wait3A_966 : memref<!tpu.dma_semaphore, #tpu.memory_space<semaphore_mem>>) src(%dma_wait3A_974 : memref<8x128xf32, #tpu.memory_space<vmem>>) dst(%dma_wait3A_970 : memref<8x128xf32, #tpu.memory_space<hbm>>)
    %dma_wait3A_975 = arith.constant 5 : i32
    %dma_wait3A_976 = arith.constant 5 : i32
    %dma_wait3A_977 = arith.constant 0 : i32
    %dma_wait3A_978 = arith.constant 0 : i32
    %dma_wait3A_979 = tpu.memref_slice %arg5[%dma_wait3A_975, %dma_wait3A_977, %dma_wait3A_978] : memref<8x8x128xf32, #tpu.memory_space<vmem>> -> memref<1x8x128xf32, #tpu.memory_space<vmem>>
    %dma_wait3A_980 = tpu.memref_squeeze %dma_wait3A_979 : memref<1x8x128xf32, #tpu.memory_space<vmem>> -> memref<8x128xf32, #tpu.memory_space<vmem>>
    %dma_wait3A_981 = arith.constant 0 : i32
    %dma_wait3A_982 = arith.constant 0 : i32
    %dma_wait3A_983 = tpu.memref_slice %arg4[%add3A_912, %dma_wait3A_981, %dma_wait3A_982] : memref<32768x8x144xf32, #tpu.memory_space<hbm>> -> memref<1x8x128xf32, #tpu.memory_space<hbm>>
    %dma_wait3A_984 = tpu.memref_squeeze %dma_wait3A_983 : memref<1x8x128xf32, #tpu.memory_space<hbm>> -> memref<8x128xf32, #tpu.memory_space<hbm>>
    %dma_wait3A_985 = tpu.memref_slice %arg9[%dma_wait3A_976] : memref<8x!tpu.dma_semaphore, #tpu.memory_space<semaphore_mem>> -> memref<1x!tpu.dma_semaphore, #tpu.memory_space<semaphore_mem>>
    %dma_wait3A_986 = tpu.memref_squeeze %dma_wait3A_985 : memref<1x!tpu.dma_semaphore, #tpu.memory_space<semaphore_mem>> -> memref<!tpu.dma_semaphore, #tpu.memory_space<semaphore_mem>>
    %dma_wait3A_987 = arith.constant 0 : i32
    %dma_wait3A_988 = arith.constant 0 : i32
    %dma_wait3A_989 = tpu.memref_slice %arg4[%add3A_912, %dma_wait3A_987, %dma_wait3A_988] : memref<32768x8x144xf32, #tpu.memory_space<hbm>> -> memref<1x8x128xf32, #tpu.memory_space<hbm>>
    %dma_wait3A_990 = tpu.memref_squeeze %dma_wait3A_989 : memref<1x8x128xf32, #tpu.memory_space<hbm>> -> memref<8x128xf32, #tpu.memory_space<hbm>>
    %dma_wait3A_991 = arith.constant 0 : i32
    %dma_wait3A_992 = arith.constant 0 : i32
    %dma_wait3A_993 = tpu.memref_slice %arg5[%dma_wait3A_975, %dma_wait3A_991, %dma_wait3A_992] : memref<8x8x128xf32, #tpu.memory_space<vmem>> -> memref<1x8x128xf32, #tpu.memory_space<vmem>>
    %dma_wait3A_994 = tpu.memref_squeeze %dma_wait3A_993 : memref<1x8x128xf32, #tpu.memory_space<vmem>> -> memref<8x128xf32, #tpu.memory_space<vmem>>
    tpu.wait_dma2 semaphore(%dma_wait3A_986 : memref<!tpu.dma_semaphore, #tpu.memory_space<semaphore_mem>>) src(%dma_wait3A_994 : memref<8x128xf32, #tpu.memory_space<vmem>>) dst(%dma_wait3A_990 : memref<8x128xf32, #tpu.memory_space<hbm>>)
    %dma_wait3A_995 = arith.constant 5 : i32
    %dma_wait3A_996 = arith.constant 5 : i32
    %dma_wait3A_997 = arith.constant 0 : i32
    %dma_wait3A_998 = arith.constant 0 : i32
    %dma_wait3A_999 = tpu.memref_slice %arg5[%dma_wait3A_995, %dma_wait3A_997, %dma_wait3A_998] : memref<8x8x128xf32, #tpu.memory_space<vmem>> -> memref<1x8x128xf32, #tpu.memory_space<vmem>>
    %dma_wait3A_1000 = tpu.memref_squeeze %dma_wait3A_999 : memref<1x8x128xf32, #tpu.memory_space<vmem>> -> memref<8x128xf32, #tpu.memory_space<vmem>>
    %dma_wait3A_1001 = arith.constant 0 : i32
    %dma_wait3A_1002 = arith.constant 0 : i32
    %dma_wait3A_1003 = tpu.memref_slice %arg4[%add3A_916, %dma_wait3A_1001, %dma_wait3A_1002] : memref<32768x8x144xf32, #tpu.memory_space<hbm>> -> memref<1x8x128xf32, #tpu.memory_space<hbm>>
    %dma_wait3A_1004 = tpu.memref_squeeze %dma_wait3A_1003 : memref<1x8x128xf32, #tpu.memory_space<hbm>> -> memref<8x128xf32, #tpu.memory_space<hbm>>
    %dma_wait3A_1005 = tpu.memref_slice %arg9[%dma_wait3A_996] : memref<8x!tpu.dma_semaphore, #tpu.memory_space<semaphore_mem>> -> memref<1x!tpu.dma_semaphore, #tpu.memory_space<semaphore_mem>>
    %dma_wait3A_1006 = tpu.memref_squeeze %dma_wait3A_1005 : memref<1x!tpu.dma_semaphore, #tpu.memory_space<semaphore_mem>> -> memref<!tpu.dma_semaphore, #tpu.memory_space<semaphore_mem>>
    %dma_wait3A_1007 = arith.constant 0 : i32
    %dma_wait3A_1008 = arith.constant 0 : i32
    %dma_wait3A_1009 = tpu.memref_slice %arg4[%add3A_916, %dma_wait3A_1007, %dma_wait3A_1008] : memref<32768x8x144xf32, #tpu.memory_space<hbm>> -> memref<1x8x128xf32, #tpu.memory_space<hbm>>
    %dma_wait3A_1010 = tpu.memref_squeeze %dma_wait3A_1009 : memref<1x8x128xf32, #tpu.memory_space<hbm>> -> memref<8x128xf32, #tpu.memory_space<hbm>>
    %dma_wait3A_1011 = arith.constant 0 : i32
    %dma_wait3A_1012 = arith.constant 0 : i32
    %dma_wait3A_1013 = tpu.memref_slice %arg5[%dma_wait3A_995, %dma_wait3A_1011, %dma_wait3A_1012] : memref<8x8x128xf32, #tpu.memory_space<vmem>> -> memref<1x8x128xf32, #tpu.memory_space<vmem>>
    %dma_wait3A_1014 = tpu.memref_squeeze %dma_wait3A_1013 : memref<1x8x128xf32, #tpu.memory_space<vmem>> -> memref<8x128xf32, #tpu.memory_space<vmem>>
    tpu.wait_dma2 semaphore(%dma_wait3A_1006 : memref<!tpu.dma_semaphore, #tpu.memory_space<semaphore_mem>>) src(%dma_wait3A_1014 : memref<8x128xf32, #tpu.memory_space<vmem>>) dst(%dma_wait3A_1010 : memref<8x128xf32, #tpu.memory_space<hbm>>)
    %dma_wait3A_1015 = arith.constant 5 : i32
    %dma_wait3A_1016 = arith.constant 5 : i32
    %dma_wait3A_1017 = arith.constant 0 : i32
    %dma_wait3A_1018 = arith.constant 0 : i32
    %dma_wait3A_1019 = tpu.memref_slice %arg5[%dma_wait3A_1015, %dma_wait3A_1017, %dma_wait3A_1018] : memref<8x8x128xf32, #tpu.memory_space<vmem>> -> memref<1x8x128xf32, #tpu.memory_space<vmem>>
    %dma_wait3A_1020 = tpu.memref_squeeze %dma_wait3A_1019 : memref<1x8x128xf32, #tpu.memory_space<vmem>> -> memref<8x128xf32, #tpu.memory_space<vmem>>
    %dma_wait3A_1021 = arith.constant 0 : i32
    %dma_wait3A_1022 = arith.constant 0 : i32
    %dma_wait3A_1023 = tpu.memref_slice %arg4[%add3A_920, %dma_wait3A_1021, %dma_wait3A_1022] : memref<32768x8x144xf32, #tpu.memory_space<hbm>> -> memref<1x8x128xf32, #tpu.memory_space<hbm>>
    %dma_wait3A_1024 = tpu.memref_squeeze %dma_wait3A_1023 : memref<1x8x128xf32, #tpu.memory_space<hbm>> -> memref<8x128xf32, #tpu.memory_space<hbm>>
    %dma_wait3A_1025 = tpu.memref_slice %arg9[%dma_wait3A_1016] : memref<8x!tpu.dma_semaphore, #tpu.memory_space<semaphore_mem>> -> memref<1x!tpu.dma_semaphore, #tpu.memory_space<semaphore_mem>>
    %dma_wait3A_1026 = tpu.memref_squeeze %dma_wait3A_1025 : memref<1x!tpu.dma_semaphore, #tpu.memory_space<semaphore_mem>> -> memref<!tpu.dma_semaphore, #tpu.memory_space<semaphore_mem>>
    %dma_wait3A_1027 = arith.constant 0 : i32
    %dma_wait3A_1028 = arith.constant 0 : i32
    %dma_wait3A_1029 = tpu.memref_slice %arg4[%add3A_920, %dma_wait3A_1027, %dma_wait3A_1028] : memref<32768x8x144xf32, #tpu.memory_space<hbm>> -> memref<1x8x128xf32, #tpu.memory_space<hbm>>
    %dma_wait3A_1030 = tpu.memref_squeeze %dma_wait3A_1029 : memref<1x8x128xf32, #tpu.memory_space<hbm>> -> memref<8x128xf32, #tpu.memory_space<hbm>>
    %dma_wait3A_1031 = arith.constant 0 : i32
    %dma_wait3A_1032 = arith.constant 0 : i32
    %dma_wait3A_1033 = tpu.memref_slice %arg5[%dma_wait3A_1015, %dma_wait3A_1031, %dma_wait3A_1032] : memref<8x8x128xf32, #tpu.memory_space<vmem>> -> memref<1x8x128xf32, #tpu.memory_space<vmem>>
    %dma_wait3A_1034 = tpu.memref_squeeze %dma_wait3A_1033 : memref<1x8x128xf32, #tpu.memory_space<vmem>> -> memref<8x128xf32, #tpu.memory_space<vmem>>
    tpu.wait_dma2 semaphore(%dma_wait3A_1026 : memref<!tpu.dma_semaphore, #tpu.memory_space<semaphore_mem>>) src(%dma_wait3A_1034 : memref<8x128xf32, #tpu.memory_space<vmem>>) dst(%dma_wait3A_1030 : memref<8x128xf32, #tpu.memory_space<hbm>>)
    %dma_wait3A_1035 = arith.constant 5 : i32
    %dma_wait3A_1036 = arith.constant 5 : i32
    %dma_wait3A_1037 = arith.constant 0 : i32
    %dma_wait3A_1038 = arith.constant 0 : i32
    %dma_wait3A_1039 = tpu.memref_slice %arg5[%dma_wait3A_1035, %dma_wait3A_1037, %dma_wait3A_1038] : memref<8x8x128xf32, #tpu.memory_space<vmem>> -> memref<1x8x128xf32, #tpu.memory_space<vmem>>
    %dma_wait3A_1040 = tpu.memref_squeeze %dma_wait3A_1039 : memref<1x8x128xf32, #tpu.memory_space<vmem>> -> memref<8x128xf32, #tpu.memory_space<vmem>>
    %dma_wait3A_1041 = arith.constant 0 : i32
    %dma_wait3A_1042 = arith.constant 0 : i32
    %dma_wait3A_1043 = tpu.memref_slice %arg4[%add3A_924, %dma_wait3A_1041, %dma_wait3A_1042] : memref<32768x8x144xf32, #tpu.memory_space<hbm>> -> memref<1x8x128xf32, #tpu.memory_space<hbm>>
    %dma_wait3A_1044 = tpu.memref_squeeze %dma_wait3A_1043 : memref<1x8x128xf32, #tpu.memory_space<hbm>> -> memref<8x128xf32, #tpu.memory_space<hbm>>
    %dma_wait3A_1045 = tpu.memref_slice %arg9[%dma_wait3A_1036] : memref<8x!tpu.dma_semaphore, #tpu.memory_space<semaphore_mem>> -> memref<1x!tpu.dma_semaphore, #tpu.memory_space<semaphore_mem>>
    %dma_wait3A_1046 = tpu.memref_squeeze %dma_wait3A_1045 : memref<1x!tpu.dma_semaphore, #tpu.memory_space<semaphore_mem>> -> memref<!tpu.dma_semaphore, #tpu.memory_space<semaphore_mem>>
    %dma_wait3A_1047 = arith.constant 0 : i32
    %dma_wait3A_1048 = arith.constant 0 : i32
    %dma_wait3A_1049 = tpu.memref_slice %arg4[%add3A_924, %dma_wait3A_1047, %dma_wait3A_1048] : memref<32768x8x144xf32, #tpu.memory_space<hbm>> -> memref<1x8x128xf32, #tpu.memory_space<hbm>>
    %dma_wait3A_1050 = tpu.memref_squeeze %dma_wait3A_1049 : memref<1x8x128xf32, #tpu.memory_space<hbm>> -> memref<8x128xf32, #tpu.memory_space<hbm>>
    %dma_wait3A_1051 = arith.constant 0 : i32
    %dma_wait3A_1052 = arith.constant 0 : i32
    %dma_wait3A_1053 = tpu.memref_slice %arg5[%dma_wait3A_1035, %dma_wait3A_1051, %dma_wait3A_1052] : memref<8x8x128xf32, #tpu.memory_space<vmem>> -> memref<1x8x128xf32, #tpu.memory_space<vmem>>
    %dma_wait3A_1054 = tpu.memref_squeeze %dma_wait3A_1053 : memref<1x8x128xf32, #tpu.memory_space<vmem>> -> memref<8x128xf32, #tpu.memory_space<vmem>>
    tpu.wait_dma2 semaphore(%dma_wait3A_1046 : memref<!tpu.dma_semaphore, #tpu.memory_space<semaphore_mem>>) src(%dma_wait3A_1054 : memref<8x128xf32, #tpu.memory_space<vmem>>) dst(%dma_wait3A_1050 : memref<8x128xf32, #tpu.memory_space<hbm>>)
    %dma_wait3A_1055 = arith.constant 5 : i32
    %dma_wait3A_1056 = arith.constant 5 : i32
    %dma_wait3A_1057 = arith.constant 0 : i32
    %dma_wait3A_1058 = arith.constant 0 : i32
    %dma_wait3A_1059 = tpu.memref_slice %arg5[%dma_wait3A_1055, %dma_wait3A_1057, %dma_wait3A_1058] : memref<8x8x128xf32, #tpu.memory_space<vmem>> -> memref<1x8x128xf32, #tpu.memory_space<vmem>>
    %dma_wait3A_1060 = tpu.memref_squeeze %dma_wait3A_1059 : memref<1x8x128xf32, #tpu.memory_space<vmem>> -> memref<8x128xf32, #tpu.memory_space<vmem>>
    %dma_wait3A_1061 = arith.constant 0 : i32
    %dma_wait3A_1062 = arith.constant 0 : i32
    %dma_wait3A_1063 = tpu.memref_slice %arg4[%add3A_928, %dma_wait3A_1061, %dma_wait3A_1062] : memref<32768x8x144xf32, #tpu.memory_space<hbm>> -> memref<1x8x128xf32, #tpu.memory_space<hbm>>
    %dma_wait3A_1064 = tpu.memref_squeeze %dma_wait3A_1063 : memref<1x8x128xf32, #tpu.memory_space<hbm>> -> memref<8x128xf32, #tpu.memory_space<hbm>>
    %dma_wait3A_1065 = tpu.memref_slice %arg9[%dma_wait3A_1056] : memref<8x!tpu.dma_semaphore, #tpu.memory_space<semaphore_mem>> -> memref<1x!tpu.dma_semaphore, #tpu.memory_space<semaphore_mem>>
    %dma_wait3A_1066 = tpu.memref_squeeze %dma_wait3A_1065 : memref<1x!tpu.dma_semaphore, #tpu.memory_space<semaphore_mem>> -> memref<!tpu.dma_semaphore, #tpu.memory_space<semaphore_mem>>
    %dma_wait3A_1067 = arith.constant 0 : i32
    %dma_wait3A_1068 = arith.constant 0 : i32
    %dma_wait3A_1069 = tpu.memref_slice %arg4[%add3A_928, %dma_wait3A_1067, %dma_wait3A_1068] : memref<32768x8x144xf32, #tpu.memory_space<hbm>> -> memref<1x8x128xf32, #tpu.memory_space<hbm>>
    %dma_wait3A_1070 = tpu.memref_squeeze %dma_wait3A_1069 : memref<1x8x128xf32, #tpu.memory_space<hbm>> -> memref<8x128xf32, #tpu.memory_space<hbm>>
    %dma_wait3A_1071 = arith.constant 0 : i32
    %dma_wait3A_1072 = arith.constant 0 : i32
    %dma_wait3A_1073 = tpu.memref_slice %arg5[%dma_wait3A_1055, %dma_wait3A_1071, %dma_wait3A_1072] : memref<8x8x128xf32, #tpu.memory_space<vmem>> -> memref<1x8x128xf32, #tpu.memory_space<vmem>>
    %dma_wait3A_1074 = tpu.memref_squeeze %dma_wait3A_1073 : memref<1x8x128xf32, #tpu.memory_space<vmem>> -> memref<8x128xf32, #tpu.memory_space<vmem>>
    tpu.wait_dma2 semaphore(%dma_wait3A_1066 : memref<!tpu.dma_semaphore, #tpu.memory_space<semaphore_mem>>) src(%dma_wait3A_1074 : memref<8x128xf32, #tpu.memory_space<vmem>>) dst(%dma_wait3A_1070 : memref<8x128xf32, #tpu.memory_space<hbm>>)
    %dma_wait3A_1075 = arith.constant 5 : i32
    %dma_wait3A_1076 = arith.constant 5 : i32
    %dma_wait3A_1077 = arith.constant 0 : i32
    %dma_wait3A_1078 = arith.constant 0 : i32
    %dma_wait3A_1079 = tpu.memref_slice %arg5[%dma_wait3A_1075, %dma_wait3A_1077, %dma_wait3A_1078] : memref<8x8x128xf32, #tpu.memory_space<vmem>> -> memref<1x8x128xf32, #tpu.memory_space<vmem>>
    %dma_wait3A_1080 = tpu.memref_squeeze %dma_wait3A_1079 : memref<1x8x128xf32, #tpu.memory_space<vmem>> -> memref<8x128xf32, #tpu.memory_space<vmem>>
    %dma_wait3A_1081 = arith.constant 0 : i32
    %dma_wait3A_1082 = arith.constant 0 : i32
    %dma_wait3A_1083 = tpu.memref_slice %arg4[%add3A_932, %dma_wait3A_1081, %dma_wait3A_1082] : memref<32768x8x144xf32, #tpu.memory_space<hbm>> -> memref<1x8x128xf32, #tpu.memory_space<hbm>>
    %dma_wait3A_1084 = tpu.memref_squeeze %dma_wait3A_1083 : memref<1x8x128xf32, #tpu.memory_space<hbm>> -> memref<8x128xf32, #tpu.memory_space<hbm>>
    %dma_wait3A_1085 = tpu.memref_slice %arg9[%dma_wait3A_1076] : memref<8x!tpu.dma_semaphore, #tpu.memory_space<semaphore_mem>> -> memref<1x!tpu.dma_semaphore, #tpu.memory_space<semaphore_mem>>
    %dma_wait3A_1086 = tpu.memref_squeeze %dma_wait3A_1085 : memref<1x!tpu.dma_semaphore, #tpu.memory_space<semaphore_mem>> -> memref<!tpu.dma_semaphore, #tpu.memory_space<semaphore_mem>>
    %dma_wait3A_1087 = arith.constant 0 : i32
    %dma_wait3A_1088 = arith.constant 0 : i32
    %dma_wait3A_1089 = tpu.memref_slice %arg4[%add3A_932, %dma_wait3A_1087, %dma_wait3A_1088] : memref<32768x8x144xf32, #tpu.memory_space<hbm>> -> memref<1x8x128xf32, #tpu.memory_space<hbm>>
    %dma_wait3A_1090 = tpu.memref_squeeze %dma_wait3A_1089 : memref<1x8x128xf32, #tpu.memory_space<hbm>> -> memref<8x128xf32, #tpu.memory_space<hbm>>
    %dma_wait3A_1091 = arith.constant 0 : i32
    %dma_wait3A_1092 = arith.constant 0 : i32
    %dma_wait3A_1093 = tpu.memref_slice %arg5[%dma_wait3A_1075, %dma_wait3A_1091, %dma_wait3A_1092] : memref<8x8x128xf32, #tpu.memory_space<vmem>> -> memref<1x8x128xf32, #tpu.memory_space<vmem>>
    %dma_wait3A_1094 = tpu.memref_squeeze %dma_wait3A_1093 : memref<1x8x128xf32, #tpu.memory_space<vmem>> -> memref<8x128xf32, #tpu.memory_space<vmem>>
    tpu.wait_dma2 semaphore(%dma_wait3A_1086 : memref<!tpu.dma_semaphore, #tpu.memory_space<semaphore_mem>>) src(%dma_wait3A_1094 : memref<8x128xf32, #tpu.memory_space<vmem>>) dst(%dma_wait3A_1090 : memref<8x128xf32, #tpu.memory_space<hbm>>)
    %dma_wait3A_1095 = arith.constant 5 : i32
    %dma_wait3A_1096 = arith.constant 5 : i32
    %dma_wait3A_1097 = arith.constant 0 : i32
    %dma_wait3A_1098 = arith.constant 0 : i32
    %dma_wait3A_1099 = arith.constant 0 : i32
    %dma_wait3A_1100 = tpu.memref_slice %arg7[%dma_wait3A_1095, %dma_wait3A_1097, %dma_wait3A_1098, %dma_wait3A_1099] : memref<8x8x8x16xf32, #tpu.memory_space<vmem>> -> memref<1x8x8x16xf32, #tpu.memory_space<vmem>>
    %dma_wait3A_1101 = tpu.memref_squeeze %dma_wait3A_1100 : memref<1x8x8x16xf32, #tpu.memory_space<vmem>> -> memref<8x8x16xf32, #tpu.memory_space<vmem>>
    %dma_wait3A_1102 = arith.constant 0 : i32
    %dma_wait3A_1103 = arith.constant 128 : i32
    %dma_wait3A_1104 = tpu.memref_slice %arg4[%mul3A_934, %dma_wait3A_1102, %dma_wait3A_1103] : memref<32768x8x144xf32, #tpu.memory_space<hbm>> -> memref<8x8x16xf32, #tpu.memory_space<hbm>>
    %dma_wait3A_1105 = tpu.memref_slice %arg9[%dma_wait3A_1096] : memref<8x!tpu.dma_semaphore, #tpu.memory_space<semaphore_mem>> -> memref<1x!tpu.dma_semaphore, #tpu.memory_space<semaphore_mem>>
    %dma_wait3A_1106 = tpu.memref_squeeze %dma_wait3A_1105 : memref<1x!tpu.dma_semaphore, #tpu.memory_space<semaphore_mem>> -> memref<!tpu.dma_semaphore, #tpu.memory_space<semaphore_mem>>
    %dma_wait3A_1107 = arith.constant 0 : i32
    %dma_wait3A_1108 = arith.constant 128 : i32
    %dma_wait3A_1109 = tpu.memref_slice %arg4[%mul3A_934, %dma_wait3A_1107, %dma_wait3A_1108] : memref<32768x8x144xf32, #tpu.memory_space<hbm>> -> memref<8x8x16xf32, #tpu.memory_space<hbm>>
    %dma_wait3A_1110 = arith.constant 0 : i32
    %dma_wait3A_1111 = arith.constant 0 : i32
    %dma_wait3A_1112 = arith.constant 0 : i32
    %dma_wait3A_1113 = tpu.memref_slice %arg7[%dma_wait3A_1095, %dma_wait3A_1110, %dma_wait3A_1111, %dma_wait3A_1112] : memref<8x8x8x16xf32, #tpu.memory_space<vmem>> -> memref<1x8x8x16xf32, #tpu.memory_space<vmem>>
    %dma_wait3A_1114 = tpu.memref_squeeze %dma_wait3A_1113 : memref<1x8x8x16xf32, #tpu.memory_space<vmem>> -> memref<8x8x16xf32, #tpu.memory_space<vmem>>
    tpu.wait_dma2 semaphore(%dma_wait3A_1106 : memref<!tpu.dma_semaphore, #tpu.memory_space<semaphore_mem>>) src(%dma_wait3A_1114 : memref<8x8x16xf32, #tpu.memory_space<vmem>>) dst(%dma_wait3A_1109 : memref<8x8x16xf32, #tpu.memory_space<hbm>>)
    %mul3A_1115 = arith.constant 8 : i32
    %mul3A_1116 = arith.muli %mul3A_2, %mul3A_1115 : i32
    %add3A_1117 = arith.constant 0 : i32
    %add3A_1118 = arith.addi %mul3A_1116, %add3A_1117 : i32
    %mul3A_1119 = arith.constant 8 : i32
    %mul3A_1120 = arith.muli %mul3A_2, %mul3A_1119 : i32
    %add3A_1121 = arith.constant 1 : i32
    %add3A_1122 = arith.addi %mul3A_1120, %add3A_1121 : i32
    %mul3A_1123 = arith.constant 8 : i32
    %mul3A_1124 = arith.muli %mul3A_2, %mul3A_1123 : i32
    %add3A_1125 = arith.constant 2 : i32
    %add3A_1126 = arith.addi %mul3A_1124, %add3A_1125 : i32
    %mul3A_1127 = arith.constant 8 : i32
    %mul3A_1128 = arith.muli %mul3A_2, %mul3A_1127 : i32
    %add3A_1129 = arith.constant 3 : i32
    %add3A_1130 = arith.addi %mul3A_1128, %add3A_1129 : i32
    %mul3A_1131 = arith.constant 8 : i32
    %mul3A_1132 = arith.muli %mul3A_2, %mul3A_1131 : i32
    %add3A_1133 = arith.constant 4 : i32
    %add3A_1134 = arith.addi %mul3A_1132, %add3A_1133 : i32
    %mul3A_1135 = arith.constant 8 : i32
    %mul3A_1136 = arith.muli %mul3A_2, %mul3A_1135 : i32
    %add3A_1137 = arith.constant 5 : i32
    %add3A_1138 = arith.addi %mul3A_1136, %add3A_1137 : i32
    %mul3A_1139 = arith.constant 8 : i32
    %mul3A_1140 = arith.muli %mul3A_2, %mul3A_1139 : i32
    %add3A_1141 = arith.constant 6 : i32
    %add3A_1142 = arith.addi %mul3A_1140, %add3A_1141 : i32
    %mul3A_1143 = arith.constant 8 : i32
    %mul3A_1144 = arith.muli %mul3A_2, %mul3A_1143 : i32
    %add3A_1145 = arith.constant 7 : i32
    %add3A_1146 = arith.addi %mul3A_1144, %add3A_1145 : i32
    %mul3A_1147 = arith.constant 8 : i32
    %mul3A_1148 = arith.muli %mul3A_2, %mul3A_1147 : i32
    %dma_wait3A_1149 = arith.constant 6 : i32
    %dma_wait3A_1150 = arith.constant 6 : i32
    %dma_wait3A_1151 = arith.constant 0 : i32
    %dma_wait3A_1152 = arith.constant 0 : i32
    %dma_wait3A_1153 = tpu.memref_slice %arg5[%dma_wait3A_1149, %dma_wait3A_1151, %dma_wait3A_1152] : memref<8x8x128xf32, #tpu.memory_space<vmem>> -> memref<1x8x128xf32, #tpu.memory_space<vmem>>
    %dma_wait3A_1154 = tpu.memref_squeeze %dma_wait3A_1153 : memref<1x8x128xf32, #tpu.memory_space<vmem>> -> memref<8x128xf32, #tpu.memory_space<vmem>>
    %dma_wait3A_1155 = arith.constant 0 : i32
    %dma_wait3A_1156 = arith.constant 0 : i32
    %dma_wait3A_1157 = tpu.memref_slice %arg4[%add3A_1118, %dma_wait3A_1155, %dma_wait3A_1156] : memref<32768x8x144xf32, #tpu.memory_space<hbm>> -> memref<1x8x128xf32, #tpu.memory_space<hbm>>
    %dma_wait3A_1158 = tpu.memref_squeeze %dma_wait3A_1157 : memref<1x8x128xf32, #tpu.memory_space<hbm>> -> memref<8x128xf32, #tpu.memory_space<hbm>>
    %dma_wait3A_1159 = tpu.memref_slice %arg9[%dma_wait3A_1150] : memref<8x!tpu.dma_semaphore, #tpu.memory_space<semaphore_mem>> -> memref<1x!tpu.dma_semaphore, #tpu.memory_space<semaphore_mem>>
    %dma_wait3A_1160 = tpu.memref_squeeze %dma_wait3A_1159 : memref<1x!tpu.dma_semaphore, #tpu.memory_space<semaphore_mem>> -> memref<!tpu.dma_semaphore, #tpu.memory_space<semaphore_mem>>
    %dma_wait3A_1161 = arith.constant 0 : i32
    %dma_wait3A_1162 = arith.constant 0 : i32
    %dma_wait3A_1163 = tpu.memref_slice %arg4[%add3A_1118, %dma_wait3A_1161, %dma_wait3A_1162] : memref<32768x8x144xf32, #tpu.memory_space<hbm>> -> memref<1x8x128xf32, #tpu.memory_space<hbm>>
    %dma_wait3A_1164 = tpu.memref_squeeze %dma_wait3A_1163 : memref<1x8x128xf32, #tpu.memory_space<hbm>> -> memref<8x128xf32, #tpu.memory_space<hbm>>
    %dma_wait3A_1165 = arith.constant 0 : i32
    %dma_wait3A_1166 = arith.constant 0 : i32
    %dma_wait3A_1167 = tpu.memref_slice %arg5[%dma_wait3A_1149, %dma_wait3A_1165, %dma_wait3A_1166] : memref<8x8x128xf32, #tpu.memory_space<vmem>> -> memref<1x8x128xf32, #tpu.memory_space<vmem>>
    %dma_wait3A_1168 = tpu.memref_squeeze %dma_wait3A_1167 : memref<1x8x128xf32, #tpu.memory_space<vmem>> -> memref<8x128xf32, #tpu.memory_space<vmem>>
    tpu.wait_dma2 semaphore(%dma_wait3A_1160 : memref<!tpu.dma_semaphore, #tpu.memory_space<semaphore_mem>>) src(%dma_wait3A_1168 : memref<8x128xf32, #tpu.memory_space<vmem>>) dst(%dma_wait3A_1164 : memref<8x128xf32, #tpu.memory_space<hbm>>)
    %dma_wait3A_1169 = arith.constant 6 : i32
    %dma_wait3A_1170 = arith.constant 6 : i32
    %dma_wait3A_1171 = arith.constant 0 : i32
    %dma_wait3A_1172 = arith.constant 0 : i32
    %dma_wait3A_1173 = tpu.memref_slice %arg5[%dma_wait3A_1169, %dma_wait3A_1171, %dma_wait3A_1172] : memref<8x8x128xf32, #tpu.memory_space<vmem>> -> memref<1x8x128xf32, #tpu.memory_space<vmem>>
    %dma_wait3A_1174 = tpu.memref_squeeze %dma_wait3A_1173 : memref<1x8x128xf32, #tpu.memory_space<vmem>> -> memref<8x128xf32, #tpu.memory_space<vmem>>
    %dma_wait3A_1175 = arith.constant 0 : i32
    %dma_wait3A_1176 = arith.constant 0 : i32
    %dma_wait3A_1177 = tpu.memref_slice %arg4[%add3A_1122, %dma_wait3A_1175, %dma_wait3A_1176] : memref<32768x8x144xf32, #tpu.memory_space<hbm>> -> memref<1x8x128xf32, #tpu.memory_space<hbm>>
    %dma_wait3A_1178 = tpu.memref_squeeze %dma_wait3A_1177 : memref<1x8x128xf32, #tpu.memory_space<hbm>> -> memref<8x128xf32, #tpu.memory_space<hbm>>
    %dma_wait3A_1179 = tpu.memref_slice %arg9[%dma_wait3A_1170] : memref<8x!tpu.dma_semaphore, #tpu.memory_space<semaphore_mem>> -> memref<1x!tpu.dma_semaphore, #tpu.memory_space<semaphore_mem>>
    %dma_wait3A_1180 = tpu.memref_squeeze %dma_wait3A_1179 : memref<1x!tpu.dma_semaphore, #tpu.memory_space<semaphore_mem>> -> memref<!tpu.dma_semaphore, #tpu.memory_space<semaphore_mem>>
    %dma_wait3A_1181 = arith.constant 0 : i32
    %dma_wait3A_1182 = arith.constant 0 : i32
    %dma_wait3A_1183 = tpu.memref_slice %arg4[%add3A_1122, %dma_wait3A_1181, %dma_wait3A_1182] : memref<32768x8x144xf32, #tpu.memory_space<hbm>> -> memref<1x8x128xf32, #tpu.memory_space<hbm>>
    %dma_wait3A_1184 = tpu.memref_squeeze %dma_wait3A_1183 : memref<1x8x128xf32, #tpu.memory_space<hbm>> -> memref<8x128xf32, #tpu.memory_space<hbm>>
    %dma_wait3A_1185 = arith.constant 0 : i32
    %dma_wait3A_1186 = arith.constant 0 : i32
    %dma_wait3A_1187 = tpu.memref_slice %arg5[%dma_wait3A_1169, %dma_wait3A_1185, %dma_wait3A_1186] : memref<8x8x128xf32, #tpu.memory_space<vmem>> -> memref<1x8x128xf32, #tpu.memory_space<vmem>>
    %dma_wait3A_1188 = tpu.memref_squeeze %dma_wait3A_1187 : memref<1x8x128xf32, #tpu.memory_space<vmem>> -> memref<8x128xf32, #tpu.memory_space<vmem>>
    tpu.wait_dma2 semaphore(%dma_wait3A_1180 : memref<!tpu.dma_semaphore, #tpu.memory_space<semaphore_mem>>) src(%dma_wait3A_1188 : memref<8x128xf32, #tpu.memory_space<vmem>>) dst(%dma_wait3A_1184 : memref<8x128xf32, #tpu.memory_space<hbm>>)
    %dma_wait3A_1189 = arith.constant 6 : i32
    %dma_wait3A_1190 = arith.constant 6 : i32
    %dma_wait3A_1191 = arith.constant 0 : i32
    %dma_wait3A_1192 = arith.constant 0 : i32
    %dma_wait3A_1193 = tpu.memref_slice %arg5[%dma_wait3A_1189, %dma_wait3A_1191, %dma_wait3A_1192] : memref<8x8x128xf32, #tpu.memory_space<vmem>> -> memref<1x8x128xf32, #tpu.memory_space<vmem>>
    %dma_wait3A_1194 = tpu.memref_squeeze %dma_wait3A_1193 : memref<1x8x128xf32, #tpu.memory_space<vmem>> -> memref<8x128xf32, #tpu.memory_space<vmem>>
    %dma_wait3A_1195 = arith.constant 0 : i32
    %dma_wait3A_1196 = arith.constant 0 : i32
    %dma_wait3A_1197 = tpu.memref_slice %arg4[%add3A_1126, %dma_wait3A_1195, %dma_wait3A_1196] : memref<32768x8x144xf32, #tpu.memory_space<hbm>> -> memref<1x8x128xf32, #tpu.memory_space<hbm>>
    %dma_wait3A_1198 = tpu.memref_squeeze %dma_wait3A_1197 : memref<1x8x128xf32, #tpu.memory_space<hbm>> -> memref<8x128xf32, #tpu.memory_space<hbm>>
    %dma_wait3A_1199 = tpu.memref_slice %arg9[%dma_wait3A_1190] : memref<8x!tpu.dma_semaphore, #tpu.memory_space<semaphore_mem>> -> memref<1x!tpu.dma_semaphore, #tpu.memory_space<semaphore_mem>>
    %dma_wait3A_1200 = tpu.memref_squeeze %dma_wait3A_1199 : memref<1x!tpu.dma_semaphore, #tpu.memory_space<semaphore_mem>> -> memref<!tpu.dma_semaphore, #tpu.memory_space<semaphore_mem>>
    %dma_wait3A_1201 = arith.constant 0 : i32
    %dma_wait3A_1202 = arith.constant 0 : i32
    %dma_wait3A_1203 = tpu.memref_slice %arg4[%add3A_1126, %dma_wait3A_1201, %dma_wait3A_1202] : memref<32768x8x144xf32, #tpu.memory_space<hbm>> -> memref<1x8x128xf32, #tpu.memory_space<hbm>>
    %dma_wait3A_1204 = tpu.memref_squeeze %dma_wait3A_1203 : memref<1x8x128xf32, #tpu.memory_space<hbm>> -> memref<8x128xf32, #tpu.memory_space<hbm>>
    %dma_wait3A_1205 = arith.constant 0 : i32
    %dma_wait3A_1206 = arith.constant 0 : i32
    %dma_wait3A_1207 = tpu.memref_slice %arg5[%dma_wait3A_1189, %dma_wait3A_1205, %dma_wait3A_1206] : memref<8x8x128xf32, #tpu.memory_space<vmem>> -> memref<1x8x128xf32, #tpu.memory_space<vmem>>
    %dma_wait3A_1208 = tpu.memref_squeeze %dma_wait3A_1207 : memref<1x8x128xf32, #tpu.memory_space<vmem>> -> memref<8x128xf32, #tpu.memory_space<vmem>>
    tpu.wait_dma2 semaphore(%dma_wait3A_1200 : memref<!tpu.dma_semaphore, #tpu.memory_space<semaphore_mem>>) src(%dma_wait3A_1208 : memref<8x128xf32, #tpu.memory_space<vmem>>) dst(%dma_wait3A_1204 : memref<8x128xf32, #tpu.memory_space<hbm>>)
    %dma_wait3A_1209 = arith.constant 6 : i32
    %dma_wait3A_1210 = arith.constant 6 : i32
    %dma_wait3A_1211 = arith.constant 0 : i32
    %dma_wait3A_1212 = arith.constant 0 : i32
    %dma_wait3A_1213 = tpu.memref_slice %arg5[%dma_wait3A_1209, %dma_wait3A_1211, %dma_wait3A_1212] : memref<8x8x128xf32, #tpu.memory_space<vmem>> -> memref<1x8x128xf32, #tpu.memory_space<vmem>>
    %dma_wait3A_1214 = tpu.memref_squeeze %dma_wait3A_1213 : memref<1x8x128xf32, #tpu.memory_space<vmem>> -> memref<8x128xf32, #tpu.memory_space<vmem>>
    %dma_wait3A_1215 = arith.constant 0 : i32
    %dma_wait3A_1216 = arith.constant 0 : i32
    %dma_wait3A_1217 = tpu.memref_slice %arg4[%add3A_1130, %dma_wait3A_1215, %dma_wait3A_1216] : memref<32768x8x144xf32, #tpu.memory_space<hbm>> -> memref<1x8x128xf32, #tpu.memory_space<hbm>>
    %dma_wait3A_1218 = tpu.memref_squeeze %dma_wait3A_1217 : memref<1x8x128xf32, #tpu.memory_space<hbm>> -> memref<8x128xf32, #tpu.memory_space<hbm>>
    %dma_wait3A_1219 = tpu.memref_slice %arg9[%dma_wait3A_1210] : memref<8x!tpu.dma_semaphore, #tpu.memory_space<semaphore_mem>> -> memref<1x!tpu.dma_semaphore, #tpu.memory_space<semaphore_mem>>
    %dma_wait3A_1220 = tpu.memref_squeeze %dma_wait3A_1219 : memref<1x!tpu.dma_semaphore, #tpu.memory_space<semaphore_mem>> -> memref<!tpu.dma_semaphore, #tpu.memory_space<semaphore_mem>>
    %dma_wait3A_1221 = arith.constant 0 : i32
    %dma_wait3A_1222 = arith.constant 0 : i32
    %dma_wait3A_1223 = tpu.memref_slice %arg4[%add3A_1130, %dma_wait3A_1221, %dma_wait3A_1222] : memref<32768x8x144xf32, #tpu.memory_space<hbm>> -> memref<1x8x128xf32, #tpu.memory_space<hbm>>
    %dma_wait3A_1224 = tpu.memref_squeeze %dma_wait3A_1223 : memref<1x8x128xf32, #tpu.memory_space<hbm>> -> memref<8x128xf32, #tpu.memory_space<hbm>>
    %dma_wait3A_1225 = arith.constant 0 : i32
    %dma_wait3A_1226 = arith.constant 0 : i32
    %dma_wait3A_1227 = tpu.memref_slice %arg5[%dma_wait3A_1209, %dma_wait3A_1225, %dma_wait3A_1226] : memref<8x8x128xf32, #tpu.memory_space<vmem>> -> memref<1x8x128xf32, #tpu.memory_space<vmem>>
    %dma_wait3A_1228 = tpu.memref_squeeze %dma_wait3A_1227 : memref<1x8x128xf32, #tpu.memory_space<vmem>> -> memref<8x128xf32, #tpu.memory_space<vmem>>
    tpu.wait_dma2 semaphore(%dma_wait3A_1220 : memref<!tpu.dma_semaphore, #tpu.memory_space<semaphore_mem>>) src(%dma_wait3A_1228 : memref<8x128xf32, #tpu.memory_space<vmem>>) dst(%dma_wait3A_1224 : memref<8x128xf32, #tpu.memory_space<hbm>>)
    %dma_wait3A_1229 = arith.constant 6 : i32
    %dma_wait3A_1230 = arith.constant 6 : i32
    %dma_wait3A_1231 = arith.constant 0 : i32
    %dma_wait3A_1232 = arith.constant 0 : i32
    %dma_wait3A_1233 = tpu.memref_slice %arg5[%dma_wait3A_1229, %dma_wait3A_1231, %dma_wait3A_1232] : memref<8x8x128xf32, #tpu.memory_space<vmem>> -> memref<1x8x128xf32, #tpu.memory_space<vmem>>
    %dma_wait3A_1234 = tpu.memref_squeeze %dma_wait3A_1233 : memref<1x8x128xf32, #tpu.memory_space<vmem>> -> memref<8x128xf32, #tpu.memory_space<vmem>>
    %dma_wait3A_1235 = arith.constant 0 : i32
    %dma_wait3A_1236 = arith.constant 0 : i32
    %dma_wait3A_1237 = tpu.memref_slice %arg4[%add3A_1134, %dma_wait3A_1235, %dma_wait3A_1236] : memref<32768x8x144xf32, #tpu.memory_space<hbm>> -> memref<1x8x128xf32, #tpu.memory_space<hbm>>
    %dma_wait3A_1238 = tpu.memref_squeeze %dma_wait3A_1237 : memref<1x8x128xf32, #tpu.memory_space<hbm>> -> memref<8x128xf32, #tpu.memory_space<hbm>>
    %dma_wait3A_1239 = tpu.memref_slice %arg9[%dma_wait3A_1230] : memref<8x!tpu.dma_semaphore, #tpu.memory_space<semaphore_mem>> -> memref<1x!tpu.dma_semaphore, #tpu.memory_space<semaphore_mem>>
    %dma_wait3A_1240 = tpu.memref_squeeze %dma_wait3A_1239 : memref<1x!tpu.dma_semaphore, #tpu.memory_space<semaphore_mem>> -> memref<!tpu.dma_semaphore, #tpu.memory_space<semaphore_mem>>
    %dma_wait3A_1241 = arith.constant 0 : i32
    %dma_wait3A_1242 = arith.constant 0 : i32
    %dma_wait3A_1243 = tpu.memref_slice %arg4[%add3A_1134, %dma_wait3A_1241, %dma_wait3A_1242] : memref<32768x8x144xf32, #tpu.memory_space<hbm>> -> memref<1x8x128xf32, #tpu.memory_space<hbm>>
    %dma_wait3A_1244 = tpu.memref_squeeze %dma_wait3A_1243 : memref<1x8x128xf32, #tpu.memory_space<hbm>> -> memref<8x128xf32, #tpu.memory_space<hbm>>
    %dma_wait3A_1245 = arith.constant 0 : i32
    %dma_wait3A_1246 = arith.constant 0 : i32
    %dma_wait3A_1247 = tpu.memref_slice %arg5[%dma_wait3A_1229, %dma_wait3A_1245, %dma_wait3A_1246] : memref<8x8x128xf32, #tpu.memory_space<vmem>> -> memref<1x8x128xf32, #tpu.memory_space<vmem>>
    %dma_wait3A_1248 = tpu.memref_squeeze %dma_wait3A_1247 : memref<1x8x128xf32, #tpu.memory_space<vmem>> -> memref<8x128xf32, #tpu.memory_space<vmem>>
    tpu.wait_dma2 semaphore(%dma_wait3A_1240 : memref<!tpu.dma_semaphore, #tpu.memory_space<semaphore_mem>>) src(%dma_wait3A_1248 : memref<8x128xf32, #tpu.memory_space<vmem>>) dst(%dma_wait3A_1244 : memref<8x128xf32, #tpu.memory_space<hbm>>)
    %dma_wait3A_1249 = arith.constant 6 : i32
    %dma_wait3A_1250 = arith.constant 6 : i32
    %dma_wait3A_1251 = arith.constant 0 : i32
    %dma_wait3A_1252 = arith.constant 0 : i32
    %dma_wait3A_1253 = tpu.memref_slice %arg5[%dma_wait3A_1249, %dma_wait3A_1251, %dma_wait3A_1252] : memref<8x8x128xf32, #tpu.memory_space<vmem>> -> memref<1x8x128xf32, #tpu.memory_space<vmem>>
    %dma_wait3A_1254 = tpu.memref_squeeze %dma_wait3A_1253 : memref<1x8x128xf32, #tpu.memory_space<vmem>> -> memref<8x128xf32, #tpu.memory_space<vmem>>
    %dma_wait3A_1255 = arith.constant 0 : i32
    %dma_wait3A_1256 = arith.constant 0 : i32
    %dma_wait3A_1257 = tpu.memref_slice %arg4[%add3A_1138, %dma_wait3A_1255, %dma_wait3A_1256] : memref<32768x8x144xf32, #tpu.memory_space<hbm>> -> memref<1x8x128xf32, #tpu.memory_space<hbm>>
    %dma_wait3A_1258 = tpu.memref_squeeze %dma_wait3A_1257 : memref<1x8x128xf32, #tpu.memory_space<hbm>> -> memref<8x128xf32, #tpu.memory_space<hbm>>
    %dma_wait3A_1259 = tpu.memref_slice %arg9[%dma_wait3A_1250] : memref<8x!tpu.dma_semaphore, #tpu.memory_space<semaphore_mem>> -> memref<1x!tpu.dma_semaphore, #tpu.memory_space<semaphore_mem>>
    %dma_wait3A_1260 = tpu.memref_squeeze %dma_wait3A_1259 : memref<1x!tpu.dma_semaphore, #tpu.memory_space<semaphore_mem>> -> memref<!tpu.dma_semaphore, #tpu.memory_space<semaphore_mem>>
    %dma_wait3A_1261 = arith.constant 0 : i32
    %dma_wait3A_1262 = arith.constant 0 : i32
    %dma_wait3A_1263 = tpu.memref_slice %arg4[%add3A_1138, %dma_wait3A_1261, %dma_wait3A_1262] : memref<32768x8x144xf32, #tpu.memory_space<hbm>> -> memref<1x8x128xf32, #tpu.memory_space<hbm>>
    %dma_wait3A_1264 = tpu.memref_squeeze %dma_wait3A_1263 : memref<1x8x128xf32, #tpu.memory_space<hbm>> -> memref<8x128xf32, #tpu.memory_space<hbm>>
    %dma_wait3A_1265 = arith.constant 0 : i32
    %dma_wait3A_1266 = arith.constant 0 : i32
    %dma_wait3A_1267 = tpu.memref_slice %arg5[%dma_wait3A_1249, %dma_wait3A_1265, %dma_wait3A_1266] : memref<8x8x128xf32, #tpu.memory_space<vmem>> -> memref<1x8x128xf32, #tpu.memory_space<vmem>>
    %dma_wait3A_1268 = tpu.memref_squeeze %dma_wait3A_1267 : memref<1x8x128xf32, #tpu.memory_space<vmem>> -> memref<8x128xf32, #tpu.memory_space<vmem>>
    tpu.wait_dma2 semaphore(%dma_wait3A_1260 : memref<!tpu.dma_semaphore, #tpu.memory_space<semaphore_mem>>) src(%dma_wait3A_1268 : memref<8x128xf32, #tpu.memory_space<vmem>>) dst(%dma_wait3A_1264 : memref<8x128xf32, #tpu.memory_space<hbm>>)
    %dma_wait3A_1269 = arith.constant 6 : i32
    %dma_wait3A_1270 = arith.constant 6 : i32
    %dma_wait3A_1271 = arith.constant 0 : i32
    %dma_wait3A_1272 = arith.constant 0 : i32
    %dma_wait3A_1273 = tpu.memref_slice %arg5[%dma_wait3A_1269, %dma_wait3A_1271, %dma_wait3A_1272] : memref<8x8x128xf32, #tpu.memory_space<vmem>> -> memref<1x8x128xf32, #tpu.memory_space<vmem>>
    %dma_wait3A_1274 = tpu.memref_squeeze %dma_wait3A_1273 : memref<1x8x128xf32, #tpu.memory_space<vmem>> -> memref<8x128xf32, #tpu.memory_space<vmem>>
    %dma_wait3A_1275 = arith.constant 0 : i32
    %dma_wait3A_1276 = arith.constant 0 : i32
    %dma_wait3A_1277 = tpu.memref_slice %arg4[%add3A_1142, %dma_wait3A_1275, %dma_wait3A_1276] : memref<32768x8x144xf32, #tpu.memory_space<hbm>> -> memref<1x8x128xf32, #tpu.memory_space<hbm>>
    %dma_wait3A_1278 = tpu.memref_squeeze %dma_wait3A_1277 : memref<1x8x128xf32, #tpu.memory_space<hbm>> -> memref<8x128xf32, #tpu.memory_space<hbm>>
    %dma_wait3A_1279 = tpu.memref_slice %arg9[%dma_wait3A_1270] : memref<8x!tpu.dma_semaphore, #tpu.memory_space<semaphore_mem>> -> memref<1x!tpu.dma_semaphore, #tpu.memory_space<semaphore_mem>>
    %dma_wait3A_1280 = tpu.memref_squeeze %dma_wait3A_1279 : memref<1x!tpu.dma_semaphore, #tpu.memory_space<semaphore_mem>> -> memref<!tpu.dma_semaphore, #tpu.memory_space<semaphore_mem>>
    %dma_wait3A_1281 = arith.constant 0 : i32
    %dma_wait3A_1282 = arith.constant 0 : i32
    %dma_wait3A_1283 = tpu.memref_slice %arg4[%add3A_1142, %dma_wait3A_1281, %dma_wait3A_1282] : memref<32768x8x144xf32, #tpu.memory_space<hbm>> -> memref<1x8x128xf32, #tpu.memory_space<hbm>>
    %dma_wait3A_1284 = tpu.memref_squeeze %dma_wait3A_1283 : memref<1x8x128xf32, #tpu.memory_space<hbm>> -> memref<8x128xf32, #tpu.memory_space<hbm>>
    %dma_wait3A_1285 = arith.constant 0 : i32
    %dma_wait3A_1286 = arith.constant 0 : i32
    %dma_wait3A_1287 = tpu.memref_slice %arg5[%dma_wait3A_1269, %dma_wait3A_1285, %dma_wait3A_1286] : memref<8x8x128xf32, #tpu.memory_space<vmem>> -> memref<1x8x128xf32, #tpu.memory_space<vmem>>
    %dma_wait3A_1288 = tpu.memref_squeeze %dma_wait3A_1287 : memref<1x8x128xf32, #tpu.memory_space<vmem>> -> memref<8x128xf32, #tpu.memory_space<vmem>>
    tpu.wait_dma2 semaphore(%dma_wait3A_1280 : memref<!tpu.dma_semaphore, #tpu.memory_space<semaphore_mem>>) src(%dma_wait3A_1288 : memref<8x128xf32, #tpu.memory_space<vmem>>) dst(%dma_wait3A_1284 : memref<8x128xf32, #tpu.memory_space<hbm>>)
    %dma_wait3A_1289 = arith.constant 6 : i32
    %dma_wait3A_1290 = arith.constant 6 : i32
    %dma_wait3A_1291 = arith.constant 0 : i32
    %dma_wait3A_1292 = arith.constant 0 : i32
    %dma_wait3A_1293 = tpu.memref_slice %arg5[%dma_wait3A_1289, %dma_wait3A_1291, %dma_wait3A_1292] : memref<8x8x128xf32, #tpu.memory_space<vmem>> -> memref<1x8x128xf32, #tpu.memory_space<vmem>>
    %dma_wait3A_1294 = tpu.memref_squeeze %dma_wait3A_1293 : memref<1x8x128xf32, #tpu.memory_space<vmem>> -> memref<8x128xf32, #tpu.memory_space<vmem>>
    %dma_wait3A_1295 = arith.constant 0 : i32
    %dma_wait3A_1296 = arith.constant 0 : i32
    %dma_wait3A_1297 = tpu.memref_slice %arg4[%add3A_1146, %dma_wait3A_1295, %dma_wait3A_1296] : memref<32768x8x144xf32, #tpu.memory_space<hbm>> -> memref<1x8x128xf32, #tpu.memory_space<hbm>>
    %dma_wait3A_1298 = tpu.memref_squeeze %dma_wait3A_1297 : memref<1x8x128xf32, #tpu.memory_space<hbm>> -> memref<8x128xf32, #tpu.memory_space<hbm>>
    %dma_wait3A_1299 = tpu.memref_slice %arg9[%dma_wait3A_1290] : memref<8x!tpu.dma_semaphore, #tpu.memory_space<semaphore_mem>> -> memref<1x!tpu.dma_semaphore, #tpu.memory_space<semaphore_mem>>
    %dma_wait3A_1300 = tpu.memref_squeeze %dma_wait3A_1299 : memref<1x!tpu.dma_semaphore, #tpu.memory_space<semaphore_mem>> -> memref<!tpu.dma_semaphore, #tpu.memory_space<semaphore_mem>>
    %dma_wait3A_1301 = arith.constant 0 : i32
    %dma_wait3A_1302 = arith.constant 0 : i32
    %dma_wait3A_1303 = tpu.memref_slice %arg4[%add3A_1146, %dma_wait3A_1301, %dma_wait3A_1302] : memref<32768x8x144xf32, #tpu.memory_space<hbm>> -> memref<1x8x128xf32, #tpu.memory_space<hbm>>
    %dma_wait3A_1304 = tpu.memref_squeeze %dma_wait3A_1303 : memref<1x8x128xf32, #tpu.memory_space<hbm>> -> memref<8x128xf32, #tpu.memory_space<hbm>>
    %dma_wait3A_1305 = arith.constant 0 : i32
    %dma_wait3A_1306 = arith.constant 0 : i32
    %dma_wait3A_1307 = tpu.memref_slice %arg5[%dma_wait3A_1289, %dma_wait3A_1305, %dma_wait3A_1306] : memref<8x8x128xf32, #tpu.memory_space<vmem>> -> memref<1x8x128xf32, #tpu.memory_space<vmem>>
    %dma_wait3A_1308 = tpu.memref_squeeze %dma_wait3A_1307 : memref<1x8x128xf32, #tpu.memory_space<vmem>> -> memref<8x128xf32, #tpu.memory_space<vmem>>
    tpu.wait_dma2 semaphore(%dma_wait3A_1300 : memref<!tpu.dma_semaphore, #tpu.memory_space<semaphore_mem>>) src(%dma_wait3A_1308 : memref<8x128xf32, #tpu.memory_space<vmem>>) dst(%dma_wait3A_1304 : memref<8x128xf32, #tpu.memory_space<hbm>>)
    %dma_wait3A_1309 = arith.constant 6 : i32
    %dma_wait3A_1310 = arith.constant 6 : i32
    %dma_wait3A_1311 = arith.constant 0 : i32
    %dma_wait3A_1312 = arith.constant 0 : i32
    %dma_wait3A_1313 = arith.constant 0 : i32
    %dma_wait3A_1314 = tpu.memref_slice %arg7[%dma_wait3A_1309, %dma_wait3A_1311, %dma_wait3A_1312, %dma_wait3A_1313] : memref<8x8x8x16xf32, #tpu.memory_space<vmem>> -> memref<1x8x8x16xf32, #tpu.memory_space<vmem>>
    %dma_wait3A_1315 = tpu.memref_squeeze %dma_wait3A_1314 : memref<1x8x8x16xf32, #tpu.memory_space<vmem>> -> memref<8x8x16xf32, #tpu.memory_space<vmem>>
    %dma_wait3A_1316 = arith.constant 0 : i32
    %dma_wait3A_1317 = arith.constant 128 : i32
    %dma_wait3A_1318 = tpu.memref_slice %arg4[%mul3A_1148, %dma_wait3A_1316, %dma_wait3A_1317] : memref<32768x8x144xf32, #tpu.memory_space<hbm>> -> memref<8x8x16xf32, #tpu.memory_space<hbm>>
    %dma_wait3A_1319 = tpu.memref_slice %arg9[%dma_wait3A_1310] : memref<8x!tpu.dma_semaphore, #tpu.memory_space<semaphore_mem>> -> memref<1x!tpu.dma_semaphore, #tpu.memory_space<semaphore_mem>>
    %dma_wait3A_1320 = tpu.memref_squeeze %dma_wait3A_1319 : memref<1x!tpu.dma_semaphore, #tpu.memory_space<semaphore_mem>> -> memref<!tpu.dma_semaphore, #tpu.memory_space<semaphore_mem>>
    %dma_wait3A_1321 = arith.constant 0 : i32
    %dma_wait3A_1322 = arith.constant 128 : i32
    %dma_wait3A_1323 = tpu.memref_slice %arg4[%mul3A_1148, %dma_wait3A_1321, %dma_wait3A_1322] : memref<32768x8x144xf32, #tpu.memory_space<hbm>> -> memref<8x8x16xf32, #tpu.memory_space<hbm>>
    %dma_wait3A_1324 = arith.constant 0 : i32
    %dma_wait3A_1325 = arith.constant 0 : i32
    %dma_wait3A_1326 = arith.constant 0 : i32
    %dma_wait3A_1327 = tpu.memref_slice %arg7[%dma_wait3A_1309, %dma_wait3A_1324, %dma_wait3A_1325, %dma_wait3A_1326] : memref<8x8x8x16xf32, #tpu.memory_space<vmem>> -> memref<1x8x8x16xf32, #tpu.memory_space<vmem>>
    %dma_wait3A_1328 = tpu.memref_squeeze %dma_wait3A_1327 : memref<1x8x8x16xf32, #tpu.memory_space<vmem>> -> memref<8x8x16xf32, #tpu.memory_space<vmem>>
    tpu.wait_dma2 semaphore(%dma_wait3A_1320 : memref<!tpu.dma_semaphore, #tpu.memory_space<semaphore_mem>>) src(%dma_wait3A_1328 : memref<8x8x16xf32, #tpu.memory_space<vmem>>) dst(%dma_wait3A_1323 : memref<8x8x16xf32, #tpu.memory_space<hbm>>)
    %mul3A_1329 = arith.constant 8 : i32
    %mul3A_1330 = arith.muli %mul3A_2, %mul3A_1329 : i32
    %add3A_1331 = arith.constant 0 : i32
    %add3A_1332 = arith.addi %mul3A_1330, %add3A_1331 : i32
    %mul3A_1333 = arith.constant 8 : i32
    %mul3A_1334 = arith.muli %mul3A_2, %mul3A_1333 : i32
    %add3A_1335 = arith.constant 1 : i32
    %add3A_1336 = arith.addi %mul3A_1334, %add3A_1335 : i32
    %mul3A_1337 = arith.constant 8 : i32
    %mul3A_1338 = arith.muli %mul3A_2, %mul3A_1337 : i32
    %add3A_1339 = arith.constant 2 : i32
    %add3A_1340 = arith.addi %mul3A_1338, %add3A_1339 : i32
    %mul3A_1341 = arith.constant 8 : i32
    %mul3A_1342 = arith.muli %mul3A_2, %mul3A_1341 : i32
    %add3A_1343 = arith.constant 3 : i32
    %add3A_1344 = arith.addi %mul3A_1342, %add3A_1343 : i32
    %mul3A_1345 = arith.constant 8 : i32
    %mul3A_1346 = arith.muli %mul3A_2, %mul3A_1345 : i32
    %add3A_1347 = arith.constant 4 : i32
    %add3A_1348 = arith.addi %mul3A_1346, %add3A_1347 : i32
    %mul3A_1349 = arith.constant 8 : i32
    %mul3A_1350 = arith.muli %mul3A_2, %mul3A_1349 : i32
    %add3A_1351 = arith.constant 5 : i32
    %add3A_1352 = arith.addi %mul3A_1350, %add3A_1351 : i32
    %mul3A_1353 = arith.constant 8 : i32
    %mul3A_1354 = arith.muli %mul3A_2, %mul3A_1353 : i32
    %add3A_1355 = arith.constant 6 : i32
    %add3A_1356 = arith.addi %mul3A_1354, %add3A_1355 : i32
    %mul3A_1357 = arith.constant 8 : i32
    %mul3A_1358 = arith.muli %mul3A_2, %mul3A_1357 : i32
    %add3A_1359 = arith.constant 7 : i32
    %add3A_1360 = arith.addi %mul3A_1358, %add3A_1359 : i32
    %mul3A_1361 = arith.constant 8 : i32
    %mul3A_1362 = arith.muli %mul3A_2, %mul3A_1361 : i32
    %dma_wait3A_1363 = arith.constant 7 : i32
    %dma_wait3A_1364 = arith.constant 7 : i32
    %dma_wait3A_1365 = arith.constant 0 : i32
    %dma_wait3A_1366 = arith.constant 0 : i32
    %dma_wait3A_1367 = tpu.memref_slice %arg5[%dma_wait3A_1363, %dma_wait3A_1365, %dma_wait3A_1366] : memref<8x8x128xf32, #tpu.memory_space<vmem>> -> memref<1x8x128xf32, #tpu.memory_space<vmem>>
    %dma_wait3A_1368 = tpu.memref_squeeze %dma_wait3A_1367 : memref<1x8x128xf32, #tpu.memory_space<vmem>> -> memref<8x128xf32, #tpu.memory_space<vmem>>
    %dma_wait3A_1369 = arith.constant 0 : i32
    %dma_wait3A_1370 = arith.constant 0 : i32
    %dma_wait3A_1371 = tpu.memref_slice %arg4[%add3A_1332, %dma_wait3A_1369, %dma_wait3A_1370] : memref<32768x8x144xf32, #tpu.memory_space<hbm>> -> memref<1x8x128xf32, #tpu.memory_space<hbm>>
    %dma_wait3A_1372 = tpu.memref_squeeze %dma_wait3A_1371 : memref<1x8x128xf32, #tpu.memory_space<hbm>> -> memref<8x128xf32, #tpu.memory_space<hbm>>
    %dma_wait3A_1373 = tpu.memref_slice %arg9[%dma_wait3A_1364] : memref<8x!tpu.dma_semaphore, #tpu.memory_space<semaphore_mem>> -> memref<1x!tpu.dma_semaphore, #tpu.memory_space<semaphore_mem>>
    %dma_wait3A_1374 = tpu.memref_squeeze %dma_wait3A_1373 : memref<1x!tpu.dma_semaphore, #tpu.memory_space<semaphore_mem>> -> memref<!tpu.dma_semaphore, #tpu.memory_space<semaphore_mem>>
    %dma_wait3A_1375 = arith.constant 0 : i32
    %dma_wait3A_1376 = arith.constant 0 : i32
    %dma_wait3A_1377 = tpu.memref_slice %arg4[%add3A_1332, %dma_wait3A_1375, %dma_wait3A_1376] : memref<32768x8x144xf32, #tpu.memory_space<hbm>> -> memref<1x8x128xf32, #tpu.memory_space<hbm>>
    %dma_wait3A_1378 = tpu.memref_squeeze %dma_wait3A_1377 : memref<1x8x128xf32, #tpu.memory_space<hbm>> -> memref<8x128xf32, #tpu.memory_space<hbm>>
    %dma_wait3A_1379 = arith.constant 0 : i32
    %dma_wait3A_1380 = arith.constant 0 : i32
    %dma_wait3A_1381 = tpu.memref_slice %arg5[%dma_wait3A_1363, %dma_wait3A_1379, %dma_wait3A_1380] : memref<8x8x128xf32, #tpu.memory_space<vmem>> -> memref<1x8x128xf32, #tpu.memory_space<vmem>>
    %dma_wait3A_1382 = tpu.memref_squeeze %dma_wait3A_1381 : memref<1x8x128xf32, #tpu.memory_space<vmem>> -> memref<8x128xf32, #tpu.memory_space<vmem>>
    tpu.wait_dma2 semaphore(%dma_wait3A_1374 : memref<!tpu.dma_semaphore, #tpu.memory_space<semaphore_mem>>) src(%dma_wait3A_1382 : memref<8x128xf32, #tpu.memory_space<vmem>>) dst(%dma_wait3A_1378 : memref<8x128xf32, #tpu.memory_space<hbm>>)
    %dma_wait3A_1383 = arith.constant 7 : i32
    %dma_wait3A_1384 = arith.constant 7 : i32
    %dma_wait3A_1385 = arith.constant 0 : i32
    %dma_wait3A_1386 = arith.constant 0 : i32
    %dma_wait3A_1387 = tpu.memref_slice %arg5[%dma_wait3A_1383, %dma_wait3A_1385, %dma_wait3A_1386] : memref<8x8x128xf32, #tpu.memory_space<vmem>> -> memref<1x8x128xf32, #tpu.memory_space<vmem>>
    %dma_wait3A_1388 = tpu.memref_squeeze %dma_wait3A_1387 : memref<1x8x128xf32, #tpu.memory_space<vmem>> -> memref<8x128xf32, #tpu.memory_space<vmem>>
    %dma_wait3A_1389 = arith.constant 0 : i32
    %dma_wait3A_1390 = arith.constant 0 : i32
    %dma_wait3A_1391 = tpu.memref_slice %arg4[%add3A_1336, %dma_wait3A_1389, %dma_wait3A_1390] : memref<32768x8x144xf32, #tpu.memory_space<hbm>> -> memref<1x8x128xf32, #tpu.memory_space<hbm>>
    %dma_wait3A_1392 = tpu.memref_squeeze %dma_wait3A_1391 : memref<1x8x128xf32, #tpu.memory_space<hbm>> -> memref<8x128xf32, #tpu.memory_space<hbm>>
    %dma_wait3A_1393 = tpu.memref_slice %arg9[%dma_wait3A_1384] : memref<8x!tpu.dma_semaphore, #tpu.memory_space<semaphore_mem>> -> memref<1x!tpu.dma_semaphore, #tpu.memory_space<semaphore_mem>>
    %dma_wait3A_1394 = tpu.memref_squeeze %dma_wait3A_1393 : memref<1x!tpu.dma_semaphore, #tpu.memory_space<semaphore_mem>> -> memref<!tpu.dma_semaphore, #tpu.memory_space<semaphore_mem>>
    %dma_wait3A_1395 = arith.constant 0 : i32
    %dma_wait3A_1396 = arith.constant 0 : i32
    %dma_wait3A_1397 = tpu.memref_slice %arg4[%add3A_1336, %dma_wait3A_1395, %dma_wait3A_1396] : memref<32768x8x144xf32, #tpu.memory_space<hbm>> -> memref<1x8x128xf32, #tpu.memory_space<hbm>>
    %dma_wait3A_1398 = tpu.memref_squeeze %dma_wait3A_1397 : memref<1x8x128xf32, #tpu.memory_space<hbm>> -> memref<8x128xf32, #tpu.memory_space<hbm>>
    %dma_wait3A_1399 = arith.constant 0 : i32
    %dma_wait3A_1400 = arith.constant 0 : i32
    %dma_wait3A_1401 = tpu.memref_slice %arg5[%dma_wait3A_1383, %dma_wait3A_1399, %dma_wait3A_1400] : memref<8x8x128xf32, #tpu.memory_space<vmem>> -> memref<1x8x128xf32, #tpu.memory_space<vmem>>
    %dma_wait3A_1402 = tpu.memref_squeeze %dma_wait3A_1401 : memref<1x8x128xf32, #tpu.memory_space<vmem>> -> memref<8x128xf32, #tpu.memory_space<vmem>>
    tpu.wait_dma2 semaphore(%dma_wait3A_1394 : memref<!tpu.dma_semaphore, #tpu.memory_space<semaphore_mem>>) src(%dma_wait3A_1402 : memref<8x128xf32, #tpu.memory_space<vmem>>) dst(%dma_wait3A_1398 : memref<8x128xf32, #tpu.memory_space<hbm>>)
    %dma_wait3A_1403 = arith.constant 7 : i32
    %dma_wait3A_1404 = arith.constant 7 : i32
    %dma_wait3A_1405 = arith.constant 0 : i32
    %dma_wait3A_1406 = arith.constant 0 : i32
    %dma_wait3A_1407 = tpu.memref_slice %arg5[%dma_wait3A_1403, %dma_wait3A_1405, %dma_wait3A_1406] : memref<8x8x128xf32, #tpu.memory_space<vmem>> -> memref<1x8x128xf32, #tpu.memory_space<vmem>>
    %dma_wait3A_1408 = tpu.memref_squeeze %dma_wait3A_1407 : memref<1x8x128xf32, #tpu.memory_space<vmem>> -> memref<8x128xf32, #tpu.memory_space<vmem>>
    %dma_wait3A_1409 = arith.constant 0 : i32
    %dma_wait3A_1410 = arith.constant 0 : i32
    %dma_wait3A_1411 = tpu.memref_slice %arg4[%add3A_1340, %dma_wait3A_1409, %dma_wait3A_1410] : memref<32768x8x144xf32, #tpu.memory_space<hbm>> -> memref<1x8x128xf32, #tpu.memory_space<hbm>>
    %dma_wait3A_1412 = tpu.memref_squeeze %dma_wait3A_1411 : memref<1x8x128xf32, #tpu.memory_space<hbm>> -> memref<8x128xf32, #tpu.memory_space<hbm>>
    %dma_wait3A_1413 = tpu.memref_slice %arg9[%dma_wait3A_1404] : memref<8x!tpu.dma_semaphore, #tpu.memory_space<semaphore_mem>> -> memref<1x!tpu.dma_semaphore, #tpu.memory_space<semaphore_mem>>
    %dma_wait3A_1414 = tpu.memref_squeeze %dma_wait3A_1413 : memref<1x!tpu.dma_semaphore, #tpu.memory_space<semaphore_mem>> -> memref<!tpu.dma_semaphore, #tpu.memory_space<semaphore_mem>>
    %dma_wait3A_1415 = arith.constant 0 : i32
    %dma_wait3A_1416 = arith.constant 0 : i32
    %dma_wait3A_1417 = tpu.memref_slice %arg4[%add3A_1340, %dma_wait3A_1415, %dma_wait3A_1416] : memref<32768x8x144xf32, #tpu.memory_space<hbm>> -> memref<1x8x128xf32, #tpu.memory_space<hbm>>
    %dma_wait3A_1418 = tpu.memref_squeeze %dma_wait3A_1417 : memref<1x8x128xf32, #tpu.memory_space<hbm>> -> memref<8x128xf32, #tpu.memory_space<hbm>>
    %dma_wait3A_1419 = arith.constant 0 : i32
    %dma_wait3A_1420 = arith.constant 0 : i32
    %dma_wait3A_1421 = tpu.memref_slice %arg5[%dma_wait3A_1403, %dma_wait3A_1419, %dma_wait3A_1420] : memref<8x8x128xf32, #tpu.memory_space<vmem>> -> memref<1x8x128xf32, #tpu.memory_space<vmem>>
    %dma_wait3A_1422 = tpu.memref_squeeze %dma_wait3A_1421 : memref<1x8x128xf32, #tpu.memory_space<vmem>> -> memref<8x128xf32, #tpu.memory_space<vmem>>
    tpu.wait_dma2 semaphore(%dma_wait3A_1414 : memref<!tpu.dma_semaphore, #tpu.memory_space<semaphore_mem>>) src(%dma_wait3A_1422 : memref<8x128xf32, #tpu.memory_space<vmem>>) dst(%dma_wait3A_1418 : memref<8x128xf32, #tpu.memory_space<hbm>>)
    %dma_wait3A_1423 = arith.constant 7 : i32
    %dma_wait3A_1424 = arith.constant 7 : i32
    %dma_wait3A_1425 = arith.constant 0 : i32
    %dma_wait3A_1426 = arith.constant 0 : i32
    %dma_wait3A_1427 = tpu.memref_slice %arg5[%dma_wait3A_1423, %dma_wait3A_1425, %dma_wait3A_1426] : memref<8x8x128xf32, #tpu.memory_space<vmem>> -> memref<1x8x128xf32, #tpu.memory_space<vmem>>
    %dma_wait3A_1428 = tpu.memref_squeeze %dma_wait3A_1427 : memref<1x8x128xf32, #tpu.memory_space<vmem>> -> memref<8x128xf32, #tpu.memory_space<vmem>>
    %dma_wait3A_1429 = arith.constant 0 : i32
    %dma_wait3A_1430 = arith.constant 0 : i32
    %dma_wait3A_1431 = tpu.memref_slice %arg4[%add3A_1344, %dma_wait3A_1429, %dma_wait3A_1430] : memref<32768x8x144xf32, #tpu.memory_space<hbm>> -> memref<1x8x128xf32, #tpu.memory_space<hbm>>
    %dma_wait3A_1432 = tpu.memref_squeeze %dma_wait3A_1431 : memref<1x8x128xf32, #tpu.memory_space<hbm>> -> memref<8x128xf32, #tpu.memory_space<hbm>>
    %dma_wait3A_1433 = tpu.memref_slice %arg9[%dma_wait3A_1424] : memref<8x!tpu.dma_semaphore, #tpu.memory_space<semaphore_mem>> -> memref<1x!tpu.dma_semaphore, #tpu.memory_space<semaphore_mem>>
    %dma_wait3A_1434 = tpu.memref_squeeze %dma_wait3A_1433 : memref<1x!tpu.dma_semaphore, #tpu.memory_space<semaphore_mem>> -> memref<!tpu.dma_semaphore, #tpu.memory_space<semaphore_mem>>
    %dma_wait3A_1435 = arith.constant 0 : i32
    %dma_wait3A_1436 = arith.constant 0 : i32
    %dma_wait3A_1437 = tpu.memref_slice %arg4[%add3A_1344, %dma_wait3A_1435, %dma_wait3A_1436] : memref<32768x8x144xf32, #tpu.memory_space<hbm>> -> memref<1x8x128xf32, #tpu.memory_space<hbm>>
    %dma_wait3A_1438 = tpu.memref_squeeze %dma_wait3A_1437 : memref<1x8x128xf32, #tpu.memory_space<hbm>> -> memref<8x128xf32, #tpu.memory_space<hbm>>
    %dma_wait3A_1439 = arith.constant 0 : i32
    %dma_wait3A_1440 = arith.constant 0 : i32
    %dma_wait3A_1441 = tpu.memref_slice %arg5[%dma_wait3A_1423, %dma_wait3A_1439, %dma_wait3A_1440] : memref<8x8x128xf32, #tpu.memory_space<vmem>> -> memref<1x8x128xf32, #tpu.memory_space<vmem>>
    %dma_wait3A_1442 = tpu.memref_squeeze %dma_wait3A_1441 : memref<1x8x128xf32, #tpu.memory_space<vmem>> -> memref<8x128xf32, #tpu.memory_space<vmem>>
    tpu.wait_dma2 semaphore(%dma_wait3A_1434 : memref<!tpu.dma_semaphore, #tpu.memory_space<semaphore_mem>>) src(%dma_wait3A_1442 : memref<8x128xf32, #tpu.memory_space<vmem>>) dst(%dma_wait3A_1438 : memref<8x128xf32, #tpu.memory_space<hbm>>)
    %dma_wait3A_1443 = arith.constant 7 : i32
    %dma_wait3A_1444 = arith.constant 7 : i32
    %dma_wait3A_1445 = arith.constant 0 : i32
    %dma_wait3A_1446 = arith.constant 0 : i32
    %dma_wait3A_1447 = tpu.memref_slice %arg5[%dma_wait3A_1443, %dma_wait3A_1445, %dma_wait3A_1446] : memref<8x8x128xf32, #tpu.memory_space<vmem>> -> memref<1x8x128xf32, #tpu.memory_space<vmem>>
    %dma_wait3A_1448 = tpu.memref_squeeze %dma_wait3A_1447 : memref<1x8x128xf32, #tpu.memory_space<vmem>> -> memref<8x128xf32, #tpu.memory_space<vmem>>
    %dma_wait3A_1449 = arith.constant 0 : i32
    %dma_wait3A_1450 = arith.constant 0 : i32
    %dma_wait3A_1451 = tpu.memref_slice %arg4[%add3A_1348, %dma_wait3A_1449, %dma_wait3A_1450] : memref<32768x8x144xf32, #tpu.memory_space<hbm>> -> memref<1x8x128xf32, #tpu.memory_space<hbm>>
    %dma_wait3A_1452 = tpu.memref_squeeze %dma_wait3A_1451 : memref<1x8x128xf32, #tpu.memory_space<hbm>> -> memref<8x128xf32, #tpu.memory_space<hbm>>
    %dma_wait3A_1453 = tpu.memref_slice %arg9[%dma_wait3A_1444] : memref<8x!tpu.dma_semaphore, #tpu.memory_space<semaphore_mem>> -> memref<1x!tpu.dma_semaphore, #tpu.memory_space<semaphore_mem>>
    %dma_wait3A_1454 = tpu.memref_squeeze %dma_wait3A_1453 : memref<1x!tpu.dma_semaphore, #tpu.memory_space<semaphore_mem>> -> memref<!tpu.dma_semaphore, #tpu.memory_space<semaphore_mem>>
    %dma_wait3A_1455 = arith.constant 0 : i32
    %dma_wait3A_1456 = arith.constant 0 : i32
    %dma_wait3A_1457 = tpu.memref_slice %arg4[%add3A_1348, %dma_wait3A_1455, %dma_wait3A_1456] : memref<32768x8x144xf32, #tpu.memory_space<hbm>> -> memref<1x8x128xf32, #tpu.memory_space<hbm>>
    %dma_wait3A_1458 = tpu.memref_squeeze %dma_wait3A_1457 : memref<1x8x128xf32, #tpu.memory_space<hbm>> -> memref<8x128xf32, #tpu.memory_space<hbm>>
    %dma_wait3A_1459 = arith.constant 0 : i32
    %dma_wait3A_1460 = arith.constant 0 : i32
    %dma_wait3A_1461 = tpu.memref_slice %arg5[%dma_wait3A_1443, %dma_wait3A_1459, %dma_wait3A_1460] : memref<8x8x128xf32, #tpu.memory_space<vmem>> -> memref<1x8x128xf32, #tpu.memory_space<vmem>>
    %dma_wait3A_1462 = tpu.memref_squeeze %dma_wait3A_1461 : memref<1x8x128xf32, #tpu.memory_space<vmem>> -> memref<8x128xf32, #tpu.memory_space<vmem>>
    tpu.wait_dma2 semaphore(%dma_wait3A_1454 : memref<!tpu.dma_semaphore, #tpu.memory_space<semaphore_mem>>) src(%dma_wait3A_1462 : memref<8x128xf32, #tpu.memory_space<vmem>>) dst(%dma_wait3A_1458 : memref<8x128xf32, #tpu.memory_space<hbm>>)
    %dma_wait3A_1463 = arith.constant 7 : i32
    %dma_wait3A_1464 = arith.constant 7 : i32
    %dma_wait3A_1465 = arith.constant 0 : i32
    %dma_wait3A_1466 = arith.constant 0 : i32
    %dma_wait3A_1467 = tpu.memref_slice %arg5[%dma_wait3A_1463, %dma_wait3A_1465, %dma_wait3A_1466] : memref<8x8x128xf32, #tpu.memory_space<vmem>> -> memref<1x8x128xf32, #tpu.memory_space<vmem>>
    %dma_wait3A_1468 = tpu.memref_squeeze %dma_wait3A_1467 : memref<1x8x128xf32, #tpu.memory_space<vmem>> -> memref<8x128xf32, #tpu.memory_space<vmem>>
    %dma_wait3A_1469 = arith.constant 0 : i32
    %dma_wait3A_1470 = arith.constant 0 : i32
    %dma_wait3A_1471 = tpu.memref_slice %arg4[%add3A_1352, %dma_wait3A_1469, %dma_wait3A_1470] : memref<32768x8x144xf32, #tpu.memory_space<hbm>> -> memref<1x8x128xf32, #tpu.memory_space<hbm>>
    %dma_wait3A_1472 = tpu.memref_squeeze %dma_wait3A_1471 : memref<1x8x128xf32, #tpu.memory_space<hbm>> -> memref<8x128xf32, #tpu.memory_space<hbm>>
    %dma_wait3A_1473 = tpu.memref_slice %arg9[%dma_wait3A_1464] : memref<8x!tpu.dma_semaphore, #tpu.memory_space<semaphore_mem>> -> memref<1x!tpu.dma_semaphore, #tpu.memory_space<semaphore_mem>>
    %dma_wait3A_1474 = tpu.memref_squeeze %dma_wait3A_1473 : memref<1x!tpu.dma_semaphore, #tpu.memory_space<semaphore_mem>> -> memref<!tpu.dma_semaphore, #tpu.memory_space<semaphore_mem>>
    %dma_wait3A_1475 = arith.constant 0 : i32
    %dma_wait3A_1476 = arith.constant 0 : i32
    %dma_wait3A_1477 = tpu.memref_slice %arg4[%add3A_1352, %dma_wait3A_1475, %dma_wait3A_1476] : memref<32768x8x144xf32, #tpu.memory_space<hbm>> -> memref<1x8x128xf32, #tpu.memory_space<hbm>>
    %dma_wait3A_1478 = tpu.memref_squeeze %dma_wait3A_1477 : memref<1x8x128xf32, #tpu.memory_space<hbm>> -> memref<8x128xf32, #tpu.memory_space<hbm>>
    %dma_wait3A_1479 = arith.constant 0 : i32
    %dma_wait3A_1480 = arith.constant 0 : i32
    %dma_wait3A_1481 = tpu.memref_slice %arg5[%dma_wait3A_1463, %dma_wait3A_1479, %dma_wait3A_1480] : memref<8x8x128xf32, #tpu.memory_space<vmem>> -> memref<1x8x128xf32, #tpu.memory_space<vmem>>
    %dma_wait3A_1482 = tpu.memref_squeeze %dma_wait3A_1481 : memref<1x8x128xf32, #tpu.memory_space<vmem>> -> memref<8x128xf32, #tpu.memory_space<vmem>>
    tpu.wait_dma2 semaphore(%dma_wait3A_1474 : memref<!tpu.dma_semaphore, #tpu.memory_space<semaphore_mem>>) src(%dma_wait3A_1482 : memref<8x128xf32, #tpu.memory_space<vmem>>) dst(%dma_wait3A_1478 : memref<8x128xf32, #tpu.memory_space<hbm>>)
    %dma_wait3A_1483 = arith.constant 7 : i32
    %dma_wait3A_1484 = arith.constant 7 : i32
    %dma_wait3A_1485 = arith.constant 0 : i32
    %dma_wait3A_1486 = arith.constant 0 : i32
    %dma_wait3A_1487 = tpu.memref_slice %arg5[%dma_wait3A_1483, %dma_wait3A_1485, %dma_wait3A_1486] : memref<8x8x128xf32, #tpu.memory_space<vmem>> -> memref<1x8x128xf32, #tpu.memory_space<vmem>>
    %dma_wait3A_1488 = tpu.memref_squeeze %dma_wait3A_1487 : memref<1x8x128xf32, #tpu.memory_space<vmem>> -> memref<8x128xf32, #tpu.memory_space<vmem>>
    %dma_wait3A_1489 = arith.constant 0 : i32
    %dma_wait3A_1490 = arith.constant 0 : i32
    %dma_wait3A_1491 = tpu.memref_slice %arg4[%add3A_1356, %dma_wait3A_1489, %dma_wait3A_1490] : memref<32768x8x144xf32, #tpu.memory_space<hbm>> -> memref<1x8x128xf32, #tpu.memory_space<hbm>>
    %dma_wait3A_1492 = tpu.memref_squeeze %dma_wait3A_1491 : memref<1x8x128xf32, #tpu.memory_space<hbm>> -> memref<8x128xf32, #tpu.memory_space<hbm>>
    %dma_wait3A_1493 = tpu.memref_slice %arg9[%dma_wait3A_1484] : memref<8x!tpu.dma_semaphore, #tpu.memory_space<semaphore_mem>> -> memref<1x!tpu.dma_semaphore, #tpu.memory_space<semaphore_mem>>
    %dma_wait3A_1494 = tpu.memref_squeeze %dma_wait3A_1493 : memref<1x!tpu.dma_semaphore, #tpu.memory_space<semaphore_mem>> -> memref<!tpu.dma_semaphore, #tpu.memory_space<semaphore_mem>>
    %dma_wait3A_1495 = arith.constant 0 : i32
    %dma_wait3A_1496 = arith.constant 0 : i32
    %dma_wait3A_1497 = tpu.memref_slice %arg4[%add3A_1356, %dma_wait3A_1495, %dma_wait3A_1496] : memref<32768x8x144xf32, #tpu.memory_space<hbm>> -> memref<1x8x128xf32, #tpu.memory_space<hbm>>
    %dma_wait3A_1498 = tpu.memref_squeeze %dma_wait3A_1497 : memref<1x8x128xf32, #tpu.memory_space<hbm>> -> memref<8x128xf32, #tpu.memory_space<hbm>>
    %dma_wait3A_1499 = arith.constant 0 : i32
    %dma_wait3A_1500 = arith.constant 0 : i32
    %dma_wait3A_1501 = tpu.memref_slice %arg5[%dma_wait3A_1483, %dma_wait3A_1499, %dma_wait3A_1500] : memref<8x8x128xf32, #tpu.memory_space<vmem>> -> memref<1x8x128xf32, #tpu.memory_space<vmem>>
    %dma_wait3A_1502 = tpu.memref_squeeze %dma_wait3A_1501 : memref<1x8x128xf32, #tpu.memory_space<vmem>> -> memref<8x128xf32, #tpu.memory_space<vmem>>
    tpu.wait_dma2 semaphore(%dma_wait3A_1494 : memref<!tpu.dma_semaphore, #tpu.memory_space<semaphore_mem>>) src(%dma_wait3A_1502 : memref<8x128xf32, #tpu.memory_space<vmem>>) dst(%dma_wait3A_1498 : memref<8x128xf32, #tpu.memory_space<hbm>>)
    %dma_wait3A_1503 = arith.constant 7 : i32
    %dma_wait3A_1504 = arith.constant 7 : i32
    %dma_wait3A_1505 = arith.constant 0 : i32
    %dma_wait3A_1506 = arith.constant 0 : i32
    %dma_wait3A_1507 = tpu.memref_slice %arg5[%dma_wait3A_1503, %dma_wait3A_1505, %dma_wait3A_1506] : memref<8x8x128xf32, #tpu.memory_space<vmem>> -> memref<1x8x128xf32, #tpu.memory_space<vmem>>
    %dma_wait3A_1508 = tpu.memref_squeeze %dma_wait3A_1507 : memref<1x8x128xf32, #tpu.memory_space<vmem>> -> memref<8x128xf32, #tpu.memory_space<vmem>>
    %dma_wait3A_1509 = arith.constant 0 : i32
    %dma_wait3A_1510 = arith.constant 0 : i32
    %dma_wait3A_1511 = tpu.memref_slice %arg4[%add3A_1360, %dma_wait3A_1509, %dma_wait3A_1510] : memref<32768x8x144xf32, #tpu.memory_space<hbm>> -> memref<1x8x128xf32, #tpu.memory_space<hbm>>
    %dma_wait3A_1512 = tpu.memref_squeeze %dma_wait3A_1511 : memref<1x8x128xf32, #tpu.memory_space<hbm>> -> memref<8x128xf32, #tpu.memory_space<hbm>>
    %dma_wait3A_1513 = tpu.memref_slice %arg9[%dma_wait3A_1504] : memref<8x!tpu.dma_semaphore, #tpu.memory_space<semaphore_mem>> -> memref<1x!tpu.dma_semaphore, #tpu.memory_space<semaphore_mem>>
    %dma_wait3A_1514 = tpu.memref_squeeze %dma_wait3A_1513 : memref<1x!tpu.dma_semaphore, #tpu.memory_space<semaphore_mem>> -> memref<!tpu.dma_semaphore, #tpu.memory_space<semaphore_mem>>
    %dma_wait3A_1515 = arith.constant 0 : i32
    %dma_wait3A_1516 = arith.constant 0 : i32
    %dma_wait3A_1517 = tpu.memref_slice %arg4[%add3A_1360, %dma_wait3A_1515, %dma_wait3A_1516] : memref<32768x8x144xf32, #tpu.memory_space<hbm>> -> memref<1x8x128xf32, #tpu.memory_space<hbm>>
    %dma_wait3A_1518 = tpu.memref_squeeze %dma_wait3A_1517 : memref<1x8x128xf32, #tpu.memory_space<hbm>> -> memref<8x128xf32, #tpu.memory_space<hbm>>
    %dma_wait3A_1519 = arith.constant 0 : i32
    %dma_wait3A_1520 = arith.constant 0 : i32
    %dma_wait3A_1521 = tpu.memref_slice %arg5[%dma_wait3A_1503, %dma_wait3A_1519, %dma_wait3A_1520] : memref<8x8x128xf32, #tpu.memory_space<vmem>> -> memref<1x8x128xf32, #tpu.memory_space<vmem>>
    %dma_wait3A_1522 = tpu.memref_squeeze %dma_wait3A_1521 : memref<1x8x128xf32, #tpu.memory_space<vmem>> -> memref<8x128xf32, #tpu.memory_space<vmem>>
    tpu.wait_dma2 semaphore(%dma_wait3A_1514 : memref<!tpu.dma_semaphore, #tpu.memory_space<semaphore_mem>>) src(%dma_wait3A_1522 : memref<8x128xf32, #tpu.memory_space<vmem>>) dst(%dma_wait3A_1518 : memref<8x128xf32, #tpu.memory_space<hbm>>)
    %dma_wait3A_1523 = arith.constant 7 : i32
    %dma_wait3A_1524 = arith.constant 7 : i32
    %dma_wait3A_1525 = arith.constant 0 : i32
    %dma_wait3A_1526 = arith.constant 0 : i32
    %dma_wait3A_1527 = arith.constant 0 : i32
    %dma_wait3A_1528 = tpu.memref_slice %arg7[%dma_wait3A_1523, %dma_wait3A_1525, %dma_wait3A_1526, %dma_wait3A_1527] : memref<8x8x8x16xf32, #tpu.memory_space<vmem>> -> memref<1x8x8x16xf32, #tpu.memory_space<vmem>>
    %dma_wait3A_1529 = tpu.memref_squeeze %dma_wait3A_1528 : memref<1x8x8x16xf32, #tpu.memory_space<vmem>> -> memref<8x8x16xf32, #tpu.memory_space<vmem>>
    %dma_wait3A_1530 = arith.constant 0 : i32
    %dma_wait3A_1531 = arith.constant 128 : i32
    %dma_wait3A_1532 = tpu.memref_slice %arg4[%mul3A_1362, %dma_wait3A_1530, %dma_wait3A_1531] : memref<32768x8x144xf32, #tpu.memory_space<hbm>> -> memref<8x8x16xf32, #tpu.memory_space<hbm>>
    %dma_wait3A_1533 = tpu.memref_slice %arg9[%dma_wait3A_1524] : memref<8x!tpu.dma_semaphore, #tpu.memory_space<semaphore_mem>> -> memref<1x!tpu.dma_semaphore, #tpu.memory_space<semaphore_mem>>
    %dma_wait3A_1534 = tpu.memref_squeeze %dma_wait3A_1533 : memref<1x!tpu.dma_semaphore, #tpu.memory_space<semaphore_mem>> -> memref<!tpu.dma_semaphore, #tpu.memory_space<semaphore_mem>>
    %dma_wait3A_1535 = arith.constant 0 : i32
    %dma_wait3A_1536 = arith.constant 128 : i32
    %dma_wait3A_1537 = tpu.memref_slice %arg4[%mul3A_1362, %dma_wait3A_1535, %dma_wait3A_1536] : memref<32768x8x144xf32, #tpu.memory_space<hbm>> -> memref<8x8x16xf32, #tpu.memory_space<hbm>>
    %dma_wait3A_1538 = arith.constant 0 : i32
    %dma_wait3A_1539 = arith.constant 0 : i32
    %dma_wait3A_1540 = arith.constant 0 : i32
    %dma_wait3A_1541 = tpu.memref_slice %arg7[%dma_wait3A_1523, %dma_wait3A_1538, %dma_wait3A_1539, %dma_wait3A_1540] : memref<8x8x8x16xf32, #tpu.memory_space<vmem>> -> memref<1x8x8x16xf32, #tpu.memory_space<vmem>>
    %dma_wait3A_1542 = tpu.memref_squeeze %dma_wait3A_1541 : memref<1x8x8x16xf32, #tpu.memory_space<vmem>> -> memref<8x8x16xf32, #tpu.memory_space<vmem>>
    tpu.wait_dma2 semaphore(%dma_wait3A_1534 : memref<!tpu.dma_semaphore, #tpu.memory_space<semaphore_mem>>) src(%dma_wait3A_1542 : memref<8x8x16xf32, #tpu.memory_space<vmem>>) dst(%dma_wait3A_1537 : memref<8x8x16xf32, #tpu.memory_space<hbm>>)
    return
  }
}

module attributes {stable_mosaic.version = 14 : i64} {
  func.func @_tc_body(%arg0: i32, %arg1: memref<512x128xf32, #tpu.memory_space<vmem>>, %arg2: memref<512x16xf32, #tpu.memory_space<vmem>>, %arg3: memref<512x16xf32, #tpu.memory_space<vmem>>, %arg4: memref<128x32xf32, #tpu.memory_space<vmem>>, %arg5: memref<1x32xf32, #tpu.memory_space<vmem>>, %arg6: memref<32x64xf32, #tpu.memory_space<vmem>>, %arg7: memref<1x64xf32, #tpu.memory_space<vmem>>, %arg8: memref<128x32xf32, #tpu.memory_space<vmem>>, %arg9: memref<1x32xf32, #tpu.memory_space<vmem>>, %arg10: memref<32x64xf32, #tpu.memory_space<vmem>>, %arg11: memref<1x64xf32, #tpu.memory_space<vmem>>, %arg12: memref<512x128xf32, #tpu.memory_space<vmem>>, %arg13: memref<512x8xf32, #tpu.memory_space<vmem>>) attributes {dimension_semantics = [#tpu.dimension_semantics<arbitrary>], iteration_bounds = array<i64: 64>, scalar_prefetch = 0 : i64, scratch_operands = 0 : i64, tpu.core_type = #tpu.core_type<tc>, window_params = [{transform_indices = @transform_0, window_bounds = array<i64: 512, 128>}, {transform_indices = @transform_1, window_bounds = array<i64: 512, 16>}, {transform_indices = @transform_2, window_bounds = array<i64: 512, 16>}, {pipeline_mode = #tpu.pipeline_mode<synchronous>, transform_indices = @transform_3, window_bounds = array<i64: 128, 32>}, {pipeline_mode = #tpu.pipeline_mode<synchronous>, transform_indices = @transform_4, window_bounds = array<i64: 1, 32>}, {pipeline_mode = #tpu.pipeline_mode<synchronous>, transform_indices = @transform_5, window_bounds = array<i64: 32, 64>}, {pipeline_mode = #tpu.pipeline_mode<synchronous>, transform_indices = @transform_6, window_bounds = array<i64: 1, 64>}, {pipeline_mode = #tpu.pipeline_mode<synchronous>, transform_indices = @transform_7, window_bounds = array<i64: 128, 32>}, {pipeline_mode = #tpu.pipeline_mode<synchronous>, transform_indices = @transform_8, window_bounds = array<i64: 1, 32>}, {pipeline_mode = #tpu.pipeline_mode<synchronous>, transform_indices = @transform_9, window_bounds = array<i64: 32, 64>}, {pipeline_mode = #tpu.pipeline_mode<synchronous>, transform_indices = @transform_10, window_bounds = array<i64: 1, 64>}, {transform_indices = @transform_11, window_bounds = array<i64: 512, 128>}, {transform_indices = @transform_12, window_bounds = array<i64: 512, 8>}]} {
    %get3A = arith.constant 0 : index
    %get3A_0 = arith.constant 0 : index
    %get3A_1 = vector.load %arg1[%get3A, %get3A_0] : memref<512x128xf32, #tpu.memory_space<vmem>>, vector<512x128xf32>
    %get3A_2 = arith.constant 0 : index
    %get3A_3 = arith.constant 0 : index
    %get3A_4 = vector.load %arg4[%get3A_2, %get3A_3] : memref<128x32xf32, #tpu.memory_space<vmem>>, vector<128x32xf32>
    %dot_general3A = arith.constant dense<0.000000e+00> : vector<512x32xf32>
    %dot_general3A_5 = tpu.matmul %get3A_1, %get3A_4, %dot_general3A {dimension_numbers = #tpu.dot_dimension_numbers<[1], [0], [0], [1], [0, 0, 1, 1], [], []>, transpose_lhs_hint = false} : vector<512x128xf32>, vector<128x32xf32>, vector<512x32xf32> -> vector<512x32xf32>
    %get3A_6 = arith.constant 0 : index
    %get3A_7 = arith.constant 0 : index
    %get3A_8 = vector.load %arg5[%get3A_6, %get3A_7] : memref<1x32xf32, #tpu.memory_space<vmem>>, vector<1x32xf32>
    %add3A = vector.broadcast %get3A_8 : vector<1x32xf32> to vector<512x32xf32>
    %add3A_9 = arith.addf %dot_general3A_5, %add3A : vector<512x32xf32>
    %tanh3A = math.tanh %add3A_9 : vector<512x32xf32>
    %get3A_10 = arith.constant 0 : index
    %get3A_11 = arith.constant 0 : index
    %get3A_12 = vector.load %arg6[%get3A_10, %get3A_11] : memref<32x64xf32, #tpu.memory_space<vmem>>, vector<32x64xf32>
    %dot_general3A_13 = arith.constant dense<0.000000e+00> : vector<512x64xf32>
    %dot_general3A_14 = tpu.matmul %tanh3A, %get3A_12, %dot_general3A_13 {dimension_numbers = #tpu.dot_dimension_numbers<[1], [0], [0], [1], [0, 0, 1, 1], [], []>, transpose_lhs_hint = false} : vector<512x32xf32>, vector<32x64xf32>, vector<512x64xf32> -> vector<512x64xf32>
    %get3A_15 = arith.constant 0 : index
    %get3A_16 = arith.constant 0 : index
    %get3A_17 = vector.load %arg7[%get3A_15, %get3A_16] : memref<1x64xf32, #tpu.memory_space<vmem>>, vector<1x64xf32>
    %add3A_18 = vector.broadcast %get3A_17 : vector<1x64xf32> to vector<512x64xf32>
    %add3A_19 = arith.addf %dot_general3A_14, %add3A_18 : vector<512x64xf32>
    %get3A_20 = arith.constant 0 : index
    %get3A_21 = arith.constant 0 : index
    %get3A_22 = vector.load %arg8[%get3A_20, %get3A_21] : memref<128x32xf32, #tpu.memory_space<vmem>>, vector<128x32xf32>
    %dot_general3A_23 = arith.constant dense<0.000000e+00> : vector<512x32xf32>
    %dot_general3A_24 = tpu.matmul %get3A_1, %get3A_22, %dot_general3A_23 {dimension_numbers = #tpu.dot_dimension_numbers<[1], [0], [0], [1], [0, 0, 1, 1], [], []>, transpose_lhs_hint = false} : vector<512x128xf32>, vector<128x32xf32>, vector<512x32xf32> -> vector<512x32xf32>
    %get3A_25 = arith.constant 0 : index
    %get3A_26 = arith.constant 0 : index
    %get3A_27 = vector.load %arg9[%get3A_25, %get3A_26] : memref<1x32xf32, #tpu.memory_space<vmem>>, vector<1x32xf32>
    %add3A_28 = vector.broadcast %get3A_27 : vector<1x32xf32> to vector<512x32xf32>
    %add3A_29 = arith.addf %dot_general3A_24, %add3A_28 : vector<512x32xf32>
    %tanh3A_30 = math.tanh %add3A_29 : vector<512x32xf32>
    %get3A_31 = arith.constant 0 : index
    %get3A_32 = arith.constant 0 : index
    %get3A_33 = vector.load %arg10[%get3A_31, %get3A_32] : memref<32x64xf32, #tpu.memory_space<vmem>>, vector<32x64xf32>
    %dot_general3A_34 = arith.constant dense<0.000000e+00> : vector<512x64xf32>
    %dot_general3A_35 = tpu.matmul %tanh3A_30, %get3A_33, %dot_general3A_34 {dimension_numbers = #tpu.dot_dimension_numbers<[1], [0], [0], [1], [0, 0, 1, 1], [], []>, transpose_lhs_hint = false} : vector<512x32xf32>, vector<32x64xf32>, vector<512x64xf32> -> vector<512x64xf32>
    %get3A_36 = arith.constant 0 : index
    %get3A_37 = arith.constant 0 : index
    %get3A_38 = vector.load %arg11[%get3A_36, %get3A_37] : memref<1x64xf32, #tpu.memory_space<vmem>>, vector<1x64xf32>
    %add3A_39 = vector.broadcast %get3A_38 : vector<1x64xf32> to vector<512x64xf32>
    %add3A_40 = arith.addf %dot_general3A_35, %add3A_39 : vector<512x64xf32>
    %dot_general3A_41 = arith.constant dense<0.000000e+00> : vector<512x512xf32>
    %dot_general3A_42 = tpu.matmul %add3A_40, %add3A_19, %dot_general3A_41 {dimension_numbers = #tpu.dot_dimension_numbers<[1], [1], [0], [0], [0, 0, 1, 0], [], []>, transpose_lhs_hint = false} : vector<512x64xf32>, vector<512x64xf32>, vector<512x512xf32> -> vector<512x512xf32>
    %iota3A = tpu.iota {dimensions = array<i32: 0>} : vector<512x512xi32>
    %jit3A = arith.constant 8 : i32
    %div3A = vector.broadcast %jit3A : i32 to vector<512x512xi32>
    %div3A_43 = arith.divsi %iota3A, %div3A : vector<512x512xi32>
    %sign3A = arith.constant 0 : i32
    %sign3A_44 = vector.broadcast %sign3A : i32 to vector<512x512xi32>
    %sign3A_45 = arith.cmpi sgt, %iota3A, %sign3A_44 : vector<512x512xi32>
    %sign3A_46 = arith.extui %sign3A_45 : vector<512x512xi1> to vector<512x512xi32>
    %sign3A_47 = arith.constant 0 : i32
    %sign3A_48 = vector.broadcast %sign3A_47 : i32 to vector<512x512xi32>
    %sign3A_49 = arith.cmpi slt, %iota3A, %sign3A_48 : vector<512x512xi32>
    %sign3A_50 = arith.extui %sign3A_49 : vector<512x512xi1> to vector<512x512xi32>
    %sign3A_51 = arith.subi %sign3A_46, %sign3A_50 : vector<512x512xi32>
    %sign3A_52 = arith.constant 0 : i32
    %sign3A_53 = arith.cmpi sgt, %jit3A, %sign3A_52 : i32
    %sign3A_54 = arith.extui %sign3A_53 : i1 to i32
    %sign3A_55 = arith.constant 0 : i32
    %sign3A_56 = arith.cmpi slt, %jit3A, %sign3A_55 : i32
    %sign3A_57 = arith.extui %sign3A_56 : i1 to i32
    %sign3A_58 = arith.subi %sign3A_54, %sign3A_57 : i32
    %ne3A = vector.broadcast %sign3A_58 : i32 to vector<512x512xi32>
    %ne3A_59 = arith.cmpi ne, %sign3A_51, %ne3A : vector<512x512xi32>
    %rem3A = vector.broadcast %jit3A : i32 to vector<512x512xi32>
    %rem3A_60 = arith.remsi %iota3A, %rem3A : vector<512x512xi32>
    %ne3A_61 = arith.constant 0 : i32
    %ne3A_62 = vector.broadcast %ne3A_61 : i32 to vector<512x512xi32>
    %ne3A_63 = arith.cmpi ne, %rem3A_60, %ne3A_62 : vector<512x512xi32>
    %and3A = arith.andi %ne3A_59, %ne3A_63 : vector<512x512xi1>
    %sub3A = arith.constant 1 : i32
    %sub3A_64 = vector.broadcast %sub3A : i32 to vector<512x512xi32>
    %sub3A_65 = arith.subi %div3A_43, %sub3A_64 : vector<512x512xi32>
    %select_n3A = arith.select %and3A, %sub3A_65, %div3A_43 : vector<512x512xi1>, vector<512x512xi32>
    %iota3A_66 = tpu.iota {dimensions = array<i32: 1>} : vector<512x512xi32>
    %jit3A_67 = arith.constant 8 : i32
    %div3A_68 = vector.broadcast %jit3A_67 : i32 to vector<512x512xi32>
    %div3A_69 = arith.divsi %iota3A_66, %div3A_68 : vector<512x512xi32>
    %sign3A_70 = arith.constant 0 : i32
    %sign3A_71 = vector.broadcast %sign3A_70 : i32 to vector<512x512xi32>
    %sign3A_72 = arith.cmpi sgt, %iota3A_66, %sign3A_71 : vector<512x512xi32>
    %sign3A_73 = arith.extui %sign3A_72 : vector<512x512xi1> to vector<512x512xi32>
    %sign3A_74 = arith.constant 0 : i32
    %sign3A_75 = vector.broadcast %sign3A_74 : i32 to vector<512x512xi32>
    %sign3A_76 = arith.cmpi slt, %iota3A_66, %sign3A_75 : vector<512x512xi32>
    %sign3A_77 = arith.extui %sign3A_76 : vector<512x512xi1> to vector<512x512xi32>
    %sign3A_78 = arith.subi %sign3A_73, %sign3A_77 : vector<512x512xi32>
    %sign3A_79 = arith.constant 0 : i32
    %sign3A_80 = arith.cmpi sgt, %jit3A_67, %sign3A_79 : i32
    %sign3A_81 = arith.extui %sign3A_80 : i1 to i32
    %sign3A_82 = arith.constant 0 : i32
    %sign3A_83 = arith.cmpi slt, %jit3A_67, %sign3A_82 : i32
    %sign3A_84 = arith.extui %sign3A_83 : i1 to i32
    %sign3A_85 = arith.subi %sign3A_81, %sign3A_84 : i32
    %ne3A_86 = vector.broadcast %sign3A_85 : i32 to vector<512x512xi32>
    %ne3A_87 = arith.cmpi ne, %sign3A_78, %ne3A_86 : vector<512x512xi32>
    %rem3A_88 = vector.broadcast %jit3A_67 : i32 to vector<512x512xi32>
    %rem3A_89 = arith.remsi %iota3A_66, %rem3A_88 : vector<512x512xi32>
    %ne3A_90 = arith.constant 0 : i32
    %ne3A_91 = vector.broadcast %ne3A_90 : i32 to vector<512x512xi32>
    %ne3A_92 = arith.cmpi ne, %rem3A_89, %ne3A_91 : vector<512x512xi32>
    %and3A_93 = arith.andi %ne3A_87, %ne3A_92 : vector<512x512xi1>
    %sub3A_94 = arith.constant 1 : i32
    %sub3A_95 = vector.broadcast %sub3A_94 : i32 to vector<512x512xi32>
    %sub3A_96 = arith.subi %div3A_69, %sub3A_95 : vector<512x512xi32>
    %select_n3A_97 = arith.select %and3A_93, %sub3A_96, %div3A_69 : vector<512x512xi1>, vector<512x512xi32>
    %eq3A = arith.cmpi eq, %select_n3A, %select_n3A_97 : vector<512x512xi32>
    %jit3A_98 = arith.constant 0.000000e+00 : f32
    %broadcast_in_dim3A = vector.broadcast %jit3A_98 : f32 to vector<512x512xf32>
    %select_n3A_99 = arith.select %eq3A, %dot_general3A_42, %broadcast_in_dim3A : vector<512x512xi1>, vector<512x512xf32>
    %iota3A_100 = tpu.iota {dimensions = array<i32: 0>} : vector<512x8xi32>
    %jit3A_101 = arith.constant 8 : i32
    %eq3A_102 = arith.constant 0 : i32
    %eq3A_103 = arith.cmpi eq, %jit3A_101, %eq3A_102 : i32
    %jit3A_104 = arith.constant 1 : i32
    %select_n3A_105 = arith.select %eq3A_103, %jit3A_104, %jit3A_101 : i32
    %rem3A_106 = vector.broadcast %select_n3A_105 : i32 to vector<512x8xi32>
    %rem3A_107 = arith.remsi %iota3A_100, %rem3A_106 : vector<512x8xi32>
    %ne3A_108 = arith.constant 0 : i32
    %ne3A_109 = vector.broadcast %ne3A_108 : i32 to vector<512x8xi32>
    %ne3A_110 = arith.cmpi ne, %rem3A_107, %ne3A_109 : vector<512x8xi32>
    %lt3A = arith.constant 0 : i32
    %lt3A_111 = vector.broadcast %lt3A : i32 to vector<512x8xi32>
    %lt3A_112 = arith.cmpi slt, %rem3A_107, %lt3A_111 : vector<512x8xi32>
    %lt3A_113 = arith.constant 0 : i32
    %lt3A_114 = arith.cmpi slt, %select_n3A_105, %lt3A_113 : i32
    %ne3A_115 = vector.broadcast %lt3A_114 : i1 to vector<512x8xi1>
    %ne3A_116 = vector.broadcast %ne3A_115 : vector<512x8xi1> to vector<512x8xi1>
    %ne3A_117 = arith.xori %lt3A_112, %ne3A_116 : vector<512x8xi1>
    %and3A_118 = arith.andi %ne3A_117, %ne3A_110 : vector<512x8xi1>
    %add3A_119 = vector.broadcast %select_n3A_105 : i32 to vector<512x8xi32>
    %add3A_120 = arith.addi %rem3A_107, %add3A_119 : vector<512x8xi32>
    %select_n3A_121 = arith.select %and3A_118, %add3A_120, %rem3A_107 : vector<512x8xi1>, vector<512x8xi32>
    %iota3A_122 = tpu.iota {dimensions = array<i32: 1>} : vector<512x8xi32>
    %eq3A_123 = arith.cmpi eq, %select_n3A_121, %iota3A_122 : vector<512x8xi32>
    %convert_element_type3A = arith.extui %eq3A_123 : vector<512x8xi1> to vector<512x8xi32>
    %convert_element_type3A_124 = arith.sitofp %convert_element_type3A : vector<512x8xi32> to vector<512x8xf32>
    %dot_general3A_125 = arith.constant dense<0.000000e+00> : vector<512x8xf32>
    %dot_general3A_126 = tpu.matmul %select_n3A_99, %convert_element_type3A_124, %dot_general3A_125 {dimension_numbers = #tpu.dot_dimension_numbers<[1], [0], [0], [1], [0, 0, 1, 1], [], []>, transpose_lhs_hint = false} : vector<512x512xf32>, vector<512x8xf32>, vector<512x8xf32> -> vector<512x8xf32>
    %mul3A = arith.constant 1.250000e-01 : f32
    %mul3A_127 = vector.broadcast %mul3A : f32 to vector<512x8xf32>
    %mul3A_128 = arith.mulf %dot_general3A_126, %mul3A_127 : vector<512x8xf32>
    %logistic3A = arith.negf %mul3A_128 : vector<512x8xf32>
    %logistic3A_129 = math.exp %logistic3A : vector<512x8xf32>
    %logistic3A_130 = arith.constant 1.000000e+00 : f32
    %logistic3A_131 = vector.broadcast %logistic3A_130 : f32 to vector<512x8xf32>
    %logistic3A_132 = arith.addf %logistic3A_131, %logistic3A_129 : vector<512x8xf32>
    %logistic3A_133 = arith.divf %logistic3A_131, %logistic3A_132 : vector<512x8xf32>
    %swap3A = arith.constant 0 : index
    %swap3A_134 = arith.constant 0 : index
    %swap3A_135 = vector.load %arg13[%swap3A, %swap3A_134] : memref<512x8xf32, #tpu.memory_space<vmem>>, vector<512x8xf32>
    tpu.vector_store %arg13[%swap3A, %swap3A_134], %logistic3A_133 {strides = array<i32>} : memref<512x8xf32, #tpu.memory_space<vmem>>, vector<512x8xf32>,
    %iota3A_136 = tpu.iota {dimensions = array<i32: 0>} : vector<8x128xi32>
    %iota3A_137 = tpu.iota {dimensions = array<i32: 1>} : vector<8x128xi32>
    %jit3A_138 = arith.constant 16 : i32
    %div3A_139 = vector.broadcast %jit3A_138 : i32 to vector<8x128xi32>
    %div3A_140 = arith.divsi %iota3A_137, %div3A_139 : vector<8x128xi32>
    %sign3A_141 = arith.constant 0 : i32
    %sign3A_142 = vector.broadcast %sign3A_141 : i32 to vector<8x128xi32>
    %sign3A_143 = arith.cmpi sgt, %iota3A_137, %sign3A_142 : vector<8x128xi32>
    %sign3A_144 = arith.extui %sign3A_143 : vector<8x128xi1> to vector<8x128xi32>
    %sign3A_145 = arith.constant 0 : i32
    %sign3A_146 = vector.broadcast %sign3A_145 : i32 to vector<8x128xi32>
    %sign3A_147 = arith.cmpi slt, %iota3A_137, %sign3A_146 : vector<8x128xi32>
    %sign3A_148 = arith.extui %sign3A_147 : vector<8x128xi1> to vector<8x128xi32>
    %sign3A_149 = arith.subi %sign3A_144, %sign3A_148 : vector<8x128xi32>
    %sign3A_150 = arith.constant 0 : i32
    %sign3A_151 = arith.cmpi sgt, %jit3A_138, %sign3A_150 : i32
    %sign3A_152 = arith.extui %sign3A_151 : i1 to i32
    %sign3A_153 = arith.constant 0 : i32
    %sign3A_154 = arith.cmpi slt, %jit3A_138, %sign3A_153 : i32
    %sign3A_155 = arith.extui %sign3A_154 : i1 to i32
    %sign3A_156 = arith.subi %sign3A_152, %sign3A_155 : i32
    %ne3A_157 = vector.broadcast %sign3A_156 : i32 to vector<8x128xi32>
    %ne3A_158 = arith.cmpi ne, %sign3A_149, %ne3A_157 : vector<8x128xi32>
    %rem3A_159 = vector.broadcast %jit3A_138 : i32 to vector<8x128xi32>
    %rem3A_160 = arith.remsi %iota3A_137, %rem3A_159 : vector<8x128xi32>
    %ne3A_161 = arith.constant 0 : i32
    %ne3A_162 = vector.broadcast %ne3A_161 : i32 to vector<8x128xi32>
    %ne3A_163 = arith.cmpi ne, %rem3A_160, %ne3A_162 : vector<8x128xi32>
    %and3A_164 = arith.andi %ne3A_158, %ne3A_163 : vector<8x128xi1>
    %sub3A_165 = arith.constant 1 : i32
    %sub3A_166 = vector.broadcast %sub3A_165 : i32 to vector<8x128xi32>
    %sub3A_167 = arith.subi %div3A_140, %sub3A_166 : vector<8x128xi32>
    %select_n3A_168 = arith.select %and3A_164, %sub3A_167, %div3A_140 : vector<8x128xi1>, vector<8x128xi32>
    %eq3A_169 = arith.cmpi eq, %iota3A_136, %select_n3A_168 : vector<8x128xi32>
    %convert_element_type3A_170 = arith.extui %eq3A_169 : vector<8x128xi1> to vector<8x128xi32>
    %convert_element_type3A_171 = arith.sitofp %convert_element_type3A_170 : vector<8x128xi32> to vector<8x128xf32>
    %dot_general3A_172 = arith.constant dense<0.000000e+00> : vector<512x128xf32>
    %dot_general3A_173 = tpu.matmul %logistic3A_133, %convert_element_type3A_171, %dot_general3A_172 {dimension_numbers = #tpu.dot_dimension_numbers<[1], [0], [0], [1], [0, 0, 1, 1], [], []>, transpose_lhs_hint = false} : vector<512x8xf32>, vector<8x128xf32>, vector<512x128xf32> -> vector<512x128xf32>
    %get3A_174 = arith.constant 0 : index
    %get3A_175 = arith.constant 0 : index
    %get3A_176 = vector.load %arg2[%get3A_174, %get3A_175] : memref<512x16xf32, #tpu.memory_space<vmem>>, vector<512x16xf32>
    %reshape3A = vector.shape_cast %get3A_176 : vector<512x16xf32> to vector<64x1x8x16xf32>
    %broadcast_in_dim3A_177 = vector.shape_cast %reshape3A : vector<64x1x8x16xf32> to vector<64x1x8x16xf32>
    %broadcast_in_dim3A_178 = vector.broadcast %broadcast_in_dim3A_177 : vector<64x1x8x16xf32> to vector<64x8x8x16xf32>
    %reshape3A_179 = vector.shape_cast %broadcast_in_dim3A_178 : vector<64x8x8x16xf32> to vector<512x128xf32>
    %get3A_180 = arith.constant 0 : index
    %get3A_181 = arith.constant 0 : index
    %get3A_182 = vector.load %arg3[%get3A_180, %get3A_181] : memref<512x16xf32, #tpu.memory_space<vmem>>, vector<512x16xf32>
    %reshape3A_183 = vector.shape_cast %get3A_182 : vector<512x16xf32> to vector<64x1x8x16xf32>
    %broadcast_in_dim3A_184 = vector.shape_cast %reshape3A_183 : vector<64x1x8x16xf32> to vector<64x1x8x16xf32>
    %broadcast_in_dim3A_185 = vector.broadcast %broadcast_in_dim3A_184 : vector<64x1x8x16xf32> to vector<64x8x8x16xf32>
    %reshape3A_186 = vector.shape_cast %broadcast_in_dim3A_185 : vector<64x8x8x16xf32> to vector<512x128xf32>
    %mul3A_187 = arith.mulf %dot_general3A_173, %reshape3A_186 : vector<512x128xf32>
    %sub3A_188 = arith.constant 1.000000e+00 : f32
    %sub3A_189 = vector.broadcast %sub3A_188 : f32 to vector<512x128xf32>
    %sub3A_190 = arith.subf %sub3A_189, %dot_general3A_173 : vector<512x128xf32>
    %mul3A_191 = arith.mulf %sub3A_190, %reshape3A_179 : vector<512x128xf32>
    %add3A_192 = arith.addf %mul3A_187, %mul3A_191 : vector<512x128xf32>
    %iota3A_193 = tpu.iota {dimensions = array<i32: 0>} : vector<128x128xi32>
    %jit3A_194 = arith.constant 16 : i32
    %eq3A_195 = arith.constant 0 : i32
    %eq3A_196 = arith.cmpi eq, %jit3A_194, %eq3A_195 : i32
    %jit3A_197 = arith.constant 1 : i32
    %select_n3A_198 = arith.select %eq3A_196, %jit3A_197, %jit3A_194 : i32
    %rem3A_199 = vector.broadcast %select_n3A_198 : i32 to vector<128x128xi32>
    %rem3A_200 = arith.remsi %iota3A_193, %rem3A_199 : vector<128x128xi32>
    %ne3A_201 = arith.constant 0 : i32
    %ne3A_202 = vector.broadcast %ne3A_201 : i32 to vector<128x128xi32>
    %ne3A_203 = arith.cmpi ne, %rem3A_200, %ne3A_202 : vector<128x128xi32>
    %lt3A_204 = arith.constant 0 : i32
    %lt3A_205 = vector.broadcast %lt3A_204 : i32 to vector<128x128xi32>
    %lt3A_206 = arith.cmpi slt, %rem3A_200, %lt3A_205 : vector<128x128xi32>
    %lt3A_207 = arith.constant 0 : i32
    %lt3A_208 = arith.cmpi slt, %select_n3A_198, %lt3A_207 : i32
    %ne3A_209 = vector.broadcast %lt3A_208 : i1 to vector<128x128xi1>
    %ne3A_210 = vector.broadcast %ne3A_209 : vector<128x128xi1> to vector<128x128xi1>
    %ne3A_211 = arith.xori %lt3A_206, %ne3A_210 : vector<128x128xi1>
    %and3A_212 = arith.andi %ne3A_211, %ne3A_203 : vector<128x128xi1>
    %add3A_213 = vector.broadcast %select_n3A_198 : i32 to vector<128x128xi32>
    %add3A_214 = arith.addi %rem3A_200, %add3A_213 : vector<128x128xi32>
    %select_n3A_215 = arith.select %and3A_212, %add3A_214, %rem3A_200 : vector<128x128xi1>, vector<128x128xi32>
    %iota3A_216 = tpu.iota {dimensions = array<i32: 1>} : vector<128x128xi32>
    %jit3A_217 = arith.constant 16 : i32
    %eq3A_218 = arith.constant 0 : i32
    %eq3A_219 = arith.cmpi eq, %jit3A_217, %eq3A_218 : i32
    %jit3A_220 = arith.constant 1 : i32
    %select_n3A_221 = arith.select %eq3A_219, %jit3A_220, %jit3A_217 : i32
    %rem3A_222 = vector.broadcast %select_n3A_221 : i32 to vector<128x128xi32>
    %rem3A_223 = arith.remsi %iota3A_216, %rem3A_222 : vector<128x128xi32>
    %ne3A_224 = arith.constant 0 : i32
    %ne3A_225 = vector.broadcast %ne3A_224 : i32 to vector<128x128xi32>
    %ne3A_226 = arith.cmpi ne, %rem3A_223, %ne3A_225 : vector<128x128xi32>
    %lt3A_227 = arith.constant 0 : i32
    %lt3A_228 = vector.broadcast %lt3A_227 : i32 to vector<128x128xi32>
    %lt3A_229 = arith.cmpi slt, %rem3A_223, %lt3A_228 : vector<128x128xi32>
    %lt3A_230 = arith.constant 0 : i32
    %lt3A_231 = arith.cmpi slt, %select_n3A_221, %lt3A_230 : i32
    %ne3A_232 = vector.broadcast %lt3A_231 : i1 to vector<128x128xi1>
    %ne3A_233 = vector.broadcast %ne3A_232 : vector<128x128xi1> to vector<128x128xi1>
    %ne3A_234 = arith.xori %lt3A_229, %ne3A_233 : vector<128x128xi1>
    %and3A_235 = arith.andi %ne3A_234, %ne3A_226 : vector<128x128xi1>
    %add3A_236 = vector.broadcast %select_n3A_221 : i32 to vector<128x128xi32>
    %add3A_237 = arith.addi %rem3A_223, %add3A_236 : vector<128x128xi32>
    %select_n3A_238 = arith.select %and3A_235, %add3A_237, %rem3A_223 : vector<128x128xi1>, vector<128x128xi32>
    %eq3A_239 = arith.cmpi eq, %select_n3A_215, %select_n3A_238 : vector<128x128xi32>
    %convert_element_type3A_240 = arith.extui %eq3A_239 : vector<128x128xi1> to vector<128x128xi32>
    %convert_element_type3A_241 = arith.sitofp %convert_element_type3A_240 : vector<128x128xi32> to vector<128x128xf32>
    %dot_general3A_242 = arith.constant dense<0.000000e+00> : vector<512x128xf32>
    %dot_general3A_243 = tpu.matmul %add3A_192, %convert_element_type3A_241, %dot_general3A_242 {dimension_numbers = #tpu.dot_dimension_numbers<[1], [0], [0], [1], [0, 0, 1, 1], [], []>, transpose_lhs_hint = false} : vector<512x128xf32>, vector<128x128xf32>, vector<512x128xf32> -> vector<512x128xf32>
    %add3A_244 = arith.addf %reshape3A_179, %dot_general3A_243 : vector<512x128xf32>
    %sub3A_245 = arith.subf %add3A_244, %add3A_192 : vector<512x128xf32>
    %mul3A_246 = arith.constant 1.250000e-01 : f32
    %mul3A_247 = vector.broadcast %mul3A_246 : f32 to vector<512x128xf32>
    %mul3A_248 = arith.mulf %sub3A_245, %mul3A_247 : vector<512x128xf32>
    %swap3A_249 = arith.constant 0 : index
    %swap3A_250 = arith.constant 0 : index
    %swap3A_251 = vector.load %arg12[%swap3A_249, %swap3A_250] : memref<512x128xf32, #tpu.memory_space<vmem>>, vector<512x128xf32>
    tpu.vector_store %arg12[%swap3A_249, %swap3A_250], %mul3A_248 {strides = array<i32>} : memref<512x128xf32, #tpu.memory_space<vmem>>, vector<512x128xf32>,
    return
  }
  func.func @transform_0(%arg0: i32) -> (i32, i32) {
    %add3A = arith.constant 0 : i32
    %add3A_0 = arith.addi %arg0, %add3A : i32
    %c0_i32 = arith.constant 0 : i32
    %c0_i32_1 = arith.constant 0 : i32
    return %add3A_0, %c0_i32 : i32, i32
  }
  func.func @transform_1(%arg0: i32) -> (i32, i32) {
    %add3A = arith.constant 0 : i32
    %add3A_0 = arith.addi %arg0, %add3A : i32
    %c0_i32 = arith.constant 0 : i32
    %c0_i32_1 = arith.constant 0 : i32
    return %add3A_0, %c0_i32 : i32, i32
  }
  func.func @transform_2(%arg0: i32) -> (i32, i32) {
    %add3A = arith.constant 0 : i32
    %add3A_0 = arith.addi %arg0, %add3A : i32
    %c0_i32 = arith.constant 0 : i32
    %c0_i32_1 = arith.constant 0 : i32
    return %add3A_0, %c0_i32 : i32, i32
  }
  func.func @transform_3(%arg0: i32) -> (i32, i32) {
    %c0_i32 = arith.constant 0 : i32
    %c0_i32_0 = arith.constant 0 : i32
    %c0_i32_1 = arith.constant 0 : i32
    return %c0_i32, %c0_i32_0 : i32, i32
  }
  func.func @transform_4(%arg0: i32) -> (i32, i32) {
    %c0_i32 = arith.constant 0 : i32
    %c0_i32_0 = arith.constant 0 : i32
    %c0_i32_1 = arith.constant 0 : i32
    return %c0_i32, %c0_i32_0 : i32, i32
  }
  func.func @transform_5(%arg0: i32) -> (i32, i32) {
    %c0_i32 = arith.constant 0 : i32
    %c0_i32_0 = arith.constant 0 : i32
    %c0_i32_1 = arith.constant 0 : i32
    return %c0_i32, %c0_i32_0 : i32, i32
  }
  func.func @transform_6(%arg0: i32) -> (i32, i32) {
    %c0_i32 = arith.constant 0 : i32
    %c0_i32_0 = arith.constant 0 : i32
    %c0_i32_1 = arith.constant 0 : i32
    return %c0_i32, %c0_i32_0 : i32, i32
  }
  func.func @transform_7(%arg0: i32) -> (i32, i32) {
    %c0_i32 = arith.constant 0 : i32
    %c0_i32_0 = arith.constant 0 : i32
    %c0_i32_1 = arith.constant 0 : i32
    return %c0_i32, %c0_i32_0 : i32, i32
  }
  func.func @transform_8(%arg0: i32) -> (i32, i32) {
    %c0_i32 = arith.constant 0 : i32
    %c0_i32_0 = arith.constant 0 : i32
    %c0_i32_1 = arith.constant 0 : i32
    return %c0_i32, %c0_i32_0 : i32, i32
  }
  func.func @transform_9(%arg0: i32) -> (i32, i32) {
    %c0_i32 = arith.constant 0 : i32
    %c0_i32_0 = arith.constant 0 : i32
    %c0_i32_1 = arith.constant 0 : i32
    return %c0_i32, %c0_i32_0 : i32, i32
  }
  func.func @transform_10(%arg0: i32) -> (i32, i32) {
    %c0_i32 = arith.constant 0 : i32
    %c0_i32_0 = arith.constant 0 : i32
    %c0_i32_1 = arith.constant 0 : i32
    return %c0_i32, %c0_i32_0 : i32, i32
  }
  func.func @transform_11(%arg0: i32) -> (i32, i32) {
    %c0_i32 = arith.constant 0 : i32
    %c0_i32_0 = arith.constant 0 : i32
    return %arg0, %c0_i32 : i32, i32
  }
  func.func @transform_12(%arg0: i32) -> (i32, i32) {
    %c0_i32 = arith.constant 0 : i32
    %c0_i32_0 = arith.constant 0 : i32
    return %arg0, %c0_i32 : i32, i32
  }
}

</mosaic_0001>

<sc_bundles>
// kernel: kernel.4.cloned.1.call-start
scs
__scs_entry_jumppad:
0x0: {  	(pc) =	sbr.rel $0x88, $3  }
0x1: {  	(tag) =	ssettag $0x0;
	lr =	simm.s32 $0x1  }
0x2: {  	[smem:$0x3F95] =	sst lr;
	_ =	strace $0xD0000000  }
0x3: {  	_ = 	snop  }
0x4: {  	_ = 	snop  }
0x5: {  	_ = 	snop  }
0x6: {  	_ = 	snop  }
0x7: {  	_ = 	snop  }
__scs_overlays_trampoline_lowered:
0x8: {  	[smem:$0x3FA4] =	sst s0  }
0x9: {  	[smem:$0x3FA5] =	sst s1  }
0xa: {  	[smem:$0x3FA6] =	sst s2  }
0xb: {  	[smem:$0x3FA7] =	sst s3  }
0xc: {  	[smem:$0x3FA8] =	sst s4  }
0xd: {  	[smem:$0x3FA9] =	sst s5  }
0xe: {  	[smem:$0x3FAA] =	sst s6  }
0xf: {  	[smem:$0x3FAB] =	sst s7  }
0x10: {  	[smem:$0x3FAC] =	sst s8  }
0x11: {  	[smem:$0x3FAD] =	sst s9;
	s0 =	simm.s32 @!p0 $0x0  }
0x12: {  	s1 =	sld [smem:$0x3F93];
	s0 =	simm.s32 @p0 $0x1  }
0x13: {  	[smem:$0x3FAE] =	sst s0;
	s0 =	simm.s32 @!p1 $0x0  }
0x14: {  	s2 =	sld [smem:$0x3F92];
	s0 =	simm.s32 @p1 $0x1  }
0x15: {  	[smem:$0x3FAF] =	sst s0;
	s0 =	simm.s32 @!p2 $0x0  }
0x16: {  	s3 =	sld [smem:$0x3FDB];
	s0 =	simm.s32 @p2 $0x1  }
0x17: {  	s4 =	simm.s32 $0x1BF5;
	[smem:$0x3FB1] =	sst s0  }
0x18: {  	s0 =	sld [smem:$0x3F94];
	_ =	swait.ge [sflag:s4], $0x0  }
0x19: {  	s7 =	sld [smem:$0x3F95]  }
0x1a: {  	s8 =	sadd.s32 $0xFFFFE003, lr  }
0x1b: {  	s9 =	sadd.s32 $0xFFFFFEF7, lr;
	s5 =	simm.s32 $0xFFFFFFFF;
	p2 =	slt.u32 s8, $0xFFFFF086  }
0x1c: {  	p1 =	slt.u32 s9, $0xF7A;
	s5 =	simm.s32 @!p2 $0x0  }
0x1d: {  	s5 =	simm.s32 @p1 $0x1;
	p0 =	seq.s32 s7, s2  }
0x1e: {  	s7 =	smul.u32 @!p0 $0xF7A, s2;
	p2 =	seq.s32 @!p0 s5, $0x0  }
0x1f: {  	s9 =	smul.u32 $0xF7A, s1;
	s8 =	simm.s32 @!p0 $0x1BF5;
	p2 =	por !p2, p0  }
0x20: {  	[sflag:s8] =	ssyncset.s32 @!p0 $0xFFFFF086;
	s6 =	sadd.s32 @!p0 s3, s7;
	s7 =	simm.s32 @!p0 $0x108  }
0x21: {  	s3 =	sadd.s32 s3, s9;
	s6 =	sadd.s32 @!p0 $0x88, s6;
	s7 =	simm.s32 @p2 $0x1082  }
0x22: {  	[simem:s7], [sflag:s8] =	dma.local @!p0 [hbm:s6], $0xF7A  }
0x23: {  	s9 =	sor.u32 $0xD0000000, s2;
	s6 =	simm.s32 $0x108;
	_ =	swait.ge @!p0 [sflag:s8], $0x0  }
0x24: {  	s3 =	sadd.s32 $0x88, s3;
	s6 =	simm.s32 @!p1 $0x1082;
	[sflag:s4] =	ssyncset.s32 $0xFFFFF086  }
0x25: {  	[simem:s6], [sflag:s4] =	dma.local [hbm:s3], $0xF7A  }
0x26: {  	[smem:$0x3F95] =	sst s1;
	(tag) =	ssettag s2;
	_ =	strace s9  }
0x27: {  	s1 =	sld [smem:$0x3FA5]  }
0x28: {  	s2 =	sld [smem:$0x3FA6]  }
0x29: {  	s4 =	sld [smem:$0x3FA8]  }
0x2a: {  	p0 =	seq.s32 s5, $0x0;
	s5 =	sld [smem:$0x3FA9]  }
0x2b: {  	s6 =	sld [smem:$0x3FAA]  }
0x2c: {  	s7 =	sld [smem:$0x3FAB]  }
0x2d: {  	s3 =	simm.s32 $0x108;
	s8 =	sld [smem:$0x3FAC]  }
0x2e: {  	s3 =	simm.s32 @!p0 $0x1082;
	s9 =	sld [smem:$0x3FAD]  }
0x2f: {  	lr =	sadd.s32 s0, s3;
	s0 =	sld [smem:$0x3FA4]  }
0x30: {  	s3 =	sld [smem:$0x3FA7]  }
0x31: {  	[smem:$0x3FB0] =	sst s10  }
0x32: {  	s10 =	sld [smem:$0x3FAE];
	_ =	sdelay $0x3  }
0x33: {  	p0 =	seq.s32 s10, $0x1;
	s10 =	sld [smem:$0x3FB0];
	_ =	sdelay $0x3  }
0x34: {  	[smem:$0x3FB0] =	sst s10  }
0x35: {  	s10 =	sld [smem:$0x3FAF];
	_ =	sdelay $0x3  }
0x36: {  	p1 =	seq.s32 s10, $0x1;
	s10 =	sld [smem:$0x3FB0];
	_ =	sdelay $0x3  }
0x37: {  	[smem:$0x3FB0] =	sst s10  }
0x38: {  	s10 =	sld [smem:$0x3FB1]  }
0x39: {  	_ = 	snop;
	(pc) =	sbr.ind lr, $3  }
0x3a: {  	_ = 	snop  }
0x3b: {  	_ = 	snop  }
0x3c: {  	p2 =	seq.s32 s10, $0x1;
	s10 =	sld [smem:$0x3FB0]  }
0x3d: {  	_ =	shalt  }
0x3e: {  	_ =	shalt  }
0x3f: {  	_ =	shalt  }
0x40: {  	_ =	shalt  }
0x41: {  	_ =	shalt  }
0x42: {  	_ =	shalt  }
0x43: {  	_ =	shalt  }
0x44: {  	_ =	shalt  }
0x45: {  	_ =	shalt  }
0x46: {  	_ =	shalt  }
0x47: {  	_ =	shalt  }
0x48: {  	_ =	shalt  }
0x49: {  	_ =	shalt  }
0x4a: {  	_ =	shalt  }
0x4b: {  	_ =	shalt  }
0x4c: {  	_ =	shalt  }
0x4d: {  	_ =	shalt  }
0x4e: {  	_ =	shalt  }
0x4f: {  	_ =	shalt  }
0x50: {  	_ =	shalt  }
0x51: {  	_ =	shalt  }
0x52: {  	_ =	shalt  }
0x53: {  	_ =	shalt  }
0x54: {  	_ =	shalt  }
0x55: {  	_ =	shalt  }
0x56: {  	_ =	shalt  }
0x57: {  	_ =	shalt  }
0x58: {  	_ =	shalt  }
0x59: {  	_ =	shalt  }
0x5a: {  	_ =	shalt  }
0x5b: {  	_ =	shalt  }
0x5c: {  	_ =	shalt  }
0x5d: {  	_ =	shalt  }
0x5e: {  	_ =	shalt  }
0x5f: {  	_ =	shalt  }
0x60: {  	_ =	shalt  }
0x61: {  	_ =	shalt  }
0x62: {  	_ =	shalt  }
0x63: {  	_ =	shalt  }
0x64: {  	_ =	shalt  }
0x65: {  	_ =	shalt  }
0x66: {  	_ =	shalt  }
0x67: {  	_ =	shalt  }
0x68: {  	_ =	shalt  }
0x69: {  	_ =	shalt  }
0x6a: {  	_ =	shalt  }
0x6b: {  	_ =	shalt  }
0x6c: {  	_ =	shalt  }
0x6d: {  	_ =	shalt  }
0x6e: {  	_ =	shalt  }
0x6f: {  	_ =	shalt  }
0x70: {  	_ =	shalt  }
0x71: {  	_ =	shalt  }
0x72: {  	_ =	shalt  }
0x73: {  	_ =	shalt  }
0x74: {  	_ =	shalt  }
0x75: {  	_ =	shalt  }
0x76: {  	_ =	shalt  }
0x77: {  	_ =	shalt  }
0x78: {  	_ =	shalt  }
0x79: {  	_ =	shalt  }
0x7a: {  	_ =	shalt  }
0x7b: {  	_ =	shalt  }
0x7c: {  	_ =	shalt  }
0x7d: {  	_ =	shalt  }
0x7e: {  	_ =	shalt  }
0x7f: {  	_ =	shalt  }
0x80: {  	_ =	shalt  }
0x81: {  	_ =	shalt  }
0x82: {  	_ =	shalt  }
0x83: {  	_ =	shalt  }
0x84: {  	_ =	shalt  }
0x85: {  	_ =	shalt  }
0x86: {  	_ =	shalt  }
0x87: {  	_ =	shalt  }
.Lfunc_end0:
.L_simem_size_0:
called_computation_lowered:
.L_overlay_start_0:
0x88: {  	s2 =	sld [smem:$0x3FD9]  }
0x89: {  	s3 =	sld [smem:$0x3FFE];
	_ =	sdelay $0x1  }
0x8a: {  	s1 =	srdreg.scid  }
0x8b: {  	s0 =	sand.u32 $0x1, s1  }
0x8c: {  	s14 =	sshll.u32 s0, $0xA;
	s2 =	sadd.s32 s3, s2  }
0x8d: {  	s2 =	sadd.s32 s2, s14  }
0x8e: {  	[smem:$0x3FBC] =	sst s2  }
0x8f: {  	_ = 	snop  }
0x90: {  	s2 =	sld [smem:$0x3FD0];
	_ =	sdelay $0x2  }
0x91: {  	s4 =	simm.s32 $0xA;
	s5 =	simm.s32 $0x10;
	s15 =	sld [smem:$0x3FC6]  }
0x92: {  	[smem:s5], [sflag:s4] =	dma.local [hbm:s2], $0x1  }
0x93: {  	_ =	swait.eq [sflag:s4], $0x1  }
0x94: {  	[sflag:s4] =	ssyncset.done $0x0  }
0x95: {  	[sflag:s4] =	ssyncadd.s32 $0xFFFFFFFF  }
0x96: {  	s16 =	sld [smem:$0x10];
	(tm) =	ssettm $0x1  }
0x97: {  	s17 =	sld [smem:$0x3FFB];
	_ =	sdelay $0x3  }
0x98: {  	_ =	strace s17  }
0x99: {  	s4 =	sld [smem:$0x3FFC];
	_ =	sdelay $0x3  }
0x9a: {  	_ =	strace s4  }
0x9b: {  	s4 =	sld [smem:$0x3FFD];
	_ =	sdelay $0x3  }
0x9c: {  	_ =	strace s4  }
0x9d: {  	_ =	strace $0x8FFFFFFF  }
0x9e: {  	s18 =	sld [smem:$0x3FDB];
	_ =	sdelay $0x1  }
0x9f: {  	s19 =	simm.s32 $_scs_section_size  }
0xa0: {  	s6 =	simm.s32 $_size__tile_overlayer_lowered;
	s7 =	simm.s32 $_tile_overlayer_lowered  }
0xa1: {  	s22 =	simm.s32 $0x1BFF;
	s21 =	sshll.u32 s7, $0x1;
	s4 =	sadd.s32 s19, s18  }
0xa2: {  	s8 =	simm.s32 $0x0;
	s20 =	sshll.u32 s6, $0x1;
	s6 =	sadd.s32 s21, s4  }
0xa3: {  	[timem:s8], [sflag:s22] =	dma.local [hbm:s6], s20  }
0xa4: {  	_ =	swait.ge [sflag:s22], s20  }
0xa5: {  	s5 =	ssub.s32 $0x0, s20;
	[sflag:s22] =	ssyncset.done $0x0  }
0xa6: {  	[sflag:s22] =	ssyncadd.s32 s5;
	_ =	sdelay $0x1  }
0xa7: {  	s23 =	simm.s32 $0x1B8B  }
0xa8: {  	_ =	swait.ge [sflag:s23], $0x1  }
0xa9: {  	[sflag:s23] =	ssyncset.done $0x0  }
0xaa: {  	s25 =	simm.s32 $0x1B8E;
	s24 =	sld [smem:$0x3FFE];
	[sflag:s23] =	ssyncadd.s32 $0xFFFFFFFF  }
0xab: {  	s26 =	simm.s32 $execute0_lowered;
	[smem:$0x3FD2] =	sst s25  }
0xac: {  	s6 =	sshll.u32 s26, $0x1;
	_ =	strace $0x80000046;
	[dreg:$0x1] =	wrdreg $0xFFFFFFFF  }
0xad: {  	s28 =	simm.s32 $_size_execute0_lowered;
	s4 =	sadd.s32 s4, s6;
	[dreg:$0x0] =	wrdreg $0x0  }
0xae: {  	s6 =	sshll.u32 s28, $0x1;
	[dreg:$0x2] =	wrdreg s4  }
0xaf: {  	[dreg:$0x3] =	wrdreg s6  }
0xb0: {  	[dreg:$0x4] =	wrdreg $0xC0  }
0xb1: {  	_ =	task [dreg:s8], $0x5FFFF  }
0xb2: {  	[dreg:$0x1] =	wrdreg $0xFFFFFFFF  }
0xb3: {  	[dreg:$0x0] =	wrdreg $0x60  }
0xb4: {  	[dreg:$0x2] =	wrdreg s15  }
0xb5: {  	[dreg:$0x3] =	wrdreg s16  }
0xb6: {  	[dreg:$0x4] =	wrdreg s24  }
0xb7: {  	[dreg:$0x5] =	wrdreg $0x9  }
0xb8: {  	_ =	task.clear_ibuf [dreg:s8], $0x6FFFF;
	_ =	strace $0x90000046  }
0xb9: {  	s29 =	simm.s32 $0x9;
	_ =	strace $0x80000048  }
0xba: {  	_ =	swait.ge [sflag:s29], $0x1  }
0xbb: {  	[sflag:s29] =	ssyncadd.s32 $0xFFFFFFFF  }
0xbc: {  	_ =	strace $0x90000048  }
0xbd: {  	_ =	sfence  }
0xbe: {  	s30 =	sld [smem:$0x0];
	_ =	sdelay $0x2  }
0xbf: {  	s31 =	sshll.u32 s1, $0xD;
	s1 =	sshrl.u32 s1, $0x2  }
0xc0: {  	s3 =	sand.u32 $0x4000, s31;
	s1 =	sadd.s32 s1, s30  }
0xc1: {  	s0 =	sor.u32 s3, s0;
	s1 =	sshll.u32 s1, $0x11  }
0xc2: {  	s0 =	sor.u32 s1, s0  }
0xc3: {  	s0 =	sadd.s32 $0x8F2B, s0  }
0xc4: {  	[sflag:s0] =	ssyncadd.remote.s32 $0x1  }
0xc5: {  	_ =	sfence.sel $0xFFFF  }
0xc6: {  	[dreg:$0x0] =	wrdreg $0xFFFFFFFF;
	(pc) =	sbr.abs _section_cstart, $3  }
0xc7: {  	[dreg:$0x1] =	wrdreg $0xFFFFFFFF  }
0xc8: {  	_ =	task.clear_ibuf [dreg:s8], $0x2FFFF;
	_ =	strace $0x9FFFFFFF  }
0xc9: {  	(tm) =	ssettm $0x7FFFFFFF  }
tec
execute0_lowered:
.L_overlay_start_1:
0x0: {  	(tag) =	ssettag $0x1  }
0x1: {  	s0 =	rddreg [dreg:$0x0]  }
0x2: {  	s1 =	rddreg [dreg:$0x1]  }
0x3: {  	s8 =	rddreg [dreg:$0x2];
	s2 =	simm.s32 $0x0;
	s3 =	srdreg.scid  }
0x4: {  	s16 =	stileid.u32;
	s20 =	simm.s32 $0x400;
	s21 =	simm.s32 $0x800  }
0x5: {  	s22 =	simm.s32 $0xA;
	s23 =	simm.s32 $0xB;
	s28 =	simm.s32 $0xF  }
0x6: {  	s29 =	simm.s32 $0x10;
	s30 =	simm.s32 $0x0;
	[smem:$0x7FF] =	sst s2  }
0x7: {  	s14 =	sand.u32 $0x1, s3;
	s3 =	sadd.s32 $0x101800, s8;
	s4 =	sadd.s32 $0x101900, s8  }
0x8: {  	s24 =	sshll.u32 s16, $0x1;
	s5 =	sadd.s32 $0x101A00, s8;
	s10 =	sadd.s32 $0x101E00, s8  }
0x9: {  	s13 =	sadd.s32 $0x101880, s8;
	s26 =	sshll.u32 s16, $0xF;
	s31 =	sshll.u32 s16, $0x8  }
0xa: {  	_ =	strace $0x80000047;
	s11 =	sor.u32 s14, s24;
	s6 =	ssub.s32 $0x2, s14  }
0xb: {  	s17 =	sshll.u32 s14, $0xE;
	s14 =	sshll.u32 s14, $0x7;
	s24 =	simm.s32 $0xC  }
0xc: {  	s12 =	sshll.u32 s11, $0xE;
	s7 =	sshrl.u32 s6, $0x1;
	s11 =	sshllo.u32 s11, $0x7  }
0xd: {  	s16 =	sor.u32 s14, s31;
	s15 =	ssub.s32 s6, s7;
	s6 =	sadd.s32 $0x101B00, s8  }
0xe: {  	s7 =	sadd.s32 $0x101C00, s8;
	s9 =	sadd.s32 s0, s12;
	s12 =	sadd.s32 s1, s12  }
0xf: {  	s0 =	sadd.s32 s26, s0;
	s1 =	sadd.s32 s26, s1;
	[dreg:$0x4] =	wrdreg s9  }
0x10: {  	s26 =	simm.s32 $0xE;
	s9 =	sadd.s32 $0x101D00, s8;
	[dreg:$0x5] =	wrdreg s12  }
0x11: {  	s12 =	sadd.s32 $0x101F00, s8;
	s25 =	smax.u32 s15, $0x1;
	s0 =	sadd.s32 s17, s0  }
0x12: {  	s1 =	sadd.s32 s17, s1;
	[dreg:$0x6] =	wrdreg s25;
	s0 =	sadd.s32 $0x80, s0  }
0x13: {  	s18 =	sadd.s32 $0x80, s1;
	s25 =	simm.s32 $0xD;
	[dreg:$0x7] =	wrdreg s0  }
.LBB2_1:
0x14: {  	s0 =	rddreg [dreg:$0x4]  }
0x15: {  	s19 =	rddreg [dreg:$0x5];
	s1 =	simm.s32 $0x2000  }
0x16: {  	[tilespmem:s2], [sflag:$0x1] =	stream.linear.gather [hbm4b:s0+s2], $0x400, $0x38;
	[tilespmem:$0x14000] =	vst v63  }
0x17: {  	s31 =	smov.u32 s18;
	s17 =	rddreg [dreg:$0x7];
	s8 =	simm.s32 $0x0  }
0x18: {  	[tilespmem:s1], [sflag:$0x1] =	stream.linear.gather [hbm4b:s19+s2], $0x400, $0x38;
	[tilespmem:$0x14000] =	vst v63  }
.LBB2_2:
0x19: {  	s1 =	sadd.s32 $0x1, s8  }
0x1a: {  	p0 =	slt.u32 s8, $0x7;
	s14 =	sand.u32 $0x7, s1  }
0x1b: {  	s15 =	sadd.s32 @!p0 $0x9, s14  }
0x1c: {  	_ =	swait.ge @!p0 [sflag:s15], $0x400  }
0x1d: {  	[sflag:s15] =	ssyncset.done @!p0 $0x0  }
0x1e: {  	[sflag:s15] =	ssyncadd.s32 @!p0 $0xFFFFFC00  }
0x1f: {  	_ =	swait.ge @!p0 [sflag:s15], $0x400  }
0x20: {  	[sflag:s15] =	ssyncset.done @!p0 $0x0  }
0x21: {  	[sflag:s15] =	ssyncadd.s32 @!p0 $0xFFFFFC00  }
0x22: {  	_ =	swait.ge @!p0 [sflag:s15], $0x400  }
0x23: {  	[sflag:s15] =	ssyncset.done @!p0 $0x0  }
0x24: {  	[sflag:s15] =	ssyncadd.s32 @!p0 $0xFFFFFC00  }
0x25: {  	_ =	swait.ge @!p0 [sflag:s15], $0x400  }
0x26: {  	[sflag:s15] =	ssyncset.done @!p0 $0x0  }
0x27: {  	[sflag:s15] =	ssyncadd.s32 @!p0 $0xFFFFFC00  }
0x28: {  	_ =	swait.ge @!p0 [sflag:s15], $0x400  }
0x29: {  	[sflag:s15] =	ssyncset.done @!p0 $0x0  }
0x2a: {  	[sflag:s15] =	ssyncadd.s32 @!p0 $0xFFFFFC00  }
0x2b: {  	_ =	swait.ge @!p0 [sflag:s15], $0x400  }
0x2c: {  	[sflag:s15] =	ssyncset.done @!p0 $0x0  }
0x2d: {  	[sflag:s15] =	ssyncadd.s32 @!p0 $0xFFFFFC00  }
0x2e: {  	_ =	swait.ge @!p0 [sflag:s15], $0x400  }
0x2f: {  	[sflag:s15] =	ssyncset.done @!p0 $0x0  }
0x30: {  	[sflag:s15] =	ssyncadd.s32 @!p0 $0xFFFFFC00  }
0x31: {  	_ =	swait.ge @!p0 [sflag:s15], $0x400  }
0x32: {  	[sflag:s15] =	ssyncset.done @!p0 $0x0  }
0x33: {  	[sflag:s15] =	ssyncadd.s32 @!p0 $0xFFFFFC00  }
0x34: {  	_ =	swait.ge @!p0 [sflag:s15], $0x2000  }
0x35: {  	p1 =	seq.s32 @!p0 s8, $0x7F;
	[sflag:s15] =	ssyncset.done @!p0 $0x0  }
0x36: {  	p1 =	por p0, !p1;
	[sflag:s15] =	ssyncadd.s32 @!p0 $0xFFFFE000;
	s15 =	smov.u32 s11  }
0x37: {  	s15 =	sadd.s32 @p1 $0x1, s14;
	s14 =	sshll.u32 @p1 s14, $0xA  }
0x38: {  	[tilespmem:s14], [sflag:s15] =	stream.linear.gather @p1 [hbm4b:s17+s2], $0x400, $0x38;
	[tilespmem:$0x14000] =	vst v63  }
0x39: {  	s0 =	sand.u32 $0x7, s8;
	s14 =	sor.u32 @p1 $0x2000, s14  }
0x3a: {  	[tilespmem:s14], [sflag:s15] =	stream.linear.gather @p1 [hbm4b:s31+s2], $0x400, $0x38;
	[tilespmem:$0x14000] =	vst v63  }
0x3b: {  	s15 =	sadd.s32 @p1 s8, s16;
	s8 =	sadd.s32 $0x1, s0  }
0x3c: {  	_ =	swait.ge [sflag:s8], $0x400  }
0x3d: {  	[sflag:s8] =	ssyncset.done $0x0  }
0x3e: {  	[sflag:s8] =	ssyncadd.s32 $0xFFFFFC00  }
0x3f: {  	_ =	swait.ge [sflag:s8], $0x400  }
0x40: {  	[sflag:s8] =	ssyncset.done $0x0  }
0x41: {  	s19 =	sshll.u32 s0, $0xA;
	[sflag:s8] =	ssyncadd.s32 $0xFFFFFC00  }
0x42: {  	v0 =	vld [tilespmem:s19+$0x2000];
	_ =	sdelay $0x3  }
0x43: {  	s8 =	sshll.u32 s0, $0xD  }
0x44: {  	[tilespmem:s8+$0x4000] =	vst v0  }
0x45: {  	v0 =	vld [tilespmem:s19+$0x2010];
	_ =	sdelay $0x4  }
0x46: {  	[tilespmem:s8+$0x4080] =	vst v0  }
0x47: {  	v0 =	vld [tilespmem:s19+$0x2020];
	_ =	sdelay $0x4  }
0x48: {  	[tilespmem:s8+$0x4100] =	vst v0  }
0x49: {  	v0 =	vld [tilespmem:s19+$0x2030];
	_ =	sdelay $0x4  }
0x4a: {  	[tilespmem:s8+$0x4180] =	vst v0  }
0x4b: {  	v0 =	vld [tilespmem:s19+$0x2040];
	_ =	sdelay $0x4  }
0x4c: {  	[tilespmem:s8+$0x4200] =	vst v0  }
0x4d: {  	v0 =	vld [tilespmem:s19+$0x2050];
	_ =	sdelay $0x4  }
0x4e: {  	[tilespmem:s8+$0x4280] =	vst v0  }
0x4f: {  	v0 =	vld [tilespmem:s19+$0x2060];
	_ =	sdelay $0x4  }
0x50: {  	[tilespmem:s8+$0x4300] =	vst v0  }
0x51: {  	v0 =	vld [tilespmem:s19+$0x2070];
	_ =	sdelay $0x4  }
0x52: {  	[tilespmem:s8+$0x4380] =	vst v0  }
0x53: {  	v0 =	vld [tilespmem:s19+$0x2080];
	_ =	sdelay $0x4  }
0x54: {  	[tilespmem:s8+$0x4400] =	vst v0  }
0x55: {  	v0 =	vld [tilespmem:s19+$0x2090];
	_ =	sdelay $0x4  }
0x56: {  	[tilespmem:s8+$0x4480] =	vst v0  }
0x57: {  	v0 =	vld [tilespmem:s19+$0x20A0];
	_ =	sdelay $0x4  }
0x58: {  	[tilespmem:s8+$0x4500] =	vst v0  }
0x59: {  	v0 =	vld [tilespmem:s19+$0x20B0];
	_ =	sdelay $0x4  }
0x5a: {  	[tilespmem:s8+$0x4580] =	vst v0  }
0x5b: {  	v0 =	vld [tilespmem:s19+$0x20C0];
	_ =	sdelay $0x4  }
0x5c: {  	[tilespmem:s8+$0x4600] =	vst v0  }
0x5d: {  	v0 =	vld [tilespmem:s19+$0x20D0];
	_ =	sdelay $0x4  }
0x5e: {  	[tilespmem:s8+$0x4680] =	vst v0  }
0x5f: {  	v0 =	vld [tilespmem:s19+$0x20E0];
	_ =	sdelay $0x4  }
0x60: {  	[tilespmem:s8+$0x4700] =	vst v0  }
0x61: {  	v0 =	vld [tilespmem:s19+$0x20F0];
	_ =	sdelay $0x4  }
0x62: {  	[tilespmem:s8+$0x4780] =	vst v0  }
0x63: {  	v0 =	vld [tilespmem:s19+$0x2100];
	_ =	sdelay $0x4  }
0x64: {  	[tilespmem:s8+$0x4800] =	vst v0  }
0x65: {  	v0 =	vld [tilespmem:s19+$0x2110];
	_ =	sdelay $0x4  }
0x66: {  	[tilespmem:s8+$0x4880] =	vst v0  }
0x67: {  	v0 =	vld [tilespmem:s19+$0x2120];
	_ =	sdelay $0x4  }
0x68: {  	[tilespmem:s8+$0x4900] =	vst v0  }
0x69: {  	v0 =	vld [tilespmem:s19+$0x2130];
	_ =	sdelay $0x4  }
0x6a: {  	[tilespmem:s8+$0x4980] =	vst v0  }
0x6b: {  	v0 =	vld [tilespmem:s19+$0x2140];
	_ =	sdelay $0x4  }
0x6c: {  	[tilespmem:s8+$0x4A00] =	vst v0  }
0x6d: {  	v0 =	vld [tilespmem:s19+$0x2150];
	_ =	sdelay $0x4  }
0x6e: {  	[tilespmem:s8+$0x4A80] =	vst v0  }
0x6f: {  	v0 =	vld [tilespmem:s19+$0x2160];
	_ =	sdelay $0x4  }
0x70: {  	[tilespmem:s8+$0x4B00] =	vst v0  }
0x71: {  	v0 =	vld [tilespmem:s19+$0x2170];
	_ =	sdelay $0x4  }
0x72: {  	[tilespmem:s8+$0x4B80] =	vst v0  }
0x73: {  	v0 =	vld [tilespmem:s19+$0x2180];
	_ =	sdelay $0x4  }
0x74: {  	[tilespmem:s8+$0x4C00] =	vst v0  }
0x75: {  	v0 =	vld [tilespmem:s19+$0x2190];
	_ =	sdelay $0x4  }
0x76: {  	[tilespmem:s8+$0x4C80] =	vst v0  }
0x77: {  	v0 =	vld [tilespmem:s19+$0x21A0];
	_ =	sdelay $0x4  }
0x78: {  	[tilespmem:s8+$0x4D00] =	vst v0  }
0x79: {  	v0 =	vld [tilespmem:s19+$0x21B0];
	_ =	sdelay $0x4  }
0x7a: {  	[tilespmem:s8+$0x4D80] =	vst v0  }
0x7b: {  	v0 =	vld [tilespmem:s19+$0x21C0];
	_ =	sdelay $0x4  }
0x7c: {  	[tilespmem:s8+$0x4E00] =	vst v0  }
0x7d: {  	v0 =	vld [tilespmem:s19+$0x21D0];
	_ =	sdelay $0x4  }
0x7e: {  	[tilespmem:s8+$0x4E80] =	vst v0  }
0x7f: {  	v0 =	vld [tilespmem:s19+$0x21E0];
	_ =	sdelay $0x4  }
0x80: {  	[tilespmem:s8+$0x4F00] =	vst v0  }
0x81: {  	v0 =	vld [tilespmem:s19+$0x21F0];
	_ =	sdelay $0x4  }
0x82: {  	[tilespmem:s8+$0x4F80] =	vst v0  }
0x83: {  	v0 =	vld [tilespmem:s19+$0x2200];
	_ =	sdelay $0x4  }
0x84: {  	[tilespmem:s8+$0x5000] =	vst v0  }
0x85: {  	v0 =	vld [tilespmem:s19+$0x2210];
	_ =	sdelay $0x4  }
0x86: {  	[tilespmem:s8+$0x5080] =	vst v0  }
0x87: {  	v0 =	vld [tilespmem:s19+$0x2220];
	_ =	sdelay $0x4  }
0x88: {  	[tilespmem:s8+$0x5100] =	vst v0  }
0x89: {  	v0 =	vld [tilespmem:s19+$0x2230];
	_ =	sdelay $0x4  }
0x8a: {  	[tilespmem:s8+$0x5180] =	vst v0  }
0x8b: {  	v0 =	vld [tilespmem:s19+$0x2240];
	_ =	sdelay $0x4  }
0x8c: {  	[tilespmem:s8+$0x5200] =	vst v0  }
0x8d: {  	v0 =	vld [tilespmem:s19+$0x2250];
	_ =	sdelay $0x4  }
0x8e: {  	[tilespmem:s8+$0x5280] =	vst v0  }
0x8f: {  	v0 =	vld [tilespmem:s19+$0x2260];
	_ =	sdelay $0x4  }
0x90: {  	[tilespmem:s8+$0x5300] =	vst v0  }
0x91: {  	v0 =	vld [tilespmem:s19+$0x2270];
	_ =	sdelay $0x4  }
0x92: {  	[tilespmem:s8+$0x5380] =	vst v0  }
0x93: {  	v0 =	vld [tilespmem:s19+$0x2280];
	_ =	sdelay $0x4  }
0x94: {  	[tilespmem:s8+$0x5400] =	vst v0  }
0x95: {  	v0 =	vld [tilespmem:s19+$0x2290];
	_ =	sdelay $0x4  }
0x96: {  	[tilespmem:s8+$0x5480] =	vst v0  }
0x97: {  	v0 =	vld [tilespmem:s19+$0x22A0];
	_ =	sdelay $0x4  }
0x98: {  	[tilespmem:s8+$0x5500] =	vst v0  }
0x99: {  	v0 =	vld [tilespmem:s19+$0x22B0];
	_ =	sdelay $0x4  }
0x9a: {  	[tilespmem:s8+$0x5580] =	vst v0  }
0x9b: {  	v0 =	vld [tilespmem:s19+$0x22C0];
	_ =	sdelay $0x4  }
0x9c: {  	[tilespmem:s8+$0x5600] =	vst v0  }
0x9d: {  	v0 =	vld [tilespmem:s19+$0x22D0];
	_ =	sdelay $0x4  }
0x9e: {  	[tilespmem:s8+$0x5680] =	vst v0  }
0x9f: {  	v0 =	vld [tilespmem:s19+$0x22E0];
	_ =	sdelay $0x4  }
0xa0: {  	[tilespmem:s8+$0x5700] =	vst v0  }
0xa1: {  	v0 =	vld [tilespmem:s19+$0x22F0];
	_ =	sdelay $0x4  }
0xa2: {  	[tilespmem:s8+$0x5780] =	vst v0  }
0xa3: {  	v0 =	vld [tilespmem:s19+$0x2300];
	_ =	sdelay $0x4  }
0xa4: {  	[tilespmem:s8+$0x5800] =	vst v0  }
0xa5: {  	v0 =	vld [tilespmem:s19+$0x2310];
	_ =	sdelay $0x4  }
0xa6: {  	[tilespmem:s8+$0x5880] =	vst v0  }
0xa7: {  	v0 =	vld [tilespmem:s19+$0x2320];
	_ =	sdelay $0x4  }
0xa8: {  	[tilespmem:s8+$0x5900] =	vst v0  }
0xa9: {  	v0 =	vld [tilespmem:s19+$0x2330];
	_ =	sdelay $0x4  }
0xaa: {  	[tilespmem:s8+$0x5980] =	vst v0  }
0xab: {  	v0 =	vld [tilespmem:s19+$0x2340];
	_ =	sdelay $0x4  }
0xac: {  	[tilespmem:s8+$0x5A00] =	vst v0  }
0xad: {  	v0 =	vld [tilespmem:s19+$0x2350];
	_ =	sdelay $0x4  }
0xae: {  	[tilespmem:s8+$0x5A80] =	vst v0  }
0xaf: {  	v0 =	vld [tilespmem:s19+$0x2360];
	_ =	sdelay $0x4  }
0xb0: {  	[tilespmem:s8+$0x5B00] =	vst v0  }
0xb1: {  	v0 =	vld [tilespmem:s19+$0x2370];
	_ =	sdelay $0x4  }
0xb2: {  	[tilespmem:s8+$0x5B80] =	vst v0  }
0xb3: {  	v0 =	vld [tilespmem:s19+$0x2380];
	_ =	sdelay $0x4  }
0xb4: {  	[tilespmem:s8+$0x5C00] =	vst v0  }
0xb5: {  	v0 =	vld [tilespmem:s19+$0x2390];
	_ =	sdelay $0x4  }
0xb6: {  	[tilespmem:s8+$0x5C80] =	vst v0  }
0xb7: {  	v0 =	vld [tilespmem:s19+$0x23A0];
	_ =	sdelay $0x4  }
0xb8: {  	[tilespmem:s8+$0x5D00] =	vst v0  }
0xb9: {  	v0 =	vld [tilespmem:s19+$0x23B0];
	_ =	sdelay $0x4  }
0xba: {  	[tilespmem:s8+$0x5D80] =	vst v0  }
0xbb: {  	v0 =	vld [tilespmem:s19+$0x23C0];
	_ =	sdelay $0x4  }
0xbc: {  	[tilespmem:s8+$0x5E00] =	vst v0  }
0xbd: {  	v0 =	vld [tilespmem:s19+$0x23D0];
	_ =	sdelay $0x4  }
0xbe: {  	[tilespmem:s8+$0x5E80] =	vst v0  }
0xbf: {  	v0 =	vld [tilespmem:s19+$0x23E0];
	_ =	sdelay $0x4  }
0xc0: {  	[tilespmem:s8+$0x5F00] =	vst v0  }
0xc1: {  	v0 =	vld [tilespmem:s19+$0x23F0];
	_ =	sdelay $0x3  }
0xc2: {  	s15 =	sshll.u32 s15, $0xB  }
0xc3: {  	s14 =	sadd.s32 $0x9, s0;
	s0 =	sadd.s32 s3, s15;
	[tilespmem:s8+$0x5F80] =	vst v0  }
0xc4: {  	[hbm4b:s0+s2] =	stream.linear.scatter [tilespmem:s19], [sflag:s14], $0x400, $0x38;
	[tilespmem:$0x14000] =	vst v63  }
0xc5: {  	s0 =	sadd.s32 s15, s4  }
0xc6: {  	[hbm4b:s0+s2] =	stream.linear.scatter [tilespmem:s19], [sflag:s14], $0x400, $0x38;
	[tilespmem:$0x14000] =	vst v63  }
0xc7: {  	s0 =	sadd.s32 s15, s5  }
0xc8: {  	[hbm4b:s0+s2] =	stream.linear.scatter [tilespmem:s19], [sflag:s14], $0x400, $0x38;
	[tilespmem:$0x14000] =	vst v63  }
0xc9: {  	s0 =	sadd.s32 s15, s6  }
0xca: {  	[hbm4b:s0+s2] =	stream.linear.scatter [tilespmem:s19], [sflag:s14], $0x400, $0x38;
	[tilespmem:$0x14000] =	vst v63  }
0xcb: {  	s0 =	sadd.s32 s15, s7  }
0xcc: {  	[hbm4b:s0+s2] =	stream.linear.scatter [tilespmem:s19], [sflag:s14], $0x400, $0x38;
	[tilespmem:$0x14000] =	vst v63  }
0xcd: {  	s0 =	sadd.s32 s15, s9  }
0xce: {  	[hbm4b:s0+s2] =	stream.linear.scatter [tilespmem:s19], [sflag:s14], $0x400, $0x38;
	[tilespmem:$0x14000] =	vst v63  }
0xcf: {  	p0 =	sne.s32 s1, $0x80;
	s0 =	sadd.s32 s15, s10  }
0xd0: {  	[hbm4b:s0+s2] =	stream.linear.scatter [tilespmem:s19], [sflag:s14], $0x400, $0x38;
	[tilespmem:$0x14000] =	vst v63  }
.Ltmp0:
0xd1: {  	s0 =	sadd.s32 s15, s12;
	(pc) =	sbr.rel @p0 .LBB2_2-.Ltmp0, $4  }
0xd2: {  	[hbm4b:s0+s2] =	stream.linear.scatter [tilespmem:s19], [sflag:s14], $0x400, $0x38;
	[tilespmem:$0x14000] =	vst v63  }
0xd3: {  	s8 =	sadd.s32 $0x4000, s8;
	s19 =	sadd.s32 s15, s13  }
0xd4: {  	[hbm4b:s19+s20] =	stream.strided.scatter [tilespmem:s8], [sflag:s14], $0x2000, s21, s20, $0x38;
	[tilespmem:$0x14000] =	vst v63  }
0xd5: {  	s17 =	sadd.s32 $0x80, s17;
	s31 =	sadd.s32 $0x80, s31;
	s8 =	smov.u32 s1  }
0xd6: {  	_ =	swait.ge [sflag:s22], $0x400  }
0xd7: {  	[sflag:s22] =	ssyncset.done $0x0  }
0xd8: {  	[sflag:s22] =	ssyncadd.s32 $0xFFFFFC00  }
0xd9: {  	_ =	swait.ge [sflag:s22], $0x400  }
0xda: {  	[sflag:s22] =	ssyncset.done $0x0  }
0xdb: {  	[sflag:s22] =	ssyncadd.s32 $0xFFFFFC00  }
0xdc: {  	_ =	swait.ge [sflag:s22], $0x400  }
0xdd: {  	[sflag:s22] =	ssyncset.done $0x0  }
0xde: {  	[sflag:s22] =	ssyncadd.s32 $0xFFFFFC00  }
0xdf: {  	_ =	swait.ge [sflag:s22], $0x400  }
0xe0: {  	[sflag:s22] =	ssyncset.done $0x0  }
0xe1: {  	[sflag:s22] =	ssyncadd.s32 $0xFFFFFC00  }
0xe2: {  	_ =	swait.ge [sflag:s22], $0x400  }
0xe3: {  	[sflag:s22] =	ssyncset.done $0x0  }
0xe4: {  	[sflag:s22] =	ssyncadd.s32 $0xFFFFFC00  }
0xe5: {  	_ =	swait.ge [sflag:s22], $0x400  }
0xe6: {  	[sflag:s22] =	ssyncset.done $0x0  }
0xe7: {  	[sflag:s22] =	ssyncadd.s32 $0xFFFFFC00  }
0xe8: {  	_ =	swait.ge [sflag:s22], $0x400  }
0xe9: {  	[sflag:s22] =	ssyncset.done $0x0  }
0xea: {  	[sflag:s22] =	ssyncadd.s32 $0xFFFFFC00  }
0xeb: {  	_ =	swait.ge [sflag:s22], $0x400  }
0xec: {  	[sflag:s22] =	ssyncset.done $0x0  }
0xed: {  	[sflag:s22] =	ssyncadd.s32 $0xFFFFFC00  }
0xee: {  	_ =	swait.ge [sflag:s22], $0x2000  }
0xef: {  	[sflag:s22] =	ssyncset.done $0x0  }
0xf0: {  	[sflag:s22] =	ssyncadd.s32 $0xFFFFE000  }
0xf1: {  	_ =	swait.ge [sflag:s23], $0x400  }
0xf2: {  	[sflag:s23] =	ssyncset.done $0x0  }
0xf3: {  	[sflag:s23] =	ssyncadd.s32 $0xFFFFFC00  }
0xf4: {  	_ =	swait.ge [sflag:s23], $0x400  }
0xf5: {  	[sflag:s23] =	ssyncset.done $0x0  }
0xf6: {  	[sflag:s23] =	ssyncadd.s32 $0xFFFFFC00  }
0xf7: {  	_ =	swait.ge [sflag:s23], $0x400  }
0xf8: {  	[sflag:s23] =	ssyncset.done $0x0  }
0xf9: {  	[sflag:s23] =	ssyncadd.s32 $0xFFFFFC00  }
0xfa: {  	_ =	swait.ge [sflag:s23], $0x400  }
0xfb: {  	[sflag:s23] =	ssyncset.done $0x0  }
0xfc: {  	[sflag:s23] =	ssyncadd.s32 $0xFFFFFC00  }
0xfd: {  	_ =	swait.ge [sflag:s23], $0x400  }
0xfe: {  	[sflag:s23] =	ssyncset.done $0x0  }
0xff: {  	[sflag:s23] =	ssyncadd.s32 $0xFFFFFC00  }
0x100: {  	_ =	swait.ge [sflag:s23], $0x400  }
0x101: {  	[sflag:s23] =	ssyncset.done $0x0  }
0x102: {  	[sflag:s23] =	ssyncadd.s32 $0xFFFFFC00  }
0x103: {  	_ =	swait.ge [sflag:s23], $0x400  }
0x104: {  	[sflag:s23] =	ssyncset.done $0x0  }
0x105: {  	[sflag:s23] =	ssyncadd.s32 $0xFFFFFC00  }
0x106: {  	_ =	swait.ge [sflag:s23], $0x400  }
0x107: {  	[sflag:s23] =	ssyncset.done $0x0  }
0x108: {  	[sflag:s23] =	ssyncadd.s32 $0xFFFFFC00  }
0x109: {  	_ =	swait.ge [sflag:s23], $0x2000  }
0x10a: {  	[sflag:s23] =	ssyncset.done $0x0  }
0x10b: {  	[sflag:s23] =	ssyncadd.s32 $0xFFFFE000  }
0x10c: {  	_ =	swait.ge [sflag:s24], $0x400  }
0x10d: {  	[sflag:s24] =	ssyncset.done $0x0  }
0x10e: {  	[sflag:s24] =	ssyncadd.s32 $0xFFFFFC00  }
0x10f: {  	_ =	swait.ge [sflag:s24], $0x400  }
0x110: {  	[sflag:s24] =	ssyncset.done $0x0  }
0x111: {  	[sflag:s24] =	ssyncadd.s32 $0xFFFFFC00  }
0x112: {  	_ =	swait.ge [sflag:s24], $0x400  }
0x113: {  	[sflag:s24] =	ssyncset.done $0x0  }
0x114: {  	[sflag:s24] =	ssyncadd.s32 $0xFFFFFC00  }
0x115: {  	_ =	swait.ge [sflag:s24], $0x400  }
0x116: {  	[sflag:s24] =	ssyncset.done $0x0  }
0x117: {  	[sflag:s24] =	ssyncadd.s32 $0xFFFFFC00  }
0x118: {  	_ =	swait.ge [sflag:s24], $0x400  }
0x119: {  	[sflag:s24] =	ssyncset.done $0x0  }
0x11a: {  	[sflag:s24] =	ssyncadd.s32 $0xFFFFFC00  }
0x11b: {  	_ =	swait.ge [sflag:s24], $0x400  }
0x11c: {  	[sflag:s24] =	ssyncset.done $0x0  }
0x11d: {  	[sflag:s24] =	ssyncadd.s32 $0xFFFFFC00  }
0x11e: {  	_ =	swait.ge [sflag:s24], $0x400  }
0x11f: {  	[sflag:s24] =	ssyncset.done $0x0  }
0x120: {  	[sflag:s24] =	ssyncadd.s32 $0xFFFFFC00  }
0x121: {  	_ =	swait.ge [sflag:s24], $0x400  }
0x122: {  	[sflag:s24] =	ssyncset.done $0x0  }
0x123: {  	[sflag:s24] =	ssyncadd.s32 $0xFFFFFC00  }
0x124: {  	_ =	swait.ge [sflag:s24], $0x2000  }
0x125: {  	[sflag:s24] =	ssyncset.done $0x0  }
0x126: {  	[sflag:s24] =	ssyncadd.s32 $0xFFFFE000  }
0x127: {  	_ =	swait.ge [sflag:s25], $0x400  }
0x128: {  	[sflag:s25] =	ssyncset.done $0x0  }
0x129: {  	[sflag:s25] =	ssyncadd.s32 $0xFFFFFC00  }
0x12a: {  	_ =	swait.ge [sflag:s25], $0x400  }
0x12b: {  	[sflag:s25] =	ssyncset.done $0x0  }
0x12c: {  	[sflag:s25] =	ssyncadd.s32 $0xFFFFFC00  }
0x12d: {  	_ =	swait.ge [sflag:s25], $0x400  }
0x12e: {  	[sflag:s25] =	ssyncset.done $0x0  }
0x12f: {  	[sflag:s25] =	ssyncadd.s32 $0xFFFFFC00  }
0x130: {  	_ =	swait.ge [sflag:s25], $0x400  }
0x131: {  	[sflag:s25] =	ssyncset.done $0x0  }
0x132: {  	[sflag:s25] =	ssyncadd.s32 $0xFFFFFC00  }
0x133: {  	_ =	swait.ge [sflag:s25], $0x400  }
0x134: {  	[sflag:s25] =	ssyncset.done $0x0  }
0x135: {  	[sflag:s25] =	ssyncadd.s32 $0xFFFFFC00  }
0x136: {  	_ =	swait.ge [sflag:s25], $0x400  }
0x137: {  	[sflag:s25] =	ssyncset.done $0x0  }
0x138: {  	[sflag:s25] =	ssyncadd.s32 $0xFFFFFC00  }
0x139: {  	_ =	swait.ge [sflag:s25], $0x400  }
0x13a: {  	[sflag:s25] =	ssyncset.done $0x0  }
0x13b: {  	[sflag:s25] =	ssyncadd.s32 $0xFFFFFC00  }
0x13c: {  	_ =	swait.ge [sflag:s25], $0x400  }
0x13d: {  	[sflag:s25] =	ssyncset.done $0x0  }
0x13e: {  	[sflag:s25] =	ssyncadd.s32 $0xFFFFFC00  }
0x13f: {  	_ =	swait.ge [sflag:s25], $0x2000  }
0x140: {  	[sflag:s25] =	ssyncset.done $0x0  }
0x141: {  	[sflag:s25] =	ssyncadd.s32 $0xFFFFE000  }
0x142: {  	_ =	swait.ge [sflag:s26], $0x400  }
0x143: {  	[sflag:s26] =	ssyncset.done $0x0  }
0x144: {  	[sflag:s26] =	ssyncadd.s32 $0xFFFFFC00  }
0x145: {  	_ =	swait.ge [sflag:s26], $0x400  }
0x146: {  	[sflag:s26] =	ssyncset.done $0x0  }
0x147: {  	[sflag:s26] =	ssyncadd.s32 $0xFFFFFC00  }
0x148: {  	_ =	swait.ge [sflag:s26], $0x400  }
0x149: {  	[sflag:s26] =	ssyncset.done $0x0  }
0x14a: {  	[sflag:s26] =	ssyncadd.s32 $0xFFFFFC00  }
0x14b: {  	_ =	swait.ge [sflag:s26], $0x400  }
0x14c: {  	[sflag:s26] =	ssyncset.done $0x0  }
0x14d: {  	[sflag:s26] =	ssyncadd.s32 $0xFFFFFC00  }
0x14e: {  	_ =	swait.ge [sflag:s26], $0x400  }
0x14f: {  	[sflag:s26] =	ssyncset.done $0x0  }
0x150: {  	[sflag:s26] =	ssyncadd.s32 $0xFFFFFC00  }
0x151: {  	_ =	swait.ge [sflag:s26], $0x400  }
0x152: {  	[sflag:s26] =	ssyncset.done $0x0  }
0x153: {  	[sflag:s26] =	ssyncadd.s32 $0xFFFFFC00  }
0x154: {  	_ =	swait.ge [sflag:s26], $0x400  }
0x155: {  	[sflag:s26] =	ssyncset.done $0x0  }
0x156: {  	[sflag:s26] =	ssyncadd.s32 $0xFFFFFC00  }
0x157: {  	_ =	swait.ge [sflag:s26], $0x400  }
0x158: {  	[sflag:s26] =	ssyncset.done $0x0  }
0x159: {  	[sflag:s26] =	ssyncadd.s32 $0xFFFFFC00  }
0x15a: {  	_ =	swait.ge [sflag:s26], $0x2000  }
0x15b: {  	[sflag:s26] =	ssyncset.done $0x0  }
0x15c: {  	[sflag:s26] =	ssyncadd.s32 $0xFFFFE000  }
0x15d: {  	_ =	swait.ge [sflag:s28], $0x400  }
0x15e: {  	[sflag:s28] =	ssyncset.done $0x0  }
0x15f: {  	[sflag:s28] =	ssyncadd.s32 $0xFFFFFC00  }
0x160: {  	_ =	swait.ge [sflag:s28], $0x400  }
0x161: {  	[sflag:s28] =	ssyncset.done $0x0  }
0x162: {  	[sflag:s28] =	ssyncadd.s32 $0xFFFFFC00  }
0x163: {  	_ =	swait.ge [sflag:s28], $0x400  }
0x164: {  	[sflag:s28] =	ssyncset.done $0x0  }
0x165: {  	[sflag:s28] =	ssyncadd.s32 $0xFFFFFC00  }
0x166: {  	_ =	swait.ge [sflag:s28], $0x400  }
0x167: {  	[sflag:s28] =	ssyncset.done $0x0  }
0x168: {  	[sflag:s28] =	ssyncadd.s32 $0xFFFFFC00  }
0x169: {  	_ =	swait.ge [sflag:s28], $0x400  }
0x16a: {  	[sflag:s28] =	ssyncset.done $0x0  }
0x16b: {  	[sflag:s28] =	ssyncadd.s32 $0xFFFFFC00  }
0x16c: {  	_ =	swait.ge [sflag:s28], $0x400  }
0x16d: {  	[sflag:s28] =	ssyncset.done $0x0  }
0x16e: {  	[sflag:s28] =	ssyncadd.s32 $0xFFFFFC00  }
0x16f: {  	_ =	swait.ge [sflag:s28], $0x400  }
0x170: {  	[sflag:s28] =	ssyncset.done $0x0  }
0x171: {  	[sflag:s28] =	ssyncadd.s32 $0xFFFFFC00  }
0x172: {  	_ =	swait.ge [sflag:s28], $0x400  }
0x173: {  	[sflag:s28] =	ssyncset.done $0x0  }
0x174: {  	[sflag:s28] =	ssyncadd.s32 $0xFFFFFC00  }
0x175: {  	_ =	swait.ge [sflag:s28], $0x2000  }
0x176: {  	[sflag:s28] =	ssyncset.done $0x0  }
0x177: {  	[sflag:s28] =	ssyncadd.s32 $0xFFFFE000  }
0x178: {  	_ =	swait.ge [sflag:s29], $0x400  }
0x179: {  	[sflag:s29] =	ssyncset.done $0x0  }
0x17a: {  	[sflag:s29] =	ssyncadd.s32 $0xFFFFFC00  }
0x17b: {  	_ =	swait.ge [sflag:s29], $0x400  }
0x17c: {  	[sflag:s29] =	ssyncset.done $0x0  }
0x17d: {  	[sflag:s29] =	ssyncadd.s32 $0xFFFFFC00  }
0x17e: {  	_ =	swait.ge [sflag:s29], $0x400  }
0x17f: {  	[sflag:s29] =	ssyncset.done $0x0  }
0x180: {  	[sflag:s29] =	ssyncadd.s32 $0xFFFFFC00  }
0x181: {  	_ =	swait.ge [sflag:s29], $0x400  }
0x182: {  	[sflag:s29] =	ssyncset.done $0x0  }
0x183: {  	[sflag:s29] =	ssyncadd.s32 $0xFFFFFC00  }
0x184: {  	_ =	swait.ge [sflag:s29], $0x400  }
0x185: {  	[sflag:s29] =	ssyncset.done $0x0  }
0x186: {  	[sflag:s29] =	ssyncadd.s32 $0xFFFFFC00  }
0x187: {  	_ =	swait.ge [sflag:s29], $0x400  }
0x188: {  	[sflag:s29] =	ssyncset.done $0x0  }
0x189: {  	[sflag:s29] =	ssyncadd.s32 $0xFFFFFC00  }
0x18a: {  	_ =	swait.ge [sflag:s29], $0x400  }
0x18b: {  	[sflag:s29] =	ssyncset.done $0x0  }
0x18c: {  	[sflag:s29] =	ssyncadd.s32 $0xFFFFFC00  }
0x18d: {  	_ =	swait.ge [sflag:s29], $0x400  }
0x18e: {  	[sflag:s29] =	ssyncset.done $0x0  }
0x18f: {  	[sflag:s29] =	ssyncadd.s32 $0xFFFFFC00  }
0x190: {  	_ =	swait.ge [sflag:s29], $0x2000  }
0x191: {  	s30 =	sadd.s32 $0x1, s30;
	s0 =	rddreg [dreg:$0x6]  }
0x192: {  	p0 =	sne.s32 s30, s0  }
.Ltmp1:
0x193: {  	_ = 	snop;
	(pc) =	sbr.rel @p0 .LBB2_1-.Ltmp1, $3  }
0x194: {  	_ =	sdelay $0x1  }
0x195: {  	[sflag:s29] =	ssyncset.done $0x0  }
0x196: {  	[sflag:s29] =	ssyncadd.s32 $0xFFFFE000  }
0x197: {  	_ =	sfence.sel $0x180000  }
0x198: {  	[bflag:$0x0] =	sbarrier.arrive $0xFFFF  }
0x199: {  	_ =	strace $0x90000047  }
0x19a: {  	s0 =	stileid.u32;
	[bflag:$0x2] =	sbarrier.arrive $0xFFFF  }
0x19b: {  	p0 =	sne.s32 s0, $0x0;
	s0 =	rddreg [dreg:$0x3]  }
0x19c: {  	s0 =	sadd.s32 @!p0 $0x100000, s0  }
0x19d: {  	[sflag:s0] =	ssyncadd.tile.s32 @!p0 $0x1;
	_ =	shalt  }
.Lfunc_end2:
_tile_overlayer_lowered:
.L_overlay_start_2:
0x19e: {  	(tag) =	ssettag $0x2  }
0x19f: {  	s0 =	rddreg [dreg:$0x0];
	s2 =	stileid.u32  }
0x1a0: {  	s1 =	rddreg [dreg:$0x1];
	p0 =	sne.s32 s2, $0x0  }
0x1a1: {  	s3 =	rddreg [dreg:$0x2];
	[bflag:$0x3] =	sbarrier.arrive $0xFFFF;
	s2 =	simm.s32 @!p0 $0x1C11  }
0x1a2: {  	[timem:s3], [sflag:s2] =	dma.local @!p0 [hbm:s0], s1  }
0x1a3: {  	s0 =	simm.s32 @!p0 $0x11  }
0x1a4: {  	_ =	swait.ge @!p0 [sflag:s0], s1  }
0x1a5: {  	s1 =	ssub.s32 @!p0 $0x0, s1;
	[sflag:s0] =	ssyncset.done @!p0 $0x0  }
0x1a6: {  	[sflag:s0] =	ssyncadd.s32 @!p0 s1  }
0x1a7: {  	[bflag:$0x3] =	sbarrier.arrive $0xFFFF  }
0x1a8: {  	_ =	shalt  }

</sc_bundles>
